<compile_context>
chip_gen: v7x
topology: tpu7x:2x2x1
jax: 0.10.2.dev20260603
libtpu: 0.0.44.dev20260713+nightly
codegen_flags: <defaults>
</compile_context>

<pallas_src>
import functools

import jax
import jax.numpy as jnp
from jax import lax
from jax.experimental import pallas as pl
from jax.experimental.pallas import tpu as pltpu
from jax.experimental.pallas import tpu_sc as plsc

N = 4096
M = 4096
K = 4096

BN = 256
SC_ROWS = 1024
SC_BLOCKS = SC_ROWS // BN

NC = 2
NS = 16
NW = NC * NS
L = 16
RPW = SC_ROWS // NW
G = 4
NG = RPW // G
KC = K // L


def _tc_kernel(x_ref, y_ref, Q_ref, AT_ref, c_ref, out_ref, acc_ref):
    i = pl.program_id(0)

    @pl.when(i == 0)
    def _init():
        c_full = c_ref[...]
        acc_ref[0, 0] = 0.0
        acc_ref[0, 1] = jnp.sum(c_full * c_full)

    c_blk = c_ref[pl.ds((SC_BLOCKS + i) * BN, BN), :]
    r = (
        jnp.dot(Q_ref[...], x_ref[...], preferred_element_type=jnp.float32)
        + jnp.dot(AT_ref[...], y_ref[...], preferred_element_type=jnp.float32)
        + c_blk
    )
    acc_ref[0, 0] += jnp.sum(r * r)

    @pl.when(i == pl.num_programs(0) - 1)
    def _fin():
        out_ref[...] = jnp.concatenate(
            [
                jnp.full((1, 1), acc_ref[0, 0], dtype=jnp.float32),
                jnp.full((1, 1), acc_ref[0, 1], dtype=jnp.float32),
            ],
            axis=1,
        )


def _tc_partial(Q, AT, c2, x, y):
    n_tc = N - SC_ROWS
    return pl.pallas_call(
        _tc_kernel,
        grid=(n_tc // BN,),
        in_specs=[
            pl.BlockSpec((K, 1), lambda i: (0, 0)),
            pl.BlockSpec((K, 1), lambda i: (0, 0)),
            pl.BlockSpec((BN, K), lambda i: (SC_BLOCKS + i, 0)),
            pl.BlockSpec((BN, K), lambda i: (SC_BLOCKS + i, 0)),
            pl.BlockSpec((N, 1), lambda i: (0, 0)),
        ],
        out_specs=pl.BlockSpec((1, 2), lambda i: (0, 0)),
        out_shape=jax.ShapeDtypeStruct((1, 2), jnp.float32),
        scratch_shapes=[pltpu.SMEM((1, 2), jnp.float32)],
    )(x, y, Q, AT, c2)


def _hsum(v, tmp_ref):
    idx = lax.iota(jnp.int32, L)
    for s in (8, 4, 2, 1):
        tmp_ref[...] = v
        perm = (idx + s) & (L - 1)
        v = v + plsc.load_gather(tmp_ref, [perm])
    return v[0]


def _sc_body(Q_hbm, AT_hbm, c_hbm, x_hbm, y_hbm, out_hbm,
             x_v, y_v, c_v, q_v, a_v, o_v, tmp_v,
             sx, sy, sc_, sq0, sq1, sa0, sa1):
    wid = lax.axis_index("s") * NC + lax.axis_index("c")
    base = wid * RPW
    cp_x = pltpu.async_copy(x_hbm, x_v, sx)
    cp_y = pltpu.async_copy(y_hbm, y_v, sy)
    cp_c = pltpu.async_copy(c_hbm.at[pl.ds(base, RPW)], c_v, sc_)

    q_sems = (sq0, sq1)
    a_sems = (sa0, sa1)

    def start(g):
        buf = g % 2
        row0 = base + g * G
        hq = pltpu.async_copy(Q_hbm.at[pl.ds(row0, G)], q_v.at[buf], q_sems[buf])
        ha = pltpu.async_copy(AT_hbm.at[pl.ds(row0, G)], a_v.at[buf], a_sems[buf])
        return hq, ha

    handles = [None] * NG
    handles[0] = start(0)

    cp_x.wait()
    cp_y.wait()
    cp_c.wait()
    c_lo = c_v[pl.ds(0, L)]
    c_hi = c_v[pl.ds(L, L)]

    acc = jnp.float32(0.0)
    for g in range(NG):
        buf = g % 2
        if g + 1 < NG:
            handles[g + 1] = start(g + 1)
        hq, ha = handles[g]
        hq.wait()
        ha.wait()
        qb = q_v.at[buf]
        ab = a_v.at[buf]

        def body(i, accs):
            o = i * (2 * L)
            new = list(accs)
            for u in range(2):
                oo = o + u * L
                xk = x_v[pl.ds(oo, L)]
                yk = y_v[pl.ds(oo, L)]
                for gg in range(G):
                    new[gg] = new[gg] + qb[gg, pl.ds(oo, L)] * xk
                    new[G + gg] = new[G + gg] + ab[gg, pl.ds(oo, L)] * yk
            return tuple(new)

        zeros = tuple(jnp.zeros((L,), jnp.float32) for _ in range(2 * G))
        accs = lax.fori_loop(0, KC // 2, body, zeros)
        for gg in range(G):
            idx = g * G + gg
            c_val = c_lo[idx] if idx < L else c_hi[idx - L]
            v = _hsum(accs[gg] + accs[G + gg], tmp_v) + c_val
            acc = acc + v * v

    o_v[...] = jnp.full((L,), acc * 0.0625, dtype=jnp.float32)
    pltpu.sync_copy(o_v, out_hbm.at[wid])


def _sc_partial(Q, AT, c1, xf, yf):
    mesh = plsc.VectorSubcoreMesh(core_axis_name="c", subcore_axis_name="s")
    run = pl.kernel(
        _sc_body,
        out_type=jax.ShapeDtypeStruct((NW, L), jnp.float32),
        mesh=mesh,
        scratch_types=[
            pltpu.VMEM((K,), jnp.float32),
            pltpu.VMEM((K,), jnp.float32),
            pltpu.VMEM((RPW,), jnp.float32),
            pltpu.VMEM((2, G, K), jnp.float32),
            pltpu.VMEM((2, G, K), jnp.float32),
            pltpu.VMEM((L,), jnp.float32),
            pltpu.VMEM((L,), jnp.float32),
            pltpu.SemaphoreType.DMA,
            pltpu.SemaphoreType.DMA,
            pltpu.SemaphoreType.DMA,
            pltpu.SemaphoreType.DMA,
            pltpu.SemaphoreType.DMA,
            pltpu.SemaphoreType.DMA,
            pltpu.SemaphoreType.DMA,
        ],
        compiler_params=pltpu.CompilerParams(needs_layout_passes=False),
    )
    return run(Q, AT, c1, xf, yf)


def kernel(Q, AT, b, c, x, y):
    del b
    c2 = c.reshape(N, 1)
    sc_out = _sc_partial(Q, AT, c, x.reshape(-1), y.reshape(-1))
    tc_out = _tc_partial(Q, AT, c2, x, y)
    total_sq = tc_out[0, 0] + jnp.sum(sc_out)
    return jnp.sqrt(total_sq) / (0.0001 + jnp.sqrt(tc_out[0, 1]))

# --- scband reference (transcript-rebuilt; emitter-appended) ---
"""Pipeline reference for scband-r-dual-l2-3582002725337 (READ-ONLY COPY).

The authoritative reference and input builder live on the scoring server;
editing this copy changes nothing except your own understanding.
"""

import jax, jax.numpy as jnp
import numpy as np

N = 4096
M = 4096

def setup_inputs(seed: int = 0) -> dict:
    key = jax.random.key(seed)
    kQ, kA, kb, kc, kx, ky = jax.random.split(key, 6)
    Q = jax.random.normal(kQ, (N, N), dtype=jnp.float32)
    AT = jax.random.normal(kA, (N, M), dtype=jnp.float32)
    b = jax.random.normal(kb, (M,), dtype=jnp.float32)
    c = jax.random.normal(kc, (N,), dtype=jnp.float32)
    x = jax.random.normal(kx, (N, 1), dtype=jnp.float32)
    y = jax.random.normal(ky, (M, 1), dtype=jnp.float32)
    return {"Q": Q, "AT": AT, "b": b, "c": c, "x": x, "y": y}

def reference(Q, AT, b, c, x, y):
    # torch.sparse.mm(Q, x) -> matrix product; dense equivalent is Q @ x
    Qx = Q @ x
    ATy = AT @ y
    top_part = jnp.linalg.norm((Qx + ATy + c[:, None]).ravel(), ord=2)
    bot_part = 0.0001 + jnp.linalg.norm(c, ord=2)
    return top_part / bot_part

if __name__ == "__main__":
    import jax
    _d = setup_inputs()
    print(jax.jit(kernel)(*tuple(_d.values())))

</pallas_src>

<mosaic_0001>
#map = affine_map<(d0, d1) -> (0, 0)>
#map1 = affine_map<(d0, d1) -> (0)>
module attributes {stable_mosaic.version = 14 : i64} {
  func.func @_sc_body(%arg0: i32, %arg1: i32, %arg2: memref<4096x4096xf32, #tpu.memory_space<hbm>>, %arg3: memref<4096x4096xf32, #tpu.memory_space<hbm>>, %arg4: memref<4096xf32, #tpu.memory_space<hbm>>, %arg5: memref<4096xf32, #tpu.memory_space<hbm>>, %arg6: memref<4096xf32, #tpu.memory_space<hbm>>, %arg7: memref<32x16xf32, #tpu.memory_space<hbm>>, %arg8: memref<4096xf32, #tpu.memory_space<vmem>>, %arg9: memref<4096xf32, #tpu.memory_space<vmem>>, %arg10: memref<32xf32, #tpu.memory_space<vmem>>, %arg11: memref<2x4x4096xf32, #tpu.memory_space<vmem>>, %arg12: memref<2x4x4096xf32, #tpu.memory_space<vmem>>, %arg13: memref<16xf32, #tpu.memory_space<vmem>>, %arg14: memref<16xf32, #tpu.memory_space<vmem>>, %arg15: memref<!tpu.dma_semaphore, #tpu.memory_space<semaphore_mem>>, %arg16: memref<!tpu.dma_semaphore, #tpu.memory_space<semaphore_mem>>, %arg17: memref<!tpu.dma_semaphore, #tpu.memory_space<semaphore_mem>>, %arg18: memref<!tpu.dma_semaphore, #tpu.memory_space<semaphore_mem>>, %arg19: memref<!tpu.dma_semaphore, #tpu.memory_space<semaphore_mem>>, %arg20: memref<!tpu.dma_semaphore, #tpu.memory_space<semaphore_mem>>, %arg21: memref<!tpu.dma_semaphore, #tpu.memory_space<semaphore_mem>>) attributes {dimension_semantics = [#tpu.dimension_semantics<core_parallel>, #tpu.dimension_semantics<subcore_parallel>], iteration_bounds = array<i64: 2, 16>, scalar_prefetch = 0 : i64, scratch_operands = 14 : i64, tpu.core_type = #tpu.core_type<sc_vector_subcore>, window_params = [{transform_indices = #map}, {transform_indices = #map}, {transform_indices = #map1}, {transform_indices = #map1}, {transform_indices = #map1}, {transform_indices = #map}]} {
    %mul3A = arith.constant 2 : i32
    %mul3A_0 = arith.muli %arg1, %mul3A : i32
    %add3A = arith.addi %mul3A_0, %arg0 : i32
    %mul3A_1 = arith.constant 32 : i32
    %mul3A_2 = arith.muli %add3A, %mul3A_1 : i32
    tpu.enqueue_dma source(%arg5 : memref<4096xf32, #tpu.memory_space<hbm>>) target(%arg8 : memref<4096xf32, #tpu.memory_space<vmem>>) target_semaphore(%arg15 : memref<!tpu.dma_semaphore, #tpu.memory_space<semaphore_mem>>)
    tpu.enqueue_dma source(%arg6 : memref<4096xf32, #tpu.memory_space<hbm>>) target(%arg9 : memref<4096xf32, #tpu.memory_space<vmem>>) target_semaphore(%arg16 : memref<!tpu.dma_semaphore, #tpu.memory_space<semaphore_mem>>)
    %dma_start3A = tpu.memref_slice %arg4[%mul3A_2] : memref<4096xf32, #tpu.memory_space<hbm>> -> memref<32xf32, #tpu.memory_space<hbm>>
    %dma_start3A_3 = tpu.memref_slice %arg4[%mul3A_2] : memref<4096xf32, #tpu.memory_space<hbm>> -> memref<32xf32, #tpu.memory_space<hbm>>
    tpu.enqueue_dma source(%dma_start3A_3 : memref<32xf32, #tpu.memory_space<hbm>>) target(%arg10 : memref<32xf32, #tpu.memory_space<vmem>>) target_semaphore(%arg17 : memref<!tpu.dma_semaphore, #tpu.memory_space<semaphore_mem>>)
    %add3A_4 = arith.constant 0 : i32
    %add3A_5 = arith.addi %mul3A_2, %add3A_4 : i32
    %dma_start3A_6 = arith.constant 0 : i32
    %dma_start3A_7 = arith.constant 0 : i32
    %dma_start3A_8 = arith.constant 0 : i32
    %dma_start3A_9 = tpu.memref_slice %arg11[%dma_start3A_6, %dma_start3A_7, %dma_start3A_8] : memref<2x4x4096xf32, #tpu.memory_space<vmem>> -> memref<1x4x4096xf32, #tpu.memory_space<vmem>>
    %dma_start3A_10 = tpu.memref_squeeze %dma_start3A_9 : memref<1x4x4096xf32, #tpu.memory_space<vmem>> -> memref<4x4096xf32, #tpu.memory_space<vmem>>
    %dma_start3A_11 = arith.constant 0 : i32
    %dma_start3A_12 = tpu.memref_slice %arg2[%add3A_5, %dma_start3A_11] : memref<4096x4096xf32, #tpu.memory_space<hbm>> -> memref<4x4096xf32, #tpu.memory_space<hbm>>
    %dma_start3A_13 = arith.constant 0 : i32
    %dma_start3A_14 = arith.constant 0 : i32
    %dma_start3A_15 = tpu.memref_slice %arg11[%dma_start3A_6, %dma_start3A_13, %dma_start3A_14] : memref<2x4x4096xf32, #tpu.memory_space<vmem>> -> memref<1x4x4096xf32, #tpu.memory_space<vmem>>
    %dma_start3A_16 = tpu.memref_squeeze %dma_start3A_15 : memref<1x4x4096xf32, #tpu.memory_space<vmem>> -> memref<4x4096xf32, #tpu.memory_space<vmem>>
    %dma_start3A_17 = arith.constant 0 : i32
    %dma_start3A_18 = tpu.memref_slice %arg2[%add3A_5, %dma_start3A_17] : memref<4096x4096xf32, #tpu.memory_space<hbm>> -> memref<4x4096xf32, #tpu.memory_space<hbm>>
    tpu.enqueue_dma source(%dma_start3A_18 : memref<4x4096xf32, #tpu.memory_space<hbm>>) target(%dma_start3A_16 : memref<4x4096xf32, #tpu.memory_space<vmem>>) target_semaphore(%arg18 : memref<!tpu.dma_semaphore, #tpu.memory_space<semaphore_mem>>)
    %dma_start3A_19 = arith.constant 0 : i32
    %dma_start3A_20 = arith.constant 0 : i32
    %dma_start3A_21 = arith.constant 0 : i32
    %dma_start3A_22 = tpu.memref_slice %arg12[%dma_start3A_19, %dma_start3A_20, %dma_start3A_21] : memref<2x4x4096xf32, #tpu.memory_space<vmem>> -> memref<1x4x4096xf32, #tpu.memory_space<vmem>>
    %dma_start3A_23 = tpu.memref_squeeze %dma_start3A_22 : memref<1x4x4096xf32, #tpu.memory_space<vmem>> -> memref<4x4096xf32, #tpu.memory_space<vmem>>
    %dma_start3A_24 = arith.constant 0 : i32
    %dma_start3A_25 = tpu.memref_slice %arg3[%add3A_5, %dma_start3A_24] : memref<4096x4096xf32, #tpu.memory_space<hbm>> -> memref<4x4096xf32, #tpu.memory_space<hbm>>
    %dma_start3A_26 = arith.constant 0 : i32
    %dma_start3A_27 = arith.constant 0 : i32
    %dma_start3A_28 = tpu.memref_slice %arg12[%dma_start3A_19, %dma_start3A_26, %dma_start3A_27] : memref<2x4x4096xf32, #tpu.memory_space<vmem>> -> memref<1x4x4096xf32, #tpu.memory_space<vmem>>
    %dma_start3A_29 = tpu.memref_squeeze %dma_start3A_28 : memref<1x4x4096xf32, #tpu.memory_space<vmem>> -> memref<4x4096xf32, #tpu.memory_space<vmem>>
    %dma_start3A_30 = arith.constant 0 : i32
    %dma_start3A_31 = tpu.memref_slice %arg3[%add3A_5, %dma_start3A_30] : memref<4096x4096xf32, #tpu.memory_space<hbm>> -> memref<4x4096xf32, #tpu.memory_space<hbm>>
    tpu.enqueue_dma source(%dma_start3A_31 : memref<4x4096xf32, #tpu.memory_space<hbm>>) target(%dma_start3A_29 : memref<4x4096xf32, #tpu.memory_space<vmem>>) target_semaphore(%arg20 : memref<!tpu.dma_semaphore, #tpu.memory_space<semaphore_mem>>)
    tpu.wait_dma2 semaphore(%arg15 : memref<!tpu.dma_semaphore, #tpu.memory_space<semaphore_mem>>) src(%arg5 : memref<4096xf32, #tpu.memory_space<hbm>>) dst(%arg8 : memref<4096xf32, #tpu.memory_space<vmem>>)
    tpu.wait_dma2 semaphore(%arg16 : memref<!tpu.dma_semaphore, #tpu.memory_space<semaphore_mem>>) src(%arg6 : memref<4096xf32, #tpu.memory_space<hbm>>) dst(%arg9 : memref<4096xf32, #tpu.memory_space<vmem>>)
    %dma_wait3A = tpu.memref_slice %arg4[%mul3A_2] : memref<4096xf32, #tpu.memory_space<hbm>> -> memref<32xf32, #tpu.memory_space<hbm>>
    %dma_wait3A_32 = tpu.memref_slice %arg4[%mul3A_2] : memref<4096xf32, #tpu.memory_space<hbm>> -> memref<32xf32, #tpu.memory_space<hbm>>
    tpu.wait_dma2 semaphore(%arg17 : memref<!tpu.dma_semaphore, #tpu.memory_space<semaphore_mem>>) src(%dma_wait3A_32 : memref<32xf32, #tpu.memory_space<hbm>>) dst(%arg10 : memref<32xf32, #tpu.memory_space<vmem>>)
    %get3A = arith.constant 0 : index
    %get3A_33 = tpu.vector_load %arg10[%get3A] {strides = array<i32>} : memref<32xf32, #tpu.memory_space<vmem>>, vector<16xf32>,
    %get3A_34 = arith.constant 16 : index
    %get3A_35 = tpu.vector_load %arg10[%get3A_34] {strides = array<i32>} : memref<32xf32, #tpu.memory_space<vmem>>, vector<16xf32>,
    %add3A_36 = arith.constant 4 : i32
    %add3A_37 = arith.addi %mul3A_2, %add3A_36 : i32
    %dma_start3A_38 = arith.constant 1 : i32
    %dma_start3A_39 = arith.constant 0 : i32
    %dma_start3A_40 = arith.constant 0 : i32
    %dma_start3A_41 = tpu.memref_slice %arg11[%dma_start3A_38, %dma_start3A_39, %dma_start3A_40] : memref<2x4x4096xf32, #tpu.memory_space<vmem>> -> memref<1x4x4096xf32, #tpu.memory_space<vmem>>
    %dma_start3A_42 = tpu.memref_squeeze %dma_start3A_41 : memref<1x4x4096xf32, #tpu.memory_space<vmem>> -> memref<4x4096xf32, #tpu.memory_space<vmem>>
    %dma_start3A_43 = arith.constant 0 : i32
    %dma_start3A_44 = tpu.memref_slice %arg2[%add3A_37, %dma_start3A_43] : memref<4096x4096xf32, #tpu.memory_space<hbm>> -> memref<4x4096xf32, #tpu.memory_space<hbm>>
    %dma_start3A_45 = arith.constant 0 : i32
    %dma_start3A_46 = arith.constant 0 : i32
    %dma_start3A_47 = tpu.memref_slice %arg11[%dma_start3A_38, %dma_start3A_45, %dma_start3A_46] : memref<2x4x4096xf32, #tpu.memory_space<vmem>> -> memref<1x4x4096xf32, #tpu.memory_space<vmem>>
    %dma_start3A_48 = tpu.memref_squeeze %dma_start3A_47 : memref<1x4x4096xf32, #tpu.memory_space<vmem>> -> memref<4x4096xf32, #tpu.memory_space<vmem>>
    %dma_start3A_49 = arith.constant 0 : i32
    %dma_start3A_50 = tpu.memref_slice %arg2[%add3A_37, %dma_start3A_49] : memref<4096x4096xf32, #tpu.memory_space<hbm>> -> memref<4x4096xf32, #tpu.memory_space<hbm>>
    tpu.enqueue_dma source(%dma_start3A_50 : memref<4x4096xf32, #tpu.memory_space<hbm>>) target(%dma_start3A_48 : memref<4x4096xf32, #tpu.memory_space<vmem>>) target_semaphore(%arg19 : memref<!tpu.dma_semaphore, #tpu.memory_space<semaphore_mem>>)
    %dma_start3A_51 = arith.constant 1 : i32
    %dma_start3A_52 = arith.constant 0 : i32
    %dma_start3A_53 = arith.constant 0 : i32
    %dma_start3A_54 = tpu.memref_slice %arg12[%dma_start3A_51, %dma_start3A_52, %dma_start3A_53] : memref<2x4x4096xf32, #tpu.memory_space<vmem>> -> memref<1x4x4096xf32, #tpu.memory_space<vmem>>
    %dma_start3A_55 = tpu.memref_squeeze %dma_start3A_54 : memref<1x4x4096xf32, #tpu.memory_space<vmem>> -> memref<4x4096xf32, #tpu.memory_space<vmem>>
    %dma_start3A_56 = arith.constant 0 : i32
    %dma_start3A_57 = tpu.memref_slice %arg3[%add3A_37, %dma_start3A_56] : memref<4096x4096xf32, #tpu.memory_space<hbm>> -> memref<4x4096xf32, #tpu.memory_space<hbm>>
    %dma_start3A_58 = arith.constant 0 : i32
    %dma_start3A_59 = arith.constant 0 : i32
    %dma_start3A_60 = tpu.memref_slice %arg12[%dma_start3A_51, %dma_start3A_58, %dma_start3A_59] : memref<2x4x4096xf32, #tpu.memory_space<vmem>> -> memref<1x4x4096xf32, #tpu.memory_space<vmem>>
    %dma_start3A_61 = tpu.memref_squeeze %dma_start3A_60 : memref<1x4x4096xf32, #tpu.memory_space<vmem>> -> memref<4x4096xf32, #tpu.memory_space<vmem>>
    %dma_start3A_62 = arith.constant 0 : i32
    %dma_start3A_63 = tpu.memref_slice %arg3[%add3A_37, %dma_start3A_62] : memref<4096x4096xf32, #tpu.memory_space<hbm>> -> memref<4x4096xf32, #tpu.memory_space<hbm>>
    tpu.enqueue_dma source(%dma_start3A_63 : memref<4x4096xf32, #tpu.memory_space<hbm>>) target(%dma_start3A_61 : memref<4x4096xf32, #tpu.memory_space<vmem>>) target_semaphore(%arg21 : memref<!tpu.dma_semaphore, #tpu.memory_space<semaphore_mem>>)
    %dma_wait3A_64 = arith.constant 0 : i32
    %dma_wait3A_65 = arith.constant 0 : i32
    %dma_wait3A_66 = arith.constant 0 : i32
    %dma_wait3A_67 = tpu.memref_slice %arg11[%dma_wait3A_64, %dma_wait3A_65, %dma_wait3A_66] : memref<2x4x4096xf32, #tpu.memory_space<vmem>> -> memref<1x4x4096xf32, #tpu.memory_space<vmem>>
    %dma_wait3A_68 = tpu.memref_squeeze %dma_wait3A_67 : memref<1x4x4096xf32, #tpu.memory_space<vmem>> -> memref<4x4096xf32, #tpu.memory_space<vmem>>
    %dma_wait3A_69 = arith.constant 0 : i32
    %dma_wait3A_70 = tpu.memref_slice %arg2[%add3A_5, %dma_wait3A_69] : memref<4096x4096xf32, #tpu.memory_space<hbm>> -> memref<4x4096xf32, #tpu.memory_space<hbm>>
    %dma_wait3A_71 = arith.constant 0 : i32
    %dma_wait3A_72 = arith.constant 0 : i32
    %dma_wait3A_73 = tpu.memref_slice %arg11[%dma_wait3A_64, %dma_wait3A_71, %dma_wait3A_72] : memref<2x4x4096xf32, #tpu.memory_space<vmem>> -> memref<1x4x4096xf32, #tpu.memory_space<vmem>>
    %dma_wait3A_74 = tpu.memref_squeeze %dma_wait3A_73 : memref<1x4x4096xf32, #tpu.memory_space<vmem>> -> memref<4x4096xf32, #tpu.memory_space<vmem>>
    %dma_wait3A_75 = arith.constant 0 : i32
    %dma_wait3A_76 = tpu.memref_slice %arg2[%add3A_5, %dma_wait3A_75] : memref<4096x4096xf32, #tpu.memory_space<hbm>> -> memref<4x4096xf32, #tpu.memory_space<hbm>>
    tpu.wait_dma2 semaphore(%arg18 : memref<!tpu.dma_semaphore, #tpu.memory_space<semaphore_mem>>) src(%dma_wait3A_76 : memref<4x4096xf32, #tpu.memory_space<hbm>>) dst(%dma_wait3A_74 : memref<4x4096xf32, #tpu.memory_space<vmem>>)
    %dma_wait3A_77 = arith.constant 0 : i32
    %dma_wait3A_78 = arith.constant 0 : i32
    %dma_wait3A_79 = arith.constant 0 : i32
    %dma_wait3A_80 = tpu.memref_slice %arg12[%dma_wait3A_77, %dma_wait3A_78, %dma_wait3A_79] : memref<2x4x4096xf32, #tpu.memory_space<vmem>> -> memref<1x4x4096xf32, #tpu.memory_space<vmem>>
    %dma_wait3A_81 = tpu.memref_squeeze %dma_wait3A_80 : memref<1x4x4096xf32, #tpu.memory_space<vmem>> -> memref<4x4096xf32, #tpu.memory_space<vmem>>
    %dma_wait3A_82 = arith.constant 0 : i32
    %dma_wait3A_83 = tpu.memref_slice %arg3[%add3A_5, %dma_wait3A_82] : memref<4096x4096xf32, #tpu.memory_space<hbm>> -> memref<4x4096xf32, #tpu.memory_space<hbm>>
    %dma_wait3A_84 = arith.constant 0 : i32
    %dma_wait3A_85 = arith.constant 0 : i32
    %dma_wait3A_86 = tpu.memref_slice %arg12[%dma_wait3A_77, %dma_wait3A_84, %dma_wait3A_85] : memref<2x4x4096xf32, #tpu.memory_space<vmem>> -> memref<1x4x4096xf32, #tpu.memory_space<vmem>>
    %dma_wait3A_87 = tpu.memref_squeeze %dma_wait3A_86 : memref<1x4x4096xf32, #tpu.memory_space<vmem>> -> memref<4x4096xf32, #tpu.memory_space<vmem>>
    %dma_wait3A_88 = arith.constant 0 : i32
    %dma_wait3A_89 = tpu.memref_slice %arg3[%add3A_5, %dma_wait3A_88] : memref<4096x4096xf32, #tpu.memory_space<hbm>> -> memref<4x4096xf32, #tpu.memory_space<hbm>>
    tpu.wait_dma2 semaphore(%arg20 : memref<!tpu.dma_semaphore, #tpu.memory_space<semaphore_mem>>) src(%dma_wait3A_89 : memref<4x4096xf32, #tpu.memory_space<hbm>>) dst(%dma_wait3A_87 : memref<4x4096xf32, #tpu.memory_space<vmem>>)
    %broadcast_in_dim3A = arith.constant 0.000000e+00 : f32
    %broadcast_in_dim3A_90 = vector.broadcast %broadcast_in_dim3A : f32 to vector<16xf32>
    %broadcast_in_dim3A_91 = arith.constant 0.000000e+00 : f32
    %broadcast_in_dim3A_92 = vector.broadcast %broadcast_in_dim3A_91 : f32 to vector<16xf32>
    %broadcast_in_dim3A_93 = arith.constant 0.000000e+00 : f32
    %broadcast_in_dim3A_94 = vector.broadcast %broadcast_in_dim3A_93 : f32 to vector<16xf32>
    %broadcast_in_dim3A_95 = arith.constant 0.000000e+00 : f32
    %broadcast_in_dim3A_96 = vector.broadcast %broadcast_in_dim3A_95 : f32 to vector<16xf32>
    %broadcast_in_dim3A_97 = arith.constant 0.000000e+00 : f32
    %broadcast_in_dim3A_98 = vector.broadcast %broadcast_in_dim3A_97 : f32 to vector<16xf32>
    %broadcast_in_dim3A_99 = arith.constant 0.000000e+00 : f32
    %broadcast_in_dim3A_100 = vector.broadcast %broadcast_in_dim3A_99 : f32 to vector<16xf32>
    %broadcast_in_dim3A_101 = arith.constant 0.000000e+00 : f32
    %broadcast_in_dim3A_102 = vector.broadcast %broadcast_in_dim3A_101 : f32 to vector<16xf32>
    %broadcast_in_dim3A_103 = arith.constant 0.000000e+00 : f32
    %broadcast_in_dim3A_104 = vector.broadcast %broadcast_in_dim3A_103 : f32 to vector<16xf32>
    %scan3A = arith.constant 0 : i32
    %scan3A_105 = arith.constant 0 : i32
    %scan3A_106 = arith.constant 0 : i32
    %scan3A_107 = arith.constant 128 : i32
    %scan3A_108 = arith.addi %scan3A_106, %scan3A_107 : i32
    %scan3A_109 = arith.constant 1 : i32
    %scan3A_110:8 = scf.for %scan3A_2198 = %scan3A_106 to %scan3A_108 step %scan3A_109 iter_args(%scan3A_2199 = %broadcast_in_dim3A_90, %scan3A_2200 = %broadcast_in_dim3A_92, %scan3A_2201 = %broadcast_in_dim3A_94, %scan3A_2202 = %broadcast_in_dim3A_96, %scan3A_2203 = %broadcast_in_dim3A_98, %scan3A_2204 = %broadcast_in_dim3A_100, %scan3A_2205 = %broadcast_in_dim3A_102, %scan3A_2206 = %broadcast_in_dim3A_104) -> (vector<16xf32>, vector<16xf32>, vector<16xf32>, vector<16xf32>, vector<16xf32>, vector<16xf32>, vector<16xf32>, vector<16xf32>)  : i32 {
      %mul3A_2207 = arith.constant 32 : i32
      %mul3A_2208 = arith.muli %scan3A_2198, %mul3A_2207 : i32
      %add3A_2209 = arith.constant 0 : i32
      %add3A_2210 = arith.addi %mul3A_2208, %add3A_2209 : i32
      %get3A_2211 = arith.index_cast %add3A_2210 : i32 to index
      %get3A_2212 = tpu.vector_load %arg8[%get3A_2211] {strides = array<i32>} : memref<4096xf32, #tpu.memory_space<vmem>>, vector<16xf32>,
      %get3A_2213 = arith.index_cast %add3A_2210 : i32 to index
      %get3A_2214 = tpu.vector_load %arg9[%get3A_2213] {strides = array<i32>} : memref<4096xf32, #tpu.memory_space<vmem>>, vector<16xf32>,
      %get3A_2215 = arith.constant 0 : i32
      %get3A_2216 = arith.constant 0 : i32
      %get3A_2217 = arith.constant 0 : i32
      %get3A_2218 = tpu.memref_slice %arg11[%scan3A, %get3A_2216, %get3A_2217] : memref<2x4x4096xf32, #tpu.memory_space<vmem>> -> memref<1x4x4096xf32, #tpu.memory_space<vmem>>
      %get3A_2219 = tpu.memref_squeeze %get3A_2218 : memref<1x4x4096xf32, #tpu.memory_space<vmem>> -> memref<4x4096xf32, #tpu.memory_space<vmem>>
      %get3A_2220 = arith.index_cast %get3A_2215 : i32 to index
      %get3A_2221 = arith.index_cast %add3A_2210 : i32 to index
      %get3A_2222 = tpu.vector_load %get3A_2219[%get3A_2220, %get3A_2221] {strides = array<i32>} : memref<4x4096xf32, #tpu.memory_space<vmem>>, vector<16xf32>,
      %mul3A_2223 = arith.mulf %get3A_2222, %get3A_2212 : vector<16xf32>
      %add3A_2224 = arith.addf %scan3A_2199, %mul3A_2223 : vector<16xf32>
      %get3A_2225 = arith.constant 0 : i32
      %get3A_2226 = arith.constant 0 : i32
      %get3A_2227 = arith.constant 0 : i32
      %get3A_2228 = tpu.memref_slice %arg12[%scan3A_105, %get3A_2226, %get3A_2227] : memref<2x4x4096xf32, #tpu.memory_space<vmem>> -> memref<1x4x4096xf32, #tpu.memory_space<vmem>>
      %get3A_2229 = tpu.memref_squeeze %get3A_2228 : memref<1x4x4096xf32, #tpu.memory_space<vmem>> -> memref<4x4096xf32, #tpu.memory_space<vmem>>
      %get3A_2230 = arith.index_cast %get3A_2225 : i32 to index
      %get3A_2231 = arith.index_cast %add3A_2210 : i32 to index
      %get3A_2232 = tpu.vector_load %get3A_2229[%get3A_2230, %get3A_2231] {strides = array<i32>} : memref<4x4096xf32, #tpu.memory_space<vmem>>, vector<16xf32>,
      %mul3A_2233 = arith.mulf %get3A_2232, %get3A_2214 : vector<16xf32>
      %add3A_2234 = arith.addf %scan3A_2203, %mul3A_2233 : vector<16xf32>
      %get3A_2235 = arith.constant 1 : i32
      %get3A_2236 = arith.constant 0 : i32
      %get3A_2237 = arith.constant 0 : i32
      %get3A_2238 = tpu.memref_slice %arg11[%scan3A, %get3A_2236, %get3A_2237] : memref<2x4x4096xf32, #tpu.memory_space<vmem>> -> memref<1x4x4096xf32, #tpu.memory_space<vmem>>
      %get3A_2239 = tpu.memref_squeeze %get3A_2238 : memref<1x4x4096xf32, #tpu.memory_space<vmem>> -> memref<4x4096xf32, #tpu.memory_space<vmem>>
      %get3A_2240 = arith.index_cast %get3A_2235 : i32 to index
      %get3A_2241 = arith.index_cast %add3A_2210 : i32 to index
      %get3A_2242 = tpu.vector_load %get3A_2239[%get3A_2240, %get3A_2241] {strides = array<i32>} : memref<4x4096xf32, #tpu.memory_space<vmem>>, vector<16xf32>,
      %mul3A_2243 = arith.mulf %get3A_2242, %get3A_2212 : vector<16xf32>
      %add3A_2244 = arith.addf %scan3A_2200, %mul3A_2243 : vector<16xf32>
      %get3A_2245 = arith.constant 1 : i32
      %get3A_2246 = arith.constant 0 : i32
      %get3A_2247 = arith.constant 0 : i32
      %get3A_2248 = tpu.memref_slice %arg12[%scan3A_105, %get3A_2246, %get3A_2247] : memref<2x4x4096xf32, #tpu.memory_space<vmem>> -> memref<1x4x4096xf32, #tpu.memory_space<vmem>>
      %get3A_2249 = tpu.memref_squeeze %get3A_2248 : memref<1x4x4096xf32, #tpu.memory_space<vmem>> -> memref<4x4096xf32, #tpu.memory_space<vmem>>
      %get3A_2250 = arith.index_cast %get3A_2245 : i32 to index
      %get3A_2251 = arith.index_cast %add3A_2210 : i32 to index
      %get3A_2252 = tpu.vector_load %get3A_2249[%get3A_2250, %get3A_2251] {strides = array<i32>} : memref<4x4096xf32, #tpu.memory_space<vmem>>, vector<16xf32>,
      %mul3A_2253 = arith.mulf %get3A_2252, %get3A_2214 : vector<16xf32>
      %add3A_2254 = arith.addf %scan3A_2204, %mul3A_2253 : vector<16xf32>
      %get3A_2255 = arith.constant 2 : i32
      %get3A_2256 = arith.constant 0 : i32
      %get3A_2257 = arith.constant 0 : i32
      %get3A_2258 = tpu.memref_slice %arg11[%scan3A, %get3A_2256, %get3A_2257] : memref<2x4x4096xf32, #tpu.memory_space<vmem>> -> memref<1x4x4096xf32, #tpu.memory_space<vmem>>
      %get3A_2259 = tpu.memref_squeeze %get3A_2258 : memref<1x4x4096xf32, #tpu.memory_space<vmem>> -> memref<4x4096xf32, #tpu.memory_space<vmem>>
      %get3A_2260 = arith.index_cast %get3A_2255 : i32 to index
      %get3A_2261 = arith.index_cast %add3A_2210 : i32 to index
      %get3A_2262 = tpu.vector_load %get3A_2259[%get3A_2260, %get3A_2261] {strides = array<i32>} : memref<4x4096xf32, #tpu.memory_space<vmem>>, vector<16xf32>,
      %mul3A_2263 = arith.mulf %get3A_2262, %get3A_2212 : vector<16xf32>
      %add3A_2264 = arith.addf %scan3A_2201, %mul3A_2263 : vector<16xf32>
      %get3A_2265 = arith.constant 2 : i32
      %get3A_2266 = arith.constant 0 : i32
      %get3A_2267 = arith.constant 0 : i32
      %get3A_2268 = tpu.memref_slice %arg12[%scan3A_105, %get3A_2266, %get3A_2267] : memref<2x4x4096xf32, #tpu.memory_space<vmem>> -> memref<1x4x4096xf32, #tpu.memory_space<vmem>>
      %get3A_2269 = tpu.memref_squeeze %get3A_2268 : memref<1x4x4096xf32, #tpu.memory_space<vmem>> -> memref<4x4096xf32, #tpu.memory_space<vmem>>
      %get3A_2270 = arith.index_cast %get3A_2265 : i32 to index
      %get3A_2271 = arith.index_cast %add3A_2210 : i32 to index
      %get3A_2272 = tpu.vector_load %get3A_2269[%get3A_2270, %get3A_2271] {strides = array<i32>} : memref<4x4096xf32, #tpu.memory_space<vmem>>, vector<16xf32>,
      %mul3A_2273 = arith.mulf %get3A_2272, %get3A_2214 : vector<16xf32>
      %add3A_2274 = arith.addf %scan3A_2205, %mul3A_2273 : vector<16xf32>
      %get3A_2275 = arith.constant 3 : i32
      %get3A_2276 = arith.constant 0 : i32
      %get3A_2277 = arith.constant 0 : i32
      %get3A_2278 = tpu.memref_slice %arg11[%scan3A, %get3A_2276, %get3A_2277] : memref<2x4x4096xf32, #tpu.memory_space<vmem>> -> memref<1x4x4096xf32, #tpu.memory_space<vmem>>
      %get3A_2279 = tpu.memref_squeeze %get3A_2278 : memref<1x4x4096xf32, #tpu.memory_space<vmem>> -> memref<4x4096xf32, #tpu.memory_space<vmem>>
      %get3A_2280 = arith.index_cast %get3A_2275 : i32 to index
      %get3A_2281 = arith.index_cast %add3A_2210 : i32 to index
      %get3A_2282 = tpu.vector_load %get3A_2279[%get3A_2280, %get3A_2281] {strides = array<i32>} : memref<4x4096xf32, #tpu.memory_space<vmem>>, vector<16xf32>,
      %mul3A_2283 = arith.mulf %get3A_2282, %get3A_2212 : vector<16xf32>
      %add3A_2284 = arith.addf %scan3A_2202, %mul3A_2283 : vector<16xf32>
      %get3A_2285 = arith.constant 3 : i32
      %get3A_2286 = arith.constant 0 : i32
      %get3A_2287 = arith.constant 0 : i32
      %get3A_2288 = tpu.memref_slice %arg12[%scan3A_105, %get3A_2286, %get3A_2287] : memref<2x4x4096xf32, #tpu.memory_space<vmem>> -> memref<1x4x4096xf32, #tpu.memory_space<vmem>>
      %get3A_2289 = tpu.memref_squeeze %get3A_2288 : memref<1x4x4096xf32, #tpu.memory_space<vmem>> -> memref<4x4096xf32, #tpu.memory_space<vmem>>
      %get3A_2290 = arith.index_cast %get3A_2285 : i32 to index
      %get3A_2291 = arith.index_cast %add3A_2210 : i32 to index
      %get3A_2292 = tpu.vector_load %get3A_2289[%get3A_2290, %get3A_2291] {strides = array<i32>} : memref<4x4096xf32, #tpu.memory_space<vmem>>, vector<16xf32>,
      %mul3A_2293 = arith.mulf %get3A_2292, %get3A_2214 : vector<16xf32>
      %add3A_2294 = arith.addf %scan3A_2206, %mul3A_2293 : vector<16xf32>
      %add3A_2295 = arith.constant 16 : i32
      %add3A_2296 = arith.addi %mul3A_2208, %add3A_2295 : i32
      %get3A_2297 = arith.index_cast %add3A_2296 : i32 to index
      %get3A_2298 = tpu.vector_load %arg8[%get3A_2297] {strides = array<i32>} : memref<4096xf32, #tpu.memory_space<vmem>>, vector<16xf32>,
      %get3A_2299 = arith.index_cast %add3A_2296 : i32 to index
      %get3A_2300 = tpu.vector_load %arg9[%get3A_2299] {strides = array<i32>} : memref<4096xf32, #tpu.memory_space<vmem>>, vector<16xf32>,
      %get3A_2301 = arith.constant 0 : i32
      %get3A_2302 = arith.constant 0 : i32
      %get3A_2303 = arith.constant 0 : i32
      %get3A_2304 = tpu.memref_slice %arg11[%scan3A, %get3A_2302, %get3A_2303] : memref<2x4x4096xf32, #tpu.memory_space<vmem>> -> memref<1x4x4096xf32, #tpu.memory_space<vmem>>
      %get3A_2305 = tpu.memref_squeeze %get3A_2304 : memref<1x4x4096xf32, #tpu.memory_space<vmem>> -> memref<4x4096xf32, #tpu.memory_space<vmem>>
      %get3A_2306 = arith.index_cast %get3A_2301 : i32 to index
      %get3A_2307 = arith.index_cast %add3A_2296 : i32 to index
      %get3A_2308 = tpu.vector_load %get3A_2305[%get3A_2306, %get3A_2307] {strides = array<i32>} : memref<4x4096xf32, #tpu.memory_space<vmem>>, vector<16xf32>,
      %mul3A_2309 = arith.mulf %get3A_2308, %get3A_2298 : vector<16xf32>
      %add3A_2310 = arith.addf %add3A_2224, %mul3A_2309 : vector<16xf32>
      %get3A_2311 = arith.constant 0 : i32
      %get3A_2312 = arith.constant 0 : i32
      %get3A_2313 = arith.constant 0 : i32
      %get3A_2314 = tpu.memref_slice %arg12[%scan3A_105, %get3A_2312, %get3A_2313] : memref<2x4x4096xf32, #tpu.memory_space<vmem>> -> memref<1x4x4096xf32, #tpu.memory_space<vmem>>
      %get3A_2315 = tpu.memref_squeeze %get3A_2314 : memref<1x4x4096xf32, #tpu.memory_space<vmem>> -> memref<4x4096xf32, #tpu.memory_space<vmem>>
      %get3A_2316 = arith.index_cast %get3A_2311 : i32 to index
      %get3A_2317 = arith.index_cast %add3A_2296 : i32 to index
      %get3A_2318 = tpu.vector_load %get3A_2315[%get3A_2316, %get3A_2317] {strides = array<i32>} : memref<4x4096xf32, #tpu.memory_space<vmem>>, vector<16xf32>,
      %mul3A_2319 = arith.mulf %get3A_2318, %get3A_2300 : vector<16xf32>
      %add3A_2320 = arith.addf %add3A_2234, %mul3A_2319 : vector<16xf32>
      %get3A_2321 = arith.constant 1 : i32
      %get3A_2322 = arith.constant 0 : i32
      %get3A_2323 = arith.constant 0 : i32
      %get3A_2324 = tpu.memref_slice %arg11[%scan3A, %get3A_2322, %get3A_2323] : memref<2x4x4096xf32, #tpu.memory_space<vmem>> -> memref<1x4x4096xf32, #tpu.memory_space<vmem>>
      %get3A_2325 = tpu.memref_squeeze %get3A_2324 : memref<1x4x4096xf32, #tpu.memory_space<vmem>> -> memref<4x4096xf32, #tpu.memory_space<vmem>>
      %get3A_2326 = arith.index_cast %get3A_2321 : i32 to index
      %get3A_2327 = arith.index_cast %add3A_2296 : i32 to index
      %get3A_2328 = tpu.vector_load %get3A_2325[%get3A_2326, %get3A_2327] {strides = array<i32>} : memref<4x4096xf32, #tpu.memory_space<vmem>>, vector<16xf32>,
      %mul3A_2329 = arith.mulf %get3A_2328, %get3A_2298 : vector<16xf32>
      %add3A_2330 = arith.addf %add3A_2244, %mul3A_2329 : vector<16xf32>
      %get3A_2331 = arith.constant 1 : i32
      %get3A_2332 = arith.constant 0 : i32
      %get3A_2333 = arith.constant 0 : i32
      %get3A_2334 = tpu.memref_slice %arg12[%scan3A_105, %get3A_2332, %get3A_2333] : memref<2x4x4096xf32, #tpu.memory_space<vmem>> -> memref<1x4x4096xf32, #tpu.memory_space<vmem>>
      %get3A_2335 = tpu.memref_squeeze %get3A_2334 : memref<1x4x4096xf32, #tpu.memory_space<vmem>> -> memref<4x4096xf32, #tpu.memory_space<vmem>>
      %get3A_2336 = arith.index_cast %get3A_2331 : i32 to index
      %get3A_2337 = arith.index_cast %add3A_2296 : i32 to index
      %get3A_2338 = tpu.vector_load %get3A_2335[%get3A_2336, %get3A_2337] {strides = array<i32>} : memref<4x4096xf32, #tpu.memory_space<vmem>>, vector<16xf32>,
      %mul3A_2339 = arith.mulf %get3A_2338, %get3A_2300 : vector<16xf32>
      %add3A_2340 = arith.addf %add3A_2254, %mul3A_2339 : vector<16xf32>
      %get3A_2341 = arith.constant 2 : i32
      %get3A_2342 = arith.constant 0 : i32
      %get3A_2343 = arith.constant 0 : i32
      %get3A_2344 = tpu.memref_slice %arg11[%scan3A, %get3A_2342, %get3A_2343] : memref<2x4x4096xf32, #tpu.memory_space<vmem>> -> memref<1x4x4096xf32, #tpu.memory_space<vmem>>
      %get3A_2345 = tpu.memref_squeeze %get3A_2344 : memref<1x4x4096xf32, #tpu.memory_space<vmem>> -> memref<4x4096xf32, #tpu.memory_space<vmem>>
      %get3A_2346 = arith.index_cast %get3A_2341 : i32 to index
      %get3A_2347 = arith.index_cast %add3A_2296 : i32 to index
      %get3A_2348 = tpu.vector_load %get3A_2345[%get3A_2346, %get3A_2347] {strides = array<i32>} : memref<4x4096xf32, #tpu.memory_space<vmem>>, vector<16xf32>,
      %mul3A_2349 = arith.mulf %get3A_2348, %get3A_2298 : vector<16xf32>
      %add3A_2350 = arith.addf %add3A_2264, %mul3A_2349 : vector<16xf32>
      %get3A_2351 = arith.constant 2 : i32
      %get3A_2352 = arith.constant 0 : i32
      %get3A_2353 = arith.constant 0 : i32
      %get3A_2354 = tpu.memref_slice %arg12[%scan3A_105, %get3A_2352, %get3A_2353] : memref<2x4x4096xf32, #tpu.memory_space<vmem>> -> memref<1x4x4096xf32, #tpu.memory_space<vmem>>
      %get3A_2355 = tpu.memref_squeeze %get3A_2354 : memref<1x4x4096xf32, #tpu.memory_space<vmem>> -> memref<4x4096xf32, #tpu.memory_space<vmem>>
      %get3A_2356 = arith.index_cast %get3A_2351 : i32 to index
      %get3A_2357 = arith.index_cast %add3A_2296 : i32 to index
      %get3A_2358 = tpu.vector_load %get3A_2355[%get3A_2356, %get3A_2357] {strides = array<i32>} : memref<4x4096xf32, #tpu.memory_space<vmem>>, vector<16xf32>,
      %mul3A_2359 = arith.mulf %get3A_2358, %get3A_2300 : vector<16xf32>
      %add3A_2360 = arith.addf %add3A_2274, %mul3A_2359 : vector<16xf32>
      %get3A_2361 = arith.constant 3 : i32
      %get3A_2362 = arith.constant 0 : i32
      %get3A_2363 = arith.constant 0 : i32
      %get3A_2364 = tpu.memref_slice %arg11[%scan3A, %get3A_2362, %get3A_2363] : memref<2x4x4096xf32, #tpu.memory_space<vmem>> -> memref<1x4x4096xf32, #tpu.memory_space<vmem>>
      %get3A_2365 = tpu.memref_squeeze %get3A_2364 : memref<1x4x4096xf32, #tpu.memory_space<vmem>> -> memref<4x4096xf32, #tpu.memory_space<vmem>>
      %get3A_2366 = arith.index_cast %get3A_2361 : i32 to index
      %get3A_2367 = arith.index_cast %add3A_2296 : i32 to index
      %get3A_2368 = tpu.vector_load %get3A_2365[%get3A_2366, %get3A_2367] {strides = array<i32>} : memref<4x4096xf32, #tpu.memory_space<vmem>>, vector<16xf32>,
      %mul3A_2369 = arith.mulf %get3A_2368, %get3A_2298 : vector<16xf32>
      %add3A_2370 = arith.addf %add3A_2284, %mul3A_2369 : vector<16xf32>
      %get3A_2371 = arith.constant 3 : i32
      %get3A_2372 = arith.constant 0 : i32
      %get3A_2373 = arith.constant 0 : i32
      %get3A_2374 = tpu.memref_slice %arg12[%scan3A_105, %get3A_2372, %get3A_2373] : memref<2x4x4096xf32, #tpu.memory_space<vmem>> -> memref<1x4x4096xf32, #tpu.memory_space<vmem>>
      %get3A_2375 = tpu.memref_squeeze %get3A_2374 : memref<1x4x4096xf32, #tpu.memory_space<vmem>> -> memref<4x4096xf32, #tpu.memory_space<vmem>>
      %get3A_2376 = arith.index_cast %get3A_2371 : i32 to index
      %get3A_2377 = arith.index_cast %add3A_2296 : i32 to index
      %get3A_2378 = tpu.vector_load %get3A_2375[%get3A_2376, %get3A_2377] {strides = array<i32>} : memref<4x4096xf32, #tpu.memory_space<vmem>>, vector<16xf32>,
      %mul3A_2379 = arith.mulf %get3A_2378, %get3A_2300 : vector<16xf32>
      %add3A_2380 = arith.addf %add3A_2294, %mul3A_2379 : vector<16xf32>
      scf.yield %add3A_2310, %add3A_2330, %add3A_2350, %add3A_2370, %add3A_2320, %add3A_2340, %add3A_2360, %add3A_2380 : vector<16xf32>, vector<16xf32>, vector<16xf32>, vector<16xf32>, vector<16xf32>, vector<16xf32>, vector<16xf32>, vector<16xf32>
    }
    %scan3A_111 = arith.constant 128 : i32
    %slice3A = vector.extract_strided_slice %get3A_33 {offsets = [0], sizes = [1], strides = [1]} : vector<16xf32> to vector<1xf32>
    %squeeze3A = vector.extract %slice3A[0] : f32 from vector<1xf32>
    %add3A_112 = arith.addf %scan3A_110#0, %scan3A_110#4 : vector<16xf32>
    %iota3A = tpu.iota {dimensions = array<i32: 0>} : vector<16xi32>
    %swap3A = arith.constant 0 : index
    %swap3A_113 = tpu.vector_load %arg14[%swap3A] {strides = array<i32>} : memref<16xf32, #tpu.memory_space<vmem>>, vector<16xf32>,
    tpu.vector_store %arg14[%swap3A], %add3A_112 {strides = array<i32>} : memref<16xf32, #tpu.memory_space<vmem>>, vector<16xf32>,
    %add3A_114 = arith.constant 8 : i32
    %add3A_115 = vector.broadcast %add3A_114 : i32 to vector<16xi32>
    %add3A_116 = arith.addi %iota3A, %add3A_115 : vector<16xi32>
    %and3A = arith.constant 15 : i32
    %and3A_117 = vector.broadcast %and3A : i32 to vector<16xi32>
    %and3A_118 = arith.andi %add3A_116, %and3A_117 : vector<16xi32>
    %gather3A = tpu.vector_load_idx %arg14[%and3A_118] : memref<16xf32, #tpu.memory_space<vmem>>[vector<16xi32>], vector<16xf32>,
    %add3A_119 = arith.addf %add3A_112, %gather3A : vector<16xf32>
    %swap3A_120 = arith.constant 0 : index
    %swap3A_121 = tpu.vector_load %arg14[%swap3A_120] {strides = array<i32>} : memref<16xf32, #tpu.memory_space<vmem>>, vector<16xf32>,
    tpu.vector_store %arg14[%swap3A_120], %add3A_119 {strides = array<i32>} : memref<16xf32, #tpu.memory_space<vmem>>, vector<16xf32>,
    %add3A_122 = arith.constant 4 : i32
    %add3A_123 = vector.broadcast %add3A_122 : i32 to vector<16xi32>
    %add3A_124 = arith.addi %iota3A, %add3A_123 : vector<16xi32>
    %and3A_125 = arith.constant 15 : i32
    %and3A_126 = vector.broadcast %and3A_125 : i32 to vector<16xi32>
    %and3A_127 = arith.andi %add3A_124, %and3A_126 : vector<16xi32>
    %gather3A_128 = tpu.vector_load_idx %arg14[%and3A_127] : memref<16xf32, #tpu.memory_space<vmem>>[vector<16xi32>], vector<16xf32>,
    %add3A_129 = arith.addf %add3A_119, %gather3A_128 : vector<16xf32>
    %swap3A_130 = arith.constant 0 : index
    %swap3A_131 = tpu.vector_load %arg14[%swap3A_130] {strides = array<i32>} : memref<16xf32, #tpu.memory_space<vmem>>, vector<16xf32>,
    tpu.vector_store %arg14[%swap3A_130], %add3A_129 {strides = array<i32>} : memref<16xf32, #tpu.memory_space<vmem>>, vector<16xf32>,
    %add3A_132 = arith.constant 2 : i32
    %add3A_133 = vector.broadcast %add3A_132 : i32 to vector<16xi32>
    %add3A_134 = arith.addi %iota3A, %add3A_133 : vector<16xi32>
    %and3A_135 = arith.constant 15 : i32
    %and3A_136 = vector.broadcast %and3A_135 : i32 to vector<16xi32>
    %and3A_137 = arith.andi %add3A_134, %and3A_136 : vector<16xi32>
    %gather3A_138 = tpu.vector_load_idx %arg14[%and3A_137] : memref<16xf32, #tpu.memory_space<vmem>>[vector<16xi32>], vector<16xf32>,
    %add3A_139 = arith.addf %add3A_129, %gather3A_138 : vector<16xf32>
    %swap3A_140 = arith.constant 0 : index
    %swap3A_141 = tpu.vector_load %arg14[%swap3A_140] {strides = array<i32>} : memref<16xf32, #tpu.memory_space<vmem>>, vector<16xf32>,
    tpu.vector_store %arg14[%swap3A_140], %add3A_139 {strides = array<i32>} : memref<16xf32, #tpu.memory_space<vmem>>, vector<16xf32>,
    %add3A_142 = arith.constant 1 : i32
    %add3A_143 = vector.broadcast %add3A_142 : i32 to vector<16xi32>
    %add3A_144 = arith.addi %iota3A, %add3A_143 : vector<16xi32>
    %and3A_145 = arith.constant 15 : i32
    %and3A_146 = vector.broadcast %and3A_145 : i32 to vector<16xi32>
    %and3A_147 = arith.andi %add3A_144, %and3A_146 : vector<16xi32>
    %gather3A_148 = tpu.vector_load_idx %arg14[%and3A_147] : memref<16xf32, #tpu.memory_space<vmem>>[vector<16xi32>], vector<16xf32>,
    %add3A_149 = arith.addf %add3A_139, %gather3A_148 : vector<16xf32>
    %slice3A_150 = vector.extract_strided_slice %add3A_149 {offsets = [0], sizes = [1], strides = [1]} : vector<16xf32> to vector<1xf32>
    %squeeze3A_151 = vector.extract %slice3A_150[0] : f32 from vector<1xf32>
    %add3A_152 = arith.addf %squeeze3A_151, %squeeze3A : f32
    %mul3A_153 = arith.mulf %add3A_152, %add3A_152 : f32
    %add3A_154 = arith.constant 0.000000e+00 : f32
    %add3A_155 = arith.addf %add3A_154, %mul3A_153 : f32
    %slice3A_156 = vector.extract_strided_slice %get3A_33 {offsets = [1], sizes = [1], strides = [1]} : vector<16xf32> to vector<1xf32>
    %squeeze3A_157 = vector.extract %slice3A_156[0] : f32 from vector<1xf32>
    %add3A_158 = arith.addf %scan3A_110#1, %scan3A_110#5 : vector<16xf32>
    %iota3A_159 = tpu.iota {dimensions = array<i32: 0>} : vector<16xi32>
    %swap3A_160 = arith.constant 0 : index
    %swap3A_161 = tpu.vector_load %arg14[%swap3A_160] {strides = array<i32>} : memref<16xf32, #tpu.memory_space<vmem>>, vector<16xf32>,
    tpu.vector_store %arg14[%swap3A_160], %add3A_158 {strides = array<i32>} : memref<16xf32, #tpu.memory_space<vmem>>, vector<16xf32>,
    %add3A_162 = arith.constant 8 : i32
    %add3A_163 = vector.broadcast %add3A_162 : i32 to vector<16xi32>
    %add3A_164 = arith.addi %iota3A_159, %add3A_163 : vector<16xi32>
    %and3A_165 = arith.constant 15 : i32
    %and3A_166 = vector.broadcast %and3A_165 : i32 to vector<16xi32>
    %and3A_167 = arith.andi %add3A_164, %and3A_166 : vector<16xi32>
    %gather3A_168 = tpu.vector_load_idx %arg14[%and3A_167] : memref<16xf32, #tpu.memory_space<vmem>>[vector<16xi32>], vector<16xf32>,
    %add3A_169 = arith.addf %add3A_158, %gather3A_168 : vector<16xf32>
    %swap3A_170 = arith.constant 0 : index
    %swap3A_171 = tpu.vector_load %arg14[%swap3A_170] {strides = array<i32>} : memref<16xf32, #tpu.memory_space<vmem>>, vector<16xf32>,
    tpu.vector_store %arg14[%swap3A_170], %add3A_169 {strides = array<i32>} : memref<16xf32, #tpu.memory_space<vmem>>, vector<16xf32>,
    %add3A_172 = arith.constant 4 : i32
    %add3A_173 = vector.broadcast %add3A_172 : i32 to vector<16xi32>
    %add3A_174 = arith.addi %iota3A_159, %add3A_173 : vector<16xi32>
    %and3A_175 = arith.constant 15 : i32
    %and3A_176 = vector.broadcast %and3A_175 : i32 to vector<16xi32>
    %and3A_177 = arith.andi %add3A_174, %and3A_176 : vector<16xi32>
    %gather3A_178 = tpu.vector_load_idx %arg14[%and3A_177] : memref<16xf32, #tpu.memory_space<vmem>>[vector<16xi32>], vector<16xf32>,
    %add3A_179 = arith.addf %add3A_169, %gather3A_178 : vector<16xf32>
    %swap3A_180 = arith.constant 0 : index
    %swap3A_181 = tpu.vector_load %arg14[%swap3A_180] {strides = array<i32>} : memref<16xf32, #tpu.memory_space<vmem>>, vector<16xf32>,
    tpu.vector_store %arg14[%swap3A_180], %add3A_179 {strides = array<i32>} : memref<16xf32, #tpu.memory_space<vmem>>, vector<16xf32>,
    %add3A_182 = arith.constant 2 : i32
    %add3A_183 = vector.broadcast %add3A_182 : i32 to vector<16xi32>
    %add3A_184 = arith.addi %iota3A_159, %add3A_183 : vector<16xi32>
    %and3A_185 = arith.constant 15 : i32
    %and3A_186 = vector.broadcast %and3A_185 : i32 to vector<16xi32>
    %and3A_187 = arith.andi %add3A_184, %and3A_186 : vector<16xi32>
    %gather3A_188 = tpu.vector_load_idx %arg14[%and3A_187] : memref<16xf32, #tpu.memory_space<vmem>>[vector<16xi32>], vector<16xf32>,
    %add3A_189 = arith.addf %add3A_179, %gather3A_188 : vector<16xf32>
    %swap3A_190 = arith.constant 0 : index
    %swap3A_191 = tpu.vector_load %arg14[%swap3A_190] {strides = array<i32>} : memref<16xf32, #tpu.memory_space<vmem>>, vector<16xf32>,
    tpu.vector_store %arg14[%swap3A_190], %add3A_189 {strides = array<i32>} : memref<16xf32, #tpu.memory_space<vmem>>, vector<16xf32>,
    %add3A_192 = arith.constant 1 : i32
    %add3A_193 = vector.broadcast %add3A_192 : i32 to vector<16xi32>
    %add3A_194 = arith.addi %iota3A_159, %add3A_193 : vector<16xi32>
    %and3A_195 = arith.constant 15 : i32
    %and3A_196 = vector.broadcast %and3A_195 : i32 to vector<16xi32>
    %and3A_197 = arith.andi %add3A_194, %and3A_196 : vector<16xi32>
    %gather3A_198 = tpu.vector_load_idx %arg14[%and3A_197] : memref<16xf32, #tpu.memory_space<vmem>>[vector<16xi32>], vector<16xf32>,
    %add3A_199 = arith.addf %add3A_189, %gather3A_198 : vector<16xf32>
    %slice3A_200 = vector.extract_strided_slice %add3A_199 {offsets = [0], sizes = [1], strides = [1]} : vector<16xf32> to vector<1xf32>
    %squeeze3A_201 = vector.extract %slice3A_200[0] : f32 from vector<1xf32>
    %add3A_202 = arith.addf %squeeze3A_201, %squeeze3A_157 : f32
    %mul3A_203 = arith.mulf %add3A_202, %add3A_202 : f32
    %add3A_204 = arith.addf %add3A_155, %mul3A_203 : f32
    %slice3A_205 = vector.extract_strided_slice %get3A_33 {offsets = [2], sizes = [1], strides = [1]} : vector<16xf32> to vector<1xf32>
    %squeeze3A_206 = vector.extract %slice3A_205[0] : f32 from vector<1xf32>
    %add3A_207 = arith.addf %scan3A_110#2, %scan3A_110#6 : vector<16xf32>
    %iota3A_208 = tpu.iota {dimensions = array<i32: 0>} : vector<16xi32>
    %swap3A_209 = arith.constant 0 : index
    %swap3A_210 = tpu.vector_load %arg14[%swap3A_209] {strides = array<i32>} : memref<16xf32, #tpu.memory_space<vmem>>, vector<16xf32>,
    tpu.vector_store %arg14[%swap3A_209], %add3A_207 {strides = array<i32>} : memref<16xf32, #tpu.memory_space<vmem>>, vector<16xf32>,
    %add3A_211 = arith.constant 8 : i32
    %add3A_212 = vector.broadcast %add3A_211 : i32 to vector<16xi32>
    %add3A_213 = arith.addi %iota3A_208, %add3A_212 : vector<16xi32>
    %and3A_214 = arith.constant 15 : i32
    %and3A_215 = vector.broadcast %and3A_214 : i32 to vector<16xi32>
    %and3A_216 = arith.andi %add3A_213, %and3A_215 : vector<16xi32>
    %gather3A_217 = tpu.vector_load_idx %arg14[%and3A_216] : memref<16xf32, #tpu.memory_space<vmem>>[vector<16xi32>], vector<16xf32>,
    %add3A_218 = arith.addf %add3A_207, %gather3A_217 : vector<16xf32>
    %swap3A_219 = arith.constant 0 : index
    %swap3A_220 = tpu.vector_load %arg14[%swap3A_219] {strides = array<i32>} : memref<16xf32, #tpu.memory_space<vmem>>, vector<16xf32>,
    tpu.vector_store %arg14[%swap3A_219], %add3A_218 {strides = array<i32>} : memref<16xf32, #tpu.memory_space<vmem>>, vector<16xf32>,
    %add3A_221 = arith.constant 4 : i32
    %add3A_222 = vector.broadcast %add3A_221 : i32 to vector<16xi32>
    %add3A_223 = arith.addi %iota3A_208, %add3A_222 : vector<16xi32>
    %and3A_224 = arith.constant 15 : i32
    %and3A_225 = vector.broadcast %and3A_224 : i32 to vector<16xi32>
    %and3A_226 = arith.andi %add3A_223, %and3A_225 : vector<16xi32>
    %gather3A_227 = tpu.vector_load_idx %arg14[%and3A_226] : memref<16xf32, #tpu.memory_space<vmem>>[vector<16xi32>], vector<16xf32>,
    %add3A_228 = arith.addf %add3A_218, %gather3A_227 : vector<16xf32>
    %swap3A_229 = arith.constant 0 : index
    %swap3A_230 = tpu.vector_load %arg14[%swap3A_229] {strides = array<i32>} : memref<16xf32, #tpu.memory_space<vmem>>, vector<16xf32>,
    tpu.vector_store %arg14[%swap3A_229], %add3A_228 {strides = array<i32>} : memref<16xf32, #tpu.memory_space<vmem>>, vector<16xf32>,
    %add3A_231 = arith.constant 2 : i32
    %add3A_232 = vector.broadcast %add3A_231 : i32 to vector<16xi32>
    %add3A_233 = arith.addi %iota3A_208, %add3A_232 : vector<16xi32>
    %and3A_234 = arith.constant 15 : i32
    %and3A_235 = vector.broadcast %and3A_234 : i32 to vector<16xi32>
    %and3A_236 = arith.andi %add3A_233, %and3A_235 : vector<16xi32>
    %gather3A_237 = tpu.vector_load_idx %arg14[%and3A_236] : memref<16xf32, #tpu.memory_space<vmem>>[vector<16xi32>], vector<16xf32>,
    %add3A_238 = arith.addf %add3A_228, %gather3A_237 : vector<16xf32>
    %swap3A_239 = arith.constant 0 : index
    %swap3A_240 = tpu.vector_load %arg14[%swap3A_239] {strides = array<i32>} : memref<16xf32, #tpu.memory_space<vmem>>, vector<16xf32>,
    tpu.vector_store %arg14[%swap3A_239], %add3A_238 {strides = array<i32>} : memref<16xf32, #tpu.memory_space<vmem>>, vector<16xf32>,
    %add3A_241 = arith.constant 1 : i32
    %add3A_242 = vector.broadcast %add3A_241 : i32 to vector<16xi32>
    %add3A_243 = arith.addi %iota3A_208, %add3A_242 : vector<16xi32>
    %and3A_244 = arith.constant 15 : i32
    %and3A_245 = vector.broadcast %and3A_244 : i32 to vector<16xi32>
    %and3A_246 = arith.andi %add3A_243, %and3A_245 : vector<16xi32>
    %gather3A_247 = tpu.vector_load_idx %arg14[%and3A_246] : memref<16xf32, #tpu.memory_space<vmem>>[vector<16xi32>], vector<16xf32>,
    %add3A_248 = arith.addf %add3A_238, %gather3A_247 : vector<16xf32>
    %slice3A_249 = vector.extract_strided_slice %add3A_248 {offsets = [0], sizes = [1], strides = [1]} : vector<16xf32> to vector<1xf32>
    %squeeze3A_250 = vector.extract %slice3A_249[0] : f32 from vector<1xf32>
    %add3A_251 = arith.addf %squeeze3A_250, %squeeze3A_206 : f32
    %mul3A_252 = arith.mulf %add3A_251, %add3A_251 : f32
    %add3A_253 = arith.addf %add3A_204, %mul3A_252 : f32
    %slice3A_254 = vector.extract_strided_slice %get3A_33 {offsets = [3], sizes = [1], strides = [1]} : vector<16xf32> to vector<1xf32>
    %squeeze3A_255 = vector.extract %slice3A_254[0] : f32 from vector<1xf32>
    %add3A_256 = arith.addf %scan3A_110#3, %scan3A_110#7 : vector<16xf32>
    %iota3A_257 = tpu.iota {dimensions = array<i32: 0>} : vector<16xi32>
    %swap3A_258 = arith.constant 0 : index
    %swap3A_259 = tpu.vector_load %arg14[%swap3A_258] {strides = array<i32>} : memref<16xf32, #tpu.memory_space<vmem>>, vector<16xf32>,
    tpu.vector_store %arg14[%swap3A_258], %add3A_256 {strides = array<i32>} : memref<16xf32, #tpu.memory_space<vmem>>, vector<16xf32>,
    %add3A_260 = arith.constant 8 : i32
    %add3A_261 = vector.broadcast %add3A_260 : i32 to vector<16xi32>
    %add3A_262 = arith.addi %iota3A_257, %add3A_261 : vector<16xi32>
    %and3A_263 = arith.constant 15 : i32
    %and3A_264 = vector.broadcast %and3A_263 : i32 to vector<16xi32>
    %and3A_265 = arith.andi %add3A_262, %and3A_264 : vector<16xi32>
    %gather3A_266 = tpu.vector_load_idx %arg14[%and3A_265] : memref<16xf32, #tpu.memory_space<vmem>>[vector<16xi32>], vector<16xf32>,
    %add3A_267 = arith.addf %add3A_256, %gather3A_266 : vector<16xf32>
    %swap3A_268 = arith.constant 0 : index
    %swap3A_269 = tpu.vector_load %arg14[%swap3A_268] {strides = array<i32>} : memref<16xf32, #tpu.memory_space<vmem>>, vector<16xf32>,
    tpu.vector_store %arg14[%swap3A_268], %add3A_267 {strides = array<i32>} : memref<16xf32, #tpu.memory_space<vmem>>, vector<16xf32>,
    %add3A_270 = arith.constant 4 : i32
    %add3A_271 = vector.broadcast %add3A_270 : i32 to vector<16xi32>
    %add3A_272 = arith.addi %iota3A_257, %add3A_271 : vector<16xi32>
    %and3A_273 = arith.constant 15 : i32
    %and3A_274 = vector.broadcast %and3A_273 : i32 to vector<16xi32>
    %and3A_275 = arith.andi %add3A_272, %and3A_274 : vector<16xi32>
    %gather3A_276 = tpu.vector_load_idx %arg14[%and3A_275] : memref<16xf32, #tpu.memory_space<vmem>>[vector<16xi32>], vector<16xf32>,
    %add3A_277 = arith.addf %add3A_267, %gather3A_276 : vector<16xf32>
    %swap3A_278 = arith.constant 0 : index
    %swap3A_279 = tpu.vector_load %arg14[%swap3A_278] {strides = array<i32>} : memref<16xf32, #tpu.memory_space<vmem>>, vector<16xf32>,
    tpu.vector_store %arg14[%swap3A_278], %add3A_277 {strides = array<i32>} : memref<16xf32, #tpu.memory_space<vmem>>, vector<16xf32>,
    %add3A_280 = arith.constant 2 : i32
    %add3A_281 = vector.broadcast %add3A_280 : i32 to vector<16xi32>
    %add3A_282 = arith.addi %iota3A_257, %add3A_281 : vector<16xi32>
    %and3A_283 = arith.constant 15 : i32
    %and3A_284 = vector.broadcast %and3A_283 : i32 to vector<16xi32>
    %and3A_285 = arith.andi %add3A_282, %and3A_284 : vector<16xi32>
    %gather3A_286 = tpu.vector_load_idx %arg14[%and3A_285] : memref<16xf32, #tpu.memory_space<vmem>>[vector<16xi32>], vector<16xf32>,
    %add3A_287 = arith.addf %add3A_277, %gather3A_286 : vector<16xf32>
    %swap3A_288 = arith.constant 0 : index
    %swap3A_289 = tpu.vector_load %arg14[%swap3A_288] {strides = array<i32>} : memref<16xf32, #tpu.memory_space<vmem>>, vector<16xf32>,
    tpu.vector_store %arg14[%swap3A_288], %add3A_287 {strides = array<i32>} : memref<16xf32, #tpu.memory_space<vmem>>, vector<16xf32>,
    %add3A_290 = arith.constant 1 : i32
    %add3A_291 = vector.broadcast %add3A_290 : i32 to vector<16xi32>
    %add3A_292 = arith.addi %iota3A_257, %add3A_291 : vector<16xi32>
    %and3A_293 = arith.constant 15 : i32
    %and3A_294 = vector.broadcast %and3A_293 : i32 to vector<16xi32>
    %and3A_295 = arith.andi %add3A_292, %and3A_294 : vector<16xi32>
    %gather3A_296 = tpu.vector_load_idx %arg14[%and3A_295] : memref<16xf32, #tpu.memory_space<vmem>>[vector<16xi32>], vector<16xf32>,
    %add3A_297 = arith.addf %add3A_287, %gather3A_296 : vector<16xf32>
    %slice3A_298 = vector.extract_strided_slice %add3A_297 {offsets = [0], sizes = [1], strides = [1]} : vector<16xf32> to vector<1xf32>
    %squeeze3A_299 = vector.extract %slice3A_298[0] : f32 from vector<1xf32>
    %add3A_300 = arith.addf %squeeze3A_299, %squeeze3A_255 : f32
    %mul3A_301 = arith.mulf %add3A_300, %add3A_300 : f32
    %add3A_302 = arith.addf %add3A_253, %mul3A_301 : f32
    %add3A_303 = arith.constant 8 : i32
    %add3A_304 = arith.addi %mul3A_2, %add3A_303 : i32
    %dma_start3A_305 = arith.constant 0 : i32
    %dma_start3A_306 = arith.constant 0 : i32
    %dma_start3A_307 = arith.constant 0 : i32
    %dma_start3A_308 = tpu.memref_slice %arg11[%dma_start3A_305, %dma_start3A_306, %dma_start3A_307] : memref<2x4x4096xf32, #tpu.memory_space<vmem>> -> memref<1x4x4096xf32, #tpu.memory_space<vmem>>
    %dma_start3A_309 = tpu.memref_squeeze %dma_start3A_308 : memref<1x4x4096xf32, #tpu.memory_space<vmem>> -> memref<4x4096xf32, #tpu.memory_space<vmem>>
    %dma_start3A_310 = arith.constant 0 : i32
    %dma_start3A_311 = tpu.memref_slice %arg2[%add3A_304, %dma_start3A_310] : memref<4096x4096xf32, #tpu.memory_space<hbm>> -> memref<4x4096xf32, #tpu.memory_space<hbm>>
    %dma_start3A_312 = arith.constant 0 : i32
    %dma_start3A_313 = arith.constant 0 : i32
    %dma_start3A_314 = tpu.memref_slice %arg11[%dma_start3A_305, %dma_start3A_312, %dma_start3A_313] : memref<2x4x4096xf32, #tpu.memory_space<vmem>> -> memref<1x4x4096xf32, #tpu.memory_space<vmem>>
    %dma_start3A_315 = tpu.memref_squeeze %dma_start3A_314 : memref<1x4x4096xf32, #tpu.memory_space<vmem>> -> memref<4x4096xf32, #tpu.memory_space<vmem>>
    %dma_start3A_316 = arith.constant 0 : i32
    %dma_start3A_317 = tpu.memref_slice %arg2[%add3A_304, %dma_start3A_316] : memref<4096x4096xf32, #tpu.memory_space<hbm>> -> memref<4x4096xf32, #tpu.memory_space<hbm>>
    tpu.enqueue_dma source(%dma_start3A_317 : memref<4x4096xf32, #tpu.memory_space<hbm>>) target(%dma_start3A_315 : memref<4x4096xf32, #tpu.memory_space<vmem>>) target_semaphore(%arg18 : memref<!tpu.dma_semaphore, #tpu.memory_space<semaphore_mem>>)
    %dma_start3A_318 = arith.constant 0 : i32
    %dma_start3A_319 = arith.constant 0 : i32
    %dma_start3A_320 = arith.constant 0 : i32
    %dma_start3A_321 = tpu.memref_slice %arg12[%dma_start3A_318, %dma_start3A_319, %dma_start3A_320] : memref<2x4x4096xf32, #tpu.memory_space<vmem>> -> memref<1x4x4096xf32, #tpu.memory_space<vmem>>
    %dma_start3A_322 = tpu.memref_squeeze %dma_start3A_321 : memref<1x4x4096xf32, #tpu.memory_space<vmem>> -> memref<4x4096xf32, #tpu.memory_space<vmem>>
    %dma_start3A_323 = arith.constant 0 : i32
    %dma_start3A_324 = tpu.memref_slice %arg3[%add3A_304, %dma_start3A_323] : memref<4096x4096xf32, #tpu.memory_space<hbm>> -> memref<4x4096xf32, #tpu.memory_space<hbm>>
    %dma_start3A_325 = arith.constant 0 : i32
    %dma_start3A_326 = arith.constant 0 : i32
    %dma_start3A_327 = tpu.memref_slice %arg12[%dma_start3A_318, %dma_start3A_325, %dma_start3A_326] : memref<2x4x4096xf32, #tpu.memory_space<vmem>> -> memref<1x4x4096xf32, #tpu.memory_space<vmem>>
    %dma_start3A_328 = tpu.memref_squeeze %dma_start3A_327 : memref<1x4x4096xf32, #tpu.memory_space<vmem>> -> memref<4x4096xf32, #tpu.memory_space<vmem>>
    %dma_start3A_329 = arith.constant 0 : i32
    %dma_start3A_330 = tpu.memref_slice %arg3[%add3A_304, %dma_start3A_329] : memref<4096x4096xf32, #tpu.memory_space<hbm>> -> memref<4x4096xf32, #tpu.memory_space<hbm>>
    tpu.enqueue_dma source(%dma_start3A_330 : memref<4x4096xf32, #tpu.memory_space<hbm>>) target(%dma_start3A_328 : memref<4x4096xf32, #tpu.memory_space<vmem>>) target_semaphore(%arg20 : memref<!tpu.dma_semaphore, #tpu.memory_space<semaphore_mem>>)
    %dma_wait3A_331 = arith.constant 1 : i32
    %dma_wait3A_332 = arith.constant 0 : i32
    %dma_wait3A_333 = arith.constant 0 : i32
    %dma_wait3A_334 = tpu.memref_slice %arg11[%dma_wait3A_331, %dma_wait3A_332, %dma_wait3A_333] : memref<2x4x4096xf32, #tpu.memory_space<vmem>> -> memref<1x4x4096xf32, #tpu.memory_space<vmem>>
    %dma_wait3A_335 = tpu.memref_squeeze %dma_wait3A_334 : memref<1x4x4096xf32, #tpu.memory_space<vmem>> -> memref<4x4096xf32, #tpu.memory_space<vmem>>
    %dma_wait3A_336 = arith.constant 0 : i32
    %dma_wait3A_337 = tpu.memref_slice %arg2[%add3A_37, %dma_wait3A_336] : memref<4096x4096xf32, #tpu.memory_space<hbm>> -> memref<4x4096xf32, #tpu.memory_space<hbm>>
    %dma_wait3A_338 = arith.constant 0 : i32
    %dma_wait3A_339 = arith.constant 0 : i32
    %dma_wait3A_340 = tpu.memref_slice %arg11[%dma_wait3A_331, %dma_wait3A_338, %dma_wait3A_339] : memref<2x4x4096xf32, #tpu.memory_space<vmem>> -> memref<1x4x4096xf32, #tpu.memory_space<vmem>>
    %dma_wait3A_341 = tpu.memref_squeeze %dma_wait3A_340 : memref<1x4x4096xf32, #tpu.memory_space<vmem>> -> memref<4x4096xf32, #tpu.memory_space<vmem>>
    %dma_wait3A_342 = arith.constant 0 : i32
    %dma_wait3A_343 = tpu.memref_slice %arg2[%add3A_37, %dma_wait3A_342] : memref<4096x4096xf32, #tpu.memory_space<hbm>> -> memref<4x4096xf32, #tpu.memory_space<hbm>>
    tpu.wait_dma2 semaphore(%arg19 : memref<!tpu.dma_semaphore, #tpu.memory_space<semaphore_mem>>) src(%dma_wait3A_343 : memref<4x4096xf32, #tpu.memory_space<hbm>>) dst(%dma_wait3A_341 : memref<4x4096xf32, #tpu.memory_space<vmem>>)
    %dma_wait3A_344 = arith.constant 1 : i32
    %dma_wait3A_345 = arith.constant 0 : i32
    %dma_wait3A_346 = arith.constant 0 : i32
    %dma_wait3A_347 = tpu.memref_slice %arg12[%dma_wait3A_344, %dma_wait3A_345, %dma_wait3A_346] : memref<2x4x4096xf32, #tpu.memory_space<vmem>> -> memref<1x4x4096xf32, #tpu.memory_space<vmem>>
    %dma_wait3A_348 = tpu.memref_squeeze %dma_wait3A_347 : memref<1x4x4096xf32, #tpu.memory_space<vmem>> -> memref<4x4096xf32, #tpu.memory_space<vmem>>
    %dma_wait3A_349 = arith.constant 0 : i32
    %dma_wait3A_350 = tpu.memref_slice %arg3[%add3A_37, %dma_wait3A_349] : memref<4096x4096xf32, #tpu.memory_space<hbm>> -> memref<4x4096xf32, #tpu.memory_space<hbm>>
    %dma_wait3A_351 = arith.constant 0 : i32
    %dma_wait3A_352 = arith.constant 0 : i32
    %dma_wait3A_353 = tpu.memref_slice %arg12[%dma_wait3A_344, %dma_wait3A_351, %dma_wait3A_352] : memref<2x4x4096xf32, #tpu.memory_space<vmem>> -> memref<1x4x4096xf32, #tpu.memory_space<vmem>>
    %dma_wait3A_354 = tpu.memref_squeeze %dma_wait3A_353 : memref<1x4x4096xf32, #tpu.memory_space<vmem>> -> memref<4x4096xf32, #tpu.memory_space<vmem>>
    %dma_wait3A_355 = arith.constant 0 : i32
    %dma_wait3A_356 = tpu.memref_slice %arg3[%add3A_37, %dma_wait3A_355] : memref<4096x4096xf32, #tpu.memory_space<hbm>> -> memref<4x4096xf32, #tpu.memory_space<hbm>>
    tpu.wait_dma2 semaphore(%arg21 : memref<!tpu.dma_semaphore, #tpu.memory_space<semaphore_mem>>) src(%dma_wait3A_356 : memref<4x4096xf32, #tpu.memory_space<hbm>>) dst(%dma_wait3A_354 : memref<4x4096xf32, #tpu.memory_space<vmem>>)
    %broadcast_in_dim3A_357 = arith.constant 0.000000e+00 : f32
    %broadcast_in_dim3A_358 = vector.broadcast %broadcast_in_dim3A_357 : f32 to vector<16xf32>
    %broadcast_in_dim3A_359 = arith.constant 0.000000e+00 : f32
    %broadcast_in_dim3A_360 = vector.broadcast %broadcast_in_dim3A_359 : f32 to vector<16xf32>
    %broadcast_in_dim3A_361 = arith.constant 0.000000e+00 : f32
    %broadcast_in_dim3A_362 = vector.broadcast %broadcast_in_dim3A_361 : f32 to vector<16xf32>
    %broadcast_in_dim3A_363 = arith.constant 0.000000e+00 : f32
    %broadcast_in_dim3A_364 = vector.broadcast %broadcast_in_dim3A_363 : f32 to vector<16xf32>
    %broadcast_in_dim3A_365 = arith.constant 0.000000e+00 : f32
    %broadcast_in_dim3A_366 = vector.broadcast %broadcast_in_dim3A_365 : f32 to vector<16xf32>
    %broadcast_in_dim3A_367 = arith.constant 0.000000e+00 : f32
    %broadcast_in_dim3A_368 = vector.broadcast %broadcast_in_dim3A_367 : f32 to vector<16xf32>
    %broadcast_in_dim3A_369 = arith.constant 0.000000e+00 : f32
    %broadcast_in_dim3A_370 = vector.broadcast %broadcast_in_dim3A_369 : f32 to vector<16xf32>
    %broadcast_in_dim3A_371 = arith.constant 0.000000e+00 : f32
    %broadcast_in_dim3A_372 = vector.broadcast %broadcast_in_dim3A_371 : f32 to vector<16xf32>
    %scan3A_373 = arith.constant 1 : i32
    %scan3A_374 = arith.constant 1 : i32
    %scan3A_375 = arith.constant 0 : i32
    %scan3A_376 = arith.constant 128 : i32
    %scan3A_377 = arith.addi %scan3A_375, %scan3A_376 : i32
    %scan3A_378 = arith.constant 1 : i32
    %scan3A_379:8 = scf.for %scan3A_2198 = %scan3A_375 to %scan3A_377 step %scan3A_378 iter_args(%scan3A_2199 = %broadcast_in_dim3A_358, %scan3A_2200 = %broadcast_in_dim3A_360, %scan3A_2201 = %broadcast_in_dim3A_362, %scan3A_2202 = %broadcast_in_dim3A_364, %scan3A_2203 = %broadcast_in_dim3A_366, %scan3A_2204 = %broadcast_in_dim3A_368, %scan3A_2205 = %broadcast_in_dim3A_370, %scan3A_2206 = %broadcast_in_dim3A_372) -> (vector<16xf32>, vector<16xf32>, vector<16xf32>, vector<16xf32>, vector<16xf32>, vector<16xf32>, vector<16xf32>, vector<16xf32>)  : i32 {
      %mul3A_2207 = arith.constant 32 : i32
      %mul3A_2208 = arith.muli %scan3A_2198, %mul3A_2207 : i32
      %add3A_2209 = arith.constant 0 : i32
      %add3A_2210 = arith.addi %mul3A_2208, %add3A_2209 : i32
      %get3A_2211 = arith.index_cast %add3A_2210 : i32 to index
      %get3A_2212 = tpu.vector_load %arg8[%get3A_2211] {strides = array<i32>} : memref<4096xf32, #tpu.memory_space<vmem>>, vector<16xf32>,
      %get3A_2213 = arith.index_cast %add3A_2210 : i32 to index
      %get3A_2214 = tpu.vector_load %arg9[%get3A_2213] {strides = array<i32>} : memref<4096xf32, #tpu.memory_space<vmem>>, vector<16xf32>,
      %get3A_2215 = arith.constant 0 : i32
      %get3A_2216 = arith.constant 0 : i32
      %get3A_2217 = arith.constant 0 : i32
      %get3A_2218 = tpu.memref_slice %arg11[%scan3A_373, %get3A_2216, %get3A_2217] : memref<2x4x4096xf32, #tpu.memory_space<vmem>> -> memref<1x4x4096xf32, #tpu.memory_space<vmem>>
      %get3A_2219 = tpu.memref_squeeze %get3A_2218 : memref<1x4x4096xf32, #tpu.memory_space<vmem>> -> memref<4x4096xf32, #tpu.memory_space<vmem>>
      %get3A_2220 = arith.index_cast %get3A_2215 : i32 to index
      %get3A_2221 = arith.index_cast %add3A_2210 : i32 to index
      %get3A_2222 = tpu.vector_load %get3A_2219[%get3A_2220, %get3A_2221] {strides = array<i32>} : memref<4x4096xf32, #tpu.memory_space<vmem>>, vector<16xf32>,
      %mul3A_2223 = arith.mulf %get3A_2222, %get3A_2212 : vector<16xf32>
      %add3A_2224 = arith.addf %scan3A_2199, %mul3A_2223 : vector<16xf32>
      %get3A_2225 = arith.constant 0 : i32
      %get3A_2226 = arith.constant 0 : i32
      %get3A_2227 = arith.constant 0 : i32
      %get3A_2228 = tpu.memref_slice %arg12[%scan3A_374, %get3A_2226, %get3A_2227] : memref<2x4x4096xf32, #tpu.memory_space<vmem>> -> memref<1x4x4096xf32, #tpu.memory_space<vmem>>
      %get3A_2229 = tpu.memref_squeeze %get3A_2228 : memref<1x4x4096xf32, #tpu.memory_space<vmem>> -> memref<4x4096xf32, #tpu.memory_space<vmem>>
      %get3A_2230 = arith.index_cast %get3A_2225 : i32 to index
      %get3A_2231 = arith.index_cast %add3A_2210 : i32 to index
      %get3A_2232 = tpu.vector_load %get3A_2229[%get3A_2230, %get3A_2231] {strides = array<i32>} : memref<4x4096xf32, #tpu.memory_space<vmem>>, vector<16xf32>,
      %mul3A_2233 = arith.mulf %get3A_2232, %get3A_2214 : vector<16xf32>
      %add3A_2234 = arith.addf %scan3A_2203, %mul3A_2233 : vector<16xf32>
      %get3A_2235 = arith.constant 1 : i32
      %get3A_2236 = arith.constant 0 : i32
      %get3A_2237 = arith.constant 0 : i32
      %get3A_2238 = tpu.memref_slice %arg11[%scan3A_373, %get3A_2236, %get3A_2237] : memref<2x4x4096xf32, #tpu.memory_space<vmem>> -> memref<1x4x4096xf32, #tpu.memory_space<vmem>>
      %get3A_2239 = tpu.memref_squeeze %get3A_2238 : memref<1x4x4096xf32, #tpu.memory_space<vmem>> -> memref<4x4096xf32, #tpu.memory_space<vmem>>
      %get3A_2240 = arith.index_cast %get3A_2235 : i32 to index
      %get3A_2241 = arith.index_cast %add3A_2210 : i32 to index
      %get3A_2242 = tpu.vector_load %get3A_2239[%get3A_2240, %get3A_2241] {strides = array<i32>} : memref<4x4096xf32, #tpu.memory_space<vmem>>, vector<16xf32>,
      %mul3A_2243 = arith.mulf %get3A_2242, %get3A_2212 : vector<16xf32>
      %add3A_2244 = arith.addf %scan3A_2200, %mul3A_2243 : vector<16xf32>
      %get3A_2245 = arith.constant 1 : i32
      %get3A_2246 = arith.constant 0 : i32
      %get3A_2247 = arith.constant 0 : i32
      %get3A_2248 = tpu.memref_slice %arg12[%scan3A_374, %get3A_2246, %get3A_2247] : memref<2x4x4096xf32, #tpu.memory_space<vmem>> -> memref<1x4x4096xf32, #tpu.memory_space<vmem>>
      %get3A_2249 = tpu.memref_squeeze %get3A_2248 : memref<1x4x4096xf32, #tpu.memory_space<vmem>> -> memref<4x4096xf32, #tpu.memory_space<vmem>>
      %get3A_2250 = arith.index_cast %get3A_2245 : i32 to index
      %get3A_2251 = arith.index_cast %add3A_2210 : i32 to index
      %get3A_2252 = tpu.vector_load %get3A_2249[%get3A_2250, %get3A_2251] {strides = array<i32>} : memref<4x4096xf32, #tpu.memory_space<vmem>>, vector<16xf32>,
      %mul3A_2253 = arith.mulf %get3A_2252, %get3A_2214 : vector<16xf32>
      %add3A_2254 = arith.addf %scan3A_2204, %mul3A_2253 : vector<16xf32>
      %get3A_2255 = arith.constant 2 : i32
      %get3A_2256 = arith.constant 0 : i32
      %get3A_2257 = arith.constant 0 : i32
      %get3A_2258 = tpu.memref_slice %arg11[%scan3A_373, %get3A_2256, %get3A_2257] : memref<2x4x4096xf32, #tpu.memory_space<vmem>> -> memref<1x4x4096xf32, #tpu.memory_space<vmem>>
      %get3A_2259 = tpu.memref_squeeze %get3A_2258 : memref<1x4x4096xf32, #tpu.memory_space<vmem>> -> memref<4x4096xf32, #tpu.memory_space<vmem>>
      %get3A_2260 = arith.index_cast %get3A_2255 : i32 to index
      %get3A_2261 = arith.index_cast %add3A_2210 : i32 to index
      %get3A_2262 = tpu.vector_load %get3A_2259[%get3A_2260, %get3A_2261] {strides = array<i32>} : memref<4x4096xf32, #tpu.memory_space<vmem>>, vector<16xf32>,
      %mul3A_2263 = arith.mulf %get3A_2262, %get3A_2212 : vector<16xf32>
      %add3A_2264 = arith.addf %scan3A_2201, %mul3A_2263 : vector<16xf32>
      %get3A_2265 = arith.constant 2 : i32
      %get3A_2266 = arith.constant 0 : i32
      %get3A_2267 = arith.constant 0 : i32
      %get3A_2268 = tpu.memref_slice %arg12[%scan3A_374, %get3A_2266, %get3A_2267] : memref<2x4x4096xf32, #tpu.memory_space<vmem>> -> memref<1x4x4096xf32, #tpu.memory_space<vmem>>
      %get3A_2269 = tpu.memref_squeeze %get3A_2268 : memref<1x4x4096xf32, #tpu.memory_space<vmem>> -> memref<4x4096xf32, #tpu.memory_space<vmem>>
      %get3A_2270 = arith.index_cast %get3A_2265 : i32 to index
      %get3A_2271 = arith.index_cast %add3A_2210 : i32 to index
      %get3A_2272 = tpu.vector_load %get3A_2269[%get3A_2270, %get3A_2271] {strides = array<i32>} : memref<4x4096xf32, #tpu.memory_space<vmem>>, vector<16xf32>,
      %mul3A_2273 = arith.mulf %get3A_2272, %get3A_2214 : vector<16xf32>
      %add3A_2274 = arith.addf %scan3A_2205, %mul3A_2273 : vector<16xf32>
      %get3A_2275 = arith.constant 3 : i32
      %get3A_2276 = arith.constant 0 : i32
      %get3A_2277 = arith.constant 0 : i32
      %get3A_2278 = tpu.memref_slice %arg11[%scan3A_373, %get3A_2276, %get3A_2277] : memref<2x4x4096xf32, #tpu.memory_space<vmem>> -> memref<1x4x4096xf32, #tpu.memory_space<vmem>>
      %get3A_2279 = tpu.memref_squeeze %get3A_2278 : memref<1x4x4096xf32, #tpu.memory_space<vmem>> -> memref<4x4096xf32, #tpu.memory_space<vmem>>
      %get3A_2280 = arith.index_cast %get3A_2275 : i32 to index
      %get3A_2281 = arith.index_cast %add3A_2210 : i32 to index
      %get3A_2282 = tpu.vector_load %get3A_2279[%get3A_2280, %get3A_2281] {strides = array<i32>} : memref<4x4096xf32, #tpu.memory_space<vmem>>, vector<16xf32>,
      %mul3A_2283 = arith.mulf %get3A_2282, %get3A_2212 : vector<16xf32>
      %add3A_2284 = arith.addf %scan3A_2202, %mul3A_2283 : vector<16xf32>
      %get3A_2285 = arith.constant 3 : i32
      %get3A_2286 = arith.constant 0 : i32
      %get3A_2287 = arith.constant 0 : i32
      %get3A_2288 = tpu.memref_slice %arg12[%scan3A_374, %get3A_2286, %get3A_2287] : memref<2x4x4096xf32, #tpu.memory_space<vmem>> -> memref<1x4x4096xf32, #tpu.memory_space<vmem>>
      %get3A_2289 = tpu.memref_squeeze %get3A_2288 : memref<1x4x4096xf32, #tpu.memory_space<vmem>> -> memref<4x4096xf32, #tpu.memory_space<vmem>>
      %get3A_2290 = arith.index_cast %get3A_2285 : i32 to index
      %get3A_2291 = arith.index_cast %add3A_2210 : i32 to index
      %get3A_2292 = tpu.vector_load %get3A_2289[%get3A_2290, %get3A_2291] {strides = array<i32>} : memref<4x4096xf32, #tpu.memory_space<vmem>>, vector<16xf32>,
      %mul3A_2293 = arith.mulf %get3A_2292, %get3A_2214 : vector<16xf32>
      %add3A_2294 = arith.addf %scan3A_2206, %mul3A_2293 : vector<16xf32>
      %add3A_2295 = arith.constant 16 : i32
      %add3A_2296 = arith.addi %mul3A_2208, %add3A_2295 : i32
      %get3A_2297 = arith.index_cast %add3A_2296 : i32 to index
      %get3A_2298 = tpu.vector_load %arg8[%get3A_2297] {strides = array<i32>} : memref<4096xf32, #tpu.memory_space<vmem>>, vector<16xf32>,
      %get3A_2299 = arith.index_cast %add3A_2296 : i32 to index
      %get3A_2300 = tpu.vector_load %arg9[%get3A_2299] {strides = array<i32>} : memref<4096xf32, #tpu.memory_space<vmem>>, vector<16xf32>,
      %get3A_2301 = arith.constant 0 : i32
      %get3A_2302 = arith.constant 0 : i32
      %get3A_2303 = arith.constant 0 : i32
      %get3A_2304 = tpu.memref_slice %arg11[%scan3A_373, %get3A_2302, %get3A_2303] : memref<2x4x4096xf32, #tpu.memory_space<vmem>> -> memref<1x4x4096xf32, #tpu.memory_space<vmem>>
      %get3A_2305 = tpu.memref_squeeze %get3A_2304 : memref<1x4x4096xf32, #tpu.memory_space<vmem>> -> memref<4x4096xf32, #tpu.memory_space<vmem>>
      %get3A_2306 = arith.index_cast %get3A_2301 : i32 to index
      %get3A_2307 = arith.index_cast %add3A_2296 : i32 to index
      %get3A_2308 = tpu.vector_load %get3A_2305[%get3A_2306, %get3A_2307] {strides = array<i32>} : memref<4x4096xf32, #tpu.memory_space<vmem>>, vector<16xf32>,
      %mul3A_2309 = arith.mulf %get3A_2308, %get3A_2298 : vector<16xf32>
      %add3A_2310 = arith.addf %add3A_2224, %mul3A_2309 : vector<16xf32>
      %get3A_2311 = arith.constant 0 : i32
      %get3A_2312 = arith.constant 0 : i32
      %get3A_2313 = arith.constant 0 : i32
      %get3A_2314 = tpu.memref_slice %arg12[%scan3A_374, %get3A_2312, %get3A_2313] : memref<2x4x4096xf32, #tpu.memory_space<vmem>> -> memref<1x4x4096xf32, #tpu.memory_space<vmem>>
      %get3A_2315 = tpu.memref_squeeze %get3A_2314 : memref<1x4x4096xf32, #tpu.memory_space<vmem>> -> memref<4x4096xf32, #tpu.memory_space<vmem>>
      %get3A_2316 = arith.index_cast %get3A_2311 : i32 to index
      %get3A_2317 = arith.index_cast %add3A_2296 : i32 to index
      %get3A_2318 = tpu.vector_load %get3A_2315[%get3A_2316, %get3A_2317] {strides = array<i32>} : memref<4x4096xf32, #tpu.memory_space<vmem>>, vector<16xf32>,
      %mul3A_2319 = arith.mulf %get3A_2318, %get3A_2300 : vector<16xf32>
      %add3A_2320 = arith.addf %add3A_2234, %mul3A_2319 : vector<16xf32>
      %get3A_2321 = arith.constant 1 : i32
      %get3A_2322 = arith.constant 0 : i32
      %get3A_2323 = arith.constant 0 : i32
      %get3A_2324 = tpu.memref_slice %arg11[%scan3A_373, %get3A_2322, %get3A_2323] : memref<2x4x4096xf32, #tpu.memory_space<vmem>> -> memref<1x4x4096xf32, #tpu.memory_space<vmem>>
      %get3A_2325 = tpu.memref_squeeze %get3A_2324 : memref<1x4x4096xf32, #tpu.memory_space<vmem>> -> memref<4x4096xf32, #tpu.memory_space<vmem>>
      %get3A_2326 = arith.index_cast %get3A_2321 : i32 to index
      %get3A_2327 = arith.index_cast %add3A_2296 : i32 to index
      %get3A_2328 = tpu.vector_load %get3A_2325[%get3A_2326, %get3A_2327] {strides = array<i32>} : memref<4x4096xf32, #tpu.memory_space<vmem>>, vector<16xf32>,
      %mul3A_2329 = arith.mulf %get3A_2328, %get3A_2298 : vector<16xf32>
      %add3A_2330 = arith.addf %add3A_2244, %mul3A_2329 : vector<16xf32>
      %get3A_2331 = arith.constant 1 : i32
      %get3A_2332 = arith.constant 0 : i32
      %get3A_2333 = arith.constant 0 : i32
      %get3A_2334 = tpu.memref_slice %arg12[%scan3A_374, %get3A_2332, %get3A_2333] : memref<2x4x4096xf32, #tpu.memory_space<vmem>> -> memref<1x4x4096xf32, #tpu.memory_space<vmem>>
      %get3A_2335 = tpu.memref_squeeze %get3A_2334 : memref<1x4x4096xf32, #tpu.memory_space<vmem>> -> memref<4x4096xf32, #tpu.memory_space<vmem>>
      %get3A_2336 = arith.index_cast %get3A_2331 : i32 to index
      %get3A_2337 = arith.index_cast %add3A_2296 : i32 to index
      %get3A_2338 = tpu.vector_load %get3A_2335[%get3A_2336, %get3A_2337] {strides = array<i32>} : memref<4x4096xf32, #tpu.memory_space<vmem>>, vector<16xf32>,
      %mul3A_2339 = arith.mulf %get3A_2338, %get3A_2300 : vector<16xf32>
      %add3A_2340 = arith.addf %add3A_2254, %mul3A_2339 : vector<16xf32>
      %get3A_2341 = arith.constant 2 : i32
      %get3A_2342 = arith.constant 0 : i32
      %get3A_2343 = arith.constant 0 : i32
      %get3A_2344 = tpu.memref_slice %arg11[%scan3A_373, %get3A_2342, %get3A_2343] : memref<2x4x4096xf32, #tpu.memory_space<vmem>> -> memref<1x4x4096xf32, #tpu.memory_space<vmem>>
      %get3A_2345 = tpu.memref_squeeze %get3A_2344 : memref<1x4x4096xf32, #tpu.memory_space<vmem>> -> memref<4x4096xf32, #tpu.memory_space<vmem>>
      %get3A_2346 = arith.index_cast %get3A_2341 : i32 to index
      %get3A_2347 = arith.index_cast %add3A_2296 : i32 to index
      %get3A_2348 = tpu.vector_load %get3A_2345[%get3A_2346, %get3A_2347] {strides = array<i32>} : memref<4x4096xf32, #tpu.memory_space<vmem>>, vector<16xf32>,
      %mul3A_2349 = arith.mulf %get3A_2348, %get3A_2298 : vector<16xf32>
      %add3A_2350 = arith.addf %add3A_2264, %mul3A_2349 : vector<16xf32>
      %get3A_2351 = arith.constant 2 : i32
      %get3A_2352 = arith.constant 0 : i32
      %get3A_2353 = arith.constant 0 : i32
      %get3A_2354 = tpu.memref_slice %arg12[%scan3A_374, %get3A_2352, %get3A_2353] : memref<2x4x4096xf32, #tpu.memory_space<vmem>> -> memref<1x4x4096xf32, #tpu.memory_space<vmem>>
      %get3A_2355 = tpu.memref_squeeze %get3A_2354 : memref<1x4x4096xf32, #tpu.memory_space<vmem>> -> memref<4x4096xf32, #tpu.memory_space<vmem>>
      %get3A_2356 = arith.index_cast %get3A_2351 : i32 to index
      %get3A_2357 = arith.index_cast %add3A_2296 : i32 to index
      %get3A_2358 = tpu.vector_load %get3A_2355[%get3A_2356, %get3A_2357] {strides = array<i32>} : memref<4x4096xf32, #tpu.memory_space<vmem>>, vector<16xf32>,
      %mul3A_2359 = arith.mulf %get3A_2358, %get3A_2300 : vector<16xf32>
      %add3A_2360 = arith.addf %add3A_2274, %mul3A_2359 : vector<16xf32>
      %get3A_2361 = arith.constant 3 : i32
      %get3A_2362 = arith.constant 0 : i32
      %get3A_2363 = arith.constant 0 : i32
      %get3A_2364 = tpu.memref_slice %arg11[%scan3A_373, %get3A_2362, %get3A_2363] : memref<2x4x4096xf32, #tpu.memory_space<vmem>> -> memref<1x4x4096xf32, #tpu.memory_space<vmem>>
      %get3A_2365 = tpu.memref_squeeze %get3A_2364 : memref<1x4x4096xf32, #tpu.memory_space<vmem>> -> memref<4x4096xf32, #tpu.memory_space<vmem>>
      %get3A_2366 = arith.index_cast %get3A_2361 : i32 to index
      %get3A_2367 = arith.index_cast %add3A_2296 : i32 to index
      %get3A_2368 = tpu.vector_load %get3A_2365[%get3A_2366, %get3A_2367] {strides = array<i32>} : memref<4x4096xf32, #tpu.memory_space<vmem>>, vector<16xf32>,
      %mul3A_2369 = arith.mulf %get3A_2368, %get3A_2298 : vector<16xf32>
      %add3A_2370 = arith.addf %add3A_2284, %mul3A_2369 : vector<16xf32>
      %get3A_2371 = arith.constant 3 : i32
      %get3A_2372 = arith.constant 0 : i32
      %get3A_2373 = arith.constant 0 : i32
      %get3A_2374 = tpu.memref_slice %arg12[%scan3A_374, %get3A_2372, %get3A_2373] : memref<2x4x4096xf32, #tpu.memory_space<vmem>> -> memref<1x4x4096xf32, #tpu.memory_space<vmem>>
      %get3A_2375 = tpu.memref_squeeze %get3A_2374 : memref<1x4x4096xf32, #tpu.memory_space<vmem>> -> memref<4x4096xf32, #tpu.memory_space<vmem>>
      %get3A_2376 = arith.index_cast %get3A_2371 : i32 to index
      %get3A_2377 = arith.index_cast %add3A_2296 : i32 to index
      %get3A_2378 = tpu.vector_load %get3A_2375[%get3A_2376, %get3A_2377] {strides = array<i32>} : memref<4x4096xf32, #tpu.memory_space<vmem>>, vector<16xf32>,
      %mul3A_2379 = arith.mulf %get3A_2378, %get3A_2300 : vector<16xf32>
      %add3A_2380 = arith.addf %add3A_2294, %mul3A_2379 : vector<16xf32>
      scf.yield %add3A_2310, %add3A_2330, %add3A_2350, %add3A_2370, %add3A_2320, %add3A_2340, %add3A_2360, %add3A_2380 : vector<16xf32>, vector<16xf32>, vector<16xf32>, vector<16xf32>, vector<16xf32>, vector<16xf32>, vector<16xf32>, vector<16xf32>
    }
    %scan3A_380 = arith.constant 128 : i32
    %slice3A_381 = vector.extract_strided_slice %get3A_33 {offsets = [4], sizes = [1], strides = [1]} : vector<16xf32> to vector<1xf32>
    %squeeze3A_382 = vector.extract %slice3A_381[0] : f32 from vector<1xf32>
    %add3A_383 = arith.addf %scan3A_379#0, %scan3A_379#4 : vector<16xf32>
    %iota3A_384 = tpu.iota {dimensions = array<i32: 0>} : vector<16xi32>
    %swap3A_385 = arith.constant 0 : index
    %swap3A_386 = tpu.vector_load %arg14[%swap3A_385] {strides = array<i32>} : memref<16xf32, #tpu.memory_space<vmem>>, vector<16xf32>,
    tpu.vector_store %arg14[%swap3A_385], %add3A_383 {strides = array<i32>} : memref<16xf32, #tpu.memory_space<vmem>>, vector<16xf32>,
    %add3A_387 = arith.constant 8 : i32
    %add3A_388 = vector.broadcast %add3A_387 : i32 to vector<16xi32>
    %add3A_389 = arith.addi %iota3A_384, %add3A_388 : vector<16xi32>
    %and3A_390 = arith.constant 15 : i32
    %and3A_391 = vector.broadcast %and3A_390 : i32 to vector<16xi32>
    %and3A_392 = arith.andi %add3A_389, %and3A_391 : vector<16xi32>
    %gather3A_393 = tpu.vector_load_idx %arg14[%and3A_392] : memref<16xf32, #tpu.memory_space<vmem>>[vector<16xi32>], vector<16xf32>,
    %add3A_394 = arith.addf %add3A_383, %gather3A_393 : vector<16xf32>
    %swap3A_395 = arith.constant 0 : index
    %swap3A_396 = tpu.vector_load %arg14[%swap3A_395] {strides = array<i32>} : memref<16xf32, #tpu.memory_space<vmem>>, vector<16xf32>,
    tpu.vector_store %arg14[%swap3A_395], %add3A_394 {strides = array<i32>} : memref<16xf32, #tpu.memory_space<vmem>>, vector<16xf32>,
    %add3A_397 = arith.constant 4 : i32
    %add3A_398 = vector.broadcast %add3A_397 : i32 to vector<16xi32>
    %add3A_399 = arith.addi %iota3A_384, %add3A_398 : vector<16xi32>
    %and3A_400 = arith.constant 15 : i32
    %and3A_401 = vector.broadcast %and3A_400 : i32 to vector<16xi32>
    %and3A_402 = arith.andi %add3A_399, %and3A_401 : vector<16xi32>
    %gather3A_403 = tpu.vector_load_idx %arg14[%and3A_402] : memref<16xf32, #tpu.memory_space<vmem>>[vector<16xi32>], vector<16xf32>,
    %add3A_404 = arith.addf %add3A_394, %gather3A_403 : vector<16xf32>
    %swap3A_405 = arith.constant 0 : index
    %swap3A_406 = tpu.vector_load %arg14[%swap3A_405] {strides = array<i32>} : memref<16xf32, #tpu.memory_space<vmem>>, vector<16xf32>,
    tpu.vector_store %arg14[%swap3A_405], %add3A_404 {strides = array<i32>} : memref<16xf32, #tpu.memory_space<vmem>>, vector<16xf32>,
    %add3A_407 = arith.constant 2 : i32
    %add3A_408 = vector.broadcast %add3A_407 : i32 to vector<16xi32>
    %add3A_409 = arith.addi %iota3A_384, %add3A_408 : vector<16xi32>
    %and3A_410 = arith.constant 15 : i32
    %and3A_411 = vector.broadcast %and3A_410 : i32 to vector<16xi32>
    %and3A_412 = arith.andi %add3A_409, %and3A_411 : vector<16xi32>
    %gather3A_413 = tpu.vector_load_idx %arg14[%and3A_412] : memref<16xf32, #tpu.memory_space<vmem>>[vector<16xi32>], vector<16xf32>,
    %add3A_414 = arith.addf %add3A_404, %gather3A_413 : vector<16xf32>
    %swap3A_415 = arith.constant 0 : index
    %swap3A_416 = tpu.vector_load %arg14[%swap3A_415] {strides = array<i32>} : memref<16xf32, #tpu.memory_space<vmem>>, vector<16xf32>,
    tpu.vector_store %arg14[%swap3A_415], %add3A_414 {strides = array<i32>} : memref<16xf32, #tpu.memory_space<vmem>>, vector<16xf32>,
    %add3A_417 = arith.constant 1 : i32
    %add3A_418 = vector.broadcast %add3A_417 : i32 to vector<16xi32>
    %add3A_419 = arith.addi %iota3A_384, %add3A_418 : vector<16xi32>
    %and3A_420 = arith.constant 15 : i32
    %and3A_421 = vector.broadcast %and3A_420 : i32 to vector<16xi32>
    %and3A_422 = arith.andi %add3A_419, %and3A_421 : vector<16xi32>
    %gather3A_423 = tpu.vector_load_idx %arg14[%and3A_422] : memref<16xf32, #tpu.memory_space<vmem>>[vector<16xi32>], vector<16xf32>,
    %add3A_424 = arith.addf %add3A_414, %gather3A_423 : vector<16xf32>
    %slice3A_425 = vector.extract_strided_slice %add3A_424 {offsets = [0], sizes = [1], strides = [1]} : vector<16xf32> to vector<1xf32>
    %squeeze3A_426 = vector.extract %slice3A_425[0] : f32 from vector<1xf32>
    %add3A_427 = arith.addf %squeeze3A_426, %squeeze3A_382 : f32
    %mul3A_428 = arith.mulf %add3A_427, %add3A_427 : f32
    %add3A_429 = arith.addf %add3A_302, %mul3A_428 : f32
    %slice3A_430 = vector.extract_strided_slice %get3A_33 {offsets = [5], sizes = [1], strides = [1]} : vector<16xf32> to vector<1xf32>
    %squeeze3A_431 = vector.extract %slice3A_430[0] : f32 from vector<1xf32>
    %add3A_432 = arith.addf %scan3A_379#1, %scan3A_379#5 : vector<16xf32>
    %iota3A_433 = tpu.iota {dimensions = array<i32: 0>} : vector<16xi32>
    %swap3A_434 = arith.constant 0 : index
    %swap3A_435 = tpu.vector_load %arg14[%swap3A_434] {strides = array<i32>} : memref<16xf32, #tpu.memory_space<vmem>>, vector<16xf32>,
    tpu.vector_store %arg14[%swap3A_434], %add3A_432 {strides = array<i32>} : memref<16xf32, #tpu.memory_space<vmem>>, vector<16xf32>,
    %add3A_436 = arith.constant 8 : i32
    %add3A_437 = vector.broadcast %add3A_436 : i32 to vector<16xi32>
    %add3A_438 = arith.addi %iota3A_433, %add3A_437 : vector<16xi32>
    %and3A_439 = arith.constant 15 : i32
    %and3A_440 = vector.broadcast %and3A_439 : i32 to vector<16xi32>
    %and3A_441 = arith.andi %add3A_438, %and3A_440 : vector<16xi32>
    %gather3A_442 = tpu.vector_load_idx %arg14[%and3A_441] : memref<16xf32, #tpu.memory_space<vmem>>[vector<16xi32>], vector<16xf32>,
    %add3A_443 = arith.addf %add3A_432, %gather3A_442 : vector<16xf32>
    %swap3A_444 = arith.constant 0 : index
    %swap3A_445 = tpu.vector_load %arg14[%swap3A_444] {strides = array<i32>} : memref<16xf32, #tpu.memory_space<vmem>>, vector<16xf32>,
    tpu.vector_store %arg14[%swap3A_444], %add3A_443 {strides = array<i32>} : memref<16xf32, #tpu.memory_space<vmem>>, vector<16xf32>,
    %add3A_446 = arith.constant 4 : i32
    %add3A_447 = vector.broadcast %add3A_446 : i32 to vector<16xi32>
    %add3A_448 = arith.addi %iota3A_433, %add3A_447 : vector<16xi32>
    %and3A_449 = arith.constant 15 : i32
    %and3A_450 = vector.broadcast %and3A_449 : i32 to vector<16xi32>
    %and3A_451 = arith.andi %add3A_448, %and3A_450 : vector<16xi32>
    %gather3A_452 = tpu.vector_load_idx %arg14[%and3A_451] : memref<16xf32, #tpu.memory_space<vmem>>[vector<16xi32>], vector<16xf32>,
    %add3A_453 = arith.addf %add3A_443, %gather3A_452 : vector<16xf32>
    %swap3A_454 = arith.constant 0 : index
    %swap3A_455 = tpu.vector_load %arg14[%swap3A_454] {strides = array<i32>} : memref<16xf32, #tpu.memory_space<vmem>>, vector<16xf32>,
    tpu.vector_store %arg14[%swap3A_454], %add3A_453 {strides = array<i32>} : memref<16xf32, #tpu.memory_space<vmem>>, vector<16xf32>,
    %add3A_456 = arith.constant 2 : i32
    %add3A_457 = vector.broadcast %add3A_456 : i32 to vector<16xi32>
    %add3A_458 = arith.addi %iota3A_433, %add3A_457 : vector<16xi32>
    %and3A_459 = arith.constant 15 : i32
    %and3A_460 = vector.broadcast %and3A_459 : i32 to vector<16xi32>
    %and3A_461 = arith.andi %add3A_458, %and3A_460 : vector<16xi32>
    %gather3A_462 = tpu.vector_load_idx %arg14[%and3A_461] : memref<16xf32, #tpu.memory_space<vmem>>[vector<16xi32>], vector<16xf32>,
    %add3A_463 = arith.addf %add3A_453, %gather3A_462 : vector<16xf32>
    %swap3A_464 = arith.constant 0 : index
    %swap3A_465 = tpu.vector_load %arg14[%swap3A_464] {strides = array<i32>} : memref<16xf32, #tpu.memory_space<vmem>>, vector<16xf32>,
    tpu.vector_store %arg14[%swap3A_464], %add3A_463 {strides = array<i32>} : memref<16xf32, #tpu.memory_space<vmem>>, vector<16xf32>,
    %add3A_466 = arith.constant 1 : i32
    %add3A_467 = vector.broadcast %add3A_466 : i32 to vector<16xi32>
    %add3A_468 = arith.addi %iota3A_433, %add3A_467 : vector<16xi32>
    %and3A_469 = arith.constant 15 : i32
    %and3A_470 = vector.broadcast %and3A_469 : i32 to vector<16xi32>
    %and3A_471 = arith.andi %add3A_468, %and3A_470 : vector<16xi32>
    %gather3A_472 = tpu.vector_load_idx %arg14[%and3A_471] : memref<16xf32, #tpu.memory_space<vmem>>[vector<16xi32>], vector<16xf32>,
    %add3A_473 = arith.addf %add3A_463, %gather3A_472 : vector<16xf32>
    %slice3A_474 = vector.extract_strided_slice %add3A_473 {offsets = [0], sizes = [1], strides = [1]} : vector<16xf32> to vector<1xf32>
    %squeeze3A_475 = vector.extract %slice3A_474[0] : f32 from vector<1xf32>
    %add3A_476 = arith.addf %squeeze3A_475, %squeeze3A_431 : f32
    %mul3A_477 = arith.mulf %add3A_476, %add3A_476 : f32
    %add3A_478 = arith.addf %add3A_429, %mul3A_477 : f32
    %slice3A_479 = vector.extract_strided_slice %get3A_33 {offsets = [6], sizes = [1], strides = [1]} : vector<16xf32> to vector<1xf32>
    %squeeze3A_480 = vector.extract %slice3A_479[0] : f32 from vector<1xf32>
    %add3A_481 = arith.addf %scan3A_379#2, %scan3A_379#6 : vector<16xf32>
    %iota3A_482 = tpu.iota {dimensions = array<i32: 0>} : vector<16xi32>
    %swap3A_483 = arith.constant 0 : index
    %swap3A_484 = tpu.vector_load %arg14[%swap3A_483] {strides = array<i32>} : memref<16xf32, #tpu.memory_space<vmem>>, vector<16xf32>,
    tpu.vector_store %arg14[%swap3A_483], %add3A_481 {strides = array<i32>} : memref<16xf32, #tpu.memory_space<vmem>>, vector<16xf32>,
    %add3A_485 = arith.constant 8 : i32
    %add3A_486 = vector.broadcast %add3A_485 : i32 to vector<16xi32>
    %add3A_487 = arith.addi %iota3A_482, %add3A_486 : vector<16xi32>
    %and3A_488 = arith.constant 15 : i32
    %and3A_489 = vector.broadcast %and3A_488 : i32 to vector<16xi32>
    %and3A_490 = arith.andi %add3A_487, %and3A_489 : vector<16xi32>
    %gather3A_491 = tpu.vector_load_idx %arg14[%and3A_490] : memref<16xf32, #tpu.memory_space<vmem>>[vector<16xi32>], vector<16xf32>,
    %add3A_492 = arith.addf %add3A_481, %gather3A_491 : vector<16xf32>
    %swap3A_493 = arith.constant 0 : index
    %swap3A_494 = tpu.vector_load %arg14[%swap3A_493] {strides = array<i32>} : memref<16xf32, #tpu.memory_space<vmem>>, vector<16xf32>,
    tpu.vector_store %arg14[%swap3A_493], %add3A_492 {strides = array<i32>} : memref<16xf32, #tpu.memory_space<vmem>>, vector<16xf32>,
    %add3A_495 = arith.constant 4 : i32
    %add3A_496 = vector.broadcast %add3A_495 : i32 to vector<16xi32>
    %add3A_497 = arith.addi %iota3A_482, %add3A_496 : vector<16xi32>
    %and3A_498 = arith.constant 15 : i32
    %and3A_499 = vector.broadcast %and3A_498 : i32 to vector<16xi32>
    %and3A_500 = arith.andi %add3A_497, %and3A_499 : vector<16xi32>
    %gather3A_501 = tpu.vector_load_idx %arg14[%and3A_500] : memref<16xf32, #tpu.memory_space<vmem>>[vector<16xi32>], vector<16xf32>,
    %add3A_502 = arith.addf %add3A_492, %gather3A_501 : vector<16xf32>
    %swap3A_503 = arith.constant 0 : index
    %swap3A_504 = tpu.vector_load %arg14[%swap3A_503] {strides = array<i32>} : memref<16xf32, #tpu.memory_space<vmem>>, vector<16xf32>,
    tpu.vector_store %arg14[%swap3A_503], %add3A_502 {strides = array<i32>} : memref<16xf32, #tpu.memory_space<vmem>>, vector<16xf32>,
    %add3A_505 = arith.constant 2 : i32
    %add3A_506 = vector.broadcast %add3A_505 : i32 to vector<16xi32>
    %add3A_507 = arith.addi %iota3A_482, %add3A_506 : vector<16xi32>
    %and3A_508 = arith.constant 15 : i32
    %and3A_509 = vector.broadcast %and3A_508 : i32 to vector<16xi32>
    %and3A_510 = arith.andi %add3A_507, %and3A_509 : vector<16xi32>
    %gather3A_511 = tpu.vector_load_idx %arg14[%and3A_510] : memref<16xf32, #tpu.memory_space<vmem>>[vector<16xi32>], vector<16xf32>,
    %add3A_512 = arith.addf %add3A_502, %gather3A_511 : vector<16xf32>
    %swap3A_513 = arith.constant 0 : index
    %swap3A_514 = tpu.vector_load %arg14[%swap3A_513] {strides = array<i32>} : memref<16xf32, #tpu.memory_space<vmem>>, vector<16xf32>,
    tpu.vector_store %arg14[%swap3A_513], %add3A_512 {strides = array<i32>} : memref<16xf32, #tpu.memory_space<vmem>>, vector<16xf32>,
    %add3A_515 = arith.constant 1 : i32
    %add3A_516 = vector.broadcast %add3A_515 : i32 to vector<16xi32>
    %add3A_517 = arith.addi %iota3A_482, %add3A_516 : vector<16xi32>
    %and3A_518 = arith.constant 15 : i32
    %and3A_519 = vector.broadcast %and3A_518 : i32 to vector<16xi32>
    %and3A_520 = arith.andi %add3A_517, %and3A_519 : vector<16xi32>
    %gather3A_521 = tpu.vector_load_idx %arg14[%and3A_520] : memref<16xf32, #tpu.memory_space<vmem>>[vector<16xi32>], vector<16xf32>,
    %add3A_522 = arith.addf %add3A_512, %gather3A_521 : vector<16xf32>
    %slice3A_523 = vector.extract_strided_slice %add3A_522 {offsets = [0], sizes = [1], strides = [1]} : vector<16xf32> to vector<1xf32>
    %squeeze3A_524 = vector.extract %slice3A_523[0] : f32 from vector<1xf32>
    %add3A_525 = arith.addf %squeeze3A_524, %squeeze3A_480 : f32
    %mul3A_526 = arith.mulf %add3A_525, %add3A_525 : f32
    %add3A_527 = arith.addf %add3A_478, %mul3A_526 : f32
    %slice3A_528 = vector.extract_strided_slice %get3A_33 {offsets = [7], sizes = [1], strides = [1]} : vector<16xf32> to vector<1xf32>
    %squeeze3A_529 = vector.extract %slice3A_528[0] : f32 from vector<1xf32>
    %add3A_530 = arith.addf %scan3A_379#3, %scan3A_379#7 : vector<16xf32>
    %iota3A_531 = tpu.iota {dimensions = array<i32: 0>} : vector<16xi32>
    %swap3A_532 = arith.constant 0 : index
    %swap3A_533 = tpu.vector_load %arg14[%swap3A_532] {strides = array<i32>} : memref<16xf32, #tpu.memory_space<vmem>>, vector<16xf32>,
    tpu.vector_store %arg14[%swap3A_532], %add3A_530 {strides = array<i32>} : memref<16xf32, #tpu.memory_space<vmem>>, vector<16xf32>,
    %add3A_534 = arith.constant 8 : i32
    %add3A_535 = vector.broadcast %add3A_534 : i32 to vector<16xi32>
    %add3A_536 = arith.addi %iota3A_531, %add3A_535 : vector<16xi32>
    %and3A_537 = arith.constant 15 : i32
    %and3A_538 = vector.broadcast %and3A_537 : i32 to vector<16xi32>
    %and3A_539 = arith.andi %add3A_536, %and3A_538 : vector<16xi32>
    %gather3A_540 = tpu.vector_load_idx %arg14[%and3A_539] : memref<16xf32, #tpu.memory_space<vmem>>[vector<16xi32>], vector<16xf32>,
    %add3A_541 = arith.addf %add3A_530, %gather3A_540 : vector<16xf32>
    %swap3A_542 = arith.constant 0 : index
    %swap3A_543 = tpu.vector_load %arg14[%swap3A_542] {strides = array<i32>} : memref<16xf32, #tpu.memory_space<vmem>>, vector<16xf32>,
    tpu.vector_store %arg14[%swap3A_542], %add3A_541 {strides = array<i32>} : memref<16xf32, #tpu.memory_space<vmem>>, vector<16xf32>,
    %add3A_544 = arith.constant 4 : i32
    %add3A_545 = vector.broadcast %add3A_544 : i32 to vector<16xi32>
    %add3A_546 = arith.addi %iota3A_531, %add3A_545 : vector<16xi32>
    %and3A_547 = arith.constant 15 : i32
    %and3A_548 = vector.broadcast %and3A_547 : i32 to vector<16xi32>
    %and3A_549 = arith.andi %add3A_546, %and3A_548 : vector<16xi32>
    %gather3A_550 = tpu.vector_load_idx %arg14[%and3A_549] : memref<16xf32, #tpu.memory_space<vmem>>[vector<16xi32>], vector<16xf32>,
    %add3A_551 = arith.addf %add3A_541, %gather3A_550 : vector<16xf32>
    %swap3A_552 = arith.constant 0 : index
    %swap3A_553 = tpu.vector_load %arg14[%swap3A_552] {strides = array<i32>} : memref<16xf32, #tpu.memory_space<vmem>>, vector<16xf32>,
    tpu.vector_store %arg14[%swap3A_552], %add3A_551 {strides = array<i32>} : memref<16xf32, #tpu.memory_space<vmem>>, vector<16xf32>,
    %add3A_554 = arith.constant 2 : i32
    %add3A_555 = vector.broadcast %add3A_554 : i32 to vector<16xi32>
    %add3A_556 = arith.addi %iota3A_531, %add3A_555 : vector<16xi32>
    %and3A_557 = arith.constant 15 : i32
    %and3A_558 = vector.broadcast %and3A_557 : i32 to vector<16xi32>
    %and3A_559 = arith.andi %add3A_556, %and3A_558 : vector<16xi32>
    %gather3A_560 = tpu.vector_load_idx %arg14[%and3A_559] : memref<16xf32, #tpu.memory_space<vmem>>[vector<16xi32>], vector<16xf32>,
    %add3A_561 = arith.addf %add3A_551, %gather3A_560 : vector<16xf32>
    %swap3A_562 = arith.constant 0 : index
    %swap3A_563 = tpu.vector_load %arg14[%swap3A_562] {strides = array<i32>} : memref<16xf32, #tpu.memory_space<vmem>>, vector<16xf32>,
    tpu.vector_store %arg14[%swap3A_562], %add3A_561 {strides = array<i32>} : memref<16xf32, #tpu.memory_space<vmem>>, vector<16xf32>,
    %add3A_564 = arith.constant 1 : i32
    %add3A_565 = vector.broadcast %add3A_564 : i32 to vector<16xi32>
    %add3A_566 = arith.addi %iota3A_531, %add3A_565 : vector<16xi32>
    %and3A_567 = arith.constant 15 : i32
    %and3A_568 = vector.broadcast %and3A_567 : i32 to vector<16xi32>
    %and3A_569 = arith.andi %add3A_566, %and3A_568 : vector<16xi32>
    %gather3A_570 = tpu.vector_load_idx %arg14[%and3A_569] : memref<16xf32, #tpu.memory_space<vmem>>[vector<16xi32>], vector<16xf32>,
    %add3A_571 = arith.addf %add3A_561, %gather3A_570 : vector<16xf32>
    %slice3A_572 = vector.extract_strided_slice %add3A_571 {offsets = [0], sizes = [1], strides = [1]} : vector<16xf32> to vector<1xf32>
    %squeeze3A_573 = vector.extract %slice3A_572[0] : f32 from vector<1xf32>
    %add3A_574 = arith.addf %squeeze3A_573, %squeeze3A_529 : f32
    %mul3A_575 = arith.mulf %add3A_574, %add3A_574 : f32
    %add3A_576 = arith.addf %add3A_527, %mul3A_575 : f32
    %add3A_577 = arith.constant 12 : i32
    %add3A_578 = arith.addi %mul3A_2, %add3A_577 : i32
    %dma_start3A_579 = arith.constant 1 : i32
    %dma_start3A_580 = arith.constant 0 : i32
    %dma_start3A_581 = arith.constant 0 : i32
    %dma_start3A_582 = tpu.memref_slice %arg11[%dma_start3A_579, %dma_start3A_580, %dma_start3A_581] : memref<2x4x4096xf32, #tpu.memory_space<vmem>> -> memref<1x4x4096xf32, #tpu.memory_space<vmem>>
    %dma_start3A_583 = tpu.memref_squeeze %dma_start3A_582 : memref<1x4x4096xf32, #tpu.memory_space<vmem>> -> memref<4x4096xf32, #tpu.memory_space<vmem>>
    %dma_start3A_584 = arith.constant 0 : i32
    %dma_start3A_585 = tpu.memref_slice %arg2[%add3A_578, %dma_start3A_584] : memref<4096x4096xf32, #tpu.memory_space<hbm>> -> memref<4x4096xf32, #tpu.memory_space<hbm>>
    %dma_start3A_586 = arith.constant 0 : i32
    %dma_start3A_587 = arith.constant 0 : i32
    %dma_start3A_588 = tpu.memref_slice %arg11[%dma_start3A_579, %dma_start3A_586, %dma_start3A_587] : memref<2x4x4096xf32, #tpu.memory_space<vmem>> -> memref<1x4x4096xf32, #tpu.memory_space<vmem>>
    %dma_start3A_589 = tpu.memref_squeeze %dma_start3A_588 : memref<1x4x4096xf32, #tpu.memory_space<vmem>> -> memref<4x4096xf32, #tpu.memory_space<vmem>>
    %dma_start3A_590 = arith.constant 0 : i32
    %dma_start3A_591 = tpu.memref_slice %arg2[%add3A_578, %dma_start3A_590] : memref<4096x4096xf32, #tpu.memory_space<hbm>> -> memref<4x4096xf32, #tpu.memory_space<hbm>>
    tpu.enqueue_dma source(%dma_start3A_591 : memref<4x4096xf32, #tpu.memory_space<hbm>>) target(%dma_start3A_589 : memref<4x4096xf32, #tpu.memory_space<vmem>>) target_semaphore(%arg19 : memref<!tpu.dma_semaphore, #tpu.memory_space<semaphore_mem>>)
    %dma_start3A_592 = arith.constant 1 : i32
    %dma_start3A_593 = arith.constant 0 : i32
    %dma_start3A_594 = arith.constant 0 : i32
    %dma_start3A_595 = tpu.memref_slice %arg12[%dma_start3A_592, %dma_start3A_593, %dma_start3A_594] : memref<2x4x4096xf32, #tpu.memory_space<vmem>> -> memref<1x4x4096xf32, #tpu.memory_space<vmem>>
    %dma_start3A_596 = tpu.memref_squeeze %dma_start3A_595 : memref<1x4x4096xf32, #tpu.memory_space<vmem>> -> memref<4x4096xf32, #tpu.memory_space<vmem>>
    %dma_start3A_597 = arith.constant 0 : i32
    %dma_start3A_598 = tpu.memref_slice %arg3[%add3A_578, %dma_start3A_597] : memref<4096x4096xf32, #tpu.memory_space<hbm>> -> memref<4x4096xf32, #tpu.memory_space<hbm>>
    %dma_start3A_599 = arith.constant 0 : i32
    %dma_start3A_600 = arith.constant 0 : i32
    %dma_start3A_601 = tpu.memref_slice %arg12[%dma_start3A_592, %dma_start3A_599, %dma_start3A_600] : memref<2x4x4096xf32, #tpu.memory_space<vmem>> -> memref<1x4x4096xf32, #tpu.memory_space<vmem>>
    %dma_start3A_602 = tpu.memref_squeeze %dma_start3A_601 : memref<1x4x4096xf32, #tpu.memory_space<vmem>> -> memref<4x4096xf32, #tpu.memory_space<vmem>>
    %dma_start3A_603 = arith.constant 0 : i32
    %dma_start3A_604 = tpu.memref_slice %arg3[%add3A_578, %dma_start3A_603] : memref<4096x4096xf32, #tpu.memory_space<hbm>> -> memref<4x4096xf32, #tpu.memory_space<hbm>>
    tpu.enqueue_dma source(%dma_start3A_604 : memref<4x4096xf32, #tpu.memory_space<hbm>>) target(%dma_start3A_602 : memref<4x4096xf32, #tpu.memory_space<vmem>>) target_semaphore(%arg21 : memref<!tpu.dma_semaphore, #tpu.memory_space<semaphore_mem>>)
    %dma_wait3A_605 = arith.constant 0 : i32
    %dma_wait3A_606 = arith.constant 0 : i32
    %dma_wait3A_607 = arith.constant 0 : i32
    %dma_wait3A_608 = tpu.memref_slice %arg11[%dma_wait3A_605, %dma_wait3A_606, %dma_wait3A_607] : memref<2x4x4096xf32, #tpu.memory_space<vmem>> -> memref<1x4x4096xf32, #tpu.memory_space<vmem>>
    %dma_wait3A_609 = tpu.memref_squeeze %dma_wait3A_608 : memref<1x4x4096xf32, #tpu.memory_space<vmem>> -> memref<4x4096xf32, #tpu.memory_space<vmem>>
    %dma_wait3A_610 = arith.constant 0 : i32
    %dma_wait3A_611 = tpu.memref_slice %arg2[%add3A_304, %dma_wait3A_610] : memref<4096x4096xf32, #tpu.memory_space<hbm>> -> memref<4x4096xf32, #tpu.memory_space<hbm>>
    %dma_wait3A_612 = arith.constant 0 : i32
    %dma_wait3A_613 = arith.constant 0 : i32
    %dma_wait3A_614 = tpu.memref_slice %arg11[%dma_wait3A_605, %dma_wait3A_612, %dma_wait3A_613] : memref<2x4x4096xf32, #tpu.memory_space<vmem>> -> memref<1x4x4096xf32, #tpu.memory_space<vmem>>
    %dma_wait3A_615 = tpu.memref_squeeze %dma_wait3A_614 : memref<1x4x4096xf32, #tpu.memory_space<vmem>> -> memref<4x4096xf32, #tpu.memory_space<vmem>>
    %dma_wait3A_616 = arith.constant 0 : i32
    %dma_wait3A_617 = tpu.memref_slice %arg2[%add3A_304, %dma_wait3A_616] : memref<4096x4096xf32, #tpu.memory_space<hbm>> -> memref<4x4096xf32, #tpu.memory_space<hbm>>
    tpu.wait_dma2 semaphore(%arg18 : memref<!tpu.dma_semaphore, #tpu.memory_space<semaphore_mem>>) src(%dma_wait3A_617 : memref<4x4096xf32, #tpu.memory_space<hbm>>) dst(%dma_wait3A_615 : memref<4x4096xf32, #tpu.memory_space<vmem>>)
    %dma_wait3A_618 = arith.constant 0 : i32
    %dma_wait3A_619 = arith.constant 0 : i32
    %dma_wait3A_620 = arith.constant 0 : i32
    %dma_wait3A_621 = tpu.memref_slice %arg12[%dma_wait3A_618, %dma_wait3A_619, %dma_wait3A_620] : memref<2x4x4096xf32, #tpu.memory_space<vmem>> -> memref<1x4x4096xf32, #tpu.memory_space<vmem>>
    %dma_wait3A_622 = tpu.memref_squeeze %dma_wait3A_621 : memref<1x4x4096xf32, #tpu.memory_space<vmem>> -> memref<4x4096xf32, #tpu.memory_space<vmem>>
    %dma_wait3A_623 = arith.constant 0 : i32
    %dma_wait3A_624 = tpu.memref_slice %arg3[%add3A_304, %dma_wait3A_623] : memref<4096x4096xf32, #tpu.memory_space<hbm>> -> memref<4x4096xf32, #tpu.memory_space<hbm>>
    %dma_wait3A_625 = arith.constant 0 : i32
    %dma_wait3A_626 = arith.constant 0 : i32
    %dma_wait3A_627 = tpu.memref_slice %arg12[%dma_wait3A_618, %dma_wait3A_625, %dma_wait3A_626] : memref<2x4x4096xf32, #tpu.memory_space<vmem>> -> memref<1x4x4096xf32, #tpu.memory_space<vmem>>
    %dma_wait3A_628 = tpu.memref_squeeze %dma_wait3A_627 : memref<1x4x4096xf32, #tpu.memory_space<vmem>> -> memref<4x4096xf32, #tpu.memory_space<vmem>>
    %dma_wait3A_629 = arith.constant 0 : i32
    %dma_wait3A_630 = tpu.memref_slice %arg3[%add3A_304, %dma_wait3A_629] : memref<4096x4096xf32, #tpu.memory_space<hbm>> -> memref<4x4096xf32, #tpu.memory_space<hbm>>
    tpu.wait_dma2 semaphore(%arg20 : memref<!tpu.dma_semaphore, #tpu.memory_space<semaphore_mem>>) src(%dma_wait3A_630 : memref<4x4096xf32, #tpu.memory_space<hbm>>) dst(%dma_wait3A_628 : memref<4x4096xf32, #tpu.memory_space<vmem>>)
    %broadcast_in_dim3A_631 = arith.constant 0.000000e+00 : f32
    %broadcast_in_dim3A_632 = vector.broadcast %broadcast_in_dim3A_631 : f32 to vector<16xf32>
    %broadcast_in_dim3A_633 = arith.constant 0.000000e+00 : f32
    %broadcast_in_dim3A_634 = vector.broadcast %broadcast_in_dim3A_633 : f32 to vector<16xf32>
    %broadcast_in_dim3A_635 = arith.constant 0.000000e+00 : f32
    %broadcast_in_dim3A_636 = vector.broadcast %broadcast_in_dim3A_635 : f32 to vector<16xf32>
    %broadcast_in_dim3A_637 = arith.constant 0.000000e+00 : f32
    %broadcast_in_dim3A_638 = vector.broadcast %broadcast_in_dim3A_637 : f32 to vector<16xf32>
    %broadcast_in_dim3A_639 = arith.constant 0.000000e+00 : f32
    %broadcast_in_dim3A_640 = vector.broadcast %broadcast_in_dim3A_639 : f32 to vector<16xf32>
    %broadcast_in_dim3A_641 = arith.constant 0.000000e+00 : f32
    %broadcast_in_dim3A_642 = vector.broadcast %broadcast_in_dim3A_641 : f32 to vector<16xf32>
    %broadcast_in_dim3A_643 = arith.constant 0.000000e+00 : f32
    %broadcast_in_dim3A_644 = vector.broadcast %broadcast_in_dim3A_643 : f32 to vector<16xf32>
    %broadcast_in_dim3A_645 = arith.constant 0.000000e+00 : f32
    %broadcast_in_dim3A_646 = vector.broadcast %broadcast_in_dim3A_645 : f32 to vector<16xf32>
    %scan3A_647 = arith.constant 0 : i32
    %scan3A_648 = arith.constant 0 : i32
    %scan3A_649 = arith.constant 0 : i32
    %scan3A_650 = arith.constant 128 : i32
    %scan3A_651 = arith.addi %scan3A_649, %scan3A_650 : i32
    %scan3A_652 = arith.constant 1 : i32
    %scan3A_653:8 = scf.for %scan3A_2198 = %scan3A_649 to %scan3A_651 step %scan3A_652 iter_args(%scan3A_2199 = %broadcast_in_dim3A_632, %scan3A_2200 = %broadcast_in_dim3A_634, %scan3A_2201 = %broadcast_in_dim3A_636, %scan3A_2202 = %broadcast_in_dim3A_638, %scan3A_2203 = %broadcast_in_dim3A_640, %scan3A_2204 = %broadcast_in_dim3A_642, %scan3A_2205 = %broadcast_in_dim3A_644, %scan3A_2206 = %broadcast_in_dim3A_646) -> (vector<16xf32>, vector<16xf32>, vector<16xf32>, vector<16xf32>, vector<16xf32>, vector<16xf32>, vector<16xf32>, vector<16xf32>)  : i32 {
      %mul3A_2207 = arith.constant 32 : i32
      %mul3A_2208 = arith.muli %scan3A_2198, %mul3A_2207 : i32
      %add3A_2209 = arith.constant 0 : i32
      %add3A_2210 = arith.addi %mul3A_2208, %add3A_2209 : i32
      %get3A_2211 = arith.index_cast %add3A_2210 : i32 to index
      %get3A_2212 = tpu.vector_load %arg8[%get3A_2211] {strides = array<i32>} : memref<4096xf32, #tpu.memory_space<vmem>>, vector<16xf32>,
      %get3A_2213 = arith.index_cast %add3A_2210 : i32 to index
      %get3A_2214 = tpu.vector_load %arg9[%get3A_2213] {strides = array<i32>} : memref<4096xf32, #tpu.memory_space<vmem>>, vector<16xf32>,
      %get3A_2215 = arith.constant 0 : i32
      %get3A_2216 = arith.constant 0 : i32
      %get3A_2217 = arith.constant 0 : i32
      %get3A_2218 = tpu.memref_slice %arg11[%scan3A_647, %get3A_2216, %get3A_2217] : memref<2x4x4096xf32, #tpu.memory_space<vmem>> -> memref<1x4x4096xf32, #tpu.memory_space<vmem>>
      %get3A_2219 = tpu.memref_squeeze %get3A_2218 : memref<1x4x4096xf32, #tpu.memory_space<vmem>> -> memref<4x4096xf32, #tpu.memory_space<vmem>>
      %get3A_2220 = arith.index_cast %get3A_2215 : i32 to index
      %get3A_2221 = arith.index_cast %add3A_2210 : i32 to index
      %get3A_2222 = tpu.vector_load %get3A_2219[%get3A_2220, %get3A_2221] {strides = array<i32>} : memref<4x4096xf32, #tpu.memory_space<vmem>>, vector<16xf32>,
      %mul3A_2223 = arith.mulf %get3A_2222, %get3A_2212 : vector<16xf32>
      %add3A_2224 = arith.addf %scan3A_2199, %mul3A_2223 : vector<16xf32>
      %get3A_2225 = arith.constant 0 : i32
      %get3A_2226 = arith.constant 0 : i32
      %get3A_2227 = arith.constant 0 : i32
      %get3A_2228 = tpu.memref_slice %arg12[%scan3A_648, %get3A_2226, %get3A_2227] : memref<2x4x4096xf32, #tpu.memory_space<vmem>> -> memref<1x4x4096xf32, #tpu.memory_space<vmem>>
      %get3A_2229 = tpu.memref_squeeze %get3A_2228 : memref<1x4x4096xf32, #tpu.memory_space<vmem>> -> memref<4x4096xf32, #tpu.memory_space<vmem>>
      %get3A_2230 = arith.index_cast %get3A_2225 : i32 to index
      %get3A_2231 = arith.index_cast %add3A_2210 : i32 to index
      %get3A_2232 = tpu.vector_load %get3A_2229[%get3A_2230, %get3A_2231] {strides = array<i32>} : memref<4x4096xf32, #tpu.memory_space<vmem>>, vector<16xf32>,
      %mul3A_2233 = arith.mulf %get3A_2232, %get3A_2214 : vector<16xf32>
      %add3A_2234 = arith.addf %scan3A_2203, %mul3A_2233 : vector<16xf32>
      %get3A_2235 = arith.constant 1 : i32
      %get3A_2236 = arith.constant 0 : i32
      %get3A_2237 = arith.constant 0 : i32
      %get3A_2238 = tpu.memref_slice %arg11[%scan3A_647, %get3A_2236, %get3A_2237] : memref<2x4x4096xf32, #tpu.memory_space<vmem>> -> memref<1x4x4096xf32, #tpu.memory_space<vmem>>
      %get3A_2239 = tpu.memref_squeeze %get3A_2238 : memref<1x4x4096xf32, #tpu.memory_space<vmem>> -> memref<4x4096xf32, #tpu.memory_space<vmem>>
      %get3A_2240 = arith.index_cast %get3A_2235 : i32 to index
      %get3A_2241 = arith.index_cast %add3A_2210 : i32 to index
      %get3A_2242 = tpu.vector_load %get3A_2239[%get3A_2240, %get3A_2241] {strides = array<i32>} : memref<4x4096xf32, #tpu.memory_space<vmem>>, vector<16xf32>,
      %mul3A_2243 = arith.mulf %get3A_2242, %get3A_2212 : vector<16xf32>
      %add3A_2244 = arith.addf %scan3A_2200, %mul3A_2243 : vector<16xf32>
      %get3A_2245 = arith.constant 1 : i32
      %get3A_2246 = arith.constant 0 : i32
      %get3A_2247 = arith.constant 0 : i32
      %get3A_2248 = tpu.memref_slice %arg12[%scan3A_648, %get3A_2246, %get3A_2247] : memref<2x4x4096xf32, #tpu.memory_space<vmem>> -> memref<1x4x4096xf32, #tpu.memory_space<vmem>>
      %get3A_2249 = tpu.memref_squeeze %get3A_2248 : memref<1x4x4096xf32, #tpu.memory_space<vmem>> -> memref<4x4096xf32, #tpu.memory_space<vmem>>
      %get3A_2250 = arith.index_cast %get3A_2245 : i32 to index
      %get3A_2251 = arith.index_cast %add3A_2210 : i32 to index
      %get3A_2252 = tpu.vector_load %get3A_2249[%get3A_2250, %get3A_2251] {strides = array<i32>} : memref<4x4096xf32, #tpu.memory_space<vmem>>, vector<16xf32>,
      %mul3A_2253 = arith.mulf %get3A_2252, %get3A_2214 : vector<16xf32>
      %add3A_2254 = arith.addf %scan3A_2204, %mul3A_2253 : vector<16xf32>
      %get3A_2255 = arith.constant 2 : i32
      %get3A_2256 = arith.constant 0 : i32
      %get3A_2257 = arith.constant 0 : i32
      %get3A_2258 = tpu.memref_slice %arg11[%scan3A_647, %get3A_2256, %get3A_2257] : memref<2x4x4096xf32, #tpu.memory_space<vmem>> -> memref<1x4x4096xf32, #tpu.memory_space<vmem>>
      %get3A_2259 = tpu.memref_squeeze %get3A_2258 : memref<1x4x4096xf32, #tpu.memory_space<vmem>> -> memref<4x4096xf32, #tpu.memory_space<vmem>>
      %get3A_2260 = arith.index_cast %get3A_2255 : i32 to index
      %get3A_2261 = arith.index_cast %add3A_2210 : i32 to index
      %get3A_2262 = tpu.vector_load %get3A_2259[%get3A_2260, %get3A_2261] {strides = array<i32>} : memref<4x4096xf32, #tpu.memory_space<vmem>>, vector<16xf32>,
      %mul3A_2263 = arith.mulf %get3A_2262, %get3A_2212 : vector<16xf32>
      %add3A_2264 = arith.addf %scan3A_2201, %mul3A_2263 : vector<16xf32>
      %get3A_2265 = arith.constant 2 : i32
      %get3A_2266 = arith.constant 0 : i32
      %get3A_2267 = arith.constant 0 : i32
      %get3A_2268 = tpu.memref_slice %arg12[%scan3A_648, %get3A_2266, %get3A_2267] : memref<2x4x4096xf32, #tpu.memory_space<vmem>> -> memref<1x4x4096xf32, #tpu.memory_space<vmem>>
      %get3A_2269 = tpu.memref_squeeze %get3A_2268 : memref<1x4x4096xf32, #tpu.memory_space<vmem>> -> memref<4x4096xf32, #tpu.memory_space<vmem>>
      %get3A_2270 = arith.index_cast %get3A_2265 : i32 to index
      %get3A_2271 = arith.index_cast %add3A_2210 : i32 to index
      %get3A_2272 = tpu.vector_load %get3A_2269[%get3A_2270, %get3A_2271] {strides = array<i32>} : memref<4x4096xf32, #tpu.memory_space<vmem>>, vector<16xf32>,
      %mul3A_2273 = arith.mulf %get3A_2272, %get3A_2214 : vector<16xf32>
      %add3A_2274 = arith.addf %scan3A_2205, %mul3A_2273 : vector<16xf32>
      %get3A_2275 = arith.constant 3 : i32
      %get3A_2276 = arith.constant 0 : i32
      %get3A_2277 = arith.constant 0 : i32
      %get3A_2278 = tpu.memref_slice %arg11[%scan3A_647, %get3A_2276, %get3A_2277] : memref<2x4x4096xf32, #tpu.memory_space<vmem>> -> memref<1x4x4096xf32, #tpu.memory_space<vmem>>
      %get3A_2279 = tpu.memref_squeeze %get3A_2278 : memref<1x4x4096xf32, #tpu.memory_space<vmem>> -> memref<4x4096xf32, #tpu.memory_space<vmem>>
      %get3A_2280 = arith.index_cast %get3A_2275 : i32 to index
      %get3A_2281 = arith.index_cast %add3A_2210 : i32 to index
      %get3A_2282 = tpu.vector_load %get3A_2279[%get3A_2280, %get3A_2281] {strides = array<i32>} : memref<4x4096xf32, #tpu.memory_space<vmem>>, vector<16xf32>,
      %mul3A_2283 = arith.mulf %get3A_2282, %get3A_2212 : vector<16xf32>
      %add3A_2284 = arith.addf %scan3A_2202, %mul3A_2283 : vector<16xf32>
      %get3A_2285 = arith.constant 3 : i32
      %get3A_2286 = arith.constant 0 : i32
      %get3A_2287 = arith.constant 0 : i32
      %get3A_2288 = tpu.memref_slice %arg12[%scan3A_648, %get3A_2286, %get3A_2287] : memref<2x4x4096xf32, #tpu.memory_space<vmem>> -> memref<1x4x4096xf32, #tpu.memory_space<vmem>>
      %get3A_2289 = tpu.memref_squeeze %get3A_2288 : memref<1x4x4096xf32, #tpu.memory_space<vmem>> -> memref<4x4096xf32, #tpu.memory_space<vmem>>
      %get3A_2290 = arith.index_cast %get3A_2285 : i32 to index
      %get3A_2291 = arith.index_cast %add3A_2210 : i32 to index
      %get3A_2292 = tpu.vector_load %get3A_2289[%get3A_2290, %get3A_2291] {strides = array<i32>} : memref<4x4096xf32, #tpu.memory_space<vmem>>, vector<16xf32>,
      %mul3A_2293 = arith.mulf %get3A_2292, %get3A_2214 : vector<16xf32>
      %add3A_2294 = arith.addf %scan3A_2206, %mul3A_2293 : vector<16xf32>
      %add3A_2295 = arith.constant 16 : i32
      %add3A_2296 = arith.addi %mul3A_2208, %add3A_2295 : i32
      %get3A_2297 = arith.index_cast %add3A_2296 : i32 to index
      %get3A_2298 = tpu.vector_load %arg8[%get3A_2297] {strides = array<i32>} : memref<4096xf32, #tpu.memory_space<vmem>>, vector<16xf32>,
      %get3A_2299 = arith.index_cast %add3A_2296 : i32 to index
      %get3A_2300 = tpu.vector_load %arg9[%get3A_2299] {strides = array<i32>} : memref<4096xf32, #tpu.memory_space<vmem>>, vector<16xf32>,
      %get3A_2301 = arith.constant 0 : i32
      %get3A_2302 = arith.constant 0 : i32
      %get3A_2303 = arith.constant 0 : i32
      %get3A_2304 = tpu.memref_slice %arg11[%scan3A_647, %get3A_2302, %get3A_2303] : memref<2x4x4096xf32, #tpu.memory_space<vmem>> -> memref<1x4x4096xf32, #tpu.memory_space<vmem>>
      %get3A_2305 = tpu.memref_squeeze %get3A_2304 : memref<1x4x4096xf32, #tpu.memory_space<vmem>> -> memref<4x4096xf32, #tpu.memory_space<vmem>>
      %get3A_2306 = arith.index_cast %get3A_2301 : i32 to index
      %get3A_2307 = arith.index_cast %add3A_2296 : i32 to index
      %get3A_2308 = tpu.vector_load %get3A_2305[%get3A_2306, %get3A_2307] {strides = array<i32>} : memref<4x4096xf32, #tpu.memory_space<vmem>>, vector<16xf32>,
      %mul3A_2309 = arith.mulf %get3A_2308, %get3A_2298 : vector<16xf32>
      %add3A_2310 = arith.addf %add3A_2224, %mul3A_2309 : vector<16xf32>
      %get3A_2311 = arith.constant 0 : i32
      %get3A_2312 = arith.constant 0 : i32
      %get3A_2313 = arith.constant 0 : i32
      %get3A_2314 = tpu.memref_slice %arg12[%scan3A_648, %get3A_2312, %get3A_2313] : memref<2x4x4096xf32, #tpu.memory_space<vmem>> -> memref<1x4x4096xf32, #tpu.memory_space<vmem>>
      %get3A_2315 = tpu.memref_squeeze %get3A_2314 : memref<1x4x4096xf32, #tpu.memory_space<vmem>> -> memref<4x4096xf32, #tpu.memory_space<vmem>>
      %get3A_2316 = arith.index_cast %get3A_2311 : i32 to index
      %get3A_2317 = arith.index_cast %add3A_2296 : i32 to index
      %get3A_2318 = tpu.vector_load %get3A_2315[%get3A_2316, %get3A_2317] {strides = array<i32>} : memref<4x4096xf32, #tpu.memory_space<vmem>>, vector<16xf32>,
      %mul3A_2319 = arith.mulf %get3A_2318, %get3A_2300 : vector<16xf32>
      %add3A_2320 = arith.addf %add3A_2234, %mul3A_2319 : vector<16xf32>
      %get3A_2321 = arith.constant 1 : i32
      %get3A_2322 = arith.constant 0 : i32
      %get3A_2323 = arith.constant 0 : i32
      %get3A_2324 = tpu.memref_slice %arg11[%scan3A_647, %get3A_2322, %get3A_2323] : memref<2x4x4096xf32, #tpu.memory_space<vmem>> -> memref<1x4x4096xf32, #tpu.memory_space<vmem>>
      %get3A_2325 = tpu.memref_squeeze %get3A_2324 : memref<1x4x4096xf32, #tpu.memory_space<vmem>> -> memref<4x4096xf32, #tpu.memory_space<vmem>>
      %get3A_2326 = arith.index_cast %get3A_2321 : i32 to index
      %get3A_2327 = arith.index_cast %add3A_2296 : i32 to index
      %get3A_2328 = tpu.vector_load %get3A_2325[%get3A_2326, %get3A_2327] {strides = array<i32>} : memref<4x4096xf32, #tpu.memory_space<vmem>>, vector<16xf32>,
      %mul3A_2329 = arith.mulf %get3A_2328, %get3A_2298 : vector<16xf32>
      %add3A_2330 = arith.addf %add3A_2244, %mul3A_2329 : vector<16xf32>
      %get3A_2331 = arith.constant 1 : i32
      %get3A_2332 = arith.constant 0 : i32
      %get3A_2333 = arith.constant 0 : i32
      %get3A_2334 = tpu.memref_slice %arg12[%scan3A_648, %get3A_2332, %get3A_2333] : memref<2x4x4096xf32, #tpu.memory_space<vmem>> -> memref<1x4x4096xf32, #tpu.memory_space<vmem>>
      %get3A_2335 = tpu.memref_squeeze %get3A_2334 : memref<1x4x4096xf32, #tpu.memory_space<vmem>> -> memref<4x4096xf32, #tpu.memory_space<vmem>>
      %get3A_2336 = arith.index_cast %get3A_2331 : i32 to index
      %get3A_2337 = arith.index_cast %add3A_2296 : i32 to index
      %get3A_2338 = tpu.vector_load %get3A_2335[%get3A_2336, %get3A_2337] {strides = array<i32>} : memref<4x4096xf32, #tpu.memory_space<vmem>>, vector<16xf32>,
      %mul3A_2339 = arith.mulf %get3A_2338, %get3A_2300 : vector<16xf32>
      %add3A_2340 = arith.addf %add3A_2254, %mul3A_2339 : vector<16xf32>
      %get3A_2341 = arith.constant 2 : i32
      %get3A_2342 = arith.constant 0 : i32
      %get3A_2343 = arith.constant 0 : i32
      %get3A_2344 = tpu.memref_slice %arg11[%scan3A_647, %get3A_2342, %get3A_2343] : memref<2x4x4096xf32, #tpu.memory_space<vmem>> -> memref<1x4x4096xf32, #tpu.memory_space<vmem>>
      %get3A_2345 = tpu.memref_squeeze %get3A_2344 : memref<1x4x4096xf32, #tpu.memory_space<vmem>> -> memref<4x4096xf32, #tpu.memory_space<vmem>>
      %get3A_2346 = arith.index_cast %get3A_2341 : i32 to index
      %get3A_2347 = arith.index_cast %add3A_2296 : i32 to index
      %get3A_2348 = tpu.vector_load %get3A_2345[%get3A_2346, %get3A_2347] {strides = array<i32>} : memref<4x4096xf32, #tpu.memory_space<vmem>>, vector<16xf32>,
      %mul3A_2349 = arith.mulf %get3A_2348, %get3A_2298 : vector<16xf32>
      %add3A_2350 = arith.addf %add3A_2264, %mul3A_2349 : vector<16xf32>
      %get3A_2351 = arith.constant 2 : i32
      %get3A_2352 = arith.constant 0 : i32
      %get3A_2353 = arith.constant 0 : i32
      %get3A_2354 = tpu.memref_slice %arg12[%scan3A_648, %get3A_2352, %get3A_2353] : memref<2x4x4096xf32, #tpu.memory_space<vmem>> -> memref<1x4x4096xf32, #tpu.memory_space<vmem>>
      %get3A_2355 = tpu.memref_squeeze %get3A_2354 : memref<1x4x4096xf32, #tpu.memory_space<vmem>> -> memref<4x4096xf32, #tpu.memory_space<vmem>>
      %get3A_2356 = arith.index_cast %get3A_2351 : i32 to index
      %get3A_2357 = arith.index_cast %add3A_2296 : i32 to index
      %get3A_2358 = tpu.vector_load %get3A_2355[%get3A_2356, %get3A_2357] {strides = array<i32>} : memref<4x4096xf32, #tpu.memory_space<vmem>>, vector<16xf32>,
      %mul3A_2359 = arith.mulf %get3A_2358, %get3A_2300 : vector<16xf32>
      %add3A_2360 = arith.addf %add3A_2274, %mul3A_2359 : vector<16xf32>
      %get3A_2361 = arith.constant 3 : i32
      %get3A_2362 = arith.constant 0 : i32
      %get3A_2363 = arith.constant 0 : i32
      %get3A_2364 = tpu.memref_slice %arg11[%scan3A_647, %get3A_2362, %get3A_2363] : memref<2x4x4096xf32, #tpu.memory_space<vmem>> -> memref<1x4x4096xf32, #tpu.memory_space<vmem>>
      %get3A_2365 = tpu.memref_squeeze %get3A_2364 : memref<1x4x4096xf32, #tpu.memory_space<vmem>> -> memref<4x4096xf32, #tpu.memory_space<vmem>>
      %get3A_2366 = arith.index_cast %get3A_2361 : i32 to index
      %get3A_2367 = arith.index_cast %add3A_2296 : i32 to index
      %get3A_2368 = tpu.vector_load %get3A_2365[%get3A_2366, %get3A_2367] {strides = array<i32>} : memref<4x4096xf32, #tpu.memory_space<vmem>>, vector<16xf32>,
      %mul3A_2369 = arith.mulf %get3A_2368, %get3A_2298 : vector<16xf32>
      %add3A_2370 = arith.addf %add3A_2284, %mul3A_2369 : vector<16xf32>
      %get3A_2371 = arith.constant 3 : i32
      %get3A_2372 = arith.constant 0 : i32
      %get3A_2373 = arith.constant 0 : i32
      %get3A_2374 = tpu.memref_slice %arg12[%scan3A_648, %get3A_2372, %get3A_2373] : memref<2x4x4096xf32, #tpu.memory_space<vmem>> -> memref<1x4x4096xf32, #tpu.memory_space<vmem>>
      %get3A_2375 = tpu.memref_squeeze %get3A_2374 : memref<1x4x4096xf32, #tpu.memory_space<vmem>> -> memref<4x4096xf32, #tpu.memory_space<vmem>>
      %get3A_2376 = arith.index_cast %get3A_2371 : i32 to index
      %get3A_2377 = arith.index_cast %add3A_2296 : i32 to index
      %get3A_2378 = tpu.vector_load %get3A_2375[%get3A_2376, %get3A_2377] {strides = array<i32>} : memref<4x4096xf32, #tpu.memory_space<vmem>>, vector<16xf32>,
      %mul3A_2379 = arith.mulf %get3A_2378, %get3A_2300 : vector<16xf32>
      %add3A_2380 = arith.addf %add3A_2294, %mul3A_2379 : vector<16xf32>
      scf.yield %add3A_2310, %add3A_2330, %add3A_2350, %add3A_2370, %add3A_2320, %add3A_2340, %add3A_2360, %add3A_2380 : vector<16xf32>, vector<16xf32>, vector<16xf32>, vector<16xf32>, vector<16xf32>, vector<16xf32>, vector<16xf32>, vector<16xf32>
    }
    %scan3A_654 = arith.constant 128 : i32
    %slice3A_655 = vector.extract_strided_slice %get3A_33 {offsets = [8], sizes = [1], strides = [1]} : vector<16xf32> to vector<1xf32>
    %squeeze3A_656 = vector.extract %slice3A_655[0] : f32 from vector<1xf32>
    %add3A_657 = arith.addf %scan3A_653#0, %scan3A_653#4 : vector<16xf32>
    %iota3A_658 = tpu.iota {dimensions = array<i32: 0>} : vector<16xi32>
    %swap3A_659 = arith.constant 0 : index
    %swap3A_660 = tpu.vector_load %arg14[%swap3A_659] {strides = array<i32>} : memref<16xf32, #tpu.memory_space<vmem>>, vector<16xf32>,
    tpu.vector_store %arg14[%swap3A_659], %add3A_657 {strides = array<i32>} : memref<16xf32, #tpu.memory_space<vmem>>, vector<16xf32>,
    %add3A_661 = arith.constant 8 : i32
    %add3A_662 = vector.broadcast %add3A_661 : i32 to vector<16xi32>
    %add3A_663 = arith.addi %iota3A_658, %add3A_662 : vector<16xi32>
    %and3A_664 = arith.constant 15 : i32
    %and3A_665 = vector.broadcast %and3A_664 : i32 to vector<16xi32>
    %and3A_666 = arith.andi %add3A_663, %and3A_665 : vector<16xi32>
    %gather3A_667 = tpu.vector_load_idx %arg14[%and3A_666] : memref<16xf32, #tpu.memory_space<vmem>>[vector<16xi32>], vector<16xf32>,
    %add3A_668 = arith.addf %add3A_657, %gather3A_667 : vector<16xf32>
    %swap3A_669 = arith.constant 0 : index
    %swap3A_670 = tpu.vector_load %arg14[%swap3A_669] {strides = array<i32>} : memref<16xf32, #tpu.memory_space<vmem>>, vector<16xf32>,
    tpu.vector_store %arg14[%swap3A_669], %add3A_668 {strides = array<i32>} : memref<16xf32, #tpu.memory_space<vmem>>, vector<16xf32>,
    %add3A_671 = arith.constant 4 : i32
    %add3A_672 = vector.broadcast %add3A_671 : i32 to vector<16xi32>
    %add3A_673 = arith.addi %iota3A_658, %add3A_672 : vector<16xi32>
    %and3A_674 = arith.constant 15 : i32
    %and3A_675 = vector.broadcast %and3A_674 : i32 to vector<16xi32>
    %and3A_676 = arith.andi %add3A_673, %and3A_675 : vector<16xi32>
    %gather3A_677 = tpu.vector_load_idx %arg14[%and3A_676] : memref<16xf32, #tpu.memory_space<vmem>>[vector<16xi32>], vector<16xf32>,
    %add3A_678 = arith.addf %add3A_668, %gather3A_677 : vector<16xf32>
    %swap3A_679 = arith.constant 0 : index
    %swap3A_680 = tpu.vector_load %arg14[%swap3A_679] {strides = array<i32>} : memref<16xf32, #tpu.memory_space<vmem>>, vector<16xf32>,
    tpu.vector_store %arg14[%swap3A_679], %add3A_678 {strides = array<i32>} : memref<16xf32, #tpu.memory_space<vmem>>, vector<16xf32>,
    %add3A_681 = arith.constant 2 : i32
    %add3A_682 = vector.broadcast %add3A_681 : i32 to vector<16xi32>
    %add3A_683 = arith.addi %iota3A_658, %add3A_682 : vector<16xi32>
    %and3A_684 = arith.constant 15 : i32
    %and3A_685 = vector.broadcast %and3A_684 : i32 to vector<16xi32>
    %and3A_686 = arith.andi %add3A_683, %and3A_685 : vector<16xi32>
    %gather3A_687 = tpu.vector_load_idx %arg14[%and3A_686] : memref<16xf32, #tpu.memory_space<vmem>>[vector<16xi32>], vector<16xf32>,
    %add3A_688 = arith.addf %add3A_678, %gather3A_687 : vector<16xf32>
    %swap3A_689 = arith.constant 0 : index
    %swap3A_690 = tpu.vector_load %arg14[%swap3A_689] {strides = array<i32>} : memref<16xf32, #tpu.memory_space<vmem>>, vector<16xf32>,
    tpu.vector_store %arg14[%swap3A_689], %add3A_688 {strides = array<i32>} : memref<16xf32, #tpu.memory_space<vmem>>, vector<16xf32>,
    %add3A_691 = arith.constant 1 : i32
    %add3A_692 = vector.broadcast %add3A_691 : i32 to vector<16xi32>
    %add3A_693 = arith.addi %iota3A_658, %add3A_692 : vector<16xi32>
    %and3A_694 = arith.constant 15 : i32
    %and3A_695 = vector.broadcast %and3A_694 : i32 to vector<16xi32>
    %and3A_696 = arith.andi %add3A_693, %and3A_695 : vector<16xi32>
    %gather3A_697 = tpu.vector_load_idx %arg14[%and3A_696] : memref<16xf32, #tpu.memory_space<vmem>>[vector<16xi32>], vector<16xf32>,
    %add3A_698 = arith.addf %add3A_688, %gather3A_697 : vector<16xf32>
    %slice3A_699 = vector.extract_strided_slice %add3A_698 {offsets = [0], sizes = [1], strides = [1]} : vector<16xf32> to vector<1xf32>
    %squeeze3A_700 = vector.extract %slice3A_699[0] : f32 from vector<1xf32>
    %add3A_701 = arith.addf %squeeze3A_700, %squeeze3A_656 : f32
    %mul3A_702 = arith.mulf %add3A_701, %add3A_701 : f32
    %add3A_703 = arith.addf %add3A_576, %mul3A_702 : f32
    %slice3A_704 = vector.extract_strided_slice %get3A_33 {offsets = [9], sizes = [1], strides = [1]} : vector<16xf32> to vector<1xf32>
    %squeeze3A_705 = vector.extract %slice3A_704[0] : f32 from vector<1xf32>
    %add3A_706 = arith.addf %scan3A_653#1, %scan3A_653#5 : vector<16xf32>
    %iota3A_707 = tpu.iota {dimensions = array<i32: 0>} : vector<16xi32>
    %swap3A_708 = arith.constant 0 : index
    %swap3A_709 = tpu.vector_load %arg14[%swap3A_708] {strides = array<i32>} : memref<16xf32, #tpu.memory_space<vmem>>, vector<16xf32>,
    tpu.vector_store %arg14[%swap3A_708], %add3A_706 {strides = array<i32>} : memref<16xf32, #tpu.memory_space<vmem>>, vector<16xf32>,
    %add3A_710 = arith.constant 8 : i32
    %add3A_711 = vector.broadcast %add3A_710 : i32 to vector<16xi32>
    %add3A_712 = arith.addi %iota3A_707, %add3A_711 : vector<16xi32>
    %and3A_713 = arith.constant 15 : i32
    %and3A_714 = vector.broadcast %and3A_713 : i32 to vector<16xi32>
    %and3A_715 = arith.andi %add3A_712, %and3A_714 : vector<16xi32>
    %gather3A_716 = tpu.vector_load_idx %arg14[%and3A_715] : memref<16xf32, #tpu.memory_space<vmem>>[vector<16xi32>], vector<16xf32>,
    %add3A_717 = arith.addf %add3A_706, %gather3A_716 : vector<16xf32>
    %swap3A_718 = arith.constant 0 : index
    %swap3A_719 = tpu.vector_load %arg14[%swap3A_718] {strides = array<i32>} : memref<16xf32, #tpu.memory_space<vmem>>, vector<16xf32>,
    tpu.vector_store %arg14[%swap3A_718], %add3A_717 {strides = array<i32>} : memref<16xf32, #tpu.memory_space<vmem>>, vector<16xf32>,
    %add3A_720 = arith.constant 4 : i32
    %add3A_721 = vector.broadcast %add3A_720 : i32 to vector<16xi32>
    %add3A_722 = arith.addi %iota3A_707, %add3A_721 : vector<16xi32>
    %and3A_723 = arith.constant 15 : i32
    %and3A_724 = vector.broadcast %and3A_723 : i32 to vector<16xi32>
    %and3A_725 = arith.andi %add3A_722, %and3A_724 : vector<16xi32>
    %gather3A_726 = tpu.vector_load_idx %arg14[%and3A_725] : memref<16xf32, #tpu.memory_space<vmem>>[vector<16xi32>], vector<16xf32>,
    %add3A_727 = arith.addf %add3A_717, %gather3A_726 : vector<16xf32>
    %swap3A_728 = arith.constant 0 : index
    %swap3A_729 = tpu.vector_load %arg14[%swap3A_728] {strides = array<i32>} : memref<16xf32, #tpu.memory_space<vmem>>, vector<16xf32>,
    tpu.vector_store %arg14[%swap3A_728], %add3A_727 {strides = array<i32>} : memref<16xf32, #tpu.memory_space<vmem>>, vector<16xf32>,
    %add3A_730 = arith.constant 2 : i32
    %add3A_731 = vector.broadcast %add3A_730 : i32 to vector<16xi32>
    %add3A_732 = arith.addi %iota3A_707, %add3A_731 : vector<16xi32>
    %and3A_733 = arith.constant 15 : i32
    %and3A_734 = vector.broadcast %and3A_733 : i32 to vector<16xi32>
    %and3A_735 = arith.andi %add3A_732, %and3A_734 : vector<16xi32>
    %gather3A_736 = tpu.vector_load_idx %arg14[%and3A_735] : memref<16xf32, #tpu.memory_space<vmem>>[vector<16xi32>], vector<16xf32>,
    %add3A_737 = arith.addf %add3A_727, %gather3A_736 : vector<16xf32>
    %swap3A_738 = arith.constant 0 : index
    %swap3A_739 = tpu.vector_load %arg14[%swap3A_738] {strides = array<i32>} : memref<16xf32, #tpu.memory_space<vmem>>, vector<16xf32>,
    tpu.vector_store %arg14[%swap3A_738], %add3A_737 {strides = array<i32>} : memref<16xf32, #tpu.memory_space<vmem>>, vector<16xf32>,
    %add3A_740 = arith.constant 1 : i32
    %add3A_741 = vector.broadcast %add3A_740 : i32 to vector<16xi32>
    %add3A_742 = arith.addi %iota3A_707, %add3A_741 : vector<16xi32>
    %and3A_743 = arith.constant 15 : i32
    %and3A_744 = vector.broadcast %and3A_743 : i32 to vector<16xi32>
    %and3A_745 = arith.andi %add3A_742, %and3A_744 : vector<16xi32>
    %gather3A_746 = tpu.vector_load_idx %arg14[%and3A_745] : memref<16xf32, #tpu.memory_space<vmem>>[vector<16xi32>], vector<16xf32>,
    %add3A_747 = arith.addf %add3A_737, %gather3A_746 : vector<16xf32>
    %slice3A_748 = vector.extract_strided_slice %add3A_747 {offsets = [0], sizes = [1], strides = [1]} : vector<16xf32> to vector<1xf32>
    %squeeze3A_749 = vector.extract %slice3A_748[0] : f32 from vector<1xf32>
    %add3A_750 = arith.addf %squeeze3A_749, %squeeze3A_705 : f32
    %mul3A_751 = arith.mulf %add3A_750, %add3A_750 : f32
    %add3A_752 = arith.addf %add3A_703, %mul3A_751 : f32
    %slice3A_753 = vector.extract_strided_slice %get3A_33 {offsets = [10], sizes = [1], strides = [1]} : vector<16xf32> to vector<1xf32>
    %squeeze3A_754 = vector.extract %slice3A_753[0] : f32 from vector<1xf32>
    %add3A_755 = arith.addf %scan3A_653#2, %scan3A_653#6 : vector<16xf32>
    %iota3A_756 = tpu.iota {dimensions = array<i32: 0>} : vector<16xi32>
    %swap3A_757 = arith.constant 0 : index
    %swap3A_758 = tpu.vector_load %arg14[%swap3A_757] {strides = array<i32>} : memref<16xf32, #tpu.memory_space<vmem>>, vector<16xf32>,
    tpu.vector_store %arg14[%swap3A_757], %add3A_755 {strides = array<i32>} : memref<16xf32, #tpu.memory_space<vmem>>, vector<16xf32>,
    %add3A_759 = arith.constant 8 : i32
    %add3A_760 = vector.broadcast %add3A_759 : i32 to vector<16xi32>
    %add3A_761 = arith.addi %iota3A_756, %add3A_760 : vector<16xi32>
    %and3A_762 = arith.constant 15 : i32
    %and3A_763 = vector.broadcast %and3A_762 : i32 to vector<16xi32>
    %and3A_764 = arith.andi %add3A_761, %and3A_763 : vector<16xi32>
    %gather3A_765 = tpu.vector_load_idx %arg14[%and3A_764] : memref<16xf32, #tpu.memory_space<vmem>>[vector<16xi32>], vector<16xf32>,
    %add3A_766 = arith.addf %add3A_755, %gather3A_765 : vector<16xf32>
    %swap3A_767 = arith.constant 0 : index
    %swap3A_768 = tpu.vector_load %arg14[%swap3A_767] {strides = array<i32>} : memref<16xf32, #tpu.memory_space<vmem>>, vector<16xf32>,
    tpu.vector_store %arg14[%swap3A_767], %add3A_766 {strides = array<i32>} : memref<16xf32, #tpu.memory_space<vmem>>, vector<16xf32>,
    %add3A_769 = arith.constant 4 : i32
    %add3A_770 = vector.broadcast %add3A_769 : i32 to vector<16xi32>
    %add3A_771 = arith.addi %iota3A_756, %add3A_770 : vector<16xi32>
    %and3A_772 = arith.constant 15 : i32
    %and3A_773 = vector.broadcast %and3A_772 : i32 to vector<16xi32>
    %and3A_774 = arith.andi %add3A_771, %and3A_773 : vector<16xi32>
    %gather3A_775 = tpu.vector_load_idx %arg14[%and3A_774] : memref<16xf32, #tpu.memory_space<vmem>>[vector<16xi32>], vector<16xf32>,
    %add3A_776 = arith.addf %add3A_766, %gather3A_775 : vector<16xf32>
    %swap3A_777 = arith.constant 0 : index
    %swap3A_778 = tpu.vector_load %arg14[%swap3A_777] {strides = array<i32>} : memref<16xf32, #tpu.memory_space<vmem>>, vector<16xf32>,
    tpu.vector_store %arg14[%swap3A_777], %add3A_776 {strides = array<i32>} : memref<16xf32, #tpu.memory_space<vmem>>, vector<16xf32>,
    %add3A_779 = arith.constant 2 : i32
    %add3A_780 = vector.broadcast %add3A_779 : i32 to vector<16xi32>
    %add3A_781 = arith.addi %iota3A_756, %add3A_780 : vector<16xi32>
    %and3A_782 = arith.constant 15 : i32
    %and3A_783 = vector.broadcast %and3A_782 : i32 to vector<16xi32>
    %and3A_784 = arith.andi %add3A_781, %and3A_783 : vector<16xi32>
    %gather3A_785 = tpu.vector_load_idx %arg14[%and3A_784] : memref<16xf32, #tpu.memory_space<vmem>>[vector<16xi32>], vector<16xf32>,
    %add3A_786 = arith.addf %add3A_776, %gather3A_785 : vector<16xf32>
    %swap3A_787 = arith.constant 0 : index
    %swap3A_788 = tpu.vector_load %arg14[%swap3A_787] {strides = array<i32>} : memref<16xf32, #tpu.memory_space<vmem>>, vector<16xf32>,
    tpu.vector_store %arg14[%swap3A_787], %add3A_786 {strides = array<i32>} : memref<16xf32, #tpu.memory_space<vmem>>, vector<16xf32>,
    %add3A_789 = arith.constant 1 : i32
    %add3A_790 = vector.broadcast %add3A_789 : i32 to vector<16xi32>
    %add3A_791 = arith.addi %iota3A_756, %add3A_790 : vector<16xi32>
    %and3A_792 = arith.constant 15 : i32
    %and3A_793 = vector.broadcast %and3A_792 : i32 to vector<16xi32>
    %and3A_794 = arith.andi %add3A_791, %and3A_793 : vector<16xi32>
    %gather3A_795 = tpu.vector_load_idx %arg14[%and3A_794] : memref<16xf32, #tpu.memory_space<vmem>>[vector<16xi32>], vector<16xf32>,
    %add3A_796 = arith.addf %add3A_786, %gather3A_795 : vector<16xf32>
    %slice3A_797 = vector.extract_strided_slice %add3A_796 {offsets = [0], sizes = [1], strides = [1]} : vector<16xf32> to vector<1xf32>
    %squeeze3A_798 = vector.extract %slice3A_797[0] : f32 from vector<1xf32>
    %add3A_799 = arith.addf %squeeze3A_798, %squeeze3A_754 : f32
    %mul3A_800 = arith.mulf %add3A_799, %add3A_799 : f32
    %add3A_801 = arith.addf %add3A_752, %mul3A_800 : f32
    %slice3A_802 = vector.extract_strided_slice %get3A_33 {offsets = [11], sizes = [1], strides = [1]} : vector<16xf32> to vector<1xf32>
    %squeeze3A_803 = vector.extract %slice3A_802[0] : f32 from vector<1xf32>
    %add3A_804 = arith.addf %scan3A_653#3, %scan3A_653#7 : vector<16xf32>
    %iota3A_805 = tpu.iota {dimensions = array<i32: 0>} : vector<16xi32>
    %swap3A_806 = arith.constant 0 : index
    %swap3A_807 = tpu.vector_load %arg14[%swap3A_806] {strides = array<i32>} : memref<16xf32, #tpu.memory_space<vmem>>, vector<16xf32>,
    tpu.vector_store %arg14[%swap3A_806], %add3A_804 {strides = array<i32>} : memref<16xf32, #tpu.memory_space<vmem>>, vector<16xf32>,
    %add3A_808 = arith.constant 8 : i32
    %add3A_809 = vector.broadcast %add3A_808 : i32 to vector<16xi32>
    %add3A_810 = arith.addi %iota3A_805, %add3A_809 : vector<16xi32>
    %and3A_811 = arith.constant 15 : i32
    %and3A_812 = vector.broadcast %and3A_811 : i32 to vector<16xi32>
    %and3A_813 = arith.andi %add3A_810, %and3A_812 : vector<16xi32>
    %gather3A_814 = tpu.vector_load_idx %arg14[%and3A_813] : memref<16xf32, #tpu.memory_space<vmem>>[vector<16xi32>], vector<16xf32>,
    %add3A_815 = arith.addf %add3A_804, %gather3A_814 : vector<16xf32>
    %swap3A_816 = arith.constant 0 : index
    %swap3A_817 = tpu.vector_load %arg14[%swap3A_816] {strides = array<i32>} : memref<16xf32, #tpu.memory_space<vmem>>, vector<16xf32>,
    tpu.vector_store %arg14[%swap3A_816], %add3A_815 {strides = array<i32>} : memref<16xf32, #tpu.memory_space<vmem>>, vector<16xf32>,
    %add3A_818 = arith.constant 4 : i32
    %add3A_819 = vector.broadcast %add3A_818 : i32 to vector<16xi32>
    %add3A_820 = arith.addi %iota3A_805, %add3A_819 : vector<16xi32>
    %and3A_821 = arith.constant 15 : i32
    %and3A_822 = vector.broadcast %and3A_821 : i32 to vector<16xi32>
    %and3A_823 = arith.andi %add3A_820, %and3A_822 : vector<16xi32>
    %gather3A_824 = tpu.vector_load_idx %arg14[%and3A_823] : memref<16xf32, #tpu.memory_space<vmem>>[vector<16xi32>], vector<16xf32>,
    %add3A_825 = arith.addf %add3A_815, %gather3A_824 : vector<16xf32>
    %swap3A_826 = arith.constant 0 : index
    %swap3A_827 = tpu.vector_load %arg14[%swap3A_826] {strides = array<i32>} : memref<16xf32, #tpu.memory_space<vmem>>, vector<16xf32>,
    tpu.vector_store %arg14[%swap3A_826], %add3A_825 {strides = array<i32>} : memref<16xf32, #tpu.memory_space<vmem>>, vector<16xf32>,
    %add3A_828 = arith.constant 2 : i32
    %add3A_829 = vector.broadcast %add3A_828 : i32 to vector<16xi32>
    %add3A_830 = arith.addi %iota3A_805, %add3A_829 : vector<16xi32>
    %and3A_831 = arith.constant 15 : i32
    %and3A_832 = vector.broadcast %and3A_831 : i32 to vector<16xi32>
    %and3A_833 = arith.andi %add3A_830, %and3A_832 : vector<16xi32>
    %gather3A_834 = tpu.vector_load_idx %arg14[%and3A_833] : memref<16xf32, #tpu.memory_space<vmem>>[vector<16xi32>], vector<16xf32>,
    %add3A_835 = arith.addf %add3A_825, %gather3A_834 : vector<16xf32>
    %swap3A_836 = arith.constant 0 : index
    %swap3A_837 = tpu.vector_load %arg14[%swap3A_836] {strides = array<i32>} : memref<16xf32, #tpu.memory_space<vmem>>, vector<16xf32>,
    tpu.vector_store %arg14[%swap3A_836], %add3A_835 {strides = array<i32>} : memref<16xf32, #tpu.memory_space<vmem>>, vector<16xf32>,
    %add3A_838 = arith.constant 1 : i32
    %add3A_839 = vector.broadcast %add3A_838 : i32 to vector<16xi32>
    %add3A_840 = arith.addi %iota3A_805, %add3A_839 : vector<16xi32>
    %and3A_841 = arith.constant 15 : i32
    %and3A_842 = vector.broadcast %and3A_841 : i32 to vector<16xi32>
    %and3A_843 = arith.andi %add3A_840, %and3A_842 : vector<16xi32>
    %gather3A_844 = tpu.vector_load_idx %arg14[%and3A_843] : memref<16xf32, #tpu.memory_space<vmem>>[vector<16xi32>], vector<16xf32>,
    %add3A_845 = arith.addf %add3A_835, %gather3A_844 : vector<16xf32>
    %slice3A_846 = vector.extract_strided_slice %add3A_845 {offsets = [0], sizes = [1], strides = [1]} : vector<16xf32> to vector<1xf32>
    %squeeze3A_847 = vector.extract %slice3A_846[0] : f32 from vector<1xf32>
    %add3A_848 = arith.addf %squeeze3A_847, %squeeze3A_803 : f32
    %mul3A_849 = arith.mulf %add3A_848, %add3A_848 : f32
    %add3A_850 = arith.addf %add3A_801, %mul3A_849 : f32
    %add3A_851 = arith.constant 16 : i32
    %add3A_852 = arith.addi %mul3A_2, %add3A_851 : i32
    %dma_start3A_853 = arith.constant 0 : i32
    %dma_start3A_854 = arith.constant 0 : i32
    %dma_start3A_855 = arith.constant 0 : i32
    %dma_start3A_856 = tpu.memref_slice %arg11[%dma_start3A_853, %dma_start3A_854, %dma_start3A_855] : memref<2x4x4096xf32, #tpu.memory_space<vmem>> -> memref<1x4x4096xf32, #tpu.memory_space<vmem>>
    %dma_start3A_857 = tpu.memref_squeeze %dma_start3A_856 : memref<1x4x4096xf32, #tpu.memory_space<vmem>> -> memref<4x4096xf32, #tpu.memory_space<vmem>>
    %dma_start3A_858 = arith.constant 0 : i32
    %dma_start3A_859 = tpu.memref_slice %arg2[%add3A_852, %dma_start3A_858] : memref<4096x4096xf32, #tpu.memory_space<hbm>> -> memref<4x4096xf32, #tpu.memory_space<hbm>>
    %dma_start3A_860 = arith.constant 0 : i32
    %dma_start3A_861 = arith.constant 0 : i32
    %dma_start3A_862 = tpu.memref_slice %arg11[%dma_start3A_853, %dma_start3A_860, %dma_start3A_861] : memref<2x4x4096xf32, #tpu.memory_space<vmem>> -> memref<1x4x4096xf32, #tpu.memory_space<vmem>>
    %dma_start3A_863 = tpu.memref_squeeze %dma_start3A_862 : memref<1x4x4096xf32, #tpu.memory_space<vmem>> -> memref<4x4096xf32, #tpu.memory_space<vmem>>
    %dma_start3A_864 = arith.constant 0 : i32
    %dma_start3A_865 = tpu.memref_slice %arg2[%add3A_852, %dma_start3A_864] : memref<4096x4096xf32, #tpu.memory_space<hbm>> -> memref<4x4096xf32, #tpu.memory_space<hbm>>
    tpu.enqueue_dma source(%dma_start3A_865 : memref<4x4096xf32, #tpu.memory_space<hbm>>) target(%dma_start3A_863 : memref<4x4096xf32, #tpu.memory_space<vmem>>) target_semaphore(%arg18 : memref<!tpu.dma_semaphore, #tpu.memory_space<semaphore_mem>>)
    %dma_start3A_866 = arith.constant 0 : i32
    %dma_start3A_867 = arith.constant 0 : i32
    %dma_start3A_868 = arith.constant 0 : i32
    %dma_start3A_869 = tpu.memref_slice %arg12[%dma_start3A_866, %dma_start3A_867, %dma_start3A_868] : memref<2x4x4096xf32, #tpu.memory_space<vmem>> -> memref<1x4x4096xf32, #tpu.memory_space<vmem>>
    %dma_start3A_870 = tpu.memref_squeeze %dma_start3A_869 : memref<1x4x4096xf32, #tpu.memory_space<vmem>> -> memref<4x4096xf32, #tpu.memory_space<vmem>>
    %dma_start3A_871 = arith.constant 0 : i32
    %dma_start3A_872 = tpu.memref_slice %arg3[%add3A_852, %dma_start3A_871] : memref<4096x4096xf32, #tpu.memory_space<hbm>> -> memref<4x4096xf32, #tpu.memory_space<hbm>>
    %dma_start3A_873 = arith.constant 0 : i32
    %dma_start3A_874 = arith.constant 0 : i32
    %dma_start3A_875 = tpu.memref_slice %arg12[%dma_start3A_866, %dma_start3A_873, %dma_start3A_874] : memref<2x4x4096xf32, #tpu.memory_space<vmem>> -> memref<1x4x4096xf32, #tpu.memory_space<vmem>>
    %dma_start3A_876 = tpu.memref_squeeze %dma_start3A_875 : memref<1x4x4096xf32, #tpu.memory_space<vmem>> -> memref<4x4096xf32, #tpu.memory_space<vmem>>
    %dma_start3A_877 = arith.constant 0 : i32
    %dma_start3A_878 = tpu.memref_slice %arg3[%add3A_852, %dma_start3A_877] : memref<4096x4096xf32, #tpu.memory_space<hbm>> -> memref<4x4096xf32, #tpu.memory_space<hbm>>
    tpu.enqueue_dma source(%dma_start3A_878 : memref<4x4096xf32, #tpu.memory_space<hbm>>) target(%dma_start3A_876 : memref<4x4096xf32, #tpu.memory_space<vmem>>) target_semaphore(%arg20 : memref<!tpu.dma_semaphore, #tpu.memory_space<semaphore_mem>>)
    %dma_wait3A_879 = arith.constant 1 : i32
    %dma_wait3A_880 = arith.constant 0 : i32
    %dma_wait3A_881 = arith.constant 0 : i32
    %dma_wait3A_882 = tpu.memref_slice %arg11[%dma_wait3A_879, %dma_wait3A_880, %dma_wait3A_881] : memref<2x4x4096xf32, #tpu.memory_space<vmem>> -> memref<1x4x4096xf32, #tpu.memory_space<vmem>>
    %dma_wait3A_883 = tpu.memref_squeeze %dma_wait3A_882 : memref<1x4x4096xf32, #tpu.memory_space<vmem>> -> memref<4x4096xf32, #tpu.memory_space<vmem>>
    %dma_wait3A_884 = arith.constant 0 : i32
    %dma_wait3A_885 = tpu.memref_slice %arg2[%add3A_578, %dma_wait3A_884] : memref<4096x4096xf32, #tpu.memory_space<hbm>> -> memref<4x4096xf32, #tpu.memory_space<hbm>>
    %dma_wait3A_886 = arith.constant 0 : i32
    %dma_wait3A_887 = arith.constant 0 : i32
    %dma_wait3A_888 = tpu.memref_slice %arg11[%dma_wait3A_879, %dma_wait3A_886, %dma_wait3A_887] : memref<2x4x4096xf32, #tpu.memory_space<vmem>> -> memref<1x4x4096xf32, #tpu.memory_space<vmem>>
    %dma_wait3A_889 = tpu.memref_squeeze %dma_wait3A_888 : memref<1x4x4096xf32, #tpu.memory_space<vmem>> -> memref<4x4096xf32, #tpu.memory_space<vmem>>
    %dma_wait3A_890 = arith.constant 0 : i32
    %dma_wait3A_891 = tpu.memref_slice %arg2[%add3A_578, %dma_wait3A_890] : memref<4096x4096xf32, #tpu.memory_space<hbm>> -> memref<4x4096xf32, #tpu.memory_space<hbm>>
    tpu.wait_dma2 semaphore(%arg19 : memref<!tpu.dma_semaphore, #tpu.memory_space<semaphore_mem>>) src(%dma_wait3A_891 : memref<4x4096xf32, #tpu.memory_space<hbm>>) dst(%dma_wait3A_889 : memref<4x4096xf32, #tpu.memory_space<vmem>>)
    %dma_wait3A_892 = arith.constant 1 : i32
    %dma_wait3A_893 = arith.constant 0 : i32
    %dma_wait3A_894 = arith.constant 0 : i32
    %dma_wait3A_895 = tpu.memref_slice %arg12[%dma_wait3A_892, %dma_wait3A_893, %dma_wait3A_894] : memref<2x4x4096xf32, #tpu.memory_space<vmem>> -> memref<1x4x4096xf32, #tpu.memory_space<vmem>>
    %dma_wait3A_896 = tpu.memref_squeeze %dma_wait3A_895 : memref<1x4x4096xf32, #tpu.memory_space<vmem>> -> memref<4x4096xf32, #tpu.memory_space<vmem>>
    %dma_wait3A_897 = arith.constant 0 : i32
    %dma_wait3A_898 = tpu.memref_slice %arg3[%add3A_578, %dma_wait3A_897] : memref<4096x4096xf32, #tpu.memory_space<hbm>> -> memref<4x4096xf32, #tpu.memory_space<hbm>>
    %dma_wait3A_899 = arith.constant 0 : i32
    %dma_wait3A_900 = arith.constant 0 : i32
    %dma_wait3A_901 = tpu.memref_slice %arg12[%dma_wait3A_892, %dma_wait3A_899, %dma_wait3A_900] : memref<2x4x4096xf32, #tpu.memory_space<vmem>> -> memref<1x4x4096xf32, #tpu.memory_space<vmem>>
    %dma_wait3A_902 = tpu.memref_squeeze %dma_wait3A_901 : memref<1x4x4096xf32, #tpu.memory_space<vmem>> -> memref<4x4096xf32, #tpu.memory_space<vmem>>
    %dma_wait3A_903 = arith.constant 0 : i32
    %dma_wait3A_904 = tpu.memref_slice %arg3[%add3A_578, %dma_wait3A_903] : memref<4096x4096xf32, #tpu.memory_space<hbm>> -> memref<4x4096xf32, #tpu.memory_space<hbm>>
    tpu.wait_dma2 semaphore(%arg21 : memref<!tpu.dma_semaphore, #tpu.memory_space<semaphore_mem>>) src(%dma_wait3A_904 : memref<4x4096xf32, #tpu.memory_space<hbm>>) dst(%dma_wait3A_902 : memref<4x4096xf32, #tpu.memory_space<vmem>>)
    %broadcast_in_dim3A_905 = arith.constant 0.000000e+00 : f32
    %broadcast_in_dim3A_906 = vector.broadcast %broadcast_in_dim3A_905 : f32 to vector<16xf32>
    %broadcast_in_dim3A_907 = arith.constant 0.000000e+00 : f32
    %broadcast_in_dim3A_908 = vector.broadcast %broadcast_in_dim3A_907 : f32 to vector<16xf32>
    %broadcast_in_dim3A_909 = arith.constant 0.000000e+00 : f32
    %broadcast_in_dim3A_910 = vector.broadcast %broadcast_in_dim3A_909 : f32 to vector<16xf32>
    %broadcast_in_dim3A_911 = arith.constant 0.000000e+00 : f32
    %broadcast_in_dim3A_912 = vector.broadcast %broadcast_in_dim3A_911 : f32 to vector<16xf32>
    %broadcast_in_dim3A_913 = arith.constant 0.000000e+00 : f32
    %broadcast_in_dim3A_914 = vector.broadcast %broadcast_in_dim3A_913 : f32 to vector<16xf32>
    %broadcast_in_dim3A_915 = arith.constant 0.000000e+00 : f32
    %broadcast_in_dim3A_916 = vector.broadcast %broadcast_in_dim3A_915 : f32 to vector<16xf32>
    %broadcast_in_dim3A_917 = arith.constant 0.000000e+00 : f32
    %broadcast_in_dim3A_918 = vector.broadcast %broadcast_in_dim3A_917 : f32 to vector<16xf32>
    %broadcast_in_dim3A_919 = arith.constant 0.000000e+00 : f32
    %broadcast_in_dim3A_920 = vector.broadcast %broadcast_in_dim3A_919 : f32 to vector<16xf32>
    %scan3A_921 = arith.constant 1 : i32
    %scan3A_922 = arith.constant 1 : i32
    %scan3A_923 = arith.constant 0 : i32
    %scan3A_924 = arith.constant 128 : i32
    %scan3A_925 = arith.addi %scan3A_923, %scan3A_924 : i32
    %scan3A_926 = arith.constant 1 : i32
    %scan3A_927:8 = scf.for %scan3A_2198 = %scan3A_923 to %scan3A_925 step %scan3A_926 iter_args(%scan3A_2199 = %broadcast_in_dim3A_906, %scan3A_2200 = %broadcast_in_dim3A_908, %scan3A_2201 = %broadcast_in_dim3A_910, %scan3A_2202 = %broadcast_in_dim3A_912, %scan3A_2203 = %broadcast_in_dim3A_914, %scan3A_2204 = %broadcast_in_dim3A_916, %scan3A_2205 = %broadcast_in_dim3A_918, %scan3A_2206 = %broadcast_in_dim3A_920) -> (vector<16xf32>, vector<16xf32>, vector<16xf32>, vector<16xf32>, vector<16xf32>, vector<16xf32>, vector<16xf32>, vector<16xf32>)  : i32 {
      %mul3A_2207 = arith.constant 32 : i32
      %mul3A_2208 = arith.muli %scan3A_2198, %mul3A_2207 : i32
      %add3A_2209 = arith.constant 0 : i32
      %add3A_2210 = arith.addi %mul3A_2208, %add3A_2209 : i32
      %get3A_2211 = arith.index_cast %add3A_2210 : i32 to index
      %get3A_2212 = tpu.vector_load %arg8[%get3A_2211] {strides = array<i32>} : memref<4096xf32, #tpu.memory_space<vmem>>, vector<16xf32>,
      %get3A_2213 = arith.index_cast %add3A_2210 : i32 to index
      %get3A_2214 = tpu.vector_load %arg9[%get3A_2213] {strides = array<i32>} : memref<4096xf32, #tpu.memory_space<vmem>>, vector<16xf32>,
      %get3A_2215 = arith.constant 0 : i32
      %get3A_2216 = arith.constant 0 : i32
      %get3A_2217 = arith.constant 0 : i32
      %get3A_2218 = tpu.memref_slice %arg11[%scan3A_921, %get3A_2216, %get3A_2217] : memref<2x4x4096xf32, #tpu.memory_space<vmem>> -> memref<1x4x4096xf32, #tpu.memory_space<vmem>>
      %get3A_2219 = tpu.memref_squeeze %get3A_2218 : memref<1x4x4096xf32, #tpu.memory_space<vmem>> -> memref<4x4096xf32, #tpu.memory_space<vmem>>
      %get3A_2220 = arith.index_cast %get3A_2215 : i32 to index
      %get3A_2221 = arith.index_cast %add3A_2210 : i32 to index
      %get3A_2222 = tpu.vector_load %get3A_2219[%get3A_2220, %get3A_2221] {strides = array<i32>} : memref<4x4096xf32, #tpu.memory_space<vmem>>, vector<16xf32>,
      %mul3A_2223 = arith.mulf %get3A_2222, %get3A_2212 : vector<16xf32>
      %add3A_2224 = arith.addf %scan3A_2199, %mul3A_2223 : vector<16xf32>
      %get3A_2225 = arith.constant 0 : i32
      %get3A_2226 = arith.constant 0 : i32
      %get3A_2227 = arith.constant 0 : i32
      %get3A_2228 = tpu.memref_slice %arg12[%scan3A_922, %get3A_2226, %get3A_2227] : memref<2x4x4096xf32, #tpu.memory_space<vmem>> -> memref<1x4x4096xf32, #tpu.memory_space<vmem>>
      %get3A_2229 = tpu.memref_squeeze %get3A_2228 : memref<1x4x4096xf32, #tpu.memory_space<vmem>> -> memref<4x4096xf32, #tpu.memory_space<vmem>>
      %get3A_2230 = arith.index_cast %get3A_2225 : i32 to index
      %get3A_2231 = arith.index_cast %add3A_2210 : i32 to index
      %get3A_2232 = tpu.vector_load %get3A_2229[%get3A_2230, %get3A_2231] {strides = array<i32>} : memref<4x4096xf32, #tpu.memory_space<vmem>>, vector<16xf32>,
      %mul3A_2233 = arith.mulf %get3A_2232, %get3A_2214 : vector<16xf32>
      %add3A_2234 = arith.addf %scan3A_2203, %mul3A_2233 : vector<16xf32>
      %get3A_2235 = arith.constant 1 : i32
      %get3A_2236 = arith.constant 0 : i32
      %get3A_2237 = arith.constant 0 : i32
      %get3A_2238 = tpu.memref_slice %arg11[%scan3A_921, %get3A_2236, %get3A_2237] : memref<2x4x4096xf32, #tpu.memory_space<vmem>> -> memref<1x4x4096xf32, #tpu.memory_space<vmem>>
      %get3A_2239 = tpu.memref_squeeze %get3A_2238 : memref<1x4x4096xf32, #tpu.memory_space<vmem>> -> memref<4x4096xf32, #tpu.memory_space<vmem>>
      %get3A_2240 = arith.index_cast %get3A_2235 : i32 to index
      %get3A_2241 = arith.index_cast %add3A_2210 : i32 to index
      %get3A_2242 = tpu.vector_load %get3A_2239[%get3A_2240, %get3A_2241] {strides = array<i32>} : memref<4x4096xf32, #tpu.memory_space<vmem>>, vector<16xf32>,
      %mul3A_2243 = arith.mulf %get3A_2242, %get3A_2212 : vector<16xf32>
      %add3A_2244 = arith.addf %scan3A_2200, %mul3A_2243 : vector<16xf32>
      %get3A_2245 = arith.constant 1 : i32
      %get3A_2246 = arith.constant 0 : i32
      %get3A_2247 = arith.constant 0 : i32
      %get3A_2248 = tpu.memref_slice %arg12[%scan3A_922, %get3A_2246, %get3A_2247] : memref<2x4x4096xf32, #tpu.memory_space<vmem>> -> memref<1x4x4096xf32, #tpu.memory_space<vmem>>
      %get3A_2249 = tpu.memref_squeeze %get3A_2248 : memref<1x4x4096xf32, #tpu.memory_space<vmem>> -> memref<4x4096xf32, #tpu.memory_space<vmem>>
      %get3A_2250 = arith.index_cast %get3A_2245 : i32 to index
      %get3A_2251 = arith.index_cast %add3A_2210 : i32 to index
      %get3A_2252 = tpu.vector_load %get3A_2249[%get3A_2250, %get3A_2251] {strides = array<i32>} : memref<4x4096xf32, #tpu.memory_space<vmem>>, vector<16xf32>,
      %mul3A_2253 = arith.mulf %get3A_2252, %get3A_2214 : vector<16xf32>
      %add3A_2254 = arith.addf %scan3A_2204, %mul3A_2253 : vector<16xf32>
      %get3A_2255 = arith.constant 2 : i32
      %get3A_2256 = arith.constant 0 : i32
      %get3A_2257 = arith.constant 0 : i32
      %get3A_2258 = tpu.memref_slice %arg11[%scan3A_921, %get3A_2256, %get3A_2257] : memref<2x4x4096xf32, #tpu.memory_space<vmem>> -> memref<1x4x4096xf32, #tpu.memory_space<vmem>>
      %get3A_2259 = tpu.memref_squeeze %get3A_2258 : memref<1x4x4096xf32, #tpu.memory_space<vmem>> -> memref<4x4096xf32, #tpu.memory_space<vmem>>
      %get3A_2260 = arith.index_cast %get3A_2255 : i32 to index
      %get3A_2261 = arith.index_cast %add3A_2210 : i32 to index
      %get3A_2262 = tpu.vector_load %get3A_2259[%get3A_2260, %get3A_2261] {strides = array<i32>} : memref<4x4096xf32, #tpu.memory_space<vmem>>, vector<16xf32>,
      %mul3A_2263 = arith.mulf %get3A_2262, %get3A_2212 : vector<16xf32>
      %add3A_2264 = arith.addf %scan3A_2201, %mul3A_2263 : vector<16xf32>
      %get3A_2265 = arith.constant 2 : i32
      %get3A_2266 = arith.constant 0 : i32
      %get3A_2267 = arith.constant 0 : i32
      %get3A_2268 = tpu.memref_slice %arg12[%scan3A_922, %get3A_2266, %get3A_2267] : memref<2x4x4096xf32, #tpu.memory_space<vmem>> -> memref<1x4x4096xf32, #tpu.memory_space<vmem>>
      %get3A_2269 = tpu.memref_squeeze %get3A_2268 : memref<1x4x4096xf32, #tpu.memory_space<vmem>> -> memref<4x4096xf32, #tpu.memory_space<vmem>>
      %get3A_2270 = arith.index_cast %get3A_2265 : i32 to index
      %get3A_2271 = arith.index_cast %add3A_2210 : i32 to index
      %get3A_2272 = tpu.vector_load %get3A_2269[%get3A_2270, %get3A_2271] {strides = array<i32>} : memref<4x4096xf32, #tpu.memory_space<vmem>>, vector<16xf32>,
      %mul3A_2273 = arith.mulf %get3A_2272, %get3A_2214 : vector<16xf32>
      %add3A_2274 = arith.addf %scan3A_2205, %mul3A_2273 : vector<16xf32>
      %get3A_2275 = arith.constant 3 : i32
      %get3A_2276 = arith.constant 0 : i32
      %get3A_2277 = arith.constant 0 : i32
      %get3A_2278 = tpu.memref_slice %arg11[%scan3A_921, %get3A_2276, %get3A_2277] : memref<2x4x4096xf32, #tpu.memory_space<vmem>> -> memref<1x4x4096xf32, #tpu.memory_space<vmem>>
      %get3A_2279 = tpu.memref_squeeze %get3A_2278 : memref<1x4x4096xf32, #tpu.memory_space<vmem>> -> memref<4x4096xf32, #tpu.memory_space<vmem>>
      %get3A_2280 = arith.index_cast %get3A_2275 : i32 to index
      %get3A_2281 = arith.index_cast %add3A_2210 : i32 to index
      %get3A_2282 = tpu.vector_load %get3A_2279[%get3A_2280, %get3A_2281] {strides = array<i32>} : memref<4x4096xf32, #tpu.memory_space<vmem>>, vector<16xf32>,
      %mul3A_2283 = arith.mulf %get3A_2282, %get3A_2212 : vector<16xf32>
      %add3A_2284 = arith.addf %scan3A_2202, %mul3A_2283 : vector<16xf32>
      %get3A_2285 = arith.constant 3 : i32
      %get3A_2286 = arith.constant 0 : i32
      %get3A_2287 = arith.constant 0 : i32
      %get3A_2288 = tpu.memref_slice %arg12[%scan3A_922, %get3A_2286, %get3A_2287] : memref<2x4x4096xf32, #tpu.memory_space<vmem>> -> memref<1x4x4096xf32, #tpu.memory_space<vmem>>
      %get3A_2289 = tpu.memref_squeeze %get3A_2288 : memref<1x4x4096xf32, #tpu.memory_space<vmem>> -> memref<4x4096xf32, #tpu.memory_space<vmem>>
      %get3A_2290 = arith.index_cast %get3A_2285 : i32 to index
      %get3A_2291 = arith.index_cast %add3A_2210 : i32 to index
      %get3A_2292 = tpu.vector_load %get3A_2289[%get3A_2290, %get3A_2291] {strides = array<i32>} : memref<4x4096xf32, #tpu.memory_space<vmem>>, vector<16xf32>,
      %mul3A_2293 = arith.mulf %get3A_2292, %get3A_2214 : vector<16xf32>
      %add3A_2294 = arith.addf %scan3A_2206, %mul3A_2293 : vector<16xf32>
      %add3A_2295 = arith.constant 16 : i32
      %add3A_2296 = arith.addi %mul3A_2208, %add3A_2295 : i32
      %get3A_2297 = arith.index_cast %add3A_2296 : i32 to index
      %get3A_2298 = tpu.vector_load %arg8[%get3A_2297] {strides = array<i32>} : memref<4096xf32, #tpu.memory_space<vmem>>, vector<16xf32>,
      %get3A_2299 = arith.index_cast %add3A_2296 : i32 to index
      %get3A_2300 = tpu.vector_load %arg9[%get3A_2299] {strides = array<i32>} : memref<4096xf32, #tpu.memory_space<vmem>>, vector<16xf32>,
      %get3A_2301 = arith.constant 0 : i32
      %get3A_2302 = arith.constant 0 : i32
      %get3A_2303 = arith.constant 0 : i32
      %get3A_2304 = tpu.memref_slice %arg11[%scan3A_921, %get3A_2302, %get3A_2303] : memref<2x4x4096xf32, #tpu.memory_space<vmem>> -> memref<1x4x4096xf32, #tpu.memory_space<vmem>>
      %get3A_2305 = tpu.memref_squeeze %get3A_2304 : memref<1x4x4096xf32, #tpu.memory_space<vmem>> -> memref<4x4096xf32, #tpu.memory_space<vmem>>
      %get3A_2306 = arith.index_cast %get3A_2301 : i32 to index
      %get3A_2307 = arith.index_cast %add3A_2296 : i32 to index
      %get3A_2308 = tpu.vector_load %get3A_2305[%get3A_2306, %get3A_2307] {strides = array<i32>} : memref<4x4096xf32, #tpu.memory_space<vmem>>, vector<16xf32>,
      %mul3A_2309 = arith.mulf %get3A_2308, %get3A_2298 : vector<16xf32>
      %add3A_2310 = arith.addf %add3A_2224, %mul3A_2309 : vector<16xf32>
      %get3A_2311 = arith.constant 0 : i32
      %get3A_2312 = arith.constant 0 : i32
      %get3A_2313 = arith.constant 0 : i32
      %get3A_2314 = tpu.memref_slice %arg12[%scan3A_922, %get3A_2312, %get3A_2313] : memref<2x4x4096xf32, #tpu.memory_space<vmem>> -> memref<1x4x4096xf32, #tpu.memory_space<vmem>>
      %get3A_2315 = tpu.memref_squeeze %get3A_2314 : memref<1x4x4096xf32, #tpu.memory_space<vmem>> -> memref<4x4096xf32, #tpu.memory_space<vmem>>
      %get3A_2316 = arith.index_cast %get3A_2311 : i32 to index
      %get3A_2317 = arith.index_cast %add3A_2296 : i32 to index
      %get3A_2318 = tpu.vector_load %get3A_2315[%get3A_2316, %get3A_2317] {strides = array<i32>} : memref<4x4096xf32, #tpu.memory_space<vmem>>, vector<16xf32>,
      %mul3A_2319 = arith.mulf %get3A_2318, %get3A_2300 : vector<16xf32>
      %add3A_2320 = arith.addf %add3A_2234, %mul3A_2319 : vector<16xf32>
      %get3A_2321 = arith.constant 1 : i32
      %get3A_2322 = arith.constant 0 : i32
      %get3A_2323 = arith.constant 0 : i32
      %get3A_2324 = tpu.memref_slice %arg11[%scan3A_921, %get3A_2322, %get3A_2323] : memref<2x4x4096xf32, #tpu.memory_space<vmem>> -> memref<1x4x4096xf32, #tpu.memory_space<vmem>>
      %get3A_2325 = tpu.memref_squeeze %get3A_2324 : memref<1x4x4096xf32, #tpu.memory_space<vmem>> -> memref<4x4096xf32, #tpu.memory_space<vmem>>
      %get3A_2326 = arith.index_cast %get3A_2321 : i32 to index
      %get3A_2327 = arith.index_cast %add3A_2296 : i32 to index
      %get3A_2328 = tpu.vector_load %get3A_2325[%get3A_2326, %get3A_2327] {strides = array<i32>} : memref<4x4096xf32, #tpu.memory_space<vmem>>, vector<16xf32>,
      %mul3A_2329 = arith.mulf %get3A_2328, %get3A_2298 : vector<16xf32>
      %add3A_2330 = arith.addf %add3A_2244, %mul3A_2329 : vector<16xf32>
      %get3A_2331 = arith.constant 1 : i32
      %get3A_2332 = arith.constant 0 : i32
      %get3A_2333 = arith.constant 0 : i32
      %get3A_2334 = tpu.memref_slice %arg12[%scan3A_922, %get3A_2332, %get3A_2333] : memref<2x4x4096xf32, #tpu.memory_space<vmem>> -> memref<1x4x4096xf32, #tpu.memory_space<vmem>>
      %get3A_2335 = tpu.memref_squeeze %get3A_2334 : memref<1x4x4096xf32, #tpu.memory_space<vmem>> -> memref<4x4096xf32, #tpu.memory_space<vmem>>
      %get3A_2336 = arith.index_cast %get3A_2331 : i32 to index
      %get3A_2337 = arith.index_cast %add3A_2296 : i32 to index
      %get3A_2338 = tpu.vector_load %get3A_2335[%get3A_2336, %get3A_2337] {strides = array<i32>} : memref<4x4096xf32, #tpu.memory_space<vmem>>, vector<16xf32>,
      %mul3A_2339 = arith.mulf %get3A_2338, %get3A_2300 : vector<16xf32>
      %add3A_2340 = arith.addf %add3A_2254, %mul3A_2339 : vector<16xf32>
      %get3A_2341 = arith.constant 2 : i32
      %get3A_2342 = arith.constant 0 : i32
      %get3A_2343 = arith.constant 0 : i32
      %get3A_2344 = tpu.memref_slice %arg11[%scan3A_921, %get3A_2342, %get3A_2343] : memref<2x4x4096xf32, #tpu.memory_space<vmem>> -> memref<1x4x4096xf32, #tpu.memory_space<vmem>>
      %get3A_2345 = tpu.memref_squeeze %get3A_2344 : memref<1x4x4096xf32, #tpu.memory_space<vmem>> -> memref<4x4096xf32, #tpu.memory_space<vmem>>
      %get3A_2346 = arith.index_cast %get3A_2341 : i32 to index
      %get3A_2347 = arith.index_cast %add3A_2296 : i32 to index
      %get3A_2348 = tpu.vector_load %get3A_2345[%get3A_2346, %get3A_2347] {strides = array<i32>} : memref<4x4096xf32, #tpu.memory_space<vmem>>, vector<16xf32>,
      %mul3A_2349 = arith.mulf %get3A_2348, %get3A_2298 : vector<16xf32>
      %add3A_2350 = arith.addf %add3A_2264, %mul3A_2349 : vector<16xf32>
      %get3A_2351 = arith.constant 2 : i32
      %get3A_2352 = arith.constant 0 : i32
      %get3A_2353 = arith.constant 0 : i32
      %get3A_2354 = tpu.memref_slice %arg12[%scan3A_922, %get3A_2352, %get3A_2353] : memref<2x4x4096xf32, #tpu.memory_space<vmem>> -> memref<1x4x4096xf32, #tpu.memory_space<vmem>>
      %get3A_2355 = tpu.memref_squeeze %get3A_2354 : memref<1x4x4096xf32, #tpu.memory_space<vmem>> -> memref<4x4096xf32, #tpu.memory_space<vmem>>
      %get3A_2356 = arith.index_cast %get3A_2351 : i32 to index
      %get3A_2357 = arith.index_cast %add3A_2296 : i32 to index
      %get3A_2358 = tpu.vector_load %get3A_2355[%get3A_2356, %get3A_2357] {strides = array<i32>} : memref<4x4096xf32, #tpu.memory_space<vmem>>, vector<16xf32>,
      %mul3A_2359 = arith.mulf %get3A_2358, %get3A_2300 : vector<16xf32>
      %add3A_2360 = arith.addf %add3A_2274, %mul3A_2359 : vector<16xf32>
      %get3A_2361 = arith.constant 3 : i32
      %get3A_2362 = arith.constant 0 : i32
      %get3A_2363 = arith.constant 0 : i32
      %get3A_2364 = tpu.memref_slice %arg11[%scan3A_921, %get3A_2362, %get3A_2363] : memref<2x4x4096xf32, #tpu.memory_space<vmem>> -> memref<1x4x4096xf32, #tpu.memory_space<vmem>>
      %get3A_2365 = tpu.memref_squeeze %get3A_2364 : memref<1x4x4096xf32, #tpu.memory_space<vmem>> -> memref<4x4096xf32, #tpu.memory_space<vmem>>
      %get3A_2366 = arith.index_cast %get3A_2361 : i32 to index
      %get3A_2367 = arith.index_cast %add3A_2296 : i32 to index
      %get3A_2368 = tpu.vector_load %get3A_2365[%get3A_2366, %get3A_2367] {strides = array<i32>} : memref<4x4096xf32, #tpu.memory_space<vmem>>, vector<16xf32>,
      %mul3A_2369 = arith.mulf %get3A_2368, %get3A_2298 : vector<16xf32>
      %add3A_2370 = arith.addf %add3A_2284, %mul3A_2369 : vector<16xf32>
      %get3A_2371 = arith.constant 3 : i32
      %get3A_2372 = arith.constant 0 : i32
      %get3A_2373 = arith.constant 0 : i32
      %get3A_2374 = tpu.memref_slice %arg12[%scan3A_922, %get3A_2372, %get3A_2373] : memref<2x4x4096xf32, #tpu.memory_space<vmem>> -> memref<1x4x4096xf32, #tpu.memory_space<vmem>>
      %get3A_2375 = tpu.memref_squeeze %get3A_2374 : memref<1x4x4096xf32, #tpu.memory_space<vmem>> -> memref<4x4096xf32, #tpu.memory_space<vmem>>
      %get3A_2376 = arith.index_cast %get3A_2371 : i32 to index
      %get3A_2377 = arith.index_cast %add3A_2296 : i32 to index
      %get3A_2378 = tpu.vector_load %get3A_2375[%get3A_2376, %get3A_2377] {strides = array<i32>} : memref<4x4096xf32, #tpu.memory_space<vmem>>, vector<16xf32>,
      %mul3A_2379 = arith.mulf %get3A_2378, %get3A_2300 : vector<16xf32>
      %add3A_2380 = arith.addf %add3A_2294, %mul3A_2379 : vector<16xf32>
      scf.yield %add3A_2310, %add3A_2330, %add3A_2350, %add3A_2370, %add3A_2320, %add3A_2340, %add3A_2360, %add3A_2380 : vector<16xf32>, vector<16xf32>, vector<16xf32>, vector<16xf32>, vector<16xf32>, vector<16xf32>, vector<16xf32>, vector<16xf32>
    }
    %scan3A_928 = arith.constant 128 : i32
    %slice3A_929 = vector.extract_strided_slice %get3A_33 {offsets = [12], sizes = [1], strides = [1]} : vector<16xf32> to vector<1xf32>
    %squeeze3A_930 = vector.extract %slice3A_929[0] : f32 from vector<1xf32>
    %add3A_931 = arith.addf %scan3A_927#0, %scan3A_927#4 : vector<16xf32>
    %iota3A_932 = tpu.iota {dimensions = array<i32: 0>} : vector<16xi32>
    %swap3A_933 = arith.constant 0 : index
    %swap3A_934 = tpu.vector_load %arg14[%swap3A_933] {strides = array<i32>} : memref<16xf32, #tpu.memory_space<vmem>>, vector<16xf32>,
    tpu.vector_store %arg14[%swap3A_933], %add3A_931 {strides = array<i32>} : memref<16xf32, #tpu.memory_space<vmem>>, vector<16xf32>,
    %add3A_935 = arith.constant 8 : i32
    %add3A_936 = vector.broadcast %add3A_935 : i32 to vector<16xi32>
    %add3A_937 = arith.addi %iota3A_932, %add3A_936 : vector<16xi32>
    %and3A_938 = arith.constant 15 : i32
    %and3A_939 = vector.broadcast %and3A_938 : i32 to vector<16xi32>
    %and3A_940 = arith.andi %add3A_937, %and3A_939 : vector<16xi32>
    %gather3A_941 = tpu.vector_load_idx %arg14[%and3A_940] : memref<16xf32, #tpu.memory_space<vmem>>[vector<16xi32>], vector<16xf32>,
    %add3A_942 = arith.addf %add3A_931, %gather3A_941 : vector<16xf32>
    %swap3A_943 = arith.constant 0 : index
    %swap3A_944 = tpu.vector_load %arg14[%swap3A_943] {strides = array<i32>} : memref<16xf32, #tpu.memory_space<vmem>>, vector<16xf32>,
    tpu.vector_store %arg14[%swap3A_943], %add3A_942 {strides = array<i32>} : memref<16xf32, #tpu.memory_space<vmem>>, vector<16xf32>,
    %add3A_945 = arith.constant 4 : i32
    %add3A_946 = vector.broadcast %add3A_945 : i32 to vector<16xi32>
    %add3A_947 = arith.addi %iota3A_932, %add3A_946 : vector<16xi32>
    %and3A_948 = arith.constant 15 : i32
    %and3A_949 = vector.broadcast %and3A_948 : i32 to vector<16xi32>
    %and3A_950 = arith.andi %add3A_947, %and3A_949 : vector<16xi32>
    %gather3A_951 = tpu.vector_load_idx %arg14[%and3A_950] : memref<16xf32, #tpu.memory_space<vmem>>[vector<16xi32>], vector<16xf32>,
    %add3A_952 = arith.addf %add3A_942, %gather3A_951 : vector<16xf32>
    %swap3A_953 = arith.constant 0 : index
    %swap3A_954 = tpu.vector_load %arg14[%swap3A_953] {strides = array<i32>} : memref<16xf32, #tpu.memory_space<vmem>>, vector<16xf32>,
    tpu.vector_store %arg14[%swap3A_953], %add3A_952 {strides = array<i32>} : memref<16xf32, #tpu.memory_space<vmem>>, vector<16xf32>,
    %add3A_955 = arith.constant 2 : i32
    %add3A_956 = vector.broadcast %add3A_955 : i32 to vector<16xi32>
    %add3A_957 = arith.addi %iota3A_932, %add3A_956 : vector<16xi32>
    %and3A_958 = arith.constant 15 : i32
    %and3A_959 = vector.broadcast %and3A_958 : i32 to vector<16xi32>
    %and3A_960 = arith.andi %add3A_957, %and3A_959 : vector<16xi32>
    %gather3A_961 = tpu.vector_load_idx %arg14[%and3A_960] : memref<16xf32, #tpu.memory_space<vmem>>[vector<16xi32>], vector<16xf32>,
    %add3A_962 = arith.addf %add3A_952, %gather3A_961 : vector<16xf32>
    %swap3A_963 = arith.constant 0 : index
    %swap3A_964 = tpu.vector_load %arg14[%swap3A_963] {strides = array<i32>} : memref<16xf32, #tpu.memory_space<vmem>>, vector<16xf32>,
    tpu.vector_store %arg14[%swap3A_963], %add3A_962 {strides = array<i32>} : memref<16xf32, #tpu.memory_space<vmem>>, vector<16xf32>,
    %add3A_965 = arith.constant 1 : i32
    %add3A_966 = vector.broadcast %add3A_965 : i32 to vector<16xi32>
    %add3A_967 = arith.addi %iota3A_932, %add3A_966 : vector<16xi32>
    %and3A_968 = arith.constant 15 : i32
    %and3A_969 = vector.broadcast %and3A_968 : i32 to vector<16xi32>
    %and3A_970 = arith.andi %add3A_967, %and3A_969 : vector<16xi32>
    %gather3A_971 = tpu.vector_load_idx %arg14[%and3A_970] : memref<16xf32, #tpu.memory_space<vmem>>[vector<16xi32>], vector<16xf32>,
    %add3A_972 = arith.addf %add3A_962, %gather3A_971 : vector<16xf32>
    %slice3A_973 = vector.extract_strided_slice %add3A_972 {offsets = [0], sizes = [1], strides = [1]} : vector<16xf32> to vector<1xf32>
    %squeeze3A_974 = vector.extract %slice3A_973[0] : f32 from vector<1xf32>
    %add3A_975 = arith.addf %squeeze3A_974, %squeeze3A_930 : f32
    %mul3A_976 = arith.mulf %add3A_975, %add3A_975 : f32
    %add3A_977 = arith.addf %add3A_850, %mul3A_976 : f32
    %slice3A_978 = vector.extract_strided_slice %get3A_33 {offsets = [13], sizes = [1], strides = [1]} : vector<16xf32> to vector<1xf32>
    %squeeze3A_979 = vector.extract %slice3A_978[0] : f32 from vector<1xf32>
    %add3A_980 = arith.addf %scan3A_927#1, %scan3A_927#5 : vector<16xf32>
    %iota3A_981 = tpu.iota {dimensions = array<i32: 0>} : vector<16xi32>
    %swap3A_982 = arith.constant 0 : index
    %swap3A_983 = tpu.vector_load %arg14[%swap3A_982] {strides = array<i32>} : memref<16xf32, #tpu.memory_space<vmem>>, vector<16xf32>,
    tpu.vector_store %arg14[%swap3A_982], %add3A_980 {strides = array<i32>} : memref<16xf32, #tpu.memory_space<vmem>>, vector<16xf32>,
    %add3A_984 = arith.constant 8 : i32
    %add3A_985 = vector.broadcast %add3A_984 : i32 to vector<16xi32>
    %add3A_986 = arith.addi %iota3A_981, %add3A_985 : vector<16xi32>
    %and3A_987 = arith.constant 15 : i32
    %and3A_988 = vector.broadcast %and3A_987 : i32 to vector<16xi32>
    %and3A_989 = arith.andi %add3A_986, %and3A_988 : vector<16xi32>
    %gather3A_990 = tpu.vector_load_idx %arg14[%and3A_989] : memref<16xf32, #tpu.memory_space<vmem>>[vector<16xi32>], vector<16xf32>,
    %add3A_991 = arith.addf %add3A_980, %gather3A_990 : vector<16xf32>
    %swap3A_992 = arith.constant 0 : index
    %swap3A_993 = tpu.vector_load %arg14[%swap3A_992] {strides = array<i32>} : memref<16xf32, #tpu.memory_space<vmem>>, vector<16xf32>,
    tpu.vector_store %arg14[%swap3A_992], %add3A_991 {strides = array<i32>} : memref<16xf32, #tpu.memory_space<vmem>>, vector<16xf32>,
    %add3A_994 = arith.constant 4 : i32
    %add3A_995 = vector.broadcast %add3A_994 : i32 to vector<16xi32>
    %add3A_996 = arith.addi %iota3A_981, %add3A_995 : vector<16xi32>
    %and3A_997 = arith.constant 15 : i32
    %and3A_998 = vector.broadcast %and3A_997 : i32 to vector<16xi32>
    %and3A_999 = arith.andi %add3A_996, %and3A_998 : vector<16xi32>
    %gather3A_1000 = tpu.vector_load_idx %arg14[%and3A_999] : memref<16xf32, #tpu.memory_space<vmem>>[vector<16xi32>], vector<16xf32>,
    %add3A_1001 = arith.addf %add3A_991, %gather3A_1000 : vector<16xf32>
    %swap3A_1002 = arith.constant 0 : index
    %swap3A_1003 = tpu.vector_load %arg14[%swap3A_1002] {strides = array<i32>} : memref<16xf32, #tpu.memory_space<vmem>>, vector<16xf32>,
    tpu.vector_store %arg14[%swap3A_1002], %add3A_1001 {strides = array<i32>} : memref<16xf32, #tpu.memory_space<vmem>>, vector<16xf32>,
    %add3A_1004 = arith.constant 2 : i32
    %add3A_1005 = vector.broadcast %add3A_1004 : i32 to vector<16xi32>
    %add3A_1006 = arith.addi %iota3A_981, %add3A_1005 : vector<16xi32>
    %and3A_1007 = arith.constant 15 : i32
    %and3A_1008 = vector.broadcast %and3A_1007 : i32 to vector<16xi32>
    %and3A_1009 = arith.andi %add3A_1006, %and3A_1008 : vector<16xi32>
    %gather3A_1010 = tpu.vector_load_idx %arg14[%and3A_1009] : memref<16xf32, #tpu.memory_space<vmem>>[vector<16xi32>], vector<16xf32>,
    %add3A_1011 = arith.addf %add3A_1001, %gather3A_1010 : vector<16xf32>
    %swap3A_1012 = arith.constant 0 : index
    %swap3A_1013 = tpu.vector_load %arg14[%swap3A_1012] {strides = array<i32>} : memref<16xf32, #tpu.memory_space<vmem>>, vector<16xf32>,
    tpu.vector_store %arg14[%swap3A_1012], %add3A_1011 {strides = array<i32>} : memref<16xf32, #tpu.memory_space<vmem>>, vector<16xf32>,
    %add3A_1014 = arith.constant 1 : i32
    %add3A_1015 = vector.broadcast %add3A_1014 : i32 to vector<16xi32>
    %add3A_1016 = arith.addi %iota3A_981, %add3A_1015 : vector<16xi32>
    %and3A_1017 = arith.constant 15 : i32
    %and3A_1018 = vector.broadcast %and3A_1017 : i32 to vector<16xi32>
    %and3A_1019 = arith.andi %add3A_1016, %and3A_1018 : vector<16xi32>
    %gather3A_1020 = tpu.vector_load_idx %arg14[%and3A_1019] : memref<16xf32, #tpu.memory_space<vmem>>[vector<16xi32>], vector<16xf32>,
    %add3A_1021 = arith.addf %add3A_1011, %gather3A_1020 : vector<16xf32>
    %slice3A_1022 = vector.extract_strided_slice %add3A_1021 {offsets = [0], sizes = [1], strides = [1]} : vector<16xf32> to vector<1xf32>
    %squeeze3A_1023 = vector.extract %slice3A_1022[0] : f32 from vector<1xf32>
    %add3A_1024 = arith.addf %squeeze3A_1023, %squeeze3A_979 : f32
    %mul3A_1025 = arith.mulf %add3A_1024, %add3A_1024 : f32
    %add3A_1026 = arith.addf %add3A_977, %mul3A_1025 : f32
    %slice3A_1027 = vector.extract_strided_slice %get3A_33 {offsets = [14], sizes = [1], strides = [1]} : vector<16xf32> to vector<1xf32>
    %squeeze3A_1028 = vector.extract %slice3A_1027[0] : f32 from vector<1xf32>
    %add3A_1029 = arith.addf %scan3A_927#2, %scan3A_927#6 : vector<16xf32>
    %iota3A_1030 = tpu.iota {dimensions = array<i32: 0>} : vector<16xi32>
    %swap3A_1031 = arith.constant 0 : index
    %swap3A_1032 = tpu.vector_load %arg14[%swap3A_1031] {strides = array<i32>} : memref<16xf32, #tpu.memory_space<vmem>>, vector<16xf32>,
    tpu.vector_store %arg14[%swap3A_1031], %add3A_1029 {strides = array<i32>} : memref<16xf32, #tpu.memory_space<vmem>>, vector<16xf32>,
    %add3A_1033 = arith.constant 8 : i32
    %add3A_1034 = vector.broadcast %add3A_1033 : i32 to vector<16xi32>
    %add3A_1035 = arith.addi %iota3A_1030, %add3A_1034 : vector<16xi32>
    %and3A_1036 = arith.constant 15 : i32
    %and3A_1037 = vector.broadcast %and3A_1036 : i32 to vector<16xi32>
    %and3A_1038 = arith.andi %add3A_1035, %and3A_1037 : vector<16xi32>
    %gather3A_1039 = tpu.vector_load_idx %arg14[%and3A_1038] : memref<16xf32, #tpu.memory_space<vmem>>[vector<16xi32>], vector<16xf32>,
    %add3A_1040 = arith.addf %add3A_1029, %gather3A_1039 : vector<16xf32>
    %swap3A_1041 = arith.constant 0 : index
    %swap3A_1042 = tpu.vector_load %arg14[%swap3A_1041] {strides = array<i32>} : memref<16xf32, #tpu.memory_space<vmem>>, vector<16xf32>,
    tpu.vector_store %arg14[%swap3A_1041], %add3A_1040 {strides = array<i32>} : memref<16xf32, #tpu.memory_space<vmem>>, vector<16xf32>,
    %add3A_1043 = arith.constant 4 : i32
    %add3A_1044 = vector.broadcast %add3A_1043 : i32 to vector<16xi32>
    %add3A_1045 = arith.addi %iota3A_1030, %add3A_1044 : vector<16xi32>
    %and3A_1046 = arith.constant 15 : i32
    %and3A_1047 = vector.broadcast %and3A_1046 : i32 to vector<16xi32>
    %and3A_1048 = arith.andi %add3A_1045, %and3A_1047 : vector<16xi32>
    %gather3A_1049 = tpu.vector_load_idx %arg14[%and3A_1048] : memref<16xf32, #tpu.memory_space<vmem>>[vector<16xi32>], vector<16xf32>,
    %add3A_1050 = arith.addf %add3A_1040, %gather3A_1049 : vector<16xf32>
    %swap3A_1051 = arith.constant 0 : index
    %swap3A_1052 = tpu.vector_load %arg14[%swap3A_1051] {strides = array<i32>} : memref<16xf32, #tpu.memory_space<vmem>>, vector<16xf32>,
    tpu.vector_store %arg14[%swap3A_1051], %add3A_1050 {strides = array<i32>} : memref<16xf32, #tpu.memory_space<vmem>>, vector<16xf32>,
    %add3A_1053 = arith.constant 2 : i32
    %add3A_1054 = vector.broadcast %add3A_1053 : i32 to vector<16xi32>
    %add3A_1055 = arith.addi %iota3A_1030, %add3A_1054 : vector<16xi32>
    %and3A_1056 = arith.constant 15 : i32
    %and3A_1057 = vector.broadcast %and3A_1056 : i32 to vector<16xi32>
    %and3A_1058 = arith.andi %add3A_1055, %and3A_1057 : vector<16xi32>
    %gather3A_1059 = tpu.vector_load_idx %arg14[%and3A_1058] : memref<16xf32, #tpu.memory_space<vmem>>[vector<16xi32>], vector<16xf32>,
    %add3A_1060 = arith.addf %add3A_1050, %gather3A_1059 : vector<16xf32>
    %swap3A_1061 = arith.constant 0 : index
    %swap3A_1062 = tpu.vector_load %arg14[%swap3A_1061] {strides = array<i32>} : memref<16xf32, #tpu.memory_space<vmem>>, vector<16xf32>,
    tpu.vector_store %arg14[%swap3A_1061], %add3A_1060 {strides = array<i32>} : memref<16xf32, #tpu.memory_space<vmem>>, vector<16xf32>,
    %add3A_1063 = arith.constant 1 : i32
    %add3A_1064 = vector.broadcast %add3A_1063 : i32 to vector<16xi32>
    %add3A_1065 = arith.addi %iota3A_1030, %add3A_1064 : vector<16xi32>
    %and3A_1066 = arith.constant 15 : i32
    %and3A_1067 = vector.broadcast %and3A_1066 : i32 to vector<16xi32>
    %and3A_1068 = arith.andi %add3A_1065, %and3A_1067 : vector<16xi32>
    %gather3A_1069 = tpu.vector_load_idx %arg14[%and3A_1068] : memref<16xf32, #tpu.memory_space<vmem>>[vector<16xi32>], vector<16xf32>,
    %add3A_1070 = arith.addf %add3A_1060, %gather3A_1069 : vector<16xf32>
    %slice3A_1071 = vector.extract_strided_slice %add3A_1070 {offsets = [0], sizes = [1], strides = [1]} : vector<16xf32> to vector<1xf32>
    %squeeze3A_1072 = vector.extract %slice3A_1071[0] : f32 from vector<1xf32>
    %add3A_1073 = arith.addf %squeeze3A_1072, %squeeze3A_1028 : f32
    %mul3A_1074 = arith.mulf %add3A_1073, %add3A_1073 : f32
    %add3A_1075 = arith.addf %add3A_1026, %mul3A_1074 : f32
    %slice3A_1076 = vector.extract_strided_slice %get3A_33 {offsets = [15], sizes = [1], strides = [1]} : vector<16xf32> to vector<1xf32>
    %squeeze3A_1077 = vector.extract %slice3A_1076[0] : f32 from vector<1xf32>
    %add3A_1078 = arith.addf %scan3A_927#3, %scan3A_927#7 : vector<16xf32>
    %iota3A_1079 = tpu.iota {dimensions = array<i32: 0>} : vector<16xi32>
    %swap3A_1080 = arith.constant 0 : index
    %swap3A_1081 = tpu.vector_load %arg14[%swap3A_1080] {strides = array<i32>} : memref<16xf32, #tpu.memory_space<vmem>>, vector<16xf32>,
    tpu.vector_store %arg14[%swap3A_1080], %add3A_1078 {strides = array<i32>} : memref<16xf32, #tpu.memory_space<vmem>>, vector<16xf32>,
    %add3A_1082 = arith.constant 8 : i32
    %add3A_1083 = vector.broadcast %add3A_1082 : i32 to vector<16xi32>
    %add3A_1084 = arith.addi %iota3A_1079, %add3A_1083 : vector<16xi32>
    %and3A_1085 = arith.constant 15 : i32
    %and3A_1086 = vector.broadcast %and3A_1085 : i32 to vector<16xi32>
    %and3A_1087 = arith.andi %add3A_1084, %and3A_1086 : vector<16xi32>
    %gather3A_1088 = tpu.vector_load_idx %arg14[%and3A_1087] : memref<16xf32, #tpu.memory_space<vmem>>[vector<16xi32>], vector<16xf32>,
    %add3A_1089 = arith.addf %add3A_1078, %gather3A_1088 : vector<16xf32>
    %swap3A_1090 = arith.constant 0 : index
    %swap3A_1091 = tpu.vector_load %arg14[%swap3A_1090] {strides = array<i32>} : memref<16xf32, #tpu.memory_space<vmem>>, vector<16xf32>,
    tpu.vector_store %arg14[%swap3A_1090], %add3A_1089 {strides = array<i32>} : memref<16xf32, #tpu.memory_space<vmem>>, vector<16xf32>,
    %add3A_1092 = arith.constant 4 : i32
    %add3A_1093 = vector.broadcast %add3A_1092 : i32 to vector<16xi32>
    %add3A_1094 = arith.addi %iota3A_1079, %add3A_1093 : vector<16xi32>
    %and3A_1095 = arith.constant 15 : i32
    %and3A_1096 = vector.broadcast %and3A_1095 : i32 to vector<16xi32>
    %and3A_1097 = arith.andi %add3A_1094, %and3A_1096 : vector<16xi32>
    %gather3A_1098 = tpu.vector_load_idx %arg14[%and3A_1097] : memref<16xf32, #tpu.memory_space<vmem>>[vector<16xi32>], vector<16xf32>,
    %add3A_1099 = arith.addf %add3A_1089, %gather3A_1098 : vector<16xf32>
    %swap3A_1100 = arith.constant 0 : index
    %swap3A_1101 = tpu.vector_load %arg14[%swap3A_1100] {strides = array<i32>} : memref<16xf32, #tpu.memory_space<vmem>>, vector<16xf32>,
    tpu.vector_store %arg14[%swap3A_1100], %add3A_1099 {strides = array<i32>} : memref<16xf32, #tpu.memory_space<vmem>>, vector<16xf32>,
    %add3A_1102 = arith.constant 2 : i32
    %add3A_1103 = vector.broadcast %add3A_1102 : i32 to vector<16xi32>
    %add3A_1104 = arith.addi %iota3A_1079, %add3A_1103 : vector<16xi32>
    %and3A_1105 = arith.constant 15 : i32
    %and3A_1106 = vector.broadcast %and3A_1105 : i32 to vector<16xi32>
    %and3A_1107 = arith.andi %add3A_1104, %and3A_1106 : vector<16xi32>
    %gather3A_1108 = tpu.vector_load_idx %arg14[%and3A_1107] : memref<16xf32, #tpu.memory_space<vmem>>[vector<16xi32>], vector<16xf32>,
    %add3A_1109 = arith.addf %add3A_1099, %gather3A_1108 : vector<16xf32>
    %swap3A_1110 = arith.constant 0 : index
    %swap3A_1111 = tpu.vector_load %arg14[%swap3A_1110] {strides = array<i32>} : memref<16xf32, #tpu.memory_space<vmem>>, vector<16xf32>,
    tpu.vector_store %arg14[%swap3A_1110], %add3A_1109 {strides = array<i32>} : memref<16xf32, #tpu.memory_space<vmem>>, vector<16xf32>,
    %add3A_1112 = arith.constant 1 : i32
    %add3A_1113 = vector.broadcast %add3A_1112 : i32 to vector<16xi32>
    %add3A_1114 = arith.addi %iota3A_1079, %add3A_1113 : vector<16xi32>
    %and3A_1115 = arith.constant 15 : i32
    %and3A_1116 = vector.broadcast %and3A_1115 : i32 to vector<16xi32>
    %and3A_1117 = arith.andi %add3A_1114, %and3A_1116 : vector<16xi32>
    %gather3A_1118 = tpu.vector_load_idx %arg14[%and3A_1117] : memref<16xf32, #tpu.memory_space<vmem>>[vector<16xi32>], vector<16xf32>,
    %add3A_1119 = arith.addf %add3A_1109, %gather3A_1118 : vector<16xf32>
    %slice3A_1120 = vector.extract_strided_slice %add3A_1119 {offsets = [0], sizes = [1], strides = [1]} : vector<16xf32> to vector<1xf32>
    %squeeze3A_1121 = vector.extract %slice3A_1120[0] : f32 from vector<1xf32>
    %add3A_1122 = arith.addf %squeeze3A_1121, %squeeze3A_1077 : f32
    %mul3A_1123 = arith.mulf %add3A_1122, %add3A_1122 : f32
    %add3A_1124 = arith.addf %add3A_1075, %mul3A_1123 : f32
    %add3A_1125 = arith.constant 20 : i32
    %add3A_1126 = arith.addi %mul3A_2, %add3A_1125 : i32
    %dma_start3A_1127 = arith.constant 1 : i32
    %dma_start3A_1128 = arith.constant 0 : i32
    %dma_start3A_1129 = arith.constant 0 : i32
    %dma_start3A_1130 = tpu.memref_slice %arg11[%dma_start3A_1127, %dma_start3A_1128, %dma_start3A_1129] : memref<2x4x4096xf32, #tpu.memory_space<vmem>> -> memref<1x4x4096xf32, #tpu.memory_space<vmem>>
    %dma_start3A_1131 = tpu.memref_squeeze %dma_start3A_1130 : memref<1x4x4096xf32, #tpu.memory_space<vmem>> -> memref<4x4096xf32, #tpu.memory_space<vmem>>
    %dma_start3A_1132 = arith.constant 0 : i32
    %dma_start3A_1133 = tpu.memref_slice %arg2[%add3A_1126, %dma_start3A_1132] : memref<4096x4096xf32, #tpu.memory_space<hbm>> -> memref<4x4096xf32, #tpu.memory_space<hbm>>
    %dma_start3A_1134 = arith.constant 0 : i32
    %dma_start3A_1135 = arith.constant 0 : i32
    %dma_start3A_1136 = tpu.memref_slice %arg11[%dma_start3A_1127, %dma_start3A_1134, %dma_start3A_1135] : memref<2x4x4096xf32, #tpu.memory_space<vmem>> -> memref<1x4x4096xf32, #tpu.memory_space<vmem>>
    %dma_start3A_1137 = tpu.memref_squeeze %dma_start3A_1136 : memref<1x4x4096xf32, #tpu.memory_space<vmem>> -> memref<4x4096xf32, #tpu.memory_space<vmem>>
    %dma_start3A_1138 = arith.constant 0 : i32
    %dma_start3A_1139 = tpu.memref_slice %arg2[%add3A_1126, %dma_start3A_1138] : memref<4096x4096xf32, #tpu.memory_space<hbm>> -> memref<4x4096xf32, #tpu.memory_space<hbm>>
    tpu.enqueue_dma source(%dma_start3A_1139 : memref<4x4096xf32, #tpu.memory_space<hbm>>) target(%dma_start3A_1137 : memref<4x4096xf32, #tpu.memory_space<vmem>>) target_semaphore(%arg19 : memref<!tpu.dma_semaphore, #tpu.memory_space<semaphore_mem>>)
    %dma_start3A_1140 = arith.constant 1 : i32
    %dma_start3A_1141 = arith.constant 0 : i32
    %dma_start3A_1142 = arith.constant 0 : i32
    %dma_start3A_1143 = tpu.memref_slice %arg12[%dma_start3A_1140, %dma_start3A_1141, %dma_start3A_1142] : memref<2x4x4096xf32, #tpu.memory_space<vmem>> -> memref<1x4x4096xf32, #tpu.memory_space<vmem>>
    %dma_start3A_1144 = tpu.memref_squeeze %dma_start3A_1143 : memref<1x4x4096xf32, #tpu.memory_space<vmem>> -> memref<4x4096xf32, #tpu.memory_space<vmem>>
    %dma_start3A_1145 = arith.constant 0 : i32
    %dma_start3A_1146 = tpu.memref_slice %arg3[%add3A_1126, %dma_start3A_1145] : memref<4096x4096xf32, #tpu.memory_space<hbm>> -> memref<4x4096xf32, #tpu.memory_space<hbm>>
    %dma_start3A_1147 = arith.constant 0 : i32
    %dma_start3A_1148 = arith.constant 0 : i32
    %dma_start3A_1149 = tpu.memref_slice %arg12[%dma_start3A_1140, %dma_start3A_1147, %dma_start3A_1148] : memref<2x4x4096xf32, #tpu.memory_space<vmem>> -> memref<1x4x4096xf32, #tpu.memory_space<vmem>>
    %dma_start3A_1150 = tpu.memref_squeeze %dma_start3A_1149 : memref<1x4x4096xf32, #tpu.memory_space<vmem>> -> memref<4x4096xf32, #tpu.memory_space<vmem>>
    %dma_start3A_1151 = arith.constant 0 : i32
    %dma_start3A_1152 = tpu.memref_slice %arg3[%add3A_1126, %dma_start3A_1151] : memref<4096x4096xf32, #tpu.memory_space<hbm>> -> memref<4x4096xf32, #tpu.memory_space<hbm>>
    tpu.enqueue_dma source(%dma_start3A_1152 : memref<4x4096xf32, #tpu.memory_space<hbm>>) target(%dma_start3A_1150 : memref<4x4096xf32, #tpu.memory_space<vmem>>) target_semaphore(%arg21 : memref<!tpu.dma_semaphore, #tpu.memory_space<semaphore_mem>>)
    %dma_wait3A_1153 = arith.constant 0 : i32
    %dma_wait3A_1154 = arith.constant 0 : i32
    %dma_wait3A_1155 = arith.constant 0 : i32
    %dma_wait3A_1156 = tpu.memref_slice %arg11[%dma_wait3A_1153, %dma_wait3A_1154, %dma_wait3A_1155] : memref<2x4x4096xf32, #tpu.memory_space<vmem>> -> memref<1x4x4096xf32, #tpu.memory_space<vmem>>
    %dma_wait3A_1157 = tpu.memref_squeeze %dma_wait3A_1156 : memref<1x4x4096xf32, #tpu.memory_space<vmem>> -> memref<4x4096xf32, #tpu.memory_space<vmem>>
    %dma_wait3A_1158 = arith.constant 0 : i32
    %dma_wait3A_1159 = tpu.memref_slice %arg2[%add3A_852, %dma_wait3A_1158] : memref<4096x4096xf32, #tpu.memory_space<hbm>> -> memref<4x4096xf32, #tpu.memory_space<hbm>>
    %dma_wait3A_1160 = arith.constant 0 : i32
    %dma_wait3A_1161 = arith.constant 0 : i32
    %dma_wait3A_1162 = tpu.memref_slice %arg11[%dma_wait3A_1153, %dma_wait3A_1160, %dma_wait3A_1161] : memref<2x4x4096xf32, #tpu.memory_space<vmem>> -> memref<1x4x4096xf32, #tpu.memory_space<vmem>>
    %dma_wait3A_1163 = tpu.memref_squeeze %dma_wait3A_1162 : memref<1x4x4096xf32, #tpu.memory_space<vmem>> -> memref<4x4096xf32, #tpu.memory_space<vmem>>
    %dma_wait3A_1164 = arith.constant 0 : i32
    %dma_wait3A_1165 = tpu.memref_slice %arg2[%add3A_852, %dma_wait3A_1164] : memref<4096x4096xf32, #tpu.memory_space<hbm>> -> memref<4x4096xf32, #tpu.memory_space<hbm>>
    tpu.wait_dma2 semaphore(%arg18 : memref<!tpu.dma_semaphore, #tpu.memory_space<semaphore_mem>>) src(%dma_wait3A_1165 : memref<4x4096xf32, #tpu.memory_space<hbm>>) dst(%dma_wait3A_1163 : memref<4x4096xf32, #tpu.memory_space<vmem>>)
    %dma_wait3A_1166 = arith.constant 0 : i32
    %dma_wait3A_1167 = arith.constant 0 : i32
    %dma_wait3A_1168 = arith.constant 0 : i32
    %dma_wait3A_1169 = tpu.memref_slice %arg12[%dma_wait3A_1166, %dma_wait3A_1167, %dma_wait3A_1168] : memref<2x4x4096xf32, #tpu.memory_space<vmem>> -> memref<1x4x4096xf32, #tpu.memory_space<vmem>>
    %dma_wait3A_1170 = tpu.memref_squeeze %dma_wait3A_1169 : memref<1x4x4096xf32, #tpu.memory_space<vmem>> -> memref<4x4096xf32, #tpu.memory_space<vmem>>
    %dma_wait3A_1171 = arith.constant 0 : i32
    %dma_wait3A_1172 = tpu.memref_slice %arg3[%add3A_852, %dma_wait3A_1171] : memref<4096x4096xf32, #tpu.memory_space<hbm>> -> memref<4x4096xf32, #tpu.memory_space<hbm>>
    %dma_wait3A_1173 = arith.constant 0 : i32
    %dma_wait3A_1174 = arith.constant 0 : i32
    %dma_wait3A_1175 = tpu.memref_slice %arg12[%dma_wait3A_1166, %dma_wait3A_1173, %dma_wait3A_1174] : memref<2x4x4096xf32, #tpu.memory_space<vmem>> -> memref<1x4x4096xf32, #tpu.memory_space<vmem>>
    %dma_wait3A_1176 = tpu.memref_squeeze %dma_wait3A_1175 : memref<1x4x4096xf32, #tpu.memory_space<vmem>> -> memref<4x4096xf32, #tpu.memory_space<vmem>>
    %dma_wait3A_1177 = arith.constant 0 : i32
    %dma_wait3A_1178 = tpu.memref_slice %arg3[%add3A_852, %dma_wait3A_1177] : memref<4096x4096xf32, #tpu.memory_space<hbm>> -> memref<4x4096xf32, #tpu.memory_space<hbm>>
    tpu.wait_dma2 semaphore(%arg20 : memref<!tpu.dma_semaphore, #tpu.memory_space<semaphore_mem>>) src(%dma_wait3A_1178 : memref<4x4096xf32, #tpu.memory_space<hbm>>) dst(%dma_wait3A_1176 : memref<4x4096xf32, #tpu.memory_space<vmem>>)
    %broadcast_in_dim3A_1179 = arith.constant 0.000000e+00 : f32
    %broadcast_in_dim3A_1180 = vector.broadcast %broadcast_in_dim3A_1179 : f32 to vector<16xf32>
    %broadcast_in_dim3A_1181 = arith.constant 0.000000e+00 : f32
    %broadcast_in_dim3A_1182 = vector.broadcast %broadcast_in_dim3A_1181 : f32 to vector<16xf32>
    %broadcast_in_dim3A_1183 = arith.constant 0.000000e+00 : f32
    %broadcast_in_dim3A_1184 = vector.broadcast %broadcast_in_dim3A_1183 : f32 to vector<16xf32>
    %broadcast_in_dim3A_1185 = arith.constant 0.000000e+00 : f32
    %broadcast_in_dim3A_1186 = vector.broadcast %broadcast_in_dim3A_1185 : f32 to vector<16xf32>
    %broadcast_in_dim3A_1187 = arith.constant 0.000000e+00 : f32
    %broadcast_in_dim3A_1188 = vector.broadcast %broadcast_in_dim3A_1187 : f32 to vector<16xf32>
    %broadcast_in_dim3A_1189 = arith.constant 0.000000e+00 : f32
    %broadcast_in_dim3A_1190 = vector.broadcast %broadcast_in_dim3A_1189 : f32 to vector<16xf32>
    %broadcast_in_dim3A_1191 = arith.constant 0.000000e+00 : f32
    %broadcast_in_dim3A_1192 = vector.broadcast %broadcast_in_dim3A_1191 : f32 to vector<16xf32>
    %broadcast_in_dim3A_1193 = arith.constant 0.000000e+00 : f32
    %broadcast_in_dim3A_1194 = vector.broadcast %broadcast_in_dim3A_1193 : f32 to vector<16xf32>
    %scan3A_1195 = arith.constant 0 : i32
    %scan3A_1196 = arith.constant 0 : i32
    %scan3A_1197 = arith.constant 0 : i32
    %scan3A_1198 = arith.constant 128 : i32
    %scan3A_1199 = arith.addi %scan3A_1197, %scan3A_1198 : i32
    %scan3A_1200 = arith.constant 1 : i32
    %scan3A_1201:8 = scf.for %scan3A_2198 = %scan3A_1197 to %scan3A_1199 step %scan3A_1200 iter_args(%scan3A_2199 = %broadcast_in_dim3A_1180, %scan3A_2200 = %broadcast_in_dim3A_1182, %scan3A_2201 = %broadcast_in_dim3A_1184, %scan3A_2202 = %broadcast_in_dim3A_1186, %scan3A_2203 = %broadcast_in_dim3A_1188, %scan3A_2204 = %broadcast_in_dim3A_1190, %scan3A_2205 = %broadcast_in_dim3A_1192, %scan3A_2206 = %broadcast_in_dim3A_1194) -> (vector<16xf32>, vector<16xf32>, vector<16xf32>, vector<16xf32>, vector<16xf32>, vector<16xf32>, vector<16xf32>, vector<16xf32>)  : i32 {
      %mul3A_2207 = arith.constant 32 : i32
      %mul3A_2208 = arith.muli %scan3A_2198, %mul3A_2207 : i32
      %add3A_2209 = arith.constant 0 : i32
      %add3A_2210 = arith.addi %mul3A_2208, %add3A_2209 : i32
      %get3A_2211 = arith.index_cast %add3A_2210 : i32 to index
      %get3A_2212 = tpu.vector_load %arg8[%get3A_2211] {strides = array<i32>} : memref<4096xf32, #tpu.memory_space<vmem>>, vector<16xf32>,
      %get3A_2213 = arith.index_cast %add3A_2210 : i32 to index
      %get3A_2214 = tpu.vector_load %arg9[%get3A_2213] {strides = array<i32>} : memref<4096xf32, #tpu.memory_space<vmem>>, vector<16xf32>,
      %get3A_2215 = arith.constant 0 : i32
      %get3A_2216 = arith.constant 0 : i32
      %get3A_2217 = arith.constant 0 : i32
      %get3A_2218 = tpu.memref_slice %arg11[%scan3A_1195, %get3A_2216, %get3A_2217] : memref<2x4x4096xf32, #tpu.memory_space<vmem>> -> memref<1x4x4096xf32, #tpu.memory_space<vmem>>
      %get3A_2219 = tpu.memref_squeeze %get3A_2218 : memref<1x4x4096xf32, #tpu.memory_space<vmem>> -> memref<4x4096xf32, #tpu.memory_space<vmem>>
      %get3A_2220 = arith.index_cast %get3A_2215 : i32 to index
      %get3A_2221 = arith.index_cast %add3A_2210 : i32 to index
      %get3A_2222 = tpu.vector_load %get3A_2219[%get3A_2220, %get3A_2221] {strides = array<i32>} : memref<4x4096xf32, #tpu.memory_space<vmem>>, vector<16xf32>,
      %mul3A_2223 = arith.mulf %get3A_2222, %get3A_2212 : vector<16xf32>
      %add3A_2224 = arith.addf %scan3A_2199, %mul3A_2223 : vector<16xf32>
      %get3A_2225 = arith.constant 0 : i32
      %get3A_2226 = arith.constant 0 : i32
      %get3A_2227 = arith.constant 0 : i32
      %get3A_2228 = tpu.memref_slice %arg12[%scan3A_1196, %get3A_2226, %get3A_2227] : memref<2x4x4096xf32, #tpu.memory_space<vmem>> -> memref<1x4x4096xf32, #tpu.memory_space<vmem>>
      %get3A_2229 = tpu.memref_squeeze %get3A_2228 : memref<1x4x4096xf32, #tpu.memory_space<vmem>> -> memref<4x4096xf32, #tpu.memory_space<vmem>>
      %get3A_2230 = arith.index_cast %get3A_2225 : i32 to index
      %get3A_2231 = arith.index_cast %add3A_2210 : i32 to index
      %get3A_2232 = tpu.vector_load %get3A_2229[%get3A_2230, %get3A_2231] {strides = array<i32>} : memref<4x4096xf32, #tpu.memory_space<vmem>>, vector<16xf32>,
      %mul3A_2233 = arith.mulf %get3A_2232, %get3A_2214 : vector<16xf32>
      %add3A_2234 = arith.addf %scan3A_2203, %mul3A_2233 : vector<16xf32>
      %get3A_2235 = arith.constant 1 : i32
      %get3A_2236 = arith.constant 0 : i32
      %get3A_2237 = arith.constant 0 : i32
      %get3A_2238 = tpu.memref_slice %arg11[%scan3A_1195, %get3A_2236, %get3A_2237] : memref<2x4x4096xf32, #tpu.memory_space<vmem>> -> memref<1x4x4096xf32, #tpu.memory_space<vmem>>
      %get3A_2239 = tpu.memref_squeeze %get3A_2238 : memref<1x4x4096xf32, #tpu.memory_space<vmem>> -> memref<4x4096xf32, #tpu.memory_space<vmem>>
      %get3A_2240 = arith.index_cast %get3A_2235 : i32 to index
      %get3A_2241 = arith.index_cast %add3A_2210 : i32 to index
      %get3A_2242 = tpu.vector_load %get3A_2239[%get3A_2240, %get3A_2241] {strides = array<i32>} : memref<4x4096xf32, #tpu.memory_space<vmem>>, vector<16xf32>,
      %mul3A_2243 = arith.mulf %get3A_2242, %get3A_2212 : vector<16xf32>
      %add3A_2244 = arith.addf %scan3A_2200, %mul3A_2243 : vector<16xf32>
      %get3A_2245 = arith.constant 1 : i32
      %get3A_2246 = arith.constant 0 : i32
      %get3A_2247 = arith.constant 0 : i32
      %get3A_2248 = tpu.memref_slice %arg12[%scan3A_1196, %get3A_2246, %get3A_2247] : memref<2x4x4096xf32, #tpu.memory_space<vmem>> -> memref<1x4x4096xf32, #tpu.memory_space<vmem>>
      %get3A_2249 = tpu.memref_squeeze %get3A_2248 : memref<1x4x4096xf32, #tpu.memory_space<vmem>> -> memref<4x4096xf32, #tpu.memory_space<vmem>>
      %get3A_2250 = arith.index_cast %get3A_2245 : i32 to index
      %get3A_2251 = arith.index_cast %add3A_2210 : i32 to index
      %get3A_2252 = tpu.vector_load %get3A_2249[%get3A_2250, %get3A_2251] {strides = array<i32>} : memref<4x4096xf32, #tpu.memory_space<vmem>>, vector<16xf32>,
      %mul3A_2253 = arith.mulf %get3A_2252, %get3A_2214 : vector<16xf32>
      %add3A_2254 = arith.addf %scan3A_2204, %mul3A_2253 : vector<16xf32>
      %get3A_2255 = arith.constant 2 : i32
      %get3A_2256 = arith.constant 0 : i32
      %get3A_2257 = arith.constant 0 : i32
      %get3A_2258 = tpu.memref_slice %arg11[%scan3A_1195, %get3A_2256, %get3A_2257] : memref<2x4x4096xf32, #tpu.memory_space<vmem>> -> memref<1x4x4096xf32, #tpu.memory_space<vmem>>
      %get3A_2259 = tpu.memref_squeeze %get3A_2258 : memref<1x4x4096xf32, #tpu.memory_space<vmem>> -> memref<4x4096xf32, #tpu.memory_space<vmem>>
      %get3A_2260 = arith.index_cast %get3A_2255 : i32 to index
      %get3A_2261 = arith.index_cast %add3A_2210 : i32 to index
      %get3A_2262 = tpu.vector_load %get3A_2259[%get3A_2260, %get3A_2261] {strides = array<i32>} : memref<4x4096xf32, #tpu.memory_space<vmem>>, vector<16xf32>,
      %mul3A_2263 = arith.mulf %get3A_2262, %get3A_2212 : vector<16xf32>
      %add3A_2264 = arith.addf %scan3A_2201, %mul3A_2263 : vector<16xf32>
      %get3A_2265 = arith.constant 2 : i32
      %get3A_2266 = arith.constant 0 : i32
      %get3A_2267 = arith.constant 0 : i32
      %get3A_2268 = tpu.memref_slice %arg12[%scan3A_1196, %get3A_2266, %get3A_2267] : memref<2x4x4096xf32, #tpu.memory_space<vmem>> -> memref<1x4x4096xf32, #tpu.memory_space<vmem>>
      %get3A_2269 = tpu.memref_squeeze %get3A_2268 : memref<1x4x4096xf32, #tpu.memory_space<vmem>> -> memref<4x4096xf32, #tpu.memory_space<vmem>>
      %get3A_2270 = arith.index_cast %get3A_2265 : i32 to index
      %get3A_2271 = arith.index_cast %add3A_2210 : i32 to index
      %get3A_2272 = tpu.vector_load %get3A_2269[%get3A_2270, %get3A_2271] {strides = array<i32>} : memref<4x4096xf32, #tpu.memory_space<vmem>>, vector<16xf32>,
      %mul3A_2273 = arith.mulf %get3A_2272, %get3A_2214 : vector<16xf32>
      %add3A_2274 = arith.addf %scan3A_2205, %mul3A_2273 : vector<16xf32>
      %get3A_2275 = arith.constant 3 : i32
      %get3A_2276 = arith.constant 0 : i32
      %get3A_2277 = arith.constant 0 : i32
      %get3A_2278 = tpu.memref_slice %arg11[%scan3A_1195, %get3A_2276, %get3A_2277] : memref<2x4x4096xf32, #tpu.memory_space<vmem>> -> memref<1x4x4096xf32, #tpu.memory_space<vmem>>
      %get3A_2279 = tpu.memref_squeeze %get3A_2278 : memref<1x4x4096xf32, #tpu.memory_space<vmem>> -> memref<4x4096xf32, #tpu.memory_space<vmem>>
      %get3A_2280 = arith.index_cast %get3A_2275 : i32 to index
      %get3A_2281 = arith.index_cast %add3A_2210 : i32 to index
      %get3A_2282 = tpu.vector_load %get3A_2279[%get3A_2280, %get3A_2281] {strides = array<i32>} : memref<4x4096xf32, #tpu.memory_space<vmem>>, vector<16xf32>,
      %mul3A_2283 = arith.mulf %get3A_2282, %get3A_2212 : vector<16xf32>
      %add3A_2284 = arith.addf %scan3A_2202, %mul3A_2283 : vector<16xf32>
      %get3A_2285 = arith.constant 3 : i32
      %get3A_2286 = arith.constant 0 : i32
      %get3A_2287 = arith.constant 0 : i32
      %get3A_2288 = tpu.memref_slice %arg12[%scan3A_1196, %get3A_2286, %get3A_2287] : memref<2x4x4096xf32, #tpu.memory_space<vmem>> -> memref<1x4x4096xf32, #tpu.memory_space<vmem>>
      %get3A_2289 = tpu.memref_squeeze %get3A_2288 : memref<1x4x4096xf32, #tpu.memory_space<vmem>> -> memref<4x4096xf32, #tpu.memory_space<vmem>>
      %get3A_2290 = arith.index_cast %get3A_2285 : i32 to index
      %get3A_2291 = arith.index_cast %add3A_2210 : i32 to index
      %get3A_2292 = tpu.vector_load %get3A_2289[%get3A_2290, %get3A_2291] {strides = array<i32>} : memref<4x4096xf32, #tpu.memory_space<vmem>>, vector<16xf32>,
      %mul3A_2293 = arith.mulf %get3A_2292, %get3A_2214 : vector<16xf32>
      %add3A_2294 = arith.addf %scan3A_2206, %mul3A_2293 : vector<16xf32>
      %add3A_2295 = arith.constant 16 : i32
      %add3A_2296 = arith.addi %mul3A_2208, %add3A_2295 : i32
      %get3A_2297 = arith.index_cast %add3A_2296 : i32 to index
      %get3A_2298 = tpu.vector_load %arg8[%get3A_2297] {strides = array<i32>} : memref<4096xf32, #tpu.memory_space<vmem>>, vector<16xf32>,
      %get3A_2299 = arith.index_cast %add3A_2296 : i32 to index
      %get3A_2300 = tpu.vector_load %arg9[%get3A_2299] {strides = array<i32>} : memref<4096xf32, #tpu.memory_space<vmem>>, vector<16xf32>,
      %get3A_2301 = arith.constant 0 : i32
      %get3A_2302 = arith.constant 0 : i32
      %get3A_2303 = arith.constant 0 : i32
      %get3A_2304 = tpu.memref_slice %arg11[%scan3A_1195, %get3A_2302, %get3A_2303] : memref<2x4x4096xf32, #tpu.memory_space<vmem>> -> memref<1x4x4096xf32, #tpu.memory_space<vmem>>
      %get3A_2305 = tpu.memref_squeeze %get3A_2304 : memref<1x4x4096xf32, #tpu.memory_space<vmem>> -> memref<4x4096xf32, #tpu.memory_space<vmem>>
      %get3A_2306 = arith.index_cast %get3A_2301 : i32 to index
      %get3A_2307 = arith.index_cast %add3A_2296 : i32 to index
      %get3A_2308 = tpu.vector_load %get3A_2305[%get3A_2306, %get3A_2307] {strides = array<i32>} : memref<4x4096xf32, #tpu.memory_space<vmem>>, vector<16xf32>,
      %mul3A_2309 = arith.mulf %get3A_2308, %get3A_2298 : vector<16xf32>
      %add3A_2310 = arith.addf %add3A_2224, %mul3A_2309 : vector<16xf32>
      %get3A_2311 = arith.constant 0 : i32
      %get3A_2312 = arith.constant 0 : i32
      %get3A_2313 = arith.constant 0 : i32
      %get3A_2314 = tpu.memref_slice %arg12[%scan3A_1196, %get3A_2312, %get3A_2313] : memref<2x4x4096xf32, #tpu.memory_space<vmem>> -> memref<1x4x4096xf32, #tpu.memory_space<vmem>>
      %get3A_2315 = tpu.memref_squeeze %get3A_2314 : memref<1x4x4096xf32, #tpu.memory_space<vmem>> -> memref<4x4096xf32, #tpu.memory_space<vmem>>
      %get3A_2316 = arith.index_cast %get3A_2311 : i32 to index
      %get3A_2317 = arith.index_cast %add3A_2296 : i32 to index
      %get3A_2318 = tpu.vector_load %get3A_2315[%get3A_2316, %get3A_2317] {strides = array<i32>} : memref<4x4096xf32, #tpu.memory_space<vmem>>, vector<16xf32>,
      %mul3A_2319 = arith.mulf %get3A_2318, %get3A_2300 : vector<16xf32>
      %add3A_2320 = arith.addf %add3A_2234, %mul3A_2319 : vector<16xf32>
      %get3A_2321 = arith.constant 1 : i32
      %get3A_2322 = arith.constant 0 : i32
      %get3A_2323 = arith.constant 0 : i32
      %get3A_2324 = tpu.memref_slice %arg11[%scan3A_1195, %get3A_2322, %get3A_2323] : memref<2x4x4096xf32, #tpu.memory_space<vmem>> -> memref<1x4x4096xf32, #tpu.memory_space<vmem>>
      %get3A_2325 = tpu.memref_squeeze %get3A_2324 : memref<1x4x4096xf32, #tpu.memory_space<vmem>> -> memref<4x4096xf32, #tpu.memory_space<vmem>>
      %get3A_2326 = arith.index_cast %get3A_2321 : i32 to index
      %get3A_2327 = arith.index_cast %add3A_2296 : i32 to index
      %get3A_2328 = tpu.vector_load %get3A_2325[%get3A_2326, %get3A_2327] {strides = array<i32>} : memref<4x4096xf32, #tpu.memory_space<vmem>>, vector<16xf32>,
      %mul3A_2329 = arith.mulf %get3A_2328, %get3A_2298 : vector<16xf32>
      %add3A_2330 = arith.addf %add3A_2244, %mul3A_2329 : vector<16xf32>
      %get3A_2331 = arith.constant 1 : i32
      %get3A_2332 = arith.constant 0 : i32
      %get3A_2333 = arith.constant 0 : i32
      %get3A_2334 = tpu.memref_slice %arg12[%scan3A_1196, %get3A_2332, %get3A_2333] : memref<2x4x4096xf32, #tpu.memory_space<vmem>> -> memref<1x4x4096xf32, #tpu.memory_space<vmem>>
      %get3A_2335 = tpu.memref_squeeze %get3A_2334 : memref<1x4x4096xf32, #tpu.memory_space<vmem>> -> memref<4x4096xf32, #tpu.memory_space<vmem>>
      %get3A_2336 = arith.index_cast %get3A_2331 : i32 to index
      %get3A_2337 = arith.index_cast %add3A_2296 : i32 to index
      %get3A_2338 = tpu.vector_load %get3A_2335[%get3A_2336, %get3A_2337] {strides = array<i32>} : memref<4x4096xf32, #tpu.memory_space<vmem>>, vector<16xf32>,
      %mul3A_2339 = arith.mulf %get3A_2338, %get3A_2300 : vector<16xf32>
      %add3A_2340 = arith.addf %add3A_2254, %mul3A_2339 : vector<16xf32>
      %get3A_2341 = arith.constant 2 : i32
      %get3A_2342 = arith.constant 0 : i32
      %get3A_2343 = arith.constant 0 : i32
      %get3A_2344 = tpu.memref_slice %arg11[%scan3A_1195, %get3A_2342, %get3A_2343] : memref<2x4x4096xf32, #tpu.memory_space<vmem>> -> memref<1x4x4096xf32, #tpu.memory_space<vmem>>
      %get3A_2345 = tpu.memref_squeeze %get3A_2344 : memref<1x4x4096xf32, #tpu.memory_space<vmem>> -> memref<4x4096xf32, #tpu.memory_space<vmem>>
      %get3A_2346 = arith.index_cast %get3A_2341 : i32 to index
      %get3A_2347 = arith.index_cast %add3A_2296 : i32 to index
      %get3A_2348 = tpu.vector_load %get3A_2345[%get3A_2346, %get3A_2347] {strides = array<i32>} : memref<4x4096xf32, #tpu.memory_space<vmem>>, vector<16xf32>,
      %mul3A_2349 = arith.mulf %get3A_2348, %get3A_2298 : vector<16xf32>
      %add3A_2350 = arith.addf %add3A_2264, %mul3A_2349 : vector<16xf32>
      %get3A_2351 = arith.constant 2 : i32
      %get3A_2352 = arith.constant 0 : i32
      %get3A_2353 = arith.constant 0 : i32
      %get3A_2354 = tpu.memref_slice %arg12[%scan3A_1196, %get3A_2352, %get3A_2353] : memref<2x4x4096xf32, #tpu.memory_space<vmem>> -> memref<1x4x4096xf32, #tpu.memory_space<vmem>>
      %get3A_2355 = tpu.memref_squeeze %get3A_2354 : memref<1x4x4096xf32, #tpu.memory_space<vmem>> -> memref<4x4096xf32, #tpu.memory_space<vmem>>
      %get3A_2356 = arith.index_cast %get3A_2351 : i32 to index
      %get3A_2357 = arith.index_cast %add3A_2296 : i32 to index
      %get3A_2358 = tpu.vector_load %get3A_2355[%get3A_2356, %get3A_2357] {strides = array<i32>} : memref<4x4096xf32, #tpu.memory_space<vmem>>, vector<16xf32>,
      %mul3A_2359 = arith.mulf %get3A_2358, %get3A_2300 : vector<16xf32>
      %add3A_2360 = arith.addf %add3A_2274, %mul3A_2359 : vector<16xf32>
      %get3A_2361 = arith.constant 3 : i32
      %get3A_2362 = arith.constant 0 : i32
      %get3A_2363 = arith.constant 0 : i32
      %get3A_2364 = tpu.memref_slice %arg11[%scan3A_1195, %get3A_2362, %get3A_2363] : memref<2x4x4096xf32, #tpu.memory_space<vmem>> -> memref<1x4x4096xf32, #tpu.memory_space<vmem>>
      %get3A_2365 = tpu.memref_squeeze %get3A_2364 : memref<1x4x4096xf32, #tpu.memory_space<vmem>> -> memref<4x4096xf32, #tpu.memory_space<vmem>>
      %get3A_2366 = arith.index_cast %get3A_2361 : i32 to index
      %get3A_2367 = arith.index_cast %add3A_2296 : i32 to index
      %get3A_2368 = tpu.vector_load %get3A_2365[%get3A_2366, %get3A_2367] {strides = array<i32>} : memref<4x4096xf32, #tpu.memory_space<vmem>>, vector<16xf32>,
      %mul3A_2369 = arith.mulf %get3A_2368, %get3A_2298 : vector<16xf32>
      %add3A_2370 = arith.addf %add3A_2284, %mul3A_2369 : vector<16xf32>
      %get3A_2371 = arith.constant 3 : i32
      %get3A_2372 = arith.constant 0 : i32
      %get3A_2373 = arith.constant 0 : i32
      %get3A_2374 = tpu.memref_slice %arg12[%scan3A_1196, %get3A_2372, %get3A_2373] : memref<2x4x4096xf32, #tpu.memory_space<vmem>> -> memref<1x4x4096xf32, #tpu.memory_space<vmem>>
      %get3A_2375 = tpu.memref_squeeze %get3A_2374 : memref<1x4x4096xf32, #tpu.memory_space<vmem>> -> memref<4x4096xf32, #tpu.memory_space<vmem>>
      %get3A_2376 = arith.index_cast %get3A_2371 : i32 to index
      %get3A_2377 = arith.index_cast %add3A_2296 : i32 to index
      %get3A_2378 = tpu.vector_load %get3A_2375[%get3A_2376, %get3A_2377] {strides = array<i32>} : memref<4x4096xf32, #tpu.memory_space<vmem>>, vector<16xf32>,
      %mul3A_2379 = arith.mulf %get3A_2378, %get3A_2300 : vector<16xf32>
      %add3A_2380 = arith.addf %add3A_2294, %mul3A_2379 : vector<16xf32>
      scf.yield %add3A_2310, %add3A_2330, %add3A_2350, %add3A_2370, %add3A_2320, %add3A_2340, %add3A_2360, %add3A_2380 : vector<16xf32>, vector<16xf32>, vector<16xf32>, vector<16xf32>, vector<16xf32>, vector<16xf32>, vector<16xf32>, vector<16xf32>
    }
    %scan3A_1202 = arith.constant 128 : i32
    %slice3A_1203 = vector.extract_strided_slice %get3A_35 {offsets = [0], sizes = [1], strides = [1]} : vector<16xf32> to vector<1xf32>
    %squeeze3A_1204 = vector.extract %slice3A_1203[0] : f32 from vector<1xf32>
    %add3A_1205 = arith.addf %scan3A_1201#0, %scan3A_1201#4 : vector<16xf32>
    %iota3A_1206 = tpu.iota {dimensions = array<i32: 0>} : vector<16xi32>
    %swap3A_1207 = arith.constant 0 : index
    %swap3A_1208 = tpu.vector_load %arg14[%swap3A_1207] {strides = array<i32>} : memref<16xf32, #tpu.memory_space<vmem>>, vector<16xf32>,
    tpu.vector_store %arg14[%swap3A_1207], %add3A_1205 {strides = array<i32>} : memref<16xf32, #tpu.memory_space<vmem>>, vector<16xf32>,
    %add3A_1209 = arith.constant 8 : i32
    %add3A_1210 = vector.broadcast %add3A_1209 : i32 to vector<16xi32>
    %add3A_1211 = arith.addi %iota3A_1206, %add3A_1210 : vector<16xi32>
    %and3A_1212 = arith.constant 15 : i32
    %and3A_1213 = vector.broadcast %and3A_1212 : i32 to vector<16xi32>
    %and3A_1214 = arith.andi %add3A_1211, %and3A_1213 : vector<16xi32>
    %gather3A_1215 = tpu.vector_load_idx %arg14[%and3A_1214] : memref<16xf32, #tpu.memory_space<vmem>>[vector<16xi32>], vector<16xf32>,
    %add3A_1216 = arith.addf %add3A_1205, %gather3A_1215 : vector<16xf32>
    %swap3A_1217 = arith.constant 0 : index
    %swap3A_1218 = tpu.vector_load %arg14[%swap3A_1217] {strides = array<i32>} : memref<16xf32, #tpu.memory_space<vmem>>, vector<16xf32>,
    tpu.vector_store %arg14[%swap3A_1217], %add3A_1216 {strides = array<i32>} : memref<16xf32, #tpu.memory_space<vmem>>, vector<16xf32>,
    %add3A_1219 = arith.constant 4 : i32
    %add3A_1220 = vector.broadcast %add3A_1219 : i32 to vector<16xi32>
    %add3A_1221 = arith.addi %iota3A_1206, %add3A_1220 : vector<16xi32>
    %and3A_1222 = arith.constant 15 : i32
    %and3A_1223 = vector.broadcast %and3A_1222 : i32 to vector<16xi32>
    %and3A_1224 = arith.andi %add3A_1221, %and3A_1223 : vector<16xi32>
    %gather3A_1225 = tpu.vector_load_idx %arg14[%and3A_1224] : memref<16xf32, #tpu.memory_space<vmem>>[vector<16xi32>], vector<16xf32>,
    %add3A_1226 = arith.addf %add3A_1216, %gather3A_1225 : vector<16xf32>
    %swap3A_1227 = arith.constant 0 : index
    %swap3A_1228 = tpu.vector_load %arg14[%swap3A_1227] {strides = array<i32>} : memref<16xf32, #tpu.memory_space<vmem>>, vector<16xf32>,
    tpu.vector_store %arg14[%swap3A_1227], %add3A_1226 {strides = array<i32>} : memref<16xf32, #tpu.memory_space<vmem>>, vector<16xf32>,
    %add3A_1229 = arith.constant 2 : i32
    %add3A_1230 = vector.broadcast %add3A_1229 : i32 to vector<16xi32>
    %add3A_1231 = arith.addi %iota3A_1206, %add3A_1230 : vector<16xi32>
    %and3A_1232 = arith.constant 15 : i32
    %and3A_1233 = vector.broadcast %and3A_1232 : i32 to vector<16xi32>
    %and3A_1234 = arith.andi %add3A_1231, %and3A_1233 : vector<16xi32>
    %gather3A_1235 = tpu.vector_load_idx %arg14[%and3A_1234] : memref<16xf32, #tpu.memory_space<vmem>>[vector<16xi32>], vector<16xf32>,
    %add3A_1236 = arith.addf %add3A_1226, %gather3A_1235 : vector<16xf32>
    %swap3A_1237 = arith.constant 0 : index
    %swap3A_1238 = tpu.vector_load %arg14[%swap3A_1237] {strides = array<i32>} : memref<16xf32, #tpu.memory_space<vmem>>, vector<16xf32>,
    tpu.vector_store %arg14[%swap3A_1237], %add3A_1236 {strides = array<i32>} : memref<16xf32, #tpu.memory_space<vmem>>, vector<16xf32>,
    %add3A_1239 = arith.constant 1 : i32
    %add3A_1240 = vector.broadcast %add3A_1239 : i32 to vector<16xi32>
    %add3A_1241 = arith.addi %iota3A_1206, %add3A_1240 : vector<16xi32>
    %and3A_1242 = arith.constant 15 : i32
    %and3A_1243 = vector.broadcast %and3A_1242 : i32 to vector<16xi32>
    %and3A_1244 = arith.andi %add3A_1241, %and3A_1243 : vector<16xi32>
    %gather3A_1245 = tpu.vector_load_idx %arg14[%and3A_1244] : memref<16xf32, #tpu.memory_space<vmem>>[vector<16xi32>], vector<16xf32>,
    %add3A_1246 = arith.addf %add3A_1236, %gather3A_1245 : vector<16xf32>
    %slice3A_1247 = vector.extract_strided_slice %add3A_1246 {offsets = [0], sizes = [1], strides = [1]} : vector<16xf32> to vector<1xf32>
    %squeeze3A_1248 = vector.extract %slice3A_1247[0] : f32 from vector<1xf32>
    %add3A_1249 = arith.addf %squeeze3A_1248, %squeeze3A_1204 : f32
    %mul3A_1250 = arith.mulf %add3A_1249, %add3A_1249 : f32
    %add3A_1251 = arith.addf %add3A_1124, %mul3A_1250 : f32
    %slice3A_1252 = vector.extract_strided_slice %get3A_35 {offsets = [1], sizes = [1], strides = [1]} : vector<16xf32> to vector<1xf32>
    %squeeze3A_1253 = vector.extract %slice3A_1252[0] : f32 from vector<1xf32>
    %add3A_1254 = arith.addf %scan3A_1201#1, %scan3A_1201#5 : vector<16xf32>
    %iota3A_1255 = tpu.iota {dimensions = array<i32: 0>} : vector<16xi32>
    %swap3A_1256 = arith.constant 0 : index
    %swap3A_1257 = tpu.vector_load %arg14[%swap3A_1256] {strides = array<i32>} : memref<16xf32, #tpu.memory_space<vmem>>, vector<16xf32>,
    tpu.vector_store %arg14[%swap3A_1256], %add3A_1254 {strides = array<i32>} : memref<16xf32, #tpu.memory_space<vmem>>, vector<16xf32>,
    %add3A_1258 = arith.constant 8 : i32
    %add3A_1259 = vector.broadcast %add3A_1258 : i32 to vector<16xi32>
    %add3A_1260 = arith.addi %iota3A_1255, %add3A_1259 : vector<16xi32>
    %and3A_1261 = arith.constant 15 : i32
    %and3A_1262 = vector.broadcast %and3A_1261 : i32 to vector<16xi32>
    %and3A_1263 = arith.andi %add3A_1260, %and3A_1262 : vector<16xi32>
    %gather3A_1264 = tpu.vector_load_idx %arg14[%and3A_1263] : memref<16xf32, #tpu.memory_space<vmem>>[vector<16xi32>], vector<16xf32>,
    %add3A_1265 = arith.addf %add3A_1254, %gather3A_1264 : vector<16xf32>
    %swap3A_1266 = arith.constant 0 : index
    %swap3A_1267 = tpu.vector_load %arg14[%swap3A_1266] {strides = array<i32>} : memref<16xf32, #tpu.memory_space<vmem>>, vector<16xf32>,
    tpu.vector_store %arg14[%swap3A_1266], %add3A_1265 {strides = array<i32>} : memref<16xf32, #tpu.memory_space<vmem>>, vector<16xf32>,
    %add3A_1268 = arith.constant 4 : i32
    %add3A_1269 = vector.broadcast %add3A_1268 : i32 to vector<16xi32>
    %add3A_1270 = arith.addi %iota3A_1255, %add3A_1269 : vector<16xi32>
    %and3A_1271 = arith.constant 15 : i32
    %and3A_1272 = vector.broadcast %and3A_1271 : i32 to vector<16xi32>
    %and3A_1273 = arith.andi %add3A_1270, %and3A_1272 : vector<16xi32>
    %gather3A_1274 = tpu.vector_load_idx %arg14[%and3A_1273] : memref<16xf32, #tpu.memory_space<vmem>>[vector<16xi32>], vector<16xf32>,
    %add3A_1275 = arith.addf %add3A_1265, %gather3A_1274 : vector<16xf32>
    %swap3A_1276 = arith.constant 0 : index
    %swap3A_1277 = tpu.vector_load %arg14[%swap3A_1276] {strides = array<i32>} : memref<16xf32, #tpu.memory_space<vmem>>, vector<16xf32>,
    tpu.vector_store %arg14[%swap3A_1276], %add3A_1275 {strides = array<i32>} : memref<16xf32, #tpu.memory_space<vmem>>, vector<16xf32>,
    %add3A_1278 = arith.constant 2 : i32
    %add3A_1279 = vector.broadcast %add3A_1278 : i32 to vector<16xi32>
    %add3A_1280 = arith.addi %iota3A_1255, %add3A_1279 : vector<16xi32>
    %and3A_1281 = arith.constant 15 : i32
    %and3A_1282 = vector.broadcast %and3A_1281 : i32 to vector<16xi32>
    %and3A_1283 = arith.andi %add3A_1280, %and3A_1282 : vector<16xi32>
    %gather3A_1284 = tpu.vector_load_idx %arg14[%and3A_1283] : memref<16xf32, #tpu.memory_space<vmem>>[vector<16xi32>], vector<16xf32>,
    %add3A_1285 = arith.addf %add3A_1275, %gather3A_1284 : vector<16xf32>
    %swap3A_1286 = arith.constant 0 : index
    %swap3A_1287 = tpu.vector_load %arg14[%swap3A_1286] {strides = array<i32>} : memref<16xf32, #tpu.memory_space<vmem>>, vector<16xf32>,
    tpu.vector_store %arg14[%swap3A_1286], %add3A_1285 {strides = array<i32>} : memref<16xf32, #tpu.memory_space<vmem>>, vector<16xf32>,
    %add3A_1288 = arith.constant 1 : i32
    %add3A_1289 = vector.broadcast %add3A_1288 : i32 to vector<16xi32>
    %add3A_1290 = arith.addi %iota3A_1255, %add3A_1289 : vector<16xi32>
    %and3A_1291 = arith.constant 15 : i32
    %and3A_1292 = vector.broadcast %and3A_1291 : i32 to vector<16xi32>
    %and3A_1293 = arith.andi %add3A_1290, %and3A_1292 : vector<16xi32>
    %gather3A_1294 = tpu.vector_load_idx %arg14[%and3A_1293] : memref<16xf32, #tpu.memory_space<vmem>>[vector<16xi32>], vector<16xf32>,
    %add3A_1295 = arith.addf %add3A_1285, %gather3A_1294 : vector<16xf32>
    %slice3A_1296 = vector.extract_strided_slice %add3A_1295 {offsets = [0], sizes = [1], strides = [1]} : vector<16xf32> to vector<1xf32>
    %squeeze3A_1297 = vector.extract %slice3A_1296[0] : f32 from vector<1xf32>
    %add3A_1298 = arith.addf %squeeze3A_1297, %squeeze3A_1253 : f32
    %mul3A_1299 = arith.mulf %add3A_1298, %add3A_1298 : f32
    %add3A_1300 = arith.addf %add3A_1251, %mul3A_1299 : f32
    %slice3A_1301 = vector.extract_strided_slice %get3A_35 {offsets = [2], sizes = [1], strides = [1]} : vector<16xf32> to vector<1xf32>
    %squeeze3A_1302 = vector.extract %slice3A_1301[0] : f32 from vector<1xf32>
    %add3A_1303 = arith.addf %scan3A_1201#2, %scan3A_1201#6 : vector<16xf32>
    %iota3A_1304 = tpu.iota {dimensions = array<i32: 0>} : vector<16xi32>
    %swap3A_1305 = arith.constant 0 : index
    %swap3A_1306 = tpu.vector_load %arg14[%swap3A_1305] {strides = array<i32>} : memref<16xf32, #tpu.memory_space<vmem>>, vector<16xf32>,
    tpu.vector_store %arg14[%swap3A_1305], %add3A_1303 {strides = array<i32>} : memref<16xf32, #tpu.memory_space<vmem>>, vector<16xf32>,
    %add3A_1307 = arith.constant 8 : i32
    %add3A_1308 = vector.broadcast %add3A_1307 : i32 to vector<16xi32>
    %add3A_1309 = arith.addi %iota3A_1304, %add3A_1308 : vector<16xi32>
    %and3A_1310 = arith.constant 15 : i32
    %and3A_1311 = vector.broadcast %and3A_1310 : i32 to vector<16xi32>
    %and3A_1312 = arith.andi %add3A_1309, %and3A_1311 : vector<16xi32>
    %gather3A_1313 = tpu.vector_load_idx %arg14[%and3A_1312] : memref<16xf32, #tpu.memory_space<vmem>>[vector<16xi32>], vector<16xf32>,
    %add3A_1314 = arith.addf %add3A_1303, %gather3A_1313 : vector<16xf32>
    %swap3A_1315 = arith.constant 0 : index
    %swap3A_1316 = tpu.vector_load %arg14[%swap3A_1315] {strides = array<i32>} : memref<16xf32, #tpu.memory_space<vmem>>, vector<16xf32>,
    tpu.vector_store %arg14[%swap3A_1315], %add3A_1314 {strides = array<i32>} : memref<16xf32, #tpu.memory_space<vmem>>, vector<16xf32>,
    %add3A_1317 = arith.constant 4 : i32
    %add3A_1318 = vector.broadcast %add3A_1317 : i32 to vector<16xi32>
    %add3A_1319 = arith.addi %iota3A_1304, %add3A_1318 : vector<16xi32>
    %and3A_1320 = arith.constant 15 : i32
    %and3A_1321 = vector.broadcast %and3A_1320 : i32 to vector<16xi32>
    %and3A_1322 = arith.andi %add3A_1319, %and3A_1321 : vector<16xi32>
    %gather3A_1323 = tpu.vector_load_idx %arg14[%and3A_1322] : memref<16xf32, #tpu.memory_space<vmem>>[vector<16xi32>], vector<16xf32>,
    %add3A_1324 = arith.addf %add3A_1314, %gather3A_1323 : vector<16xf32>
    %swap3A_1325 = arith.constant 0 : index
    %swap3A_1326 = tpu.vector_load %arg14[%swap3A_1325] {strides = array<i32>} : memref<16xf32, #tpu.memory_space<vmem>>, vector<16xf32>,
    tpu.vector_store %arg14[%swap3A_1325], %add3A_1324 {strides = array<i32>} : memref<16xf32, #tpu.memory_space<vmem>>, vector<16xf32>,
    %add3A_1327 = arith.constant 2 : i32
    %add3A_1328 = vector.broadcast %add3A_1327 : i32 to vector<16xi32>
    %add3A_1329 = arith.addi %iota3A_1304, %add3A_1328 : vector<16xi32>
    %and3A_1330 = arith.constant 15 : i32
    %and3A_1331 = vector.broadcast %and3A_1330 : i32 to vector<16xi32>
    %and3A_1332 = arith.andi %add3A_1329, %and3A_1331 : vector<16xi32>
    %gather3A_1333 = tpu.vector_load_idx %arg14[%and3A_1332] : memref<16xf32, #tpu.memory_space<vmem>>[vector<16xi32>], vector<16xf32>,
    %add3A_1334 = arith.addf %add3A_1324, %gather3A_1333 : vector<16xf32>
    %swap3A_1335 = arith.constant 0 : index
    %swap3A_1336 = tpu.vector_load %arg14[%swap3A_1335] {strides = array<i32>} : memref<16xf32, #tpu.memory_space<vmem>>, vector<16xf32>,
    tpu.vector_store %arg14[%swap3A_1335], %add3A_1334 {strides = array<i32>} : memref<16xf32, #tpu.memory_space<vmem>>, vector<16xf32>,
    %add3A_1337 = arith.constant 1 : i32
    %add3A_1338 = vector.broadcast %add3A_1337 : i32 to vector<16xi32>
    %add3A_1339 = arith.addi %iota3A_1304, %add3A_1338 : vector<16xi32>
    %and3A_1340 = arith.constant 15 : i32
    %and3A_1341 = vector.broadcast %and3A_1340 : i32 to vector<16xi32>
    %and3A_1342 = arith.andi %add3A_1339, %and3A_1341 : vector<16xi32>
    %gather3A_1343 = tpu.vector_load_idx %arg14[%and3A_1342] : memref<16xf32, #tpu.memory_space<vmem>>[vector<16xi32>], vector<16xf32>,
    %add3A_1344 = arith.addf %add3A_1334, %gather3A_1343 : vector<16xf32>
    %slice3A_1345 = vector.extract_strided_slice %add3A_1344 {offsets = [0], sizes = [1], strides = [1]} : vector<16xf32> to vector<1xf32>
    %squeeze3A_1346 = vector.extract %slice3A_1345[0] : f32 from vector<1xf32>
    %add3A_1347 = arith.addf %squeeze3A_1346, %squeeze3A_1302 : f32
    %mul3A_1348 = arith.mulf %add3A_1347, %add3A_1347 : f32
    %add3A_1349 = arith.addf %add3A_1300, %mul3A_1348 : f32
    %slice3A_1350 = vector.extract_strided_slice %get3A_35 {offsets = [3], sizes = [1], strides = [1]} : vector<16xf32> to vector<1xf32>
    %squeeze3A_1351 = vector.extract %slice3A_1350[0] : f32 from vector<1xf32>
    %add3A_1352 = arith.addf %scan3A_1201#3, %scan3A_1201#7 : vector<16xf32>
    %iota3A_1353 = tpu.iota {dimensions = array<i32: 0>} : vector<16xi32>
    %swap3A_1354 = arith.constant 0 : index
    %swap3A_1355 = tpu.vector_load %arg14[%swap3A_1354] {strides = array<i32>} : memref<16xf32, #tpu.memory_space<vmem>>, vector<16xf32>,
    tpu.vector_store %arg14[%swap3A_1354], %add3A_1352 {strides = array<i32>} : memref<16xf32, #tpu.memory_space<vmem>>, vector<16xf32>,
    %add3A_1356 = arith.constant 8 : i32
    %add3A_1357 = vector.broadcast %add3A_1356 : i32 to vector<16xi32>
    %add3A_1358 = arith.addi %iota3A_1353, %add3A_1357 : vector<16xi32>
    %and3A_1359 = arith.constant 15 : i32
    %and3A_1360 = vector.broadcast %and3A_1359 : i32 to vector<16xi32>
    %and3A_1361 = arith.andi %add3A_1358, %and3A_1360 : vector<16xi32>
    %gather3A_1362 = tpu.vector_load_idx %arg14[%and3A_1361] : memref<16xf32, #tpu.memory_space<vmem>>[vector<16xi32>], vector<16xf32>,
    %add3A_1363 = arith.addf %add3A_1352, %gather3A_1362 : vector<16xf32>
    %swap3A_1364 = arith.constant 0 : index
    %swap3A_1365 = tpu.vector_load %arg14[%swap3A_1364] {strides = array<i32>} : memref<16xf32, #tpu.memory_space<vmem>>, vector<16xf32>,
    tpu.vector_store %arg14[%swap3A_1364], %add3A_1363 {strides = array<i32>} : memref<16xf32, #tpu.memory_space<vmem>>, vector<16xf32>,
    %add3A_1366 = arith.constant 4 : i32
    %add3A_1367 = vector.broadcast %add3A_1366 : i32 to vector<16xi32>
    %add3A_1368 = arith.addi %iota3A_1353, %add3A_1367 : vector<16xi32>
    %and3A_1369 = arith.constant 15 : i32
    %and3A_1370 = vector.broadcast %and3A_1369 : i32 to vector<16xi32>
    %and3A_1371 = arith.andi %add3A_1368, %and3A_1370 : vector<16xi32>
    %gather3A_1372 = tpu.vector_load_idx %arg14[%and3A_1371] : memref<16xf32, #tpu.memory_space<vmem>>[vector<16xi32>], vector<16xf32>,
    %add3A_1373 = arith.addf %add3A_1363, %gather3A_1372 : vector<16xf32>
    %swap3A_1374 = arith.constant 0 : index
    %swap3A_1375 = tpu.vector_load %arg14[%swap3A_1374] {strides = array<i32>} : memref<16xf32, #tpu.memory_space<vmem>>, vector<16xf32>,
    tpu.vector_store %arg14[%swap3A_1374], %add3A_1373 {strides = array<i32>} : memref<16xf32, #tpu.memory_space<vmem>>, vector<16xf32>,
    %add3A_1376 = arith.constant 2 : i32
    %add3A_1377 = vector.broadcast %add3A_1376 : i32 to vector<16xi32>
    %add3A_1378 = arith.addi %iota3A_1353, %add3A_1377 : vector<16xi32>
    %and3A_1379 = arith.constant 15 : i32
    %and3A_1380 = vector.broadcast %and3A_1379 : i32 to vector<16xi32>
    %and3A_1381 = arith.andi %add3A_1378, %and3A_1380 : vector<16xi32>
    %gather3A_1382 = tpu.vector_load_idx %arg14[%and3A_1381] : memref<16xf32, #tpu.memory_space<vmem>>[vector<16xi32>], vector<16xf32>,
    %add3A_1383 = arith.addf %add3A_1373, %gather3A_1382 : vector<16xf32>
    %swap3A_1384 = arith.constant 0 : index
    %swap3A_1385 = tpu.vector_load %arg14[%swap3A_1384] {strides = array<i32>} : memref<16xf32, #tpu.memory_space<vmem>>, vector<16xf32>,
    tpu.vector_store %arg14[%swap3A_1384], %add3A_1383 {strides = array<i32>} : memref<16xf32, #tpu.memory_space<vmem>>, vector<16xf32>,
    %add3A_1386 = arith.constant 1 : i32
    %add3A_1387 = vector.broadcast %add3A_1386 : i32 to vector<16xi32>
    %add3A_1388 = arith.addi %iota3A_1353, %add3A_1387 : vector<16xi32>
    %and3A_1389 = arith.constant 15 : i32
    %and3A_1390 = vector.broadcast %and3A_1389 : i32 to vector<16xi32>
    %and3A_1391 = arith.andi %add3A_1388, %and3A_1390 : vector<16xi32>
    %gather3A_1392 = tpu.vector_load_idx %arg14[%and3A_1391] : memref<16xf32, #tpu.memory_space<vmem>>[vector<16xi32>], vector<16xf32>,
    %add3A_1393 = arith.addf %add3A_1383, %gather3A_1392 : vector<16xf32>
    %slice3A_1394 = vector.extract_strided_slice %add3A_1393 {offsets = [0], sizes = [1], strides = [1]} : vector<16xf32> to vector<1xf32>
    %squeeze3A_1395 = vector.extract %slice3A_1394[0] : f32 from vector<1xf32>
    %add3A_1396 = arith.addf %squeeze3A_1395, %squeeze3A_1351 : f32
    %mul3A_1397 = arith.mulf %add3A_1396, %add3A_1396 : f32
    %add3A_1398 = arith.addf %add3A_1349, %mul3A_1397 : f32
    %add3A_1399 = arith.constant 24 : i32
    %add3A_1400 = arith.addi %mul3A_2, %add3A_1399 : i32
    %dma_start3A_1401 = arith.constant 0 : i32
    %dma_start3A_1402 = arith.constant 0 : i32
    %dma_start3A_1403 = arith.constant 0 : i32
    %dma_start3A_1404 = tpu.memref_slice %arg11[%dma_start3A_1401, %dma_start3A_1402, %dma_start3A_1403] : memref<2x4x4096xf32, #tpu.memory_space<vmem>> -> memref<1x4x4096xf32, #tpu.memory_space<vmem>>
    %dma_start3A_1405 = tpu.memref_squeeze %dma_start3A_1404 : memref<1x4x4096xf32, #tpu.memory_space<vmem>> -> memref<4x4096xf32, #tpu.memory_space<vmem>>
    %dma_start3A_1406 = arith.constant 0 : i32
    %dma_start3A_1407 = tpu.memref_slice %arg2[%add3A_1400, %dma_start3A_1406] : memref<4096x4096xf32, #tpu.memory_space<hbm>> -> memref<4x4096xf32, #tpu.memory_space<hbm>>
    %dma_start3A_1408 = arith.constant 0 : i32
    %dma_start3A_1409 = arith.constant 0 : i32
    %dma_start3A_1410 = tpu.memref_slice %arg11[%dma_start3A_1401, %dma_start3A_1408, %dma_start3A_1409] : memref<2x4x4096xf32, #tpu.memory_space<vmem>> -> memref<1x4x4096xf32, #tpu.memory_space<vmem>>
    %dma_start3A_1411 = tpu.memref_squeeze %dma_start3A_1410 : memref<1x4x4096xf32, #tpu.memory_space<vmem>> -> memref<4x4096xf32, #tpu.memory_space<vmem>>
    %dma_start3A_1412 = arith.constant 0 : i32
    %dma_start3A_1413 = tpu.memref_slice %arg2[%add3A_1400, %dma_start3A_1412] : memref<4096x4096xf32, #tpu.memory_space<hbm>> -> memref<4x4096xf32, #tpu.memory_space<hbm>>
    tpu.enqueue_dma source(%dma_start3A_1413 : memref<4x4096xf32, #tpu.memory_space<hbm>>) target(%dma_start3A_1411 : memref<4x4096xf32, #tpu.memory_space<vmem>>) target_semaphore(%arg18 : memref<!tpu.dma_semaphore, #tpu.memory_space<semaphore_mem>>)
    %dma_start3A_1414 = arith.constant 0 : i32
    %dma_start3A_1415 = arith.constant 0 : i32
    %dma_start3A_1416 = arith.constant 0 : i32
    %dma_start3A_1417 = tpu.memref_slice %arg12[%dma_start3A_1414, %dma_start3A_1415, %dma_start3A_1416] : memref<2x4x4096xf32, #tpu.memory_space<vmem>> -> memref<1x4x4096xf32, #tpu.memory_space<vmem>>
    %dma_start3A_1418 = tpu.memref_squeeze %dma_start3A_1417 : memref<1x4x4096xf32, #tpu.memory_space<vmem>> -> memref<4x4096xf32, #tpu.memory_space<vmem>>
    %dma_start3A_1419 = arith.constant 0 : i32
    %dma_start3A_1420 = tpu.memref_slice %arg3[%add3A_1400, %dma_start3A_1419] : memref<4096x4096xf32, #tpu.memory_space<hbm>> -> memref<4x4096xf32, #tpu.memory_space<hbm>>
    %dma_start3A_1421 = arith.constant 0 : i32
    %dma_start3A_1422 = arith.constant 0 : i32
    %dma_start3A_1423 = tpu.memref_slice %arg12[%dma_start3A_1414, %dma_start3A_1421, %dma_start3A_1422] : memref<2x4x4096xf32, #tpu.memory_space<vmem>> -> memref<1x4x4096xf32, #tpu.memory_space<vmem>>
    %dma_start3A_1424 = tpu.memref_squeeze %dma_start3A_1423 : memref<1x4x4096xf32, #tpu.memory_space<vmem>> -> memref<4x4096xf32, #tpu.memory_space<vmem>>
    %dma_start3A_1425 = arith.constant 0 : i32
    %dma_start3A_1426 = tpu.memref_slice %arg3[%add3A_1400, %dma_start3A_1425] : memref<4096x4096xf32, #tpu.memory_space<hbm>> -> memref<4x4096xf32, #tpu.memory_space<hbm>>
    tpu.enqueue_dma source(%dma_start3A_1426 : memref<4x4096xf32, #tpu.memory_space<hbm>>) target(%dma_start3A_1424 : memref<4x4096xf32, #tpu.memory_space<vmem>>) target_semaphore(%arg20 : memref<!tpu.dma_semaphore, #tpu.memory_space<semaphore_mem>>)
    %dma_wait3A_1427 = arith.constant 1 : i32
    %dma_wait3A_1428 = arith.constant 0 : i32
    %dma_wait3A_1429 = arith.constant 0 : i32
    %dma_wait3A_1430 = tpu.memref_slice %arg11[%dma_wait3A_1427, %dma_wait3A_1428, %dma_wait3A_1429] : memref<2x4x4096xf32, #tpu.memory_space<vmem>> -> memref<1x4x4096xf32, #tpu.memory_space<vmem>>
    %dma_wait3A_1431 = tpu.memref_squeeze %dma_wait3A_1430 : memref<1x4x4096xf32, #tpu.memory_space<vmem>> -> memref<4x4096xf32, #tpu.memory_space<vmem>>
    %dma_wait3A_1432 = arith.constant 0 : i32
    %dma_wait3A_1433 = tpu.memref_slice %arg2[%add3A_1126, %dma_wait3A_1432] : memref<4096x4096xf32, #tpu.memory_space<hbm>> -> memref<4x4096xf32, #tpu.memory_space<hbm>>
    %dma_wait3A_1434 = arith.constant 0 : i32
    %dma_wait3A_1435 = arith.constant 0 : i32
    %dma_wait3A_1436 = tpu.memref_slice %arg11[%dma_wait3A_1427, %dma_wait3A_1434, %dma_wait3A_1435] : memref<2x4x4096xf32, #tpu.memory_space<vmem>> -> memref<1x4x4096xf32, #tpu.memory_space<vmem>>
    %dma_wait3A_1437 = tpu.memref_squeeze %dma_wait3A_1436 : memref<1x4x4096xf32, #tpu.memory_space<vmem>> -> memref<4x4096xf32, #tpu.memory_space<vmem>>
    %dma_wait3A_1438 = arith.constant 0 : i32
    %dma_wait3A_1439 = tpu.memref_slice %arg2[%add3A_1126, %dma_wait3A_1438] : memref<4096x4096xf32, #tpu.memory_space<hbm>> -> memref<4x4096xf32, #tpu.memory_space<hbm>>
    tpu.wait_dma2 semaphore(%arg19 : memref<!tpu.dma_semaphore, #tpu.memory_space<semaphore_mem>>) src(%dma_wait3A_1439 : memref<4x4096xf32, #tpu.memory_space<hbm>>) dst(%dma_wait3A_1437 : memref<4x4096xf32, #tpu.memory_space<vmem>>)
    %dma_wait3A_1440 = arith.constant 1 : i32
    %dma_wait3A_1441 = arith.constant 0 : i32
    %dma_wait3A_1442 = arith.constant 0 : i32
    %dma_wait3A_1443 = tpu.memref_slice %arg12[%dma_wait3A_1440, %dma_wait3A_1441, %dma_wait3A_1442] : memref<2x4x4096xf32, #tpu.memory_space<vmem>> -> memref<1x4x4096xf32, #tpu.memory_space<vmem>>
    %dma_wait3A_1444 = tpu.memref_squeeze %dma_wait3A_1443 : memref<1x4x4096xf32, #tpu.memory_space<vmem>> -> memref<4x4096xf32, #tpu.memory_space<vmem>>
    %dma_wait3A_1445 = arith.constant 0 : i32
    %dma_wait3A_1446 = tpu.memref_slice %arg3[%add3A_1126, %dma_wait3A_1445] : memref<4096x4096xf32, #tpu.memory_space<hbm>> -> memref<4x4096xf32, #tpu.memory_space<hbm>>
    %dma_wait3A_1447 = arith.constant 0 : i32
    %dma_wait3A_1448 = arith.constant 0 : i32
    %dma_wait3A_1449 = tpu.memref_slice %arg12[%dma_wait3A_1440, %dma_wait3A_1447, %dma_wait3A_1448] : memref<2x4x4096xf32, #tpu.memory_space<vmem>> -> memref<1x4x4096xf32, #tpu.memory_space<vmem>>
    %dma_wait3A_1450 = tpu.memref_squeeze %dma_wait3A_1449 : memref<1x4x4096xf32, #tpu.memory_space<vmem>> -> memref<4x4096xf32, #tpu.memory_space<vmem>>
    %dma_wait3A_1451 = arith.constant 0 : i32
    %dma_wait3A_1452 = tpu.memref_slice %arg3[%add3A_1126, %dma_wait3A_1451] : memref<4096x4096xf32, #tpu.memory_space<hbm>> -> memref<4x4096xf32, #tpu.memory_space<hbm>>
    tpu.wait_dma2 semaphore(%arg21 : memref<!tpu.dma_semaphore, #tpu.memory_space<semaphore_mem>>) src(%dma_wait3A_1452 : memref<4x4096xf32, #tpu.memory_space<hbm>>) dst(%dma_wait3A_1450 : memref<4x4096xf32, #tpu.memory_space<vmem>>)
    %broadcast_in_dim3A_1453 = arith.constant 0.000000e+00 : f32
    %broadcast_in_dim3A_1454 = vector.broadcast %broadcast_in_dim3A_1453 : f32 to vector<16xf32>
    %broadcast_in_dim3A_1455 = arith.constant 0.000000e+00 : f32
    %broadcast_in_dim3A_1456 = vector.broadcast %broadcast_in_dim3A_1455 : f32 to vector<16xf32>
    %broadcast_in_dim3A_1457 = arith.constant 0.000000e+00 : f32
    %broadcast_in_dim3A_1458 = vector.broadcast %broadcast_in_dim3A_1457 : f32 to vector<16xf32>
    %broadcast_in_dim3A_1459 = arith.constant 0.000000e+00 : f32
    %broadcast_in_dim3A_1460 = vector.broadcast %broadcast_in_dim3A_1459 : f32 to vector<16xf32>
    %broadcast_in_dim3A_1461 = arith.constant 0.000000e+00 : f32
    %broadcast_in_dim3A_1462 = vector.broadcast %broadcast_in_dim3A_1461 : f32 to vector<16xf32>
    %broadcast_in_dim3A_1463 = arith.constant 0.000000e+00 : f32
    %broadcast_in_dim3A_1464 = vector.broadcast %broadcast_in_dim3A_1463 : f32 to vector<16xf32>
    %broadcast_in_dim3A_1465 = arith.constant 0.000000e+00 : f32
    %broadcast_in_dim3A_1466 = vector.broadcast %broadcast_in_dim3A_1465 : f32 to vector<16xf32>
    %broadcast_in_dim3A_1467 = arith.constant 0.000000e+00 : f32
    %broadcast_in_dim3A_1468 = vector.broadcast %broadcast_in_dim3A_1467 : f32 to vector<16xf32>
    %scan3A_1469 = arith.constant 1 : i32
    %scan3A_1470 = arith.constant 1 : i32
    %scan3A_1471 = arith.constant 0 : i32
    %scan3A_1472 = arith.constant 128 : i32
    %scan3A_1473 = arith.addi %scan3A_1471, %scan3A_1472 : i32
    %scan3A_1474 = arith.constant 1 : i32
    %scan3A_1475:8 = scf.for %scan3A_2198 = %scan3A_1471 to %scan3A_1473 step %scan3A_1474 iter_args(%scan3A_2199 = %broadcast_in_dim3A_1454, %scan3A_2200 = %broadcast_in_dim3A_1456, %scan3A_2201 = %broadcast_in_dim3A_1458, %scan3A_2202 = %broadcast_in_dim3A_1460, %scan3A_2203 = %broadcast_in_dim3A_1462, %scan3A_2204 = %broadcast_in_dim3A_1464, %scan3A_2205 = %broadcast_in_dim3A_1466, %scan3A_2206 = %broadcast_in_dim3A_1468) -> (vector<16xf32>, vector<16xf32>, vector<16xf32>, vector<16xf32>, vector<16xf32>, vector<16xf32>, vector<16xf32>, vector<16xf32>)  : i32 {
      %mul3A_2207 = arith.constant 32 : i32
      %mul3A_2208 = arith.muli %scan3A_2198, %mul3A_2207 : i32
      %add3A_2209 = arith.constant 0 : i32
      %add3A_2210 = arith.addi %mul3A_2208, %add3A_2209 : i32
      %get3A_2211 = arith.index_cast %add3A_2210 : i32 to index
      %get3A_2212 = tpu.vector_load %arg8[%get3A_2211] {strides = array<i32>} : memref<4096xf32, #tpu.memory_space<vmem>>, vector<16xf32>,
      %get3A_2213 = arith.index_cast %add3A_2210 : i32 to index
      %get3A_2214 = tpu.vector_load %arg9[%get3A_2213] {strides = array<i32>} : memref<4096xf32, #tpu.memory_space<vmem>>, vector<16xf32>,
      %get3A_2215 = arith.constant 0 : i32
      %get3A_2216 = arith.constant 0 : i32
      %get3A_2217 = arith.constant 0 : i32
      %get3A_2218 = tpu.memref_slice %arg11[%scan3A_1469, %get3A_2216, %get3A_2217] : memref<2x4x4096xf32, #tpu.memory_space<vmem>> -> memref<1x4x4096xf32, #tpu.memory_space<vmem>>
      %get3A_2219 = tpu.memref_squeeze %get3A_2218 : memref<1x4x4096xf32, #tpu.memory_space<vmem>> -> memref<4x4096xf32, #tpu.memory_space<vmem>>
      %get3A_2220 = arith.index_cast %get3A_2215 : i32 to index
      %get3A_2221 = arith.index_cast %add3A_2210 : i32 to index
      %get3A_2222 = tpu.vector_load %get3A_2219[%get3A_2220, %get3A_2221] {strides = array<i32>} : memref<4x4096xf32, #tpu.memory_space<vmem>>, vector<16xf32>,
      %mul3A_2223 = arith.mulf %get3A_2222, %get3A_2212 : vector<16xf32>
      %add3A_2224 = arith.addf %scan3A_2199, %mul3A_2223 : vector<16xf32>
      %get3A_2225 = arith.constant 0 : i32
      %get3A_2226 = arith.constant 0 : i32
      %get3A_2227 = arith.constant 0 : i32
      %get3A_2228 = tpu.memref_slice %arg12[%scan3A_1470, %get3A_2226, %get3A_2227] : memref<2x4x4096xf32, #tpu.memory_space<vmem>> -> memref<1x4x4096xf32, #tpu.memory_space<vmem>>
      %get3A_2229 = tpu.memref_squeeze %get3A_2228 : memref<1x4x4096xf32, #tpu.memory_space<vmem>> -> memref<4x4096xf32, #tpu.memory_space<vmem>>
      %get3A_2230 = arith.index_cast %get3A_2225 : i32 to index
      %get3A_2231 = arith.index_cast %add3A_2210 : i32 to index
      %get3A_2232 = tpu.vector_load %get3A_2229[%get3A_2230, %get3A_2231] {strides = array<i32>} : memref<4x4096xf32, #tpu.memory_space<vmem>>, vector<16xf32>,
      %mul3A_2233 = arith.mulf %get3A_2232, %get3A_2214 : vector<16xf32>
      %add3A_2234 = arith.addf %scan3A_2203, %mul3A_2233 : vector<16xf32>
      %get3A_2235 = arith.constant 1 : i32
      %get3A_2236 = arith.constant 0 : i32
      %get3A_2237 = arith.constant 0 : i32
      %get3A_2238 = tpu.memref_slice %arg11[%scan3A_1469, %get3A_2236, %get3A_2237] : memref<2x4x4096xf32, #tpu.memory_space<vmem>> -> memref<1x4x4096xf32, #tpu.memory_space<vmem>>
      %get3A_2239 = tpu.memref_squeeze %get3A_2238 : memref<1x4x4096xf32, #tpu.memory_space<vmem>> -> memref<4x4096xf32, #tpu.memory_space<vmem>>
      %get3A_2240 = arith.index_cast %get3A_2235 : i32 to index
      %get3A_2241 = arith.index_cast %add3A_2210 : i32 to index
      %get3A_2242 = tpu.vector_load %get3A_2239[%get3A_2240, %get3A_2241] {strides = array<i32>} : memref<4x4096xf32, #tpu.memory_space<vmem>>, vector<16xf32>,
      %mul3A_2243 = arith.mulf %get3A_2242, %get3A_2212 : vector<16xf32>
      %add3A_2244 = arith.addf %scan3A_2200, %mul3A_2243 : vector<16xf32>
      %get3A_2245 = arith.constant 1 : i32
      %get3A_2246 = arith.constant 0 : i32
      %get3A_2247 = arith.constant 0 : i32
      %get3A_2248 = tpu.memref_slice %arg12[%scan3A_1470, %get3A_2246, %get3A_2247] : memref<2x4x4096xf32, #tpu.memory_space<vmem>> -> memref<1x4x4096xf32, #tpu.memory_space<vmem>>
      %get3A_2249 = tpu.memref_squeeze %get3A_2248 : memref<1x4x4096xf32, #tpu.memory_space<vmem>> -> memref<4x4096xf32, #tpu.memory_space<vmem>>
      %get3A_2250 = arith.index_cast %get3A_2245 : i32 to index
      %get3A_2251 = arith.index_cast %add3A_2210 : i32 to index
      %get3A_2252 = tpu.vector_load %get3A_2249[%get3A_2250, %get3A_2251] {strides = array<i32>} : memref<4x4096xf32, #tpu.memory_space<vmem>>, vector<16xf32>,
      %mul3A_2253 = arith.mulf %get3A_2252, %get3A_2214 : vector<16xf32>
      %add3A_2254 = arith.addf %scan3A_2204, %mul3A_2253 : vector<16xf32>
      %get3A_2255 = arith.constant 2 : i32
      %get3A_2256 = arith.constant 0 : i32
      %get3A_2257 = arith.constant 0 : i32
      %get3A_2258 = tpu.memref_slice %arg11[%scan3A_1469, %get3A_2256, %get3A_2257] : memref<2x4x4096xf32, #tpu.memory_space<vmem>> -> memref<1x4x4096xf32, #tpu.memory_space<vmem>>
      %get3A_2259 = tpu.memref_squeeze %get3A_2258 : memref<1x4x4096xf32, #tpu.memory_space<vmem>> -> memref<4x4096xf32, #tpu.memory_space<vmem>>
      %get3A_2260 = arith.index_cast %get3A_2255 : i32 to index
      %get3A_2261 = arith.index_cast %add3A_2210 : i32 to index
      %get3A_2262 = tpu.vector_load %get3A_2259[%get3A_2260, %get3A_2261] {strides = array<i32>} : memref<4x4096xf32, #tpu.memory_space<vmem>>, vector<16xf32>,
      %mul3A_2263 = arith.mulf %get3A_2262, %get3A_2212 : vector<16xf32>
      %add3A_2264 = arith.addf %scan3A_2201, %mul3A_2263 : vector<16xf32>
      %get3A_2265 = arith.constant 2 : i32
      %get3A_2266 = arith.constant 0 : i32
      %get3A_2267 = arith.constant 0 : i32
      %get3A_2268 = tpu.memref_slice %arg12[%scan3A_1470, %get3A_2266, %get3A_2267] : memref<2x4x4096xf32, #tpu.memory_space<vmem>> -> memref<1x4x4096xf32, #tpu.memory_space<vmem>>
      %get3A_2269 = tpu.memref_squeeze %get3A_2268 : memref<1x4x4096xf32, #tpu.memory_space<vmem>> -> memref<4x4096xf32, #tpu.memory_space<vmem>>
      %get3A_2270 = arith.index_cast %get3A_2265 : i32 to index
      %get3A_2271 = arith.index_cast %add3A_2210 : i32 to index
      %get3A_2272 = tpu.vector_load %get3A_2269[%get3A_2270, %get3A_2271] {strides = array<i32>} : memref<4x4096xf32, #tpu.memory_space<vmem>>, vector<16xf32>,
      %mul3A_2273 = arith.mulf %get3A_2272, %get3A_2214 : vector<16xf32>
      %add3A_2274 = arith.addf %scan3A_2205, %mul3A_2273 : vector<16xf32>
      %get3A_2275 = arith.constant 3 : i32
      %get3A_2276 = arith.constant 0 : i32
      %get3A_2277 = arith.constant 0 : i32
      %get3A_2278 = tpu.memref_slice %arg11[%scan3A_1469, %get3A_2276, %get3A_2277] : memref<2x4x4096xf32, #tpu.memory_space<vmem>> -> memref<1x4x4096xf32, #tpu.memory_space<vmem>>
      %get3A_2279 = tpu.memref_squeeze %get3A_2278 : memref<1x4x4096xf32, #tpu.memory_space<vmem>> -> memref<4x4096xf32, #tpu.memory_space<vmem>>
      %get3A_2280 = arith.index_cast %get3A_2275 : i32 to index
      %get3A_2281 = arith.index_cast %add3A_2210 : i32 to index
      %get3A_2282 = tpu.vector_load %get3A_2279[%get3A_2280, %get3A_2281] {strides = array<i32>} : memref<4x4096xf32, #tpu.memory_space<vmem>>, vector<16xf32>,
      %mul3A_2283 = arith.mulf %get3A_2282, %get3A_2212 : vector<16xf32>
      %add3A_2284 = arith.addf %scan3A_2202, %mul3A_2283 : vector<16xf32>
      %get3A_2285 = arith.constant 3 : i32
      %get3A_2286 = arith.constant 0 : i32
      %get3A_2287 = arith.constant 0 : i32
      %get3A_2288 = tpu.memref_slice %arg12[%scan3A_1470, %get3A_2286, %get3A_2287] : memref<2x4x4096xf32, #tpu.memory_space<vmem>> -> memref<1x4x4096xf32, #tpu.memory_space<vmem>>
      %get3A_2289 = tpu.memref_squeeze %get3A_2288 : memref<1x4x4096xf32, #tpu.memory_space<vmem>> -> memref<4x4096xf32, #tpu.memory_space<vmem>>
      %get3A_2290 = arith.index_cast %get3A_2285 : i32 to index
      %get3A_2291 = arith.index_cast %add3A_2210 : i32 to index
      %get3A_2292 = tpu.vector_load %get3A_2289[%get3A_2290, %get3A_2291] {strides = array<i32>} : memref<4x4096xf32, #tpu.memory_space<vmem>>, vector<16xf32>,
      %mul3A_2293 = arith.mulf %get3A_2292, %get3A_2214 : vector<16xf32>
      %add3A_2294 = arith.addf %scan3A_2206, %mul3A_2293 : vector<16xf32>
      %add3A_2295 = arith.constant 16 : i32
      %add3A_2296 = arith.addi %mul3A_2208, %add3A_2295 : i32
      %get3A_2297 = arith.index_cast %add3A_2296 : i32 to index
      %get3A_2298 = tpu.vector_load %arg8[%get3A_2297] {strides = array<i32>} : memref<4096xf32, #tpu.memory_space<vmem>>, vector<16xf32>,
      %get3A_2299 = arith.index_cast %add3A_2296 : i32 to index
      %get3A_2300 = tpu.vector_load %arg9[%get3A_2299] {strides = array<i32>} : memref<4096xf32, #tpu.memory_space<vmem>>, vector<16xf32>,
      %get3A_2301 = arith.constant 0 : i32
      %get3A_2302 = arith.constant 0 : i32
      %get3A_2303 = arith.constant 0 : i32
      %get3A_2304 = tpu.memref_slice %arg11[%scan3A_1469, %get3A_2302, %get3A_2303] : memref<2x4x4096xf32, #tpu.memory_space<vmem>> -> memref<1x4x4096xf32, #tpu.memory_space<vmem>>
      %get3A_2305 = tpu.memref_squeeze %get3A_2304 : memref<1x4x4096xf32, #tpu.memory_space<vmem>> -> memref<4x4096xf32, #tpu.memory_space<vmem>>
      %get3A_2306 = arith.index_cast %get3A_2301 : i32 to index
      %get3A_2307 = arith.index_cast %add3A_2296 : i32 to index
      %get3A_2308 = tpu.vector_load %get3A_2305[%get3A_2306, %get3A_2307] {strides = array<i32>} : memref<4x4096xf32, #tpu.memory_space<vmem>>, vector<16xf32>,
      %mul3A_2309 = arith.mulf %get3A_2308, %get3A_2298 : vector<16xf32>
      %add3A_2310 = arith.addf %add3A_2224, %mul3A_2309 : vector<16xf32>
      %get3A_2311 = arith.constant 0 : i32
      %get3A_2312 = arith.constant 0 : i32
      %get3A_2313 = arith.constant 0 : i32
      %get3A_2314 = tpu.memref_slice %arg12[%scan3A_1470, %get3A_2312, %get3A_2313] : memref<2x4x4096xf32, #tpu.memory_space<vmem>> -> memref<1x4x4096xf32, #tpu.memory_space<vmem>>
      %get3A_2315 = tpu.memref_squeeze %get3A_2314 : memref<1x4x4096xf32, #tpu.memory_space<vmem>> -> memref<4x4096xf32, #tpu.memory_space<vmem>>
      %get3A_2316 = arith.index_cast %get3A_2311 : i32 to index
      %get3A_2317 = arith.index_cast %add3A_2296 : i32 to index
      %get3A_2318 = tpu.vector_load %get3A_2315[%get3A_2316, %get3A_2317] {strides = array<i32>} : memref<4x4096xf32, #tpu.memory_space<vmem>>, vector<16xf32>,
      %mul3A_2319 = arith.mulf %get3A_2318, %get3A_2300 : vector<16xf32>
      %add3A_2320 = arith.addf %add3A_2234, %mul3A_2319 : vector<16xf32>
      %get3A_2321 = arith.constant 1 : i32
      %get3A_2322 = arith.constant 0 : i32
      %get3A_2323 = arith.constant 0 : i32
      %get3A_2324 = tpu.memref_slice %arg11[%scan3A_1469, %get3A_2322, %get3A_2323] : memref<2x4x4096xf32, #tpu.memory_space<vmem>> -> memref<1x4x4096xf32, #tpu.memory_space<vmem>>
      %get3A_2325 = tpu.memref_squeeze %get3A_2324 : memref<1x4x4096xf32, #tpu.memory_space<vmem>> -> memref<4x4096xf32, #tpu.memory_space<vmem>>
      %get3A_2326 = arith.index_cast %get3A_2321 : i32 to index
      %get3A_2327 = arith.index_cast %add3A_2296 : i32 to index
      %get3A_2328 = tpu.vector_load %get3A_2325[%get3A_2326, %get3A_2327] {strides = array<i32>} : memref<4x4096xf32, #tpu.memory_space<vmem>>, vector<16xf32>,
      %mul3A_2329 = arith.mulf %get3A_2328, %get3A_2298 : vector<16xf32>
      %add3A_2330 = arith.addf %add3A_2244, %mul3A_2329 : vector<16xf32>
      %get3A_2331 = arith.constant 1 : i32
      %get3A_2332 = arith.constant 0 : i32
      %get3A_2333 = arith.constant 0 : i32
      %get3A_2334 = tpu.memref_slice %arg12[%scan3A_1470, %get3A_2332, %get3A_2333] : memref<2x4x4096xf32, #tpu.memory_space<vmem>> -> memref<1x4x4096xf32, #tpu.memory_space<vmem>>
      %get3A_2335 = tpu.memref_squeeze %get3A_2334 : memref<1x4x4096xf32, #tpu.memory_space<vmem>> -> memref<4x4096xf32, #tpu.memory_space<vmem>>
      %get3A_2336 = arith.index_cast %get3A_2331 : i32 to index
      %get3A_2337 = arith.index_cast %add3A_2296 : i32 to index
      %get3A_2338 = tpu.vector_load %get3A_2335[%get3A_2336, %get3A_2337] {strides = array<i32>} : memref<4x4096xf32, #tpu.memory_space<vmem>>, vector<16xf32>,
      %mul3A_2339 = arith.mulf %get3A_2338, %get3A_2300 : vector<16xf32>
      %add3A_2340 = arith.addf %add3A_2254, %mul3A_2339 : vector<16xf32>
      %get3A_2341 = arith.constant 2 : i32
      %get3A_2342 = arith.constant 0 : i32
      %get3A_2343 = arith.constant 0 : i32
      %get3A_2344 = tpu.memref_slice %arg11[%scan3A_1469, %get3A_2342, %get3A_2343] : memref<2x4x4096xf32, #tpu.memory_space<vmem>> -> memref<1x4x4096xf32, #tpu.memory_space<vmem>>
      %get3A_2345 = tpu.memref_squeeze %get3A_2344 : memref<1x4x4096xf32, #tpu.memory_space<vmem>> -> memref<4x4096xf32, #tpu.memory_space<vmem>>
      %get3A_2346 = arith.index_cast %get3A_2341 : i32 to index
      %get3A_2347 = arith.index_cast %add3A_2296 : i32 to index
      %get3A_2348 = tpu.vector_load %get3A_2345[%get3A_2346, %get3A_2347] {strides = array<i32>} : memref<4x4096xf32, #tpu.memory_space<vmem>>, vector<16xf32>,
      %mul3A_2349 = arith.mulf %get3A_2348, %get3A_2298 : vector<16xf32>
      %add3A_2350 = arith.addf %add3A_2264, %mul3A_2349 : vector<16xf32>
      %get3A_2351 = arith.constant 2 : i32
      %get3A_2352 = arith.constant 0 : i32
      %get3A_2353 = arith.constant 0 : i32
      %get3A_2354 = tpu.memref_slice %arg12[%scan3A_1470, %get3A_2352, %get3A_2353] : memref<2x4x4096xf32, #tpu.memory_space<vmem>> -> memref<1x4x4096xf32, #tpu.memory_space<vmem>>
      %get3A_2355 = tpu.memref_squeeze %get3A_2354 : memref<1x4x4096xf32, #tpu.memory_space<vmem>> -> memref<4x4096xf32, #tpu.memory_space<vmem>>
      %get3A_2356 = arith.index_cast %get3A_2351 : i32 to index
      %get3A_2357 = arith.index_cast %add3A_2296 : i32 to index
      %get3A_2358 = tpu.vector_load %get3A_2355[%get3A_2356, %get3A_2357] {strides = array<i32>} : memref<4x4096xf32, #tpu.memory_space<vmem>>, vector<16xf32>,
      %mul3A_2359 = arith.mulf %get3A_2358, %get3A_2300 : vector<16xf32>
      %add3A_2360 = arith.addf %add3A_2274, %mul3A_2359 : vector<16xf32>
      %get3A_2361 = arith.constant 3 : i32
      %get3A_2362 = arith.constant 0 : i32
      %get3A_2363 = arith.constant 0 : i32
      %get3A_2364 = tpu.memref_slice %arg11[%scan3A_1469, %get3A_2362, %get3A_2363] : memref<2x4x4096xf32, #tpu.memory_space<vmem>> -> memref<1x4x4096xf32, #tpu.memory_space<vmem>>
      %get3A_2365 = tpu.memref_squeeze %get3A_2364 : memref<1x4x4096xf32, #tpu.memory_space<vmem>> -> memref<4x4096xf32, #tpu.memory_space<vmem>>
      %get3A_2366 = arith.index_cast %get3A_2361 : i32 to index
      %get3A_2367 = arith.index_cast %add3A_2296 : i32 to index
      %get3A_2368 = tpu.vector_load %get3A_2365[%get3A_2366, %get3A_2367] {strides = array<i32>} : memref<4x4096xf32, #tpu.memory_space<vmem>>, vector<16xf32>,
      %mul3A_2369 = arith.mulf %get3A_2368, %get3A_2298 : vector<16xf32>
      %add3A_2370 = arith.addf %add3A_2284, %mul3A_2369 : vector<16xf32>
      %get3A_2371 = arith.constant 3 : i32
      %get3A_2372 = arith.constant 0 : i32
      %get3A_2373 = arith.constant 0 : i32
      %get3A_2374 = tpu.memref_slice %arg12[%scan3A_1470, %get3A_2372, %get3A_2373] : memref<2x4x4096xf32, #tpu.memory_space<vmem>> -> memref<1x4x4096xf32, #tpu.memory_space<vmem>>
      %get3A_2375 = tpu.memref_squeeze %get3A_2374 : memref<1x4x4096xf32, #tpu.memory_space<vmem>> -> memref<4x4096xf32, #tpu.memory_space<vmem>>
      %get3A_2376 = arith.index_cast %get3A_2371 : i32 to index
      %get3A_2377 = arith.index_cast %add3A_2296 : i32 to index
      %get3A_2378 = tpu.vector_load %get3A_2375[%get3A_2376, %get3A_2377] {strides = array<i32>} : memref<4x4096xf32, #tpu.memory_space<vmem>>, vector<16xf32>,
      %mul3A_2379 = arith.mulf %get3A_2378, %get3A_2300 : vector<16xf32>
      %add3A_2380 = arith.addf %add3A_2294, %mul3A_2379 : vector<16xf32>
      scf.yield %add3A_2310, %add3A_2330, %add3A_2350, %add3A_2370, %add3A_2320, %add3A_2340, %add3A_2360, %add3A_2380 : vector<16xf32>, vector<16xf32>, vector<16xf32>, vector<16xf32>, vector<16xf32>, vector<16xf32>, vector<16xf32>, vector<16xf32>
    }
    %scan3A_1476 = arith.constant 128 : i32
    %slice3A_1477 = vector.extract_strided_slice %get3A_35 {offsets = [4], sizes = [1], strides = [1]} : vector<16xf32> to vector<1xf32>
    %squeeze3A_1478 = vector.extract %slice3A_1477[0] : f32 from vector<1xf32>
    %add3A_1479 = arith.addf %scan3A_1475#0, %scan3A_1475#4 : vector<16xf32>
    %iota3A_1480 = tpu.iota {dimensions = array<i32: 0>} : vector<16xi32>
    %swap3A_1481 = arith.constant 0 : index
    %swap3A_1482 = tpu.vector_load %arg14[%swap3A_1481] {strides = array<i32>} : memref<16xf32, #tpu.memory_space<vmem>>, vector<16xf32>,
    tpu.vector_store %arg14[%swap3A_1481], %add3A_1479 {strides = array<i32>} : memref<16xf32, #tpu.memory_space<vmem>>, vector<16xf32>,
    %add3A_1483 = arith.constant 8 : i32
    %add3A_1484 = vector.broadcast %add3A_1483 : i32 to vector<16xi32>
    %add3A_1485 = arith.addi %iota3A_1480, %add3A_1484 : vector<16xi32>
    %and3A_1486 = arith.constant 15 : i32
    %and3A_1487 = vector.broadcast %and3A_1486 : i32 to vector<16xi32>
    %and3A_1488 = arith.andi %add3A_1485, %and3A_1487 : vector<16xi32>
    %gather3A_1489 = tpu.vector_load_idx %arg14[%and3A_1488] : memref<16xf32, #tpu.memory_space<vmem>>[vector<16xi32>], vector<16xf32>,
    %add3A_1490 = arith.addf %add3A_1479, %gather3A_1489 : vector<16xf32>
    %swap3A_1491 = arith.constant 0 : index
    %swap3A_1492 = tpu.vector_load %arg14[%swap3A_1491] {strides = array<i32>} : memref<16xf32, #tpu.memory_space<vmem>>, vector<16xf32>,
    tpu.vector_store %arg14[%swap3A_1491], %add3A_1490 {strides = array<i32>} : memref<16xf32, #tpu.memory_space<vmem>>, vector<16xf32>,
    %add3A_1493 = arith.constant 4 : i32
    %add3A_1494 = vector.broadcast %add3A_1493 : i32 to vector<16xi32>
    %add3A_1495 = arith.addi %iota3A_1480, %add3A_1494 : vector<16xi32>
    %and3A_1496 = arith.constant 15 : i32
    %and3A_1497 = vector.broadcast %and3A_1496 : i32 to vector<16xi32>
    %and3A_1498 = arith.andi %add3A_1495, %and3A_1497 : vector<16xi32>
    %gather3A_1499 = tpu.vector_load_idx %arg14[%and3A_1498] : memref<16xf32, #tpu.memory_space<vmem>>[vector<16xi32>], vector<16xf32>,
    %add3A_1500 = arith.addf %add3A_1490, %gather3A_1499 : vector<16xf32>
    %swap3A_1501 = arith.constant 0 : index
    %swap3A_1502 = tpu.vector_load %arg14[%swap3A_1501] {strides = array<i32>} : memref<16xf32, #tpu.memory_space<vmem>>, vector<16xf32>,
    tpu.vector_store %arg14[%swap3A_1501], %add3A_1500 {strides = array<i32>} : memref<16xf32, #tpu.memory_space<vmem>>, vector<16xf32>,
    %add3A_1503 = arith.constant 2 : i32
    %add3A_1504 = vector.broadcast %add3A_1503 : i32 to vector<16xi32>
    %add3A_1505 = arith.addi %iota3A_1480, %add3A_1504 : vector<16xi32>
    %and3A_1506 = arith.constant 15 : i32
    %and3A_1507 = vector.broadcast %and3A_1506 : i32 to vector<16xi32>
    %and3A_1508 = arith.andi %add3A_1505, %and3A_1507 : vector<16xi32>
    %gather3A_1509 = tpu.vector_load_idx %arg14[%and3A_1508] : memref<16xf32, #tpu.memory_space<vmem>>[vector<16xi32>], vector<16xf32>,
    %add3A_1510 = arith.addf %add3A_1500, %gather3A_1509 : vector<16xf32>
    %swap3A_1511 = arith.constant 0 : index
    %swap3A_1512 = tpu.vector_load %arg14[%swap3A_1511] {strides = array<i32>} : memref<16xf32, #tpu.memory_space<vmem>>, vector<16xf32>,
    tpu.vector_store %arg14[%swap3A_1511], %add3A_1510 {strides = array<i32>} : memref<16xf32, #tpu.memory_space<vmem>>, vector<16xf32>,
    %add3A_1513 = arith.constant 1 : i32
    %add3A_1514 = vector.broadcast %add3A_1513 : i32 to vector<16xi32>
    %add3A_1515 = arith.addi %iota3A_1480, %add3A_1514 : vector<16xi32>
    %and3A_1516 = arith.constant 15 : i32
    %and3A_1517 = vector.broadcast %and3A_1516 : i32 to vector<16xi32>
    %and3A_1518 = arith.andi %add3A_1515, %and3A_1517 : vector<16xi32>
    %gather3A_1519 = tpu.vector_load_idx %arg14[%and3A_1518] : memref<16xf32, #tpu.memory_space<vmem>>[vector<16xi32>], vector<16xf32>,
    %add3A_1520 = arith.addf %add3A_1510, %gather3A_1519 : vector<16xf32>
    %slice3A_1521 = vector.extract_strided_slice %add3A_1520 {offsets = [0], sizes = [1], strides = [1]} : vector<16xf32> to vector<1xf32>
    %squeeze3A_1522 = vector.extract %slice3A_1521[0] : f32 from vector<1xf32>
    %add3A_1523 = arith.addf %squeeze3A_1522, %squeeze3A_1478 : f32
    %mul3A_1524 = arith.mulf %add3A_1523, %add3A_1523 : f32
    %add3A_1525 = arith.addf %add3A_1398, %mul3A_1524 : f32
    %slice3A_1526 = vector.extract_strided_slice %get3A_35 {offsets = [5], sizes = [1], strides = [1]} : vector<16xf32> to vector<1xf32>
    %squeeze3A_1527 = vector.extract %slice3A_1526[0] : f32 from vector<1xf32>
    %add3A_1528 = arith.addf %scan3A_1475#1, %scan3A_1475#5 : vector<16xf32>
    %iota3A_1529 = tpu.iota {dimensions = array<i32: 0>} : vector<16xi32>
    %swap3A_1530 = arith.constant 0 : index
    %swap3A_1531 = tpu.vector_load %arg14[%swap3A_1530] {strides = array<i32>} : memref<16xf32, #tpu.memory_space<vmem>>, vector<16xf32>,
    tpu.vector_store %arg14[%swap3A_1530], %add3A_1528 {strides = array<i32>} : memref<16xf32, #tpu.memory_space<vmem>>, vector<16xf32>,
    %add3A_1532 = arith.constant 8 : i32
    %add3A_1533 = vector.broadcast %add3A_1532 : i32 to vector<16xi32>
    %add3A_1534 = arith.addi %iota3A_1529, %add3A_1533 : vector<16xi32>
    %and3A_1535 = arith.constant 15 : i32
    %and3A_1536 = vector.broadcast %and3A_1535 : i32 to vector<16xi32>
    %and3A_1537 = arith.andi %add3A_1534, %and3A_1536 : vector<16xi32>
    %gather3A_1538 = tpu.vector_load_idx %arg14[%and3A_1537] : memref<16xf32, #tpu.memory_space<vmem>>[vector<16xi32>], vector<16xf32>,
    %add3A_1539 = arith.addf %add3A_1528, %gather3A_1538 : vector<16xf32>
    %swap3A_1540 = arith.constant 0 : index
    %swap3A_1541 = tpu.vector_load %arg14[%swap3A_1540] {strides = array<i32>} : memref<16xf32, #tpu.memory_space<vmem>>, vector<16xf32>,
    tpu.vector_store %arg14[%swap3A_1540], %add3A_1539 {strides = array<i32>} : memref<16xf32, #tpu.memory_space<vmem>>, vector<16xf32>,
    %add3A_1542 = arith.constant 4 : i32
    %add3A_1543 = vector.broadcast %add3A_1542 : i32 to vector<16xi32>
    %add3A_1544 = arith.addi %iota3A_1529, %add3A_1543 : vector<16xi32>
    %and3A_1545 = arith.constant 15 : i32
    %and3A_1546 = vector.broadcast %and3A_1545 : i32 to vector<16xi32>
    %and3A_1547 = arith.andi %add3A_1544, %and3A_1546 : vector<16xi32>
    %gather3A_1548 = tpu.vector_load_idx %arg14[%and3A_1547] : memref<16xf32, #tpu.memory_space<vmem>>[vector<16xi32>], vector<16xf32>,
    %add3A_1549 = arith.addf %add3A_1539, %gather3A_1548 : vector<16xf32>
    %swap3A_1550 = arith.constant 0 : index
    %swap3A_1551 = tpu.vector_load %arg14[%swap3A_1550] {strides = array<i32>} : memref<16xf32, #tpu.memory_space<vmem>>, vector<16xf32>,
    tpu.vector_store %arg14[%swap3A_1550], %add3A_1549 {strides = array<i32>} : memref<16xf32, #tpu.memory_space<vmem>>, vector<16xf32>,
    %add3A_1552 = arith.constant 2 : i32
    %add3A_1553 = vector.broadcast %add3A_1552 : i32 to vector<16xi32>
    %add3A_1554 = arith.addi %iota3A_1529, %add3A_1553 : vector<16xi32>
    %and3A_1555 = arith.constant 15 : i32
    %and3A_1556 = vector.broadcast %and3A_1555 : i32 to vector<16xi32>
    %and3A_1557 = arith.andi %add3A_1554, %and3A_1556 : vector<16xi32>
    %gather3A_1558 = tpu.vector_load_idx %arg14[%and3A_1557] : memref<16xf32, #tpu.memory_space<vmem>>[vector<16xi32>], vector<16xf32>,
    %add3A_1559 = arith.addf %add3A_1549, %gather3A_1558 : vector<16xf32>
    %swap3A_1560 = arith.constant 0 : index
    %swap3A_1561 = tpu.vector_load %arg14[%swap3A_1560] {strides = array<i32>} : memref<16xf32, #tpu.memory_space<vmem>>, vector<16xf32>,
    tpu.vector_store %arg14[%swap3A_1560], %add3A_1559 {strides = array<i32>} : memref<16xf32, #tpu.memory_space<vmem>>, vector<16xf32>,
    %add3A_1562 = arith.constant 1 : i32
    %add3A_1563 = vector.broadcast %add3A_1562 : i32 to vector<16xi32>
    %add3A_1564 = arith.addi %iota3A_1529, %add3A_1563 : vector<16xi32>
    %and3A_1565 = arith.constant 15 : i32
    %and3A_1566 = vector.broadcast %and3A_1565 : i32 to vector<16xi32>
    %and3A_1567 = arith.andi %add3A_1564, %and3A_1566 : vector<16xi32>
    %gather3A_1568 = tpu.vector_load_idx %arg14[%and3A_1567] : memref<16xf32, #tpu.memory_space<vmem>>[vector<16xi32>], vector<16xf32>,
    %add3A_1569 = arith.addf %add3A_1559, %gather3A_1568 : vector<16xf32>
    %slice3A_1570 = vector.extract_strided_slice %add3A_1569 {offsets = [0], sizes = [1], strides = [1]} : vector<16xf32> to vector<1xf32>
    %squeeze3A_1571 = vector.extract %slice3A_1570[0] : f32 from vector<1xf32>
    %add3A_1572 = arith.addf %squeeze3A_1571, %squeeze3A_1527 : f32
    %mul3A_1573 = arith.mulf %add3A_1572, %add3A_1572 : f32
    %add3A_1574 = arith.addf %add3A_1525, %mul3A_1573 : f32
    %slice3A_1575 = vector.extract_strided_slice %get3A_35 {offsets = [6], sizes = [1], strides = [1]} : vector<16xf32> to vector<1xf32>
    %squeeze3A_1576 = vector.extract %slice3A_1575[0] : f32 from vector<1xf32>
    %add3A_1577 = arith.addf %scan3A_1475#2, %scan3A_1475#6 : vector<16xf32>
    %iota3A_1578 = tpu.iota {dimensions = array<i32: 0>} : vector<16xi32>
    %swap3A_1579 = arith.constant 0 : index
    %swap3A_1580 = tpu.vector_load %arg14[%swap3A_1579] {strides = array<i32>} : memref<16xf32, #tpu.memory_space<vmem>>, vector<16xf32>,
    tpu.vector_store %arg14[%swap3A_1579], %add3A_1577 {strides = array<i32>} : memref<16xf32, #tpu.memory_space<vmem>>, vector<16xf32>,
    %add3A_1581 = arith.constant 8 : i32
    %add3A_1582 = vector.broadcast %add3A_1581 : i32 to vector<16xi32>
    %add3A_1583 = arith.addi %iota3A_1578, %add3A_1582 : vector<16xi32>
    %and3A_1584 = arith.constant 15 : i32
    %and3A_1585 = vector.broadcast %and3A_1584 : i32 to vector<16xi32>
    %and3A_1586 = arith.andi %add3A_1583, %and3A_1585 : vector<16xi32>
    %gather3A_1587 = tpu.vector_load_idx %arg14[%and3A_1586] : memref<16xf32, #tpu.memory_space<vmem>>[vector<16xi32>], vector<16xf32>,
    %add3A_1588 = arith.addf %add3A_1577, %gather3A_1587 : vector<16xf32>
    %swap3A_1589 = arith.constant 0 : index
    %swap3A_1590 = tpu.vector_load %arg14[%swap3A_1589] {strides = array<i32>} : memref<16xf32, #tpu.memory_space<vmem>>, vector<16xf32>,
    tpu.vector_store %arg14[%swap3A_1589], %add3A_1588 {strides = array<i32>} : memref<16xf32, #tpu.memory_space<vmem>>, vector<16xf32>,
    %add3A_1591 = arith.constant 4 : i32
    %add3A_1592 = vector.broadcast %add3A_1591 : i32 to vector<16xi32>
    %add3A_1593 = arith.addi %iota3A_1578, %add3A_1592 : vector<16xi32>
    %and3A_1594 = arith.constant 15 : i32
    %and3A_1595 = vector.broadcast %and3A_1594 : i32 to vector<16xi32>
    %and3A_1596 = arith.andi %add3A_1593, %and3A_1595 : vector<16xi32>
    %gather3A_1597 = tpu.vector_load_idx %arg14[%and3A_1596] : memref<16xf32, #tpu.memory_space<vmem>>[vector<16xi32>], vector<16xf32>,
    %add3A_1598 = arith.addf %add3A_1588, %gather3A_1597 : vector<16xf32>
    %swap3A_1599 = arith.constant 0 : index
    %swap3A_1600 = tpu.vector_load %arg14[%swap3A_1599] {strides = array<i32>} : memref<16xf32, #tpu.memory_space<vmem>>, vector<16xf32>,
    tpu.vector_store %arg14[%swap3A_1599], %add3A_1598 {strides = array<i32>} : memref<16xf32, #tpu.memory_space<vmem>>, vector<16xf32>,
    %add3A_1601 = arith.constant 2 : i32
    %add3A_1602 = vector.broadcast %add3A_1601 : i32 to vector<16xi32>
    %add3A_1603 = arith.addi %iota3A_1578, %add3A_1602 : vector<16xi32>
    %and3A_1604 = arith.constant 15 : i32
    %and3A_1605 = vector.broadcast %and3A_1604 : i32 to vector<16xi32>
    %and3A_1606 = arith.andi %add3A_1603, %and3A_1605 : vector<16xi32>
    %gather3A_1607 = tpu.vector_load_idx %arg14[%and3A_1606] : memref<16xf32, #tpu.memory_space<vmem>>[vector<16xi32>], vector<16xf32>,
    %add3A_1608 = arith.addf %add3A_1598, %gather3A_1607 : vector<16xf32>
    %swap3A_1609 = arith.constant 0 : index
    %swap3A_1610 = tpu.vector_load %arg14[%swap3A_1609] {strides = array<i32>} : memref<16xf32, #tpu.memory_space<vmem>>, vector<16xf32>,
    tpu.vector_store %arg14[%swap3A_1609], %add3A_1608 {strides = array<i32>} : memref<16xf32, #tpu.memory_space<vmem>>, vector<16xf32>,
    %add3A_1611 = arith.constant 1 : i32
    %add3A_1612 = vector.broadcast %add3A_1611 : i32 to vector<16xi32>
    %add3A_1613 = arith.addi %iota3A_1578, %add3A_1612 : vector<16xi32>
    %and3A_1614 = arith.constant 15 : i32
    %and3A_1615 = vector.broadcast %and3A_1614 : i32 to vector<16xi32>
    %and3A_1616 = arith.andi %add3A_1613, %and3A_1615 : vector<16xi32>
    %gather3A_1617 = tpu.vector_load_idx %arg14[%and3A_1616] : memref<16xf32, #tpu.memory_space<vmem>>[vector<16xi32>], vector<16xf32>,
    %add3A_1618 = arith.addf %add3A_1608, %gather3A_1617 : vector<16xf32>
    %slice3A_1619 = vector.extract_strided_slice %add3A_1618 {offsets = [0], sizes = [1], strides = [1]} : vector<16xf32> to vector<1xf32>
    %squeeze3A_1620 = vector.extract %slice3A_1619[0] : f32 from vector<1xf32>
    %add3A_1621 = arith.addf %squeeze3A_1620, %squeeze3A_1576 : f32
    %mul3A_1622 = arith.mulf %add3A_1621, %add3A_1621 : f32
    %add3A_1623 = arith.addf %add3A_1574, %mul3A_1622 : f32
    %slice3A_1624 = vector.extract_strided_slice %get3A_35 {offsets = [7], sizes = [1], strides = [1]} : vector<16xf32> to vector<1xf32>
    %squeeze3A_1625 = vector.extract %slice3A_1624[0] : f32 from vector<1xf32>
    %add3A_1626 = arith.addf %scan3A_1475#3, %scan3A_1475#7 : vector<16xf32>
    %iota3A_1627 = tpu.iota {dimensions = array<i32: 0>} : vector<16xi32>
    %swap3A_1628 = arith.constant 0 : index
    %swap3A_1629 = tpu.vector_load %arg14[%swap3A_1628] {strides = array<i32>} : memref<16xf32, #tpu.memory_space<vmem>>, vector<16xf32>,
    tpu.vector_store %arg14[%swap3A_1628], %add3A_1626 {strides = array<i32>} : memref<16xf32, #tpu.memory_space<vmem>>, vector<16xf32>,
    %add3A_1630 = arith.constant 8 : i32
    %add3A_1631 = vector.broadcast %add3A_1630 : i32 to vector<16xi32>
    %add3A_1632 = arith.addi %iota3A_1627, %add3A_1631 : vector<16xi32>
    %and3A_1633 = arith.constant 15 : i32
    %and3A_1634 = vector.broadcast %and3A_1633 : i32 to vector<16xi32>
    %and3A_1635 = arith.andi %add3A_1632, %and3A_1634 : vector<16xi32>
    %gather3A_1636 = tpu.vector_load_idx %arg14[%and3A_1635] : memref<16xf32, #tpu.memory_space<vmem>>[vector<16xi32>], vector<16xf32>,
    %add3A_1637 = arith.addf %add3A_1626, %gather3A_1636 : vector<16xf32>
    %swap3A_1638 = arith.constant 0 : index
    %swap3A_1639 = tpu.vector_load %arg14[%swap3A_1638] {strides = array<i32>} : memref<16xf32, #tpu.memory_space<vmem>>, vector<16xf32>,
    tpu.vector_store %arg14[%swap3A_1638], %add3A_1637 {strides = array<i32>} : memref<16xf32, #tpu.memory_space<vmem>>, vector<16xf32>,
    %add3A_1640 = arith.constant 4 : i32
    %add3A_1641 = vector.broadcast %add3A_1640 : i32 to vector<16xi32>
    %add3A_1642 = arith.addi %iota3A_1627, %add3A_1641 : vector<16xi32>
    %and3A_1643 = arith.constant 15 : i32
    %and3A_1644 = vector.broadcast %and3A_1643 : i32 to vector<16xi32>
    %and3A_1645 = arith.andi %add3A_1642, %and3A_1644 : vector<16xi32>
    %gather3A_1646 = tpu.vector_load_idx %arg14[%and3A_1645] : memref<16xf32, #tpu.memory_space<vmem>>[vector<16xi32>], vector<16xf32>,
    %add3A_1647 = arith.addf %add3A_1637, %gather3A_1646 : vector<16xf32>
    %swap3A_1648 = arith.constant 0 : index
    %swap3A_1649 = tpu.vector_load %arg14[%swap3A_1648] {strides = array<i32>} : memref<16xf32, #tpu.memory_space<vmem>>, vector<16xf32>,
    tpu.vector_store %arg14[%swap3A_1648], %add3A_1647 {strides = array<i32>} : memref<16xf32, #tpu.memory_space<vmem>>, vector<16xf32>,
    %add3A_1650 = arith.constant 2 : i32
    %add3A_1651 = vector.broadcast %add3A_1650 : i32 to vector<16xi32>
    %add3A_1652 = arith.addi %iota3A_1627, %add3A_1651 : vector<16xi32>
    %and3A_1653 = arith.constant 15 : i32
    %and3A_1654 = vector.broadcast %and3A_1653 : i32 to vector<16xi32>
    %and3A_1655 = arith.andi %add3A_1652, %and3A_1654 : vector<16xi32>
    %gather3A_1656 = tpu.vector_load_idx %arg14[%and3A_1655] : memref<16xf32, #tpu.memory_space<vmem>>[vector<16xi32>], vector<16xf32>,
    %add3A_1657 = arith.addf %add3A_1647, %gather3A_1656 : vector<16xf32>
    %swap3A_1658 = arith.constant 0 : index
    %swap3A_1659 = tpu.vector_load %arg14[%swap3A_1658] {strides = array<i32>} : memref<16xf32, #tpu.memory_space<vmem>>, vector<16xf32>,
    tpu.vector_store %arg14[%swap3A_1658], %add3A_1657 {strides = array<i32>} : memref<16xf32, #tpu.memory_space<vmem>>, vector<16xf32>,
    %add3A_1660 = arith.constant 1 : i32
    %add3A_1661 = vector.broadcast %add3A_1660 : i32 to vector<16xi32>
    %add3A_1662 = arith.addi %iota3A_1627, %add3A_1661 : vector<16xi32>
    %and3A_1663 = arith.constant 15 : i32
    %and3A_1664 = vector.broadcast %and3A_1663 : i32 to vector<16xi32>
    %and3A_1665 = arith.andi %add3A_1662, %and3A_1664 : vector<16xi32>
    %gather3A_1666 = tpu.vector_load_idx %arg14[%and3A_1665] : memref<16xf32, #tpu.memory_space<vmem>>[vector<16xi32>], vector<16xf32>,
    %add3A_1667 = arith.addf %add3A_1657, %gather3A_1666 : vector<16xf32>
    %slice3A_1668 = vector.extract_strided_slice %add3A_1667 {offsets = [0], sizes = [1], strides = [1]} : vector<16xf32> to vector<1xf32>
    %squeeze3A_1669 = vector.extract %slice3A_1668[0] : f32 from vector<1xf32>
    %add3A_1670 = arith.addf %squeeze3A_1669, %squeeze3A_1625 : f32
    %mul3A_1671 = arith.mulf %add3A_1670, %add3A_1670 : f32
    %add3A_1672 = arith.addf %add3A_1623, %mul3A_1671 : f32
    %add3A_1673 = arith.constant 28 : i32
    %add3A_1674 = arith.addi %mul3A_2, %add3A_1673 : i32
    %dma_start3A_1675 = arith.constant 1 : i32
    %dma_start3A_1676 = arith.constant 0 : i32
    %dma_start3A_1677 = arith.constant 0 : i32
    %dma_start3A_1678 = tpu.memref_slice %arg11[%dma_start3A_1675, %dma_start3A_1676, %dma_start3A_1677] : memref<2x4x4096xf32, #tpu.memory_space<vmem>> -> memref<1x4x4096xf32, #tpu.memory_space<vmem>>
    %dma_start3A_1679 = tpu.memref_squeeze %dma_start3A_1678 : memref<1x4x4096xf32, #tpu.memory_space<vmem>> -> memref<4x4096xf32, #tpu.memory_space<vmem>>
    %dma_start3A_1680 = arith.constant 0 : i32
    %dma_start3A_1681 = tpu.memref_slice %arg2[%add3A_1674, %dma_start3A_1680] : memref<4096x4096xf32, #tpu.memory_space<hbm>> -> memref<4x4096xf32, #tpu.memory_space<hbm>>
    %dma_start3A_1682 = arith.constant 0 : i32
    %dma_start3A_1683 = arith.constant 0 : i32
    %dma_start3A_1684 = tpu.memref_slice %arg11[%dma_start3A_1675, %dma_start3A_1682, %dma_start3A_1683] : memref<2x4x4096xf32, #tpu.memory_space<vmem>> -> memref<1x4x4096xf32, #tpu.memory_space<vmem>>
    %dma_start3A_1685 = tpu.memref_squeeze %dma_start3A_1684 : memref<1x4x4096xf32, #tpu.memory_space<vmem>> -> memref<4x4096xf32, #tpu.memory_space<vmem>>
    %dma_start3A_1686 = arith.constant 0 : i32
    %dma_start3A_1687 = tpu.memref_slice %arg2[%add3A_1674, %dma_start3A_1686] : memref<4096x4096xf32, #tpu.memory_space<hbm>> -> memref<4x4096xf32, #tpu.memory_space<hbm>>
    tpu.enqueue_dma source(%dma_start3A_1687 : memref<4x4096xf32, #tpu.memory_space<hbm>>) target(%dma_start3A_1685 : memref<4x4096xf32, #tpu.memory_space<vmem>>) target_semaphore(%arg19 : memref<!tpu.dma_semaphore, #tpu.memory_space<semaphore_mem>>)
    %dma_start3A_1688 = arith.constant 1 : i32
    %dma_start3A_1689 = arith.constant 0 : i32
    %dma_start3A_1690 = arith.constant 0 : i32
    %dma_start3A_1691 = tpu.memref_slice %arg12[%dma_start3A_1688, %dma_start3A_1689, %dma_start3A_1690] : memref<2x4x4096xf32, #tpu.memory_space<vmem>> -> memref<1x4x4096xf32, #tpu.memory_space<vmem>>
    %dma_start3A_1692 = tpu.memref_squeeze %dma_start3A_1691 : memref<1x4x4096xf32, #tpu.memory_space<vmem>> -> memref<4x4096xf32, #tpu.memory_space<vmem>>
    %dma_start3A_1693 = arith.constant 0 : i32
    %dma_start3A_1694 = tpu.memref_slice %arg3[%add3A_1674, %dma_start3A_1693] : memref<4096x4096xf32, #tpu.memory_space<hbm>> -> memref<4x4096xf32, #tpu.memory_space<hbm>>
    %dma_start3A_1695 = arith.constant 0 : i32
    %dma_start3A_1696 = arith.constant 0 : i32
    %dma_start3A_1697 = tpu.memref_slice %arg12[%dma_start3A_1688, %dma_start3A_1695, %dma_start3A_1696] : memref<2x4x4096xf32, #tpu.memory_space<vmem>> -> memref<1x4x4096xf32, #tpu.memory_space<vmem>>
    %dma_start3A_1698 = tpu.memref_squeeze %dma_start3A_1697 : memref<1x4x4096xf32, #tpu.memory_space<vmem>> -> memref<4x4096xf32, #tpu.memory_space<vmem>>
    %dma_start3A_1699 = arith.constant 0 : i32
    %dma_start3A_1700 = tpu.memref_slice %arg3[%add3A_1674, %dma_start3A_1699] : memref<4096x4096xf32, #tpu.memory_space<hbm>> -> memref<4x4096xf32, #tpu.memory_space<hbm>>
    tpu.enqueue_dma source(%dma_start3A_1700 : memref<4x4096xf32, #tpu.memory_space<hbm>>) target(%dma_start3A_1698 : memref<4x4096xf32, #tpu.memory_space<vmem>>) target_semaphore(%arg21 : memref<!tpu.dma_semaphore, #tpu.memory_space<semaphore_mem>>)
    %dma_wait3A_1701 = arith.constant 0 : i32
    %dma_wait3A_1702 = arith.constant 0 : i32
    %dma_wait3A_1703 = arith.constant 0 : i32
    %dma_wait3A_1704 = tpu.memref_slice %arg11[%dma_wait3A_1701, %dma_wait3A_1702, %dma_wait3A_1703] : memref<2x4x4096xf32, #tpu.memory_space<vmem>> -> memref<1x4x4096xf32, #tpu.memory_space<vmem>>
    %dma_wait3A_1705 = tpu.memref_squeeze %dma_wait3A_1704 : memref<1x4x4096xf32, #tpu.memory_space<vmem>> -> memref<4x4096xf32, #tpu.memory_space<vmem>>
    %dma_wait3A_1706 = arith.constant 0 : i32
    %dma_wait3A_1707 = tpu.memref_slice %arg2[%add3A_1400, %dma_wait3A_1706] : memref<4096x4096xf32, #tpu.memory_space<hbm>> -> memref<4x4096xf32, #tpu.memory_space<hbm>>
    %dma_wait3A_1708 = arith.constant 0 : i32
    %dma_wait3A_1709 = arith.constant 0 : i32
    %dma_wait3A_1710 = tpu.memref_slice %arg11[%dma_wait3A_1701, %dma_wait3A_1708, %dma_wait3A_1709] : memref<2x4x4096xf32, #tpu.memory_space<vmem>> -> memref<1x4x4096xf32, #tpu.memory_space<vmem>>
    %dma_wait3A_1711 = tpu.memref_squeeze %dma_wait3A_1710 : memref<1x4x4096xf32, #tpu.memory_space<vmem>> -> memref<4x4096xf32, #tpu.memory_space<vmem>>
    %dma_wait3A_1712 = arith.constant 0 : i32
    %dma_wait3A_1713 = tpu.memref_slice %arg2[%add3A_1400, %dma_wait3A_1712] : memref<4096x4096xf32, #tpu.memory_space<hbm>> -> memref<4x4096xf32, #tpu.memory_space<hbm>>
    tpu.wait_dma2 semaphore(%arg18 : memref<!tpu.dma_semaphore, #tpu.memory_space<semaphore_mem>>) src(%dma_wait3A_1713 : memref<4x4096xf32, #tpu.memory_space<hbm>>) dst(%dma_wait3A_1711 : memref<4x4096xf32, #tpu.memory_space<vmem>>)
    %dma_wait3A_1714 = arith.constant 0 : i32
    %dma_wait3A_1715 = arith.constant 0 : i32
    %dma_wait3A_1716 = arith.constant 0 : i32
    %dma_wait3A_1717 = tpu.memref_slice %arg12[%dma_wait3A_1714, %dma_wait3A_1715, %dma_wait3A_1716] : memref<2x4x4096xf32, #tpu.memory_space<vmem>> -> memref<1x4x4096xf32, #tpu.memory_space<vmem>>
    %dma_wait3A_1718 = tpu.memref_squeeze %dma_wait3A_1717 : memref<1x4x4096xf32, #tpu.memory_space<vmem>> -> memref<4x4096xf32, #tpu.memory_space<vmem>>
    %dma_wait3A_1719 = arith.constant 0 : i32
    %dma_wait3A_1720 = tpu.memref_slice %arg3[%add3A_1400, %dma_wait3A_1719] : memref<4096x4096xf32, #tpu.memory_space<hbm>> -> memref<4x4096xf32, #tpu.memory_space<hbm>>
    %dma_wait3A_1721 = arith.constant 0 : i32
    %dma_wait3A_1722 = arith.constant 0 : i32
    %dma_wait3A_1723 = tpu.memref_slice %arg12[%dma_wait3A_1714, %dma_wait3A_1721, %dma_wait3A_1722] : memref<2x4x4096xf32, #tpu.memory_space<vmem>> -> memref<1x4x4096xf32, #tpu.memory_space<vmem>>
    %dma_wait3A_1724 = tpu.memref_squeeze %dma_wait3A_1723 : memref<1x4x4096xf32, #tpu.memory_space<vmem>> -> memref<4x4096xf32, #tpu.memory_space<vmem>>
    %dma_wait3A_1725 = arith.constant 0 : i32
    %dma_wait3A_1726 = tpu.memref_slice %arg3[%add3A_1400, %dma_wait3A_1725] : memref<4096x4096xf32, #tpu.memory_space<hbm>> -> memref<4x4096xf32, #tpu.memory_space<hbm>>
    tpu.wait_dma2 semaphore(%arg20 : memref<!tpu.dma_semaphore, #tpu.memory_space<semaphore_mem>>) src(%dma_wait3A_1726 : memref<4x4096xf32, #tpu.memory_space<hbm>>) dst(%dma_wait3A_1724 : memref<4x4096xf32, #tpu.memory_space<vmem>>)
    %broadcast_in_dim3A_1727 = arith.constant 0.000000e+00 : f32
    %broadcast_in_dim3A_1728 = vector.broadcast %broadcast_in_dim3A_1727 : f32 to vector<16xf32>
    %broadcast_in_dim3A_1729 = arith.constant 0.000000e+00 : f32
    %broadcast_in_dim3A_1730 = vector.broadcast %broadcast_in_dim3A_1729 : f32 to vector<16xf32>
    %broadcast_in_dim3A_1731 = arith.constant 0.000000e+00 : f32
    %broadcast_in_dim3A_1732 = vector.broadcast %broadcast_in_dim3A_1731 : f32 to vector<16xf32>
    %broadcast_in_dim3A_1733 = arith.constant 0.000000e+00 : f32
    %broadcast_in_dim3A_1734 = vector.broadcast %broadcast_in_dim3A_1733 : f32 to vector<16xf32>
    %broadcast_in_dim3A_1735 = arith.constant 0.000000e+00 : f32
    %broadcast_in_dim3A_1736 = vector.broadcast %broadcast_in_dim3A_1735 : f32 to vector<16xf32>
    %broadcast_in_dim3A_1737 = arith.constant 0.000000e+00 : f32
    %broadcast_in_dim3A_1738 = vector.broadcast %broadcast_in_dim3A_1737 : f32 to vector<16xf32>
    %broadcast_in_dim3A_1739 = arith.constant 0.000000e+00 : f32
    %broadcast_in_dim3A_1740 = vector.broadcast %broadcast_in_dim3A_1739 : f32 to vector<16xf32>
    %broadcast_in_dim3A_1741 = arith.constant 0.000000e+00 : f32
    %broadcast_in_dim3A_1742 = vector.broadcast %broadcast_in_dim3A_1741 : f32 to vector<16xf32>
    %scan3A_1743 = arith.constant 0 : i32
    %scan3A_1744 = arith.constant 0 : i32
    %scan3A_1745 = arith.constant 0 : i32
    %scan3A_1746 = arith.constant 128 : i32
    %scan3A_1747 = arith.addi %scan3A_1745, %scan3A_1746 : i32
    %scan3A_1748 = arith.constant 1 : i32
    %scan3A_1749:8 = scf.for %scan3A_2198 = %scan3A_1745 to %scan3A_1747 step %scan3A_1748 iter_args(%scan3A_2199 = %broadcast_in_dim3A_1728, %scan3A_2200 = %broadcast_in_dim3A_1730, %scan3A_2201 = %broadcast_in_dim3A_1732, %scan3A_2202 = %broadcast_in_dim3A_1734, %scan3A_2203 = %broadcast_in_dim3A_1736, %scan3A_2204 = %broadcast_in_dim3A_1738, %scan3A_2205 = %broadcast_in_dim3A_1740, %scan3A_2206 = %broadcast_in_dim3A_1742) -> (vector<16xf32>, vector<16xf32>, vector<16xf32>, vector<16xf32>, vector<16xf32>, vector<16xf32>, vector<16xf32>, vector<16xf32>)  : i32 {
      %mul3A_2207 = arith.constant 32 : i32
      %mul3A_2208 = arith.muli %scan3A_2198, %mul3A_2207 : i32
      %add3A_2209 = arith.constant 0 : i32
      %add3A_2210 = arith.addi %mul3A_2208, %add3A_2209 : i32
      %get3A_2211 = arith.index_cast %add3A_2210 : i32 to index
      %get3A_2212 = tpu.vector_load %arg8[%get3A_2211] {strides = array<i32>} : memref<4096xf32, #tpu.memory_space<vmem>>, vector<16xf32>,
      %get3A_2213 = arith.index_cast %add3A_2210 : i32 to index
      %get3A_2214 = tpu.vector_load %arg9[%get3A_2213] {strides = array<i32>} : memref<4096xf32, #tpu.memory_space<vmem>>, vector<16xf32>,
      %get3A_2215 = arith.constant 0 : i32
      %get3A_2216 = arith.constant 0 : i32
      %get3A_2217 = arith.constant 0 : i32
      %get3A_2218 = tpu.memref_slice %arg11[%scan3A_1743, %get3A_2216, %get3A_2217] : memref<2x4x4096xf32, #tpu.memory_space<vmem>> -> memref<1x4x4096xf32, #tpu.memory_space<vmem>>
      %get3A_2219 = tpu.memref_squeeze %get3A_2218 : memref<1x4x4096xf32, #tpu.memory_space<vmem>> -> memref<4x4096xf32, #tpu.memory_space<vmem>>
      %get3A_2220 = arith.index_cast %get3A_2215 : i32 to index
      %get3A_2221 = arith.index_cast %add3A_2210 : i32 to index
      %get3A_2222 = tpu.vector_load %get3A_2219[%get3A_2220, %get3A_2221] {strides = array<i32>} : memref<4x4096xf32, #tpu.memory_space<vmem>>, vector<16xf32>,
      %mul3A_2223 = arith.mulf %get3A_2222, %get3A_2212 : vector<16xf32>
      %add3A_2224 = arith.addf %scan3A_2199, %mul3A_2223 : vector<16xf32>
      %get3A_2225 = arith.constant 0 : i32
      %get3A_2226 = arith.constant 0 : i32
      %get3A_2227 = arith.constant 0 : i32
      %get3A_2228 = tpu.memref_slice %arg12[%scan3A_1744, %get3A_2226, %get3A_2227] : memref<2x4x4096xf32, #tpu.memory_space<vmem>> -> memref<1x4x4096xf32, #tpu.memory_space<vmem>>
      %get3A_2229 = tpu.memref_squeeze %get3A_2228 : memref<1x4x4096xf32, #tpu.memory_space<vmem>> -> memref<4x4096xf32, #tpu.memory_space<vmem>>
      %get3A_2230 = arith.index_cast %get3A_2225 : i32 to index
      %get3A_2231 = arith.index_cast %add3A_2210 : i32 to index
      %get3A_2232 = tpu.vector_load %get3A_2229[%get3A_2230, %get3A_2231] {strides = array<i32>} : memref<4x4096xf32, #tpu.memory_space<vmem>>, vector<16xf32>,
      %mul3A_2233 = arith.mulf %get3A_2232, %get3A_2214 : vector<16xf32>
      %add3A_2234 = arith.addf %scan3A_2203, %mul3A_2233 : vector<16xf32>
      %get3A_2235 = arith.constant 1 : i32
      %get3A_2236 = arith.constant 0 : i32
      %get3A_2237 = arith.constant 0 : i32
      %get3A_2238 = tpu.memref_slice %arg11[%scan3A_1743, %get3A_2236, %get3A_2237] : memref<2x4x4096xf32, #tpu.memory_space<vmem>> -> memref<1x4x4096xf32, #tpu.memory_space<vmem>>
      %get3A_2239 = tpu.memref_squeeze %get3A_2238 : memref<1x4x4096xf32, #tpu.memory_space<vmem>> -> memref<4x4096xf32, #tpu.memory_space<vmem>>
      %get3A_2240 = arith.index_cast %get3A_2235 : i32 to index
      %get3A_2241 = arith.index_cast %add3A_2210 : i32 to index
      %get3A_2242 = tpu.vector_load %get3A_2239[%get3A_2240, %get3A_2241] {strides = array<i32>} : memref<4x4096xf32, #tpu.memory_space<vmem>>, vector<16xf32>,
      %mul3A_2243 = arith.mulf %get3A_2242, %get3A_2212 : vector<16xf32>
      %add3A_2244 = arith.addf %scan3A_2200, %mul3A_2243 : vector<16xf32>
      %get3A_2245 = arith.constant 1 : i32
      %get3A_2246 = arith.constant 0 : i32
      %get3A_2247 = arith.constant 0 : i32
      %get3A_2248 = tpu.memref_slice %arg12[%scan3A_1744, %get3A_2246, %get3A_2247] : memref<2x4x4096xf32, #tpu.memory_space<vmem>> -> memref<1x4x4096xf32, #tpu.memory_space<vmem>>
      %get3A_2249 = tpu.memref_squeeze %get3A_2248 : memref<1x4x4096xf32, #tpu.memory_space<vmem>> -> memref<4x4096xf32, #tpu.memory_space<vmem>>
      %get3A_2250 = arith.index_cast %get3A_2245 : i32 to index
      %get3A_2251 = arith.index_cast %add3A_2210 : i32 to index
      %get3A_2252 = tpu.vector_load %get3A_2249[%get3A_2250, %get3A_2251] {strides = array<i32>} : memref<4x4096xf32, #tpu.memory_space<vmem>>, vector<16xf32>,
      %mul3A_2253 = arith.mulf %get3A_2252, %get3A_2214 : vector<16xf32>
      %add3A_2254 = arith.addf %scan3A_2204, %mul3A_2253 : vector<16xf32>
      %get3A_2255 = arith.constant 2 : i32
      %get3A_2256 = arith.constant 0 : i32
      %get3A_2257 = arith.constant 0 : i32
      %get3A_2258 = tpu.memref_slice %arg11[%scan3A_1743, %get3A_2256, %get3A_2257] : memref<2x4x4096xf32, #tpu.memory_space<vmem>> -> memref<1x4x4096xf32, #tpu.memory_space<vmem>>
      %get3A_2259 = tpu.memref_squeeze %get3A_2258 : memref<1x4x4096xf32, #tpu.memory_space<vmem>> -> memref<4x4096xf32, #tpu.memory_space<vmem>>
      %get3A_2260 = arith.index_cast %get3A_2255 : i32 to index
      %get3A_2261 = arith.index_cast %add3A_2210 : i32 to index
      %get3A_2262 = tpu.vector_load %get3A_2259[%get3A_2260, %get3A_2261] {strides = array<i32>} : memref<4x4096xf32, #tpu.memory_space<vmem>>, vector<16xf32>,
      %mul3A_2263 = arith.mulf %get3A_2262, %get3A_2212 : vector<16xf32>
      %add3A_2264 = arith.addf %scan3A_2201, %mul3A_2263 : vector<16xf32>
      %get3A_2265 = arith.constant 2 : i32
      %get3A_2266 = arith.constant 0 : i32
      %get3A_2267 = arith.constant 0 : i32
      %get3A_2268 = tpu.memref_slice %arg12[%scan3A_1744, %get3A_2266, %get3A_2267] : memref<2x4x4096xf32, #tpu.memory_space<vmem>> -> memref<1x4x4096xf32, #tpu.memory_space<vmem>>
      %get3A_2269 = tpu.memref_squeeze %get3A_2268 : memref<1x4x4096xf32, #tpu.memory_space<vmem>> -> memref<4x4096xf32, #tpu.memory_space<vmem>>
      %get3A_2270 = arith.index_cast %get3A_2265 : i32 to index
      %get3A_2271 = arith.index_cast %add3A_2210 : i32 to index
      %get3A_2272 = tpu.vector_load %get3A_2269[%get3A_2270, %get3A_2271] {strides = array<i32>} : memref<4x4096xf32, #tpu.memory_space<vmem>>, vector<16xf32>,
      %mul3A_2273 = arith.mulf %get3A_2272, %get3A_2214 : vector<16xf32>
      %add3A_2274 = arith.addf %scan3A_2205, %mul3A_2273 : vector<16xf32>
      %get3A_2275 = arith.constant 3 : i32
      %get3A_2276 = arith.constant 0 : i32
      %get3A_2277 = arith.constant 0 : i32
      %get3A_2278 = tpu.memref_slice %arg11[%scan3A_1743, %get3A_2276, %get3A_2277] : memref<2x4x4096xf32, #tpu.memory_space<vmem>> -> memref<1x4x4096xf32, #tpu.memory_space<vmem>>
      %get3A_2279 = tpu.memref_squeeze %get3A_2278 : memref<1x4x4096xf32, #tpu.memory_space<vmem>> -> memref<4x4096xf32, #tpu.memory_space<vmem>>
      %get3A_2280 = arith.index_cast %get3A_2275 : i32 to index
      %get3A_2281 = arith.index_cast %add3A_2210 : i32 to index
      %get3A_2282 = tpu.vector_load %get3A_2279[%get3A_2280, %get3A_2281] {strides = array<i32>} : memref<4x4096xf32, #tpu.memory_space<vmem>>, vector<16xf32>,
      %mul3A_2283 = arith.mulf %get3A_2282, %get3A_2212 : vector<16xf32>
      %add3A_2284 = arith.addf %scan3A_2202, %mul3A_2283 : vector<16xf32>
      %get3A_2285 = arith.constant 3 : i32
      %get3A_2286 = arith.constant 0 : i32
      %get3A_2287 = arith.constant 0 : i32
      %get3A_2288 = tpu.memref_slice %arg12[%scan3A_1744, %get3A_2286, %get3A_2287] : memref<2x4x4096xf32, #tpu.memory_space<vmem>> -> memref<1x4x4096xf32, #tpu.memory_space<vmem>>
      %get3A_2289 = tpu.memref_squeeze %get3A_2288 : memref<1x4x4096xf32, #tpu.memory_space<vmem>> -> memref<4x4096xf32, #tpu.memory_space<vmem>>
      %get3A_2290 = arith.index_cast %get3A_2285 : i32 to index
      %get3A_2291 = arith.index_cast %add3A_2210 : i32 to index
      %get3A_2292 = tpu.vector_load %get3A_2289[%get3A_2290, %get3A_2291] {strides = array<i32>} : memref<4x4096xf32, #tpu.memory_space<vmem>>, vector<16xf32>,
      %mul3A_2293 = arith.mulf %get3A_2292, %get3A_2214 : vector<16xf32>
      %add3A_2294 = arith.addf %scan3A_2206, %mul3A_2293 : vector<16xf32>
      %add3A_2295 = arith.constant 16 : i32
      %add3A_2296 = arith.addi %mul3A_2208, %add3A_2295 : i32
      %get3A_2297 = arith.index_cast %add3A_2296 : i32 to index
      %get3A_2298 = tpu.vector_load %arg8[%get3A_2297] {strides = array<i32>} : memref<4096xf32, #tpu.memory_space<vmem>>, vector<16xf32>,
      %get3A_2299 = arith.index_cast %add3A_2296 : i32 to index
      %get3A_2300 = tpu.vector_load %arg9[%get3A_2299] {strides = array<i32>} : memref<4096xf32, #tpu.memory_space<vmem>>, vector<16xf32>,
      %get3A_2301 = arith.constant 0 : i32
      %get3A_2302 = arith.constant 0 : i32
      %get3A_2303 = arith.constant 0 : i32
      %get3A_2304 = tpu.memref_slice %arg11[%scan3A_1743, %get3A_2302, %get3A_2303] : memref<2x4x4096xf32, #tpu.memory_space<vmem>> -> memref<1x4x4096xf32, #tpu.memory_space<vmem>>
      %get3A_2305 = tpu.memref_squeeze %get3A_2304 : memref<1x4x4096xf32, #tpu.memory_space<vmem>> -> memref<4x4096xf32, #tpu.memory_space<vmem>>
      %get3A_2306 = arith.index_cast %get3A_2301 : i32 to index
      %get3A_2307 = arith.index_cast %add3A_2296 : i32 to index
      %get3A_2308 = tpu.vector_load %get3A_2305[%get3A_2306, %get3A_2307] {strides = array<i32>} : memref<4x4096xf32, #tpu.memory_space<vmem>>, vector<16xf32>,
      %mul3A_2309 = arith.mulf %get3A_2308, %get3A_2298 : vector<16xf32>
      %add3A_2310 = arith.addf %add3A_2224, %mul3A_2309 : vector<16xf32>
      %get3A_2311 = arith.constant 0 : i32
      %get3A_2312 = arith.constant 0 : i32
      %get3A_2313 = arith.constant 0 : i32
      %get3A_2314 = tpu.memref_slice %arg12[%scan3A_1744, %get3A_2312, %get3A_2313] : memref<2x4x4096xf32, #tpu.memory_space<vmem>> -> memref<1x4x4096xf32, #tpu.memory_space<vmem>>
      %get3A_2315 = tpu.memref_squeeze %get3A_2314 : memref<1x4x4096xf32, #tpu.memory_space<vmem>> -> memref<4x4096xf32, #tpu.memory_space<vmem>>
      %get3A_2316 = arith.index_cast %get3A_2311 : i32 to index
      %get3A_2317 = arith.index_cast %add3A_2296 : i32 to index
      %get3A_2318 = tpu.vector_load %get3A_2315[%get3A_2316, %get3A_2317] {strides = array<i32>} : memref<4x4096xf32, #tpu.memory_space<vmem>>, vector<16xf32>,
      %mul3A_2319 = arith.mulf %get3A_2318, %get3A_2300 : vector<16xf32>
      %add3A_2320 = arith.addf %add3A_2234, %mul3A_2319 : vector<16xf32>
      %get3A_2321 = arith.constant 1 : i32
      %get3A_2322 = arith.constant 0 : i32
      %get3A_2323 = arith.constant 0 : i32
      %get3A_2324 = tpu.memref_slice %arg11[%scan3A_1743, %get3A_2322, %get3A_2323] : memref<2x4x4096xf32, #tpu.memory_space<vmem>> -> memref<1x4x4096xf32, #tpu.memory_space<vmem>>
      %get3A_2325 = tpu.memref_squeeze %get3A_2324 : memref<1x4x4096xf32, #tpu.memory_space<vmem>> -> memref<4x4096xf32, #tpu.memory_space<vmem>>
      %get3A_2326 = arith.index_cast %get3A_2321 : i32 to index
      %get3A_2327 = arith.index_cast %add3A_2296 : i32 to index
      %get3A_2328 = tpu.vector_load %get3A_2325[%get3A_2326, %get3A_2327] {strides = array<i32>} : memref<4x4096xf32, #tpu.memory_space<vmem>>, vector<16xf32>,
      %mul3A_2329 = arith.mulf %get3A_2328, %get3A_2298 : vector<16xf32>
      %add3A_2330 = arith.addf %add3A_2244, %mul3A_2329 : vector<16xf32>
      %get3A_2331 = arith.constant 1 : i32
      %get3A_2332 = arith.constant 0 : i32
      %get3A_2333 = arith.constant 0 : i32
      %get3A_2334 = tpu.memref_slice %arg12[%scan3A_1744, %get3A_2332, %get3A_2333] : memref<2x4x4096xf32, #tpu.memory_space<vmem>> -> memref<1x4x4096xf32, #tpu.memory_space<vmem>>
      %get3A_2335 = tpu.memref_squeeze %get3A_2334 : memref<1x4x4096xf32, #tpu.memory_space<vmem>> -> memref<4x4096xf32, #tpu.memory_space<vmem>>
      %get3A_2336 = arith.index_cast %get3A_2331 : i32 to index
      %get3A_2337 = arith.index_cast %add3A_2296 : i32 to index
      %get3A_2338 = tpu.vector_load %get3A_2335[%get3A_2336, %get3A_2337] {strides = array<i32>} : memref<4x4096xf32, #tpu.memory_space<vmem>>, vector<16xf32>,
      %mul3A_2339 = arith.mulf %get3A_2338, %get3A_2300 : vector<16xf32>
      %add3A_2340 = arith.addf %add3A_2254, %mul3A_2339 : vector<16xf32>
      %get3A_2341 = arith.constant 2 : i32
      %get3A_2342 = arith.constant 0 : i32
      %get3A_2343 = arith.constant 0 : i32
      %get3A_2344 = tpu.memref_slice %arg11[%scan3A_1743, %get3A_2342, %get3A_2343] : memref<2x4x4096xf32, #tpu.memory_space<vmem>> -> memref<1x4x4096xf32, #tpu.memory_space<vmem>>
      %get3A_2345 = tpu.memref_squeeze %get3A_2344 : memref<1x4x4096xf32, #tpu.memory_space<vmem>> -> memref<4x4096xf32, #tpu.memory_space<vmem>>
      %get3A_2346 = arith.index_cast %get3A_2341 : i32 to index
      %get3A_2347 = arith.index_cast %add3A_2296 : i32 to index
      %get3A_2348 = tpu.vector_load %get3A_2345[%get3A_2346, %get3A_2347] {strides = array<i32>} : memref<4x4096xf32, #tpu.memory_space<vmem>>, vector<16xf32>,
      %mul3A_2349 = arith.mulf %get3A_2348, %get3A_2298 : vector<16xf32>
      %add3A_2350 = arith.addf %add3A_2264, %mul3A_2349 : vector<16xf32>
      %get3A_2351 = arith.constant 2 : i32
      %get3A_2352 = arith.constant 0 : i32
      %get3A_2353 = arith.constant 0 : i32
      %get3A_2354 = tpu.memref_slice %arg12[%scan3A_1744, %get3A_2352, %get3A_2353] : memref<2x4x4096xf32, #tpu.memory_space<vmem>> -> memref<1x4x4096xf32, #tpu.memory_space<vmem>>
      %get3A_2355 = tpu.memref_squeeze %get3A_2354 : memref<1x4x4096xf32, #tpu.memory_space<vmem>> -> memref<4x4096xf32, #tpu.memory_space<vmem>>
      %get3A_2356 = arith.index_cast %get3A_2351 : i32 to index
      %get3A_2357 = arith.index_cast %add3A_2296 : i32 to index
      %get3A_2358 = tpu.vector_load %get3A_2355[%get3A_2356, %get3A_2357] {strides = array<i32>} : memref<4x4096xf32, #tpu.memory_space<vmem>>, vector<16xf32>,
      %mul3A_2359 = arith.mulf %get3A_2358, %get3A_2300 : vector<16xf32>
      %add3A_2360 = arith.addf %add3A_2274, %mul3A_2359 : vector<16xf32>
      %get3A_2361 = arith.constant 3 : i32
      %get3A_2362 = arith.constant 0 : i32
      %get3A_2363 = arith.constant 0 : i32
      %get3A_2364 = tpu.memref_slice %arg11[%scan3A_1743, %get3A_2362, %get3A_2363] : memref<2x4x4096xf32, #tpu.memory_space<vmem>> -> memref<1x4x4096xf32, #tpu.memory_space<vmem>>
      %get3A_2365 = tpu.memref_squeeze %get3A_2364 : memref<1x4x4096xf32, #tpu.memory_space<vmem>> -> memref<4x4096xf32, #tpu.memory_space<vmem>>
      %get3A_2366 = arith.index_cast %get3A_2361 : i32 to index
      %get3A_2367 = arith.index_cast %add3A_2296 : i32 to index
      %get3A_2368 = tpu.vector_load %get3A_2365[%get3A_2366, %get3A_2367] {strides = array<i32>} : memref<4x4096xf32, #tpu.memory_space<vmem>>, vector<16xf32>,
      %mul3A_2369 = arith.mulf %get3A_2368, %get3A_2298 : vector<16xf32>
      %add3A_2370 = arith.addf %add3A_2284, %mul3A_2369 : vector<16xf32>
      %get3A_2371 = arith.constant 3 : i32
      %get3A_2372 = arith.constant 0 : i32
      %get3A_2373 = arith.constant 0 : i32
      %get3A_2374 = tpu.memref_slice %arg12[%scan3A_1744, %get3A_2372, %get3A_2373] : memref<2x4x4096xf32, #tpu.memory_space<vmem>> -> memref<1x4x4096xf32, #tpu.memory_space<vmem>>
      %get3A_2375 = tpu.memref_squeeze %get3A_2374 : memref<1x4x4096xf32, #tpu.memory_space<vmem>> -> memref<4x4096xf32, #tpu.memory_space<vmem>>
      %get3A_2376 = arith.index_cast %get3A_2371 : i32 to index
      %get3A_2377 = arith.index_cast %add3A_2296 : i32 to index
      %get3A_2378 = tpu.vector_load %get3A_2375[%get3A_2376, %get3A_2377] {strides = array<i32>} : memref<4x4096xf32, #tpu.memory_space<vmem>>, vector<16xf32>,
      %mul3A_2379 = arith.mulf %get3A_2378, %get3A_2300 : vector<16xf32>
      %add3A_2380 = arith.addf %add3A_2294, %mul3A_2379 : vector<16xf32>
      scf.yield %add3A_2310, %add3A_2330, %add3A_2350, %add3A_2370, %add3A_2320, %add3A_2340, %add3A_2360, %add3A_2380 : vector<16xf32>, vector<16xf32>, vector<16xf32>, vector<16xf32>, vector<16xf32>, vector<16xf32>, vector<16xf32>, vector<16xf32>
    }
    %scan3A_1750 = arith.constant 128 : i32
    %slice3A_1751 = vector.extract_strided_slice %get3A_35 {offsets = [8], sizes = [1], strides = [1]} : vector<16xf32> to vector<1xf32>
    %squeeze3A_1752 = vector.extract %slice3A_1751[0] : f32 from vector<1xf32>
    %add3A_1753 = arith.addf %scan3A_1749#0, %scan3A_1749#4 : vector<16xf32>
    %iota3A_1754 = tpu.iota {dimensions = array<i32: 0>} : vector<16xi32>
    %swap3A_1755 = arith.constant 0 : index
    %swap3A_1756 = tpu.vector_load %arg14[%swap3A_1755] {strides = array<i32>} : memref<16xf32, #tpu.memory_space<vmem>>, vector<16xf32>,
    tpu.vector_store %arg14[%swap3A_1755], %add3A_1753 {strides = array<i32>} : memref<16xf32, #tpu.memory_space<vmem>>, vector<16xf32>,
    %add3A_1757 = arith.constant 8 : i32
    %add3A_1758 = vector.broadcast %add3A_1757 : i32 to vector<16xi32>
    %add3A_1759 = arith.addi %iota3A_1754, %add3A_1758 : vector<16xi32>
    %and3A_1760 = arith.constant 15 : i32
    %and3A_1761 = vector.broadcast %and3A_1760 : i32 to vector<16xi32>
    %and3A_1762 = arith.andi %add3A_1759, %and3A_1761 : vector<16xi32>
    %gather3A_1763 = tpu.vector_load_idx %arg14[%and3A_1762] : memref<16xf32, #tpu.memory_space<vmem>>[vector<16xi32>], vector<16xf32>,
    %add3A_1764 = arith.addf %add3A_1753, %gather3A_1763 : vector<16xf32>
    %swap3A_1765 = arith.constant 0 : index
    %swap3A_1766 = tpu.vector_load %arg14[%swap3A_1765] {strides = array<i32>} : memref<16xf32, #tpu.memory_space<vmem>>, vector<16xf32>,
    tpu.vector_store %arg14[%swap3A_1765], %add3A_1764 {strides = array<i32>} : memref<16xf32, #tpu.memory_space<vmem>>, vector<16xf32>,
    %add3A_1767 = arith.constant 4 : i32
    %add3A_1768 = vector.broadcast %add3A_1767 : i32 to vector<16xi32>
    %add3A_1769 = arith.addi %iota3A_1754, %add3A_1768 : vector<16xi32>
    %and3A_1770 = arith.constant 15 : i32
    %and3A_1771 = vector.broadcast %and3A_1770 : i32 to vector<16xi32>
    %and3A_1772 = arith.andi %add3A_1769, %and3A_1771 : vector<16xi32>
    %gather3A_1773 = tpu.vector_load_idx %arg14[%and3A_1772] : memref<16xf32, #tpu.memory_space<vmem>>[vector<16xi32>], vector<16xf32>,
    %add3A_1774 = arith.addf %add3A_1764, %gather3A_1773 : vector<16xf32>
    %swap3A_1775 = arith.constant 0 : index
    %swap3A_1776 = tpu.vector_load %arg14[%swap3A_1775] {strides = array<i32>} : memref<16xf32, #tpu.memory_space<vmem>>, vector<16xf32>,
    tpu.vector_store %arg14[%swap3A_1775], %add3A_1774 {strides = array<i32>} : memref<16xf32, #tpu.memory_space<vmem>>, vector<16xf32>,
    %add3A_1777 = arith.constant 2 : i32
    %add3A_1778 = vector.broadcast %add3A_1777 : i32 to vector<16xi32>
    %add3A_1779 = arith.addi %iota3A_1754, %add3A_1778 : vector<16xi32>
    %and3A_1780 = arith.constant 15 : i32
    %and3A_1781 = vector.broadcast %and3A_1780 : i32 to vector<16xi32>
    %and3A_1782 = arith.andi %add3A_1779, %and3A_1781 : vector<16xi32>
    %gather3A_1783 = tpu.vector_load_idx %arg14[%and3A_1782] : memref<16xf32, #tpu.memory_space<vmem>>[vector<16xi32>], vector<16xf32>,
    %add3A_1784 = arith.addf %add3A_1774, %gather3A_1783 : vector<16xf32>
    %swap3A_1785 = arith.constant 0 : index
    %swap3A_1786 = tpu.vector_load %arg14[%swap3A_1785] {strides = array<i32>} : memref<16xf32, #tpu.memory_space<vmem>>, vector<16xf32>,
    tpu.vector_store %arg14[%swap3A_1785], %add3A_1784 {strides = array<i32>} : memref<16xf32, #tpu.memory_space<vmem>>, vector<16xf32>,
    %add3A_1787 = arith.constant 1 : i32
    %add3A_1788 = vector.broadcast %add3A_1787 : i32 to vector<16xi32>
    %add3A_1789 = arith.addi %iota3A_1754, %add3A_1788 : vector<16xi32>
    %and3A_1790 = arith.constant 15 : i32
    %and3A_1791 = vector.broadcast %and3A_1790 : i32 to vector<16xi32>
    %and3A_1792 = arith.andi %add3A_1789, %and3A_1791 : vector<16xi32>
    %gather3A_1793 = tpu.vector_load_idx %arg14[%and3A_1792] : memref<16xf32, #tpu.memory_space<vmem>>[vector<16xi32>], vector<16xf32>,
    %add3A_1794 = arith.addf %add3A_1784, %gather3A_1793 : vector<16xf32>
    %slice3A_1795 = vector.extract_strided_slice %add3A_1794 {offsets = [0], sizes = [1], strides = [1]} : vector<16xf32> to vector<1xf32>
    %squeeze3A_1796 = vector.extract %slice3A_1795[0] : f32 from vector<1xf32>
    %add3A_1797 = arith.addf %squeeze3A_1796, %squeeze3A_1752 : f32
    %mul3A_1798 = arith.mulf %add3A_1797, %add3A_1797 : f32
    %add3A_1799 = arith.addf %add3A_1672, %mul3A_1798 : f32
    %slice3A_1800 = vector.extract_strided_slice %get3A_35 {offsets = [9], sizes = [1], strides = [1]} : vector<16xf32> to vector<1xf32>
    %squeeze3A_1801 = vector.extract %slice3A_1800[0] : f32 from vector<1xf32>
    %add3A_1802 = arith.addf %scan3A_1749#1, %scan3A_1749#5 : vector<16xf32>
    %iota3A_1803 = tpu.iota {dimensions = array<i32: 0>} : vector<16xi32>
    %swap3A_1804 = arith.constant 0 : index
    %swap3A_1805 = tpu.vector_load %arg14[%swap3A_1804] {strides = array<i32>} : memref<16xf32, #tpu.memory_space<vmem>>, vector<16xf32>,
    tpu.vector_store %arg14[%swap3A_1804], %add3A_1802 {strides = array<i32>} : memref<16xf32, #tpu.memory_space<vmem>>, vector<16xf32>,
    %add3A_1806 = arith.constant 8 : i32
    %add3A_1807 = vector.broadcast %add3A_1806 : i32 to vector<16xi32>
    %add3A_1808 = arith.addi %iota3A_1803, %add3A_1807 : vector<16xi32>
    %and3A_1809 = arith.constant 15 : i32
    %and3A_1810 = vector.broadcast %and3A_1809 : i32 to vector<16xi32>
    %and3A_1811 = arith.andi %add3A_1808, %and3A_1810 : vector<16xi32>
    %gather3A_1812 = tpu.vector_load_idx %arg14[%and3A_1811] : memref<16xf32, #tpu.memory_space<vmem>>[vector<16xi32>], vector<16xf32>,
    %add3A_1813 = arith.addf %add3A_1802, %gather3A_1812 : vector<16xf32>
    %swap3A_1814 = arith.constant 0 : index
    %swap3A_1815 = tpu.vector_load %arg14[%swap3A_1814] {strides = array<i32>} : memref<16xf32, #tpu.memory_space<vmem>>, vector<16xf32>,
    tpu.vector_store %arg14[%swap3A_1814], %add3A_1813 {strides = array<i32>} : memref<16xf32, #tpu.memory_space<vmem>>, vector<16xf32>,
    %add3A_1816 = arith.constant 4 : i32
    %add3A_1817 = vector.broadcast %add3A_1816 : i32 to vector<16xi32>
    %add3A_1818 = arith.addi %iota3A_1803, %add3A_1817 : vector<16xi32>
    %and3A_1819 = arith.constant 15 : i32
    %and3A_1820 = vector.broadcast %and3A_1819 : i32 to vector<16xi32>
    %and3A_1821 = arith.andi %add3A_1818, %and3A_1820 : vector<16xi32>
    %gather3A_1822 = tpu.vector_load_idx %arg14[%and3A_1821] : memref<16xf32, #tpu.memory_space<vmem>>[vector<16xi32>], vector<16xf32>,
    %add3A_1823 = arith.addf %add3A_1813, %gather3A_1822 : vector<16xf32>
    %swap3A_1824 = arith.constant 0 : index
    %swap3A_1825 = tpu.vector_load %arg14[%swap3A_1824] {strides = array<i32>} : memref<16xf32, #tpu.memory_space<vmem>>, vector<16xf32>,
    tpu.vector_store %arg14[%swap3A_1824], %add3A_1823 {strides = array<i32>} : memref<16xf32, #tpu.memory_space<vmem>>, vector<16xf32>,
    %add3A_1826 = arith.constant 2 : i32
    %add3A_1827 = vector.broadcast %add3A_1826 : i32 to vector<16xi32>
    %add3A_1828 = arith.addi %iota3A_1803, %add3A_1827 : vector<16xi32>
    %and3A_1829 = arith.constant 15 : i32
    %and3A_1830 = vector.broadcast %and3A_1829 : i32 to vector<16xi32>
    %and3A_1831 = arith.andi %add3A_1828, %and3A_1830 : vector<16xi32>
    %gather3A_1832 = tpu.vector_load_idx %arg14[%and3A_1831] : memref<16xf32, #tpu.memory_space<vmem>>[vector<16xi32>], vector<16xf32>,
    %add3A_1833 = arith.addf %add3A_1823, %gather3A_1832 : vector<16xf32>
    %swap3A_1834 = arith.constant 0 : index
    %swap3A_1835 = tpu.vector_load %arg14[%swap3A_1834] {strides = array<i32>} : memref<16xf32, #tpu.memory_space<vmem>>, vector<16xf32>,
    tpu.vector_store %arg14[%swap3A_1834], %add3A_1833 {strides = array<i32>} : memref<16xf32, #tpu.memory_space<vmem>>, vector<16xf32>,
    %add3A_1836 = arith.constant 1 : i32
    %add3A_1837 = vector.broadcast %add3A_1836 : i32 to vector<16xi32>
    %add3A_1838 = arith.addi %iota3A_1803, %add3A_1837 : vector<16xi32>
    %and3A_1839 = arith.constant 15 : i32
    %and3A_1840 = vector.broadcast %and3A_1839 : i32 to vector<16xi32>
    %and3A_1841 = arith.andi %add3A_1838, %and3A_1840 : vector<16xi32>
    %gather3A_1842 = tpu.vector_load_idx %arg14[%and3A_1841] : memref<16xf32, #tpu.memory_space<vmem>>[vector<16xi32>], vector<16xf32>,
    %add3A_1843 = arith.addf %add3A_1833, %gather3A_1842 : vector<16xf32>
    %slice3A_1844 = vector.extract_strided_slice %add3A_1843 {offsets = [0], sizes = [1], strides = [1]} : vector<16xf32> to vector<1xf32>
    %squeeze3A_1845 = vector.extract %slice3A_1844[0] : f32 from vector<1xf32>
    %add3A_1846 = arith.addf %squeeze3A_1845, %squeeze3A_1801 : f32
    %mul3A_1847 = arith.mulf %add3A_1846, %add3A_1846 : f32
    %add3A_1848 = arith.addf %add3A_1799, %mul3A_1847 : f32
    %slice3A_1849 = vector.extract_strided_slice %get3A_35 {offsets = [10], sizes = [1], strides = [1]} : vector<16xf32> to vector<1xf32>
    %squeeze3A_1850 = vector.extract %slice3A_1849[0] : f32 from vector<1xf32>
    %add3A_1851 = arith.addf %scan3A_1749#2, %scan3A_1749#6 : vector<16xf32>
    %iota3A_1852 = tpu.iota {dimensions = array<i32: 0>} : vector<16xi32>
    %swap3A_1853 = arith.constant 0 : index
    %swap3A_1854 = tpu.vector_load %arg14[%swap3A_1853] {strides = array<i32>} : memref<16xf32, #tpu.memory_space<vmem>>, vector<16xf32>,
    tpu.vector_store %arg14[%swap3A_1853], %add3A_1851 {strides = array<i32>} : memref<16xf32, #tpu.memory_space<vmem>>, vector<16xf32>,
    %add3A_1855 = arith.constant 8 : i32
    %add3A_1856 = vector.broadcast %add3A_1855 : i32 to vector<16xi32>
    %add3A_1857 = arith.addi %iota3A_1852, %add3A_1856 : vector<16xi32>
    %and3A_1858 = arith.constant 15 : i32
    %and3A_1859 = vector.broadcast %and3A_1858 : i32 to vector<16xi32>
    %and3A_1860 = arith.andi %add3A_1857, %and3A_1859 : vector<16xi32>
    %gather3A_1861 = tpu.vector_load_idx %arg14[%and3A_1860] : memref<16xf32, #tpu.memory_space<vmem>>[vector<16xi32>], vector<16xf32>,
    %add3A_1862 = arith.addf %add3A_1851, %gather3A_1861 : vector<16xf32>
    %swap3A_1863 = arith.constant 0 : index
    %swap3A_1864 = tpu.vector_load %arg14[%swap3A_1863] {strides = array<i32>} : memref<16xf32, #tpu.memory_space<vmem>>, vector<16xf32>,
    tpu.vector_store %arg14[%swap3A_1863], %add3A_1862 {strides = array<i32>} : memref<16xf32, #tpu.memory_space<vmem>>, vector<16xf32>,
    %add3A_1865 = arith.constant 4 : i32
    %add3A_1866 = vector.broadcast %add3A_1865 : i32 to vector<16xi32>
    %add3A_1867 = arith.addi %iota3A_1852, %add3A_1866 : vector<16xi32>
    %and3A_1868 = arith.constant 15 : i32
    %and3A_1869 = vector.broadcast %and3A_1868 : i32 to vector<16xi32>
    %and3A_1870 = arith.andi %add3A_1867, %and3A_1869 : vector<16xi32>
    %gather3A_1871 = tpu.vector_load_idx %arg14[%and3A_1870] : memref<16xf32, #tpu.memory_space<vmem>>[vector<16xi32>], vector<16xf32>,
    %add3A_1872 = arith.addf %add3A_1862, %gather3A_1871 : vector<16xf32>
    %swap3A_1873 = arith.constant 0 : index
    %swap3A_1874 = tpu.vector_load %arg14[%swap3A_1873] {strides = array<i32>} : memref<16xf32, #tpu.memory_space<vmem>>, vector<16xf32>,
    tpu.vector_store %arg14[%swap3A_1873], %add3A_1872 {strides = array<i32>} : memref<16xf32, #tpu.memory_space<vmem>>, vector<16xf32>,
    %add3A_1875 = arith.constant 2 : i32
    %add3A_1876 = vector.broadcast %add3A_1875 : i32 to vector<16xi32>
    %add3A_1877 = arith.addi %iota3A_1852, %add3A_1876 : vector<16xi32>
    %and3A_1878 = arith.constant 15 : i32
    %and3A_1879 = vector.broadcast %and3A_1878 : i32 to vector<16xi32>
    %and3A_1880 = arith.andi %add3A_1877, %and3A_1879 : vector<16xi32>
    %gather3A_1881 = tpu.vector_load_idx %arg14[%and3A_1880] : memref<16xf32, #tpu.memory_space<vmem>>[vector<16xi32>], vector<16xf32>,
    %add3A_1882 = arith.addf %add3A_1872, %gather3A_1881 : vector<16xf32>
    %swap3A_1883 = arith.constant 0 : index
    %swap3A_1884 = tpu.vector_load %arg14[%swap3A_1883] {strides = array<i32>} : memref<16xf32, #tpu.memory_space<vmem>>, vector<16xf32>,
    tpu.vector_store %arg14[%swap3A_1883], %add3A_1882 {strides = array<i32>} : memref<16xf32, #tpu.memory_space<vmem>>, vector<16xf32>,
    %add3A_1885 = arith.constant 1 : i32
    %add3A_1886 = vector.broadcast %add3A_1885 : i32 to vector<16xi32>
    %add3A_1887 = arith.addi %iota3A_1852, %add3A_1886 : vector<16xi32>
    %and3A_1888 = arith.constant 15 : i32
    %and3A_1889 = vector.broadcast %and3A_1888 : i32 to vector<16xi32>
    %and3A_1890 = arith.andi %add3A_1887, %and3A_1889 : vector<16xi32>
    %gather3A_1891 = tpu.vector_load_idx %arg14[%and3A_1890] : memref<16xf32, #tpu.memory_space<vmem>>[vector<16xi32>], vector<16xf32>,
    %add3A_1892 = arith.addf %add3A_1882, %gather3A_1891 : vector<16xf32>
    %slice3A_1893 = vector.extract_strided_slice %add3A_1892 {offsets = [0], sizes = [1], strides = [1]} : vector<16xf32> to vector<1xf32>
    %squeeze3A_1894 = vector.extract %slice3A_1893[0] : f32 from vector<1xf32>
    %add3A_1895 = arith.addf %squeeze3A_1894, %squeeze3A_1850 : f32
    %mul3A_1896 = arith.mulf %add3A_1895, %add3A_1895 : f32
    %add3A_1897 = arith.addf %add3A_1848, %mul3A_1896 : f32
    %slice3A_1898 = vector.extract_strided_slice %get3A_35 {offsets = [11], sizes = [1], strides = [1]} : vector<16xf32> to vector<1xf32>
    %squeeze3A_1899 = vector.extract %slice3A_1898[0] : f32 from vector<1xf32>
    %add3A_1900 = arith.addf %scan3A_1749#3, %scan3A_1749#7 : vector<16xf32>
    %iota3A_1901 = tpu.iota {dimensions = array<i32: 0>} : vector<16xi32>
    %swap3A_1902 = arith.constant 0 : index
    %swap3A_1903 = tpu.vector_load %arg14[%swap3A_1902] {strides = array<i32>} : memref<16xf32, #tpu.memory_space<vmem>>, vector<16xf32>,
    tpu.vector_store %arg14[%swap3A_1902], %add3A_1900 {strides = array<i32>} : memref<16xf32, #tpu.memory_space<vmem>>, vector<16xf32>,
    %add3A_1904 = arith.constant 8 : i32
    %add3A_1905 = vector.broadcast %add3A_1904 : i32 to vector<16xi32>
    %add3A_1906 = arith.addi %iota3A_1901, %add3A_1905 : vector<16xi32>
    %and3A_1907 = arith.constant 15 : i32
    %and3A_1908 = vector.broadcast %and3A_1907 : i32 to vector<16xi32>
    %and3A_1909 = arith.andi %add3A_1906, %and3A_1908 : vector<16xi32>
    %gather3A_1910 = tpu.vector_load_idx %arg14[%and3A_1909] : memref<16xf32, #tpu.memory_space<vmem>>[vector<16xi32>], vector<16xf32>,
    %add3A_1911 = arith.addf %add3A_1900, %gather3A_1910 : vector<16xf32>
    %swap3A_1912 = arith.constant 0 : index
    %swap3A_1913 = tpu.vector_load %arg14[%swap3A_1912] {strides = array<i32>} : memref<16xf32, #tpu.memory_space<vmem>>, vector<16xf32>,
    tpu.vector_store %arg14[%swap3A_1912], %add3A_1911 {strides = array<i32>} : memref<16xf32, #tpu.memory_space<vmem>>, vector<16xf32>,
    %add3A_1914 = arith.constant 4 : i32
    %add3A_1915 = vector.broadcast %add3A_1914 : i32 to vector<16xi32>
    %add3A_1916 = arith.addi %iota3A_1901, %add3A_1915 : vector<16xi32>
    %and3A_1917 = arith.constant 15 : i32
    %and3A_1918 = vector.broadcast %and3A_1917 : i32 to vector<16xi32>
    %and3A_1919 = arith.andi %add3A_1916, %and3A_1918 : vector<16xi32>
    %gather3A_1920 = tpu.vector_load_idx %arg14[%and3A_1919] : memref<16xf32, #tpu.memory_space<vmem>>[vector<16xi32>], vector<16xf32>,
    %add3A_1921 = arith.addf %add3A_1911, %gather3A_1920 : vector<16xf32>
    %swap3A_1922 = arith.constant 0 : index
    %swap3A_1923 = tpu.vector_load %arg14[%swap3A_1922] {strides = array<i32>} : memref<16xf32, #tpu.memory_space<vmem>>, vector<16xf32>,
    tpu.vector_store %arg14[%swap3A_1922], %add3A_1921 {strides = array<i32>} : memref<16xf32, #tpu.memory_space<vmem>>, vector<16xf32>,
    %add3A_1924 = arith.constant 2 : i32
    %add3A_1925 = vector.broadcast %add3A_1924 : i32 to vector<16xi32>
    %add3A_1926 = arith.addi %iota3A_1901, %add3A_1925 : vector<16xi32>
    %and3A_1927 = arith.constant 15 : i32
    %and3A_1928 = vector.broadcast %and3A_1927 : i32 to vector<16xi32>
    %and3A_1929 = arith.andi %add3A_1926, %and3A_1928 : vector<16xi32>
    %gather3A_1930 = tpu.vector_load_idx %arg14[%and3A_1929] : memref<16xf32, #tpu.memory_space<vmem>>[vector<16xi32>], vector<16xf32>,
    %add3A_1931 = arith.addf %add3A_1921, %gather3A_1930 : vector<16xf32>
    %swap3A_1932 = arith.constant 0 : index
    %swap3A_1933 = tpu.vector_load %arg14[%swap3A_1932] {strides = array<i32>} : memref<16xf32, #tpu.memory_space<vmem>>, vector<16xf32>,
    tpu.vector_store %arg14[%swap3A_1932], %add3A_1931 {strides = array<i32>} : memref<16xf32, #tpu.memory_space<vmem>>, vector<16xf32>,
    %add3A_1934 = arith.constant 1 : i32
    %add3A_1935 = vector.broadcast %add3A_1934 : i32 to vector<16xi32>
    %add3A_1936 = arith.addi %iota3A_1901, %add3A_1935 : vector<16xi32>
    %and3A_1937 = arith.constant 15 : i32
    %and3A_1938 = vector.broadcast %and3A_1937 : i32 to vector<16xi32>
    %and3A_1939 = arith.andi %add3A_1936, %and3A_1938 : vector<16xi32>
    %gather3A_1940 = tpu.vector_load_idx %arg14[%and3A_1939] : memref<16xf32, #tpu.memory_space<vmem>>[vector<16xi32>], vector<16xf32>,
    %add3A_1941 = arith.addf %add3A_1931, %gather3A_1940 : vector<16xf32>
    %slice3A_1942 = vector.extract_strided_slice %add3A_1941 {offsets = [0], sizes = [1], strides = [1]} : vector<16xf32> to vector<1xf32>
    %squeeze3A_1943 = vector.extract %slice3A_1942[0] : f32 from vector<1xf32>
    %add3A_1944 = arith.addf %squeeze3A_1943, %squeeze3A_1899 : f32
    %mul3A_1945 = arith.mulf %add3A_1944, %add3A_1944 : f32
    %add3A_1946 = arith.addf %add3A_1897, %mul3A_1945 : f32
    %dma_wait3A_1947 = arith.constant 1 : i32
    %dma_wait3A_1948 = arith.constant 0 : i32
    %dma_wait3A_1949 = arith.constant 0 : i32
    %dma_wait3A_1950 = tpu.memref_slice %arg11[%dma_wait3A_1947, %dma_wait3A_1948, %dma_wait3A_1949] : memref<2x4x4096xf32, #tpu.memory_space<vmem>> -> memref<1x4x4096xf32, #tpu.memory_space<vmem>>
    %dma_wait3A_1951 = tpu.memref_squeeze %dma_wait3A_1950 : memref<1x4x4096xf32, #tpu.memory_space<vmem>> -> memref<4x4096xf32, #tpu.memory_space<vmem>>
    %dma_wait3A_1952 = arith.constant 0 : i32
    %dma_wait3A_1953 = tpu.memref_slice %arg2[%add3A_1674, %dma_wait3A_1952] : memref<4096x4096xf32, #tpu.memory_space<hbm>> -> memref<4x4096xf32, #tpu.memory_space<hbm>>
    %dma_wait3A_1954 = arith.constant 0 : i32
    %dma_wait3A_1955 = arith.constant 0 : i32
    %dma_wait3A_1956 = tpu.memref_slice %arg11[%dma_wait3A_1947, %dma_wait3A_1954, %dma_wait3A_1955] : memref<2x4x4096xf32, #tpu.memory_space<vmem>> -> memref<1x4x4096xf32, #tpu.memory_space<vmem>>
    %dma_wait3A_1957 = tpu.memref_squeeze %dma_wait3A_1956 : memref<1x4x4096xf32, #tpu.memory_space<vmem>> -> memref<4x4096xf32, #tpu.memory_space<vmem>>
    %dma_wait3A_1958 = arith.constant 0 : i32
    %dma_wait3A_1959 = tpu.memref_slice %arg2[%add3A_1674, %dma_wait3A_1958] : memref<4096x4096xf32, #tpu.memory_space<hbm>> -> memref<4x4096xf32, #tpu.memory_space<hbm>>
    tpu.wait_dma2 semaphore(%arg19 : memref<!tpu.dma_semaphore, #tpu.memory_space<semaphore_mem>>) src(%dma_wait3A_1959 : memref<4x4096xf32, #tpu.memory_space<hbm>>) dst(%dma_wait3A_1957 : memref<4x4096xf32, #tpu.memory_space<vmem>>)
    %dma_wait3A_1960 = arith.constant 1 : i32
    %dma_wait3A_1961 = arith.constant 0 : i32
    %dma_wait3A_1962 = arith.constant 0 : i32
    %dma_wait3A_1963 = tpu.memref_slice %arg12[%dma_wait3A_1960, %dma_wait3A_1961, %dma_wait3A_1962] : memref<2x4x4096xf32, #tpu.memory_space<vmem>> -> memref<1x4x4096xf32, #tpu.memory_space<vmem>>
    %dma_wait3A_1964 = tpu.memref_squeeze %dma_wait3A_1963 : memref<1x4x4096xf32, #tpu.memory_space<vmem>> -> memref<4x4096xf32, #tpu.memory_space<vmem>>
    %dma_wait3A_1965 = arith.constant 0 : i32
    %dma_wait3A_1966 = tpu.memref_slice %arg3[%add3A_1674, %dma_wait3A_1965] : memref<4096x4096xf32, #tpu.memory_space<hbm>> -> memref<4x4096xf32, #tpu.memory_space<hbm>>
    %dma_wait3A_1967 = arith.constant 0 : i32
    %dma_wait3A_1968 = arith.constant 0 : i32
    %dma_wait3A_1969 = tpu.memref_slice %arg12[%dma_wait3A_1960, %dma_wait3A_1967, %dma_wait3A_1968] : memref<2x4x4096xf32, #tpu.memory_space<vmem>> -> memref<1x4x4096xf32, #tpu.memory_space<vmem>>
    %dma_wait3A_1970 = tpu.memref_squeeze %dma_wait3A_1969 : memref<1x4x4096xf32, #tpu.memory_space<vmem>> -> memref<4x4096xf32, #tpu.memory_space<vmem>>
    %dma_wait3A_1971 = arith.constant 0 : i32
    %dma_wait3A_1972 = tpu.memref_slice %arg3[%add3A_1674, %dma_wait3A_1971] : memref<4096x4096xf32, #tpu.memory_space<hbm>> -> memref<4x4096xf32, #tpu.memory_space<hbm>>
    tpu.wait_dma2 semaphore(%arg21 : memref<!tpu.dma_semaphore, #tpu.memory_space<semaphore_mem>>) src(%dma_wait3A_1972 : memref<4x4096xf32, #tpu.memory_space<hbm>>) dst(%dma_wait3A_1970 : memref<4x4096xf32, #tpu.memory_space<vmem>>)
    %broadcast_in_dim3A_1973 = arith.constant 0.000000e+00 : f32
    %broadcast_in_dim3A_1974 = vector.broadcast %broadcast_in_dim3A_1973 : f32 to vector<16xf32>
    %broadcast_in_dim3A_1975 = arith.constant 0.000000e+00 : f32
    %broadcast_in_dim3A_1976 = vector.broadcast %broadcast_in_dim3A_1975 : f32 to vector<16xf32>
    %broadcast_in_dim3A_1977 = arith.constant 0.000000e+00 : f32
    %broadcast_in_dim3A_1978 = vector.broadcast %broadcast_in_dim3A_1977 : f32 to vector<16xf32>
    %broadcast_in_dim3A_1979 = arith.constant 0.000000e+00 : f32
    %broadcast_in_dim3A_1980 = vector.broadcast %broadcast_in_dim3A_1979 : f32 to vector<16xf32>
    %broadcast_in_dim3A_1981 = arith.constant 0.000000e+00 : f32
    %broadcast_in_dim3A_1982 = vector.broadcast %broadcast_in_dim3A_1981 : f32 to vector<16xf32>
    %broadcast_in_dim3A_1983 = arith.constant 0.000000e+00 : f32
    %broadcast_in_dim3A_1984 = vector.broadcast %broadcast_in_dim3A_1983 : f32 to vector<16xf32>
    %broadcast_in_dim3A_1985 = arith.constant 0.000000e+00 : f32
    %broadcast_in_dim3A_1986 = vector.broadcast %broadcast_in_dim3A_1985 : f32 to vector<16xf32>
    %broadcast_in_dim3A_1987 = arith.constant 0.000000e+00 : f32
    %broadcast_in_dim3A_1988 = vector.broadcast %broadcast_in_dim3A_1987 : f32 to vector<16xf32>
    %scan3A_1989 = arith.constant 1 : i32
    %scan3A_1990 = arith.constant 1 : i32
    %scan3A_1991 = arith.constant 0 : i32
    %scan3A_1992 = arith.constant 128 : i32
    %scan3A_1993 = arith.addi %scan3A_1991, %scan3A_1992 : i32
    %scan3A_1994 = arith.constant 1 : i32
    %scan3A_1995:8 = scf.for %scan3A_2198 = %scan3A_1991 to %scan3A_1993 step %scan3A_1994 iter_args(%scan3A_2199 = %broadcast_in_dim3A_1974, %scan3A_2200 = %broadcast_in_dim3A_1976, %scan3A_2201 = %broadcast_in_dim3A_1978, %scan3A_2202 = %broadcast_in_dim3A_1980, %scan3A_2203 = %broadcast_in_dim3A_1982, %scan3A_2204 = %broadcast_in_dim3A_1984, %scan3A_2205 = %broadcast_in_dim3A_1986, %scan3A_2206 = %broadcast_in_dim3A_1988) -> (vector<16xf32>, vector<16xf32>, vector<16xf32>, vector<16xf32>, vector<16xf32>, vector<16xf32>, vector<16xf32>, vector<16xf32>)  : i32 {
      %mul3A_2207 = arith.constant 32 : i32
      %mul3A_2208 = arith.muli %scan3A_2198, %mul3A_2207 : i32
      %add3A_2209 = arith.constant 0 : i32
      %add3A_2210 = arith.addi %mul3A_2208, %add3A_2209 : i32
      %get3A_2211 = arith.index_cast %add3A_2210 : i32 to index
      %get3A_2212 = tpu.vector_load %arg8[%get3A_2211] {strides = array<i32>} : memref<4096xf32, #tpu.memory_space<vmem>>, vector<16xf32>,
      %get3A_2213 = arith.index_cast %add3A_2210 : i32 to index
      %get3A_2214 = tpu.vector_load %arg9[%get3A_2213] {strides = array<i32>} : memref<4096xf32, #tpu.memory_space<vmem>>, vector<16xf32>,
      %get3A_2215 = arith.constant 0 : i32
      %get3A_2216 = arith.constant 0 : i32
      %get3A_2217 = arith.constant 0 : i32
      %get3A_2218 = tpu.memref_slice %arg11[%scan3A_1989, %get3A_2216, %get3A_2217] : memref<2x4x4096xf32, #tpu.memory_space<vmem>> -> memref<1x4x4096xf32, #tpu.memory_space<vmem>>
      %get3A_2219 = tpu.memref_squeeze %get3A_2218 : memref<1x4x4096xf32, #tpu.memory_space<vmem>> -> memref<4x4096xf32, #tpu.memory_space<vmem>>
      %get3A_2220 = arith.index_cast %get3A_2215 : i32 to index
      %get3A_2221 = arith.index_cast %add3A_2210 : i32 to index
      %get3A_2222 = tpu.vector_load %get3A_2219[%get3A_2220, %get3A_2221] {strides = array<i32>} : memref<4x4096xf32, #tpu.memory_space<vmem>>, vector<16xf32>,
      %mul3A_2223 = arith.mulf %get3A_2222, %get3A_2212 : vector<16xf32>
      %add3A_2224 = arith.addf %scan3A_2199, %mul3A_2223 : vector<16xf32>
      %get3A_2225 = arith.constant 0 : i32
      %get3A_2226 = arith.constant 0 : i32
      %get3A_2227 = arith.constant 0 : i32
      %get3A_2228 = tpu.memref_slice %arg12[%scan3A_1990, %get3A_2226, %get3A_2227] : memref<2x4x4096xf32, #tpu.memory_space<vmem>> -> memref<1x4x4096xf32, #tpu.memory_space<vmem>>
      %get3A_2229 = tpu.memref_squeeze %get3A_2228 : memref<1x4x4096xf32, #tpu.memory_space<vmem>> -> memref<4x4096xf32, #tpu.memory_space<vmem>>
      %get3A_2230 = arith.index_cast %get3A_2225 : i32 to index
      %get3A_2231 = arith.index_cast %add3A_2210 : i32 to index
      %get3A_2232 = tpu.vector_load %get3A_2229[%get3A_2230, %get3A_2231] {strides = array<i32>} : memref<4x4096xf32, #tpu.memory_space<vmem>>, vector<16xf32>,
      %mul3A_2233 = arith.mulf %get3A_2232, %get3A_2214 : vector<16xf32>
      %add3A_2234 = arith.addf %scan3A_2203, %mul3A_2233 : vector<16xf32>
      %get3A_2235 = arith.constant 1 : i32
      %get3A_2236 = arith.constant 0 : i32
      %get3A_2237 = arith.constant 0 : i32
      %get3A_2238 = tpu.memref_slice %arg11[%scan3A_1989, %get3A_2236, %get3A_2237] : memref<2x4x4096xf32, #tpu.memory_space<vmem>> -> memref<1x4x4096xf32, #tpu.memory_space<vmem>>
      %get3A_2239 = tpu.memref_squeeze %get3A_2238 : memref<1x4x4096xf32, #tpu.memory_space<vmem>> -> memref<4x4096xf32, #tpu.memory_space<vmem>>
      %get3A_2240 = arith.index_cast %get3A_2235 : i32 to index
      %get3A_2241 = arith.index_cast %add3A_2210 : i32 to index
      %get3A_2242 = tpu.vector_load %get3A_2239[%get3A_2240, %get3A_2241] {strides = array<i32>} : memref<4x4096xf32, #tpu.memory_space<vmem>>, vector<16xf32>,
      %mul3A_2243 = arith.mulf %get3A_2242, %get3A_2212 : vector<16xf32>
      %add3A_2244 = arith.addf %scan3A_2200, %mul3A_2243 : vector<16xf32>
      %get3A_2245 = arith.constant 1 : i32
      %get3A_2246 = arith.constant 0 : i32
      %get3A_2247 = arith.constant 0 : i32
      %get3A_2248 = tpu.memref_slice %arg12[%scan3A_1990, %get3A_2246, %get3A_2247] : memref<2x4x4096xf32, #tpu.memory_space<vmem>> -> memref<1x4x4096xf32, #tpu.memory_space<vmem>>
      %get3A_2249 = tpu.memref_squeeze %get3A_2248 : memref<1x4x4096xf32, #tpu.memory_space<vmem>> -> memref<4x4096xf32, #tpu.memory_space<vmem>>
      %get3A_2250 = arith.index_cast %get3A_2245 : i32 to index
      %get3A_2251 = arith.index_cast %add3A_2210 : i32 to index
      %get3A_2252 = tpu.vector_load %get3A_2249[%get3A_2250, %get3A_2251] {strides = array<i32>} : memref<4x4096xf32, #tpu.memory_space<vmem>>, vector<16xf32>,
      %mul3A_2253 = arith.mulf %get3A_2252, %get3A_2214 : vector<16xf32>
      %add3A_2254 = arith.addf %scan3A_2204, %mul3A_2253 : vector<16xf32>
      %get3A_2255 = arith.constant 2 : i32
      %get3A_2256 = arith.constant 0 : i32
      %get3A_2257 = arith.constant 0 : i32
      %get3A_2258 = tpu.memref_slice %arg11[%scan3A_1989, %get3A_2256, %get3A_2257] : memref<2x4x4096xf32, #tpu.memory_space<vmem>> -> memref<1x4x4096xf32, #tpu.memory_space<vmem>>
      %get3A_2259 = tpu.memref_squeeze %get3A_2258 : memref<1x4x4096xf32, #tpu.memory_space<vmem>> -> memref<4x4096xf32, #tpu.memory_space<vmem>>
      %get3A_2260 = arith.index_cast %get3A_2255 : i32 to index
      %get3A_2261 = arith.index_cast %add3A_2210 : i32 to index
      %get3A_2262 = tpu.vector_load %get3A_2259[%get3A_2260, %get3A_2261] {strides = array<i32>} : memref<4x4096xf32, #tpu.memory_space<vmem>>, vector<16xf32>,
      %mul3A_2263 = arith.mulf %get3A_2262, %get3A_2212 : vector<16xf32>
      %add3A_2264 = arith.addf %scan3A_2201, %mul3A_2263 : vector<16xf32>
      %get3A_2265 = arith.constant 2 : i32
      %get3A_2266 = arith.constant 0 : i32
      %get3A_2267 = arith.constant 0 : i32
      %get3A_2268 = tpu.memref_slice %arg12[%scan3A_1990, %get3A_2266, %get3A_2267] : memref<2x4x4096xf32, #tpu.memory_space<vmem>> -> memref<1x4x4096xf32, #tpu.memory_space<vmem>>
      %get3A_2269 = tpu.memref_squeeze %get3A_2268 : memref<1x4x4096xf32, #tpu.memory_space<vmem>> -> memref<4x4096xf32, #tpu.memory_space<vmem>>
      %get3A_2270 = arith.index_cast %get3A_2265 : i32 to index
      %get3A_2271 = arith.index_cast %add3A_2210 : i32 to index
      %get3A_2272 = tpu.vector_load %get3A_2269[%get3A_2270, %get3A_2271] {strides = array<i32>} : memref<4x4096xf32, #tpu.memory_space<vmem>>, vector<16xf32>,
      %mul3A_2273 = arith.mulf %get3A_2272, %get3A_2214 : vector<16xf32>
      %add3A_2274 = arith.addf %scan3A_2205, %mul3A_2273 : vector<16xf32>
      %get3A_2275 = arith.constant 3 : i32
      %get3A_2276 = arith.constant 0 : i32
      %get3A_2277 = arith.constant 0 : i32
      %get3A_2278 = tpu.memref_slice %arg11[%scan3A_1989, %get3A_2276, %get3A_2277] : memref<2x4x4096xf32, #tpu.memory_space<vmem>> -> memref<1x4x4096xf32, #tpu.memory_space<vmem>>
      %get3A_2279 = tpu.memref_squeeze %get3A_2278 : memref<1x4x4096xf32, #tpu.memory_space<vmem>> -> memref<4x4096xf32, #tpu.memory_space<vmem>>
      %get3A_2280 = arith.index_cast %get3A_2275 : i32 to index
      %get3A_2281 = arith.index_cast %add3A_2210 : i32 to index
      %get3A_2282 = tpu.vector_load %get3A_2279[%get3A_2280, %get3A_2281] {strides = array<i32>} : memref<4x4096xf32, #tpu.memory_space<vmem>>, vector<16xf32>,
      %mul3A_2283 = arith.mulf %get3A_2282, %get3A_2212 : vector<16xf32>
      %add3A_2284 = arith.addf %scan3A_2202, %mul3A_2283 : vector<16xf32>
      %get3A_2285 = arith.constant 3 : i32
      %get3A_2286 = arith.constant 0 : i32
      %get3A_2287 = arith.constant 0 : i32
      %get3A_2288 = tpu.memref_slice %arg12[%scan3A_1990, %get3A_2286, %get3A_2287] : memref<2x4x4096xf32, #tpu.memory_space<vmem>> -> memref<1x4x4096xf32, #tpu.memory_space<vmem>>
      %get3A_2289 = tpu.memref_squeeze %get3A_2288 : memref<1x4x4096xf32, #tpu.memory_space<vmem>> -> memref<4x4096xf32, #tpu.memory_space<vmem>>
      %get3A_2290 = arith.index_cast %get3A_2285 : i32 to index
      %get3A_2291 = arith.index_cast %add3A_2210 : i32 to index
      %get3A_2292 = tpu.vector_load %get3A_2289[%get3A_2290, %get3A_2291] {strides = array<i32>} : memref<4x4096xf32, #tpu.memory_space<vmem>>, vector<16xf32>,
      %mul3A_2293 = arith.mulf %get3A_2292, %get3A_2214 : vector<16xf32>
      %add3A_2294 = arith.addf %scan3A_2206, %mul3A_2293 : vector<16xf32>
      %add3A_2295 = arith.constant 16 : i32
      %add3A_2296 = arith.addi %mul3A_2208, %add3A_2295 : i32
      %get3A_2297 = arith.index_cast %add3A_2296 : i32 to index
      %get3A_2298 = tpu.vector_load %arg8[%get3A_2297] {strides = array<i32>} : memref<4096xf32, #tpu.memory_space<vmem>>, vector<16xf32>,
      %get3A_2299 = arith.index_cast %add3A_2296 : i32 to index
      %get3A_2300 = tpu.vector_load %arg9[%get3A_2299] {strides = array<i32>} : memref<4096xf32, #tpu.memory_space<vmem>>, vector<16xf32>,
      %get3A_2301 = arith.constant 0 : i32
      %get3A_2302 = arith.constant 0 : i32
      %get3A_2303 = arith.constant 0 : i32
      %get3A_2304 = tpu.memref_slice %arg11[%scan3A_1989, %get3A_2302, %get3A_2303] : memref<2x4x4096xf32, #tpu.memory_space<vmem>> -> memref<1x4x4096xf32, #tpu.memory_space<vmem>>
      %get3A_2305 = tpu.memref_squeeze %get3A_2304 : memref<1x4x4096xf32, #tpu.memory_space<vmem>> -> memref<4x4096xf32, #tpu.memory_space<vmem>>
      %get3A_2306 = arith.index_cast %get3A_2301 : i32 to index
      %get3A_2307 = arith.index_cast %add3A_2296 : i32 to index
      %get3A_2308 = tpu.vector_load %get3A_2305[%get3A_2306, %get3A_2307] {strides = array<i32>} : memref<4x4096xf32, #tpu.memory_space<vmem>>, vector<16xf32>,
      %mul3A_2309 = arith.mulf %get3A_2308, %get3A_2298 : vector<16xf32>
      %add3A_2310 = arith.addf %add3A_2224, %mul3A_2309 : vector<16xf32>
      %get3A_2311 = arith.constant 0 : i32
      %get3A_2312 = arith.constant 0 : i32
      %get3A_2313 = arith.constant 0 : i32
      %get3A_2314 = tpu.memref_slice %arg12[%scan3A_1990, %get3A_2312, %get3A_2313] : memref<2x4x4096xf32, #tpu.memory_space<vmem>> -> memref<1x4x4096xf32, #tpu.memory_space<vmem>>
      %get3A_2315 = tpu.memref_squeeze %get3A_2314 : memref<1x4x4096xf32, #tpu.memory_space<vmem>> -> memref<4x4096xf32, #tpu.memory_space<vmem>>
      %get3A_2316 = arith.index_cast %get3A_2311 : i32 to index
      %get3A_2317 = arith.index_cast %add3A_2296 : i32 to index
      %get3A_2318 = tpu.vector_load %get3A_2315[%get3A_2316, %get3A_2317] {strides = array<i32>} : memref<4x4096xf32, #tpu.memory_space<vmem>>, vector<16xf32>,
      %mul3A_2319 = arith.mulf %get3A_2318, %get3A_2300 : vector<16xf32>
      %add3A_2320 = arith.addf %add3A_2234, %mul3A_2319 : vector<16xf32>
      %get3A_2321 = arith.constant 1 : i32
      %get3A_2322 = arith.constant 0 : i32
      %get3A_2323 = arith.constant 0 : i32
      %get3A_2324 = tpu.memref_slice %arg11[%scan3A_1989, %get3A_2322, %get3A_2323] : memref<2x4x4096xf32, #tpu.memory_space<vmem>> -> memref<1x4x4096xf32, #tpu.memory_space<vmem>>
      %get3A_2325 = tpu.memref_squeeze %get3A_2324 : memref<1x4x4096xf32, #tpu.memory_space<vmem>> -> memref<4x4096xf32, #tpu.memory_space<vmem>>
      %get3A_2326 = arith.index_cast %get3A_2321 : i32 to index
      %get3A_2327 = arith.index_cast %add3A_2296 : i32 to index
      %get3A_2328 = tpu.vector_load %get3A_2325[%get3A_2326, %get3A_2327] {strides = array<i32>} : memref<4x4096xf32, #tpu.memory_space<vmem>>, vector<16xf32>,
      %mul3A_2329 = arith.mulf %get3A_2328, %get3A_2298 : vector<16xf32>
      %add3A_2330 = arith.addf %add3A_2244, %mul3A_2329 : vector<16xf32>
      %get3A_2331 = arith.constant 1 : i32
      %get3A_2332 = arith.constant 0 : i32
      %get3A_2333 = arith.constant 0 : i32
      %get3A_2334 = tpu.memref_slice %arg12[%scan3A_1990, %get3A_2332, %get3A_2333] : memref<2x4x4096xf32, #tpu.memory_space<vmem>> -> memref<1x4x4096xf32, #tpu.memory_space<vmem>>
      %get3A_2335 = tpu.memref_squeeze %get3A_2334 : memref<1x4x4096xf32, #tpu.memory_space<vmem>> -> memref<4x4096xf32, #tpu.memory_space<vmem>>
      %get3A_2336 = arith.index_cast %get3A_2331 : i32 to index
      %get3A_2337 = arith.index_cast %add3A_2296 : i32 to index
      %get3A_2338 = tpu.vector_load %get3A_2335[%get3A_2336, %get3A_2337] {strides = array<i32>} : memref<4x4096xf32, #tpu.memory_space<vmem>>, vector<16xf32>,
      %mul3A_2339 = arith.mulf %get3A_2338, %get3A_2300 : vector<16xf32>
      %add3A_2340 = arith.addf %add3A_2254, %mul3A_2339 : vector<16xf32>
      %get3A_2341 = arith.constant 2 : i32
      %get3A_2342 = arith.constant 0 : i32
      %get3A_2343 = arith.constant 0 : i32
      %get3A_2344 = tpu.memref_slice %arg11[%scan3A_1989, %get3A_2342, %get3A_2343] : memref<2x4x4096xf32, #tpu.memory_space<vmem>> -> memref<1x4x4096xf32, #tpu.memory_space<vmem>>
      %get3A_2345 = tpu.memref_squeeze %get3A_2344 : memref<1x4x4096xf32, #tpu.memory_space<vmem>> -> memref<4x4096xf32, #tpu.memory_space<vmem>>
      %get3A_2346 = arith.index_cast %get3A_2341 : i32 to index
      %get3A_2347 = arith.index_cast %add3A_2296 : i32 to index
      %get3A_2348 = tpu.vector_load %get3A_2345[%get3A_2346, %get3A_2347] {strides = array<i32>} : memref<4x4096xf32, #tpu.memory_space<vmem>>, vector<16xf32>,
      %mul3A_2349 = arith.mulf %get3A_2348, %get3A_2298 : vector<16xf32>
      %add3A_2350 = arith.addf %add3A_2264, %mul3A_2349 : vector<16xf32>
      %get3A_2351 = arith.constant 2 : i32
      %get3A_2352 = arith.constant 0 : i32
      %get3A_2353 = arith.constant 0 : i32
      %get3A_2354 = tpu.memref_slice %arg12[%scan3A_1990, %get3A_2352, %get3A_2353] : memref<2x4x4096xf32, #tpu.memory_space<vmem>> -> memref<1x4x4096xf32, #tpu.memory_space<vmem>>
      %get3A_2355 = tpu.memref_squeeze %get3A_2354 : memref<1x4x4096xf32, #tpu.memory_space<vmem>> -> memref<4x4096xf32, #tpu.memory_space<vmem>>
      %get3A_2356 = arith.index_cast %get3A_2351 : i32 to index
      %get3A_2357 = arith.index_cast %add3A_2296 : i32 to index
      %get3A_2358 = tpu.vector_load %get3A_2355[%get3A_2356, %get3A_2357] {strides = array<i32>} : memref<4x4096xf32, #tpu.memory_space<vmem>>, vector<16xf32>,
      %mul3A_2359 = arith.mulf %get3A_2358, %get3A_2300 : vector<16xf32>
      %add3A_2360 = arith.addf %add3A_2274, %mul3A_2359 : vector<16xf32>
      %get3A_2361 = arith.constant 3 : i32
      %get3A_2362 = arith.constant 0 : i32
      %get3A_2363 = arith.constant 0 : i32
      %get3A_2364 = tpu.memref_slice %arg11[%scan3A_1989, %get3A_2362, %get3A_2363] : memref<2x4x4096xf32, #tpu.memory_space<vmem>> -> memref<1x4x4096xf32, #tpu.memory_space<vmem>>
      %get3A_2365 = tpu.memref_squeeze %get3A_2364 : memref<1x4x4096xf32, #tpu.memory_space<vmem>> -> memref<4x4096xf32, #tpu.memory_space<vmem>>
      %get3A_2366 = arith.index_cast %get3A_2361 : i32 to index
      %get3A_2367 = arith.index_cast %add3A_2296 : i32 to index
      %get3A_2368 = tpu.vector_load %get3A_2365[%get3A_2366, %get3A_2367] {strides = array<i32>} : memref<4x4096xf32, #tpu.memory_space<vmem>>, vector<16xf32>,
      %mul3A_2369 = arith.mulf %get3A_2368, %get3A_2298 : vector<16xf32>
      %add3A_2370 = arith.addf %add3A_2284, %mul3A_2369 : vector<16xf32>
      %get3A_2371 = arith.constant 3 : i32
      %get3A_2372 = arith.constant 0 : i32
      %get3A_2373 = arith.constant 0 : i32
      %get3A_2374 = tpu.memref_slice %arg12[%scan3A_1990, %get3A_2372, %get3A_2373] : memref<2x4x4096xf32, #tpu.memory_space<vmem>> -> memref<1x4x4096xf32, #tpu.memory_space<vmem>>
      %get3A_2375 = tpu.memref_squeeze %get3A_2374 : memref<1x4x4096xf32, #tpu.memory_space<vmem>> -> memref<4x4096xf32, #tpu.memory_space<vmem>>
      %get3A_2376 = arith.index_cast %get3A_2371 : i32 to index
      %get3A_2377 = arith.index_cast %add3A_2296 : i32 to index
      %get3A_2378 = tpu.vector_load %get3A_2375[%get3A_2376, %get3A_2377] {strides = array<i32>} : memref<4x4096xf32, #tpu.memory_space<vmem>>, vector<16xf32>,
      %mul3A_2379 = arith.mulf %get3A_2378, %get3A_2300 : vector<16xf32>
      %add3A_2380 = arith.addf %add3A_2294, %mul3A_2379 : vector<16xf32>
      scf.yield %add3A_2310, %add3A_2330, %add3A_2350, %add3A_2370, %add3A_2320, %add3A_2340, %add3A_2360, %add3A_2380 : vector<16xf32>, vector<16xf32>, vector<16xf32>, vector<16xf32>, vector<16xf32>, vector<16xf32>, vector<16xf32>, vector<16xf32>
    }
    %scan3A_1996 = arith.constant 128 : i32
    %slice3A_1997 = vector.extract_strided_slice %get3A_35 {offsets = [12], sizes = [1], strides = [1]} : vector<16xf32> to vector<1xf32>
    %squeeze3A_1998 = vector.extract %slice3A_1997[0] : f32 from vector<1xf32>
    %add3A_1999 = arith.addf %scan3A_1995#0, %scan3A_1995#4 : vector<16xf32>
    %iota3A_2000 = tpu.iota {dimensions = array<i32: 0>} : vector<16xi32>
    %swap3A_2001 = arith.constant 0 : index
    %swap3A_2002 = tpu.vector_load %arg14[%swap3A_2001] {strides = array<i32>} : memref<16xf32, #tpu.memory_space<vmem>>, vector<16xf32>,
    tpu.vector_store %arg14[%swap3A_2001], %add3A_1999 {strides = array<i32>} : memref<16xf32, #tpu.memory_space<vmem>>, vector<16xf32>,
    %add3A_2003 = arith.constant 8 : i32
    %add3A_2004 = vector.broadcast %add3A_2003 : i32 to vector<16xi32>
    %add3A_2005 = arith.addi %iota3A_2000, %add3A_2004 : vector<16xi32>
    %and3A_2006 = arith.constant 15 : i32
    %and3A_2007 = vector.broadcast %and3A_2006 : i32 to vector<16xi32>
    %and3A_2008 = arith.andi %add3A_2005, %and3A_2007 : vector<16xi32>
    %gather3A_2009 = tpu.vector_load_idx %arg14[%and3A_2008] : memref<16xf32, #tpu.memory_space<vmem>>[vector<16xi32>], vector<16xf32>,
    %add3A_2010 = arith.addf %add3A_1999, %gather3A_2009 : vector<16xf32>
    %swap3A_2011 = arith.constant 0 : index
    %swap3A_2012 = tpu.vector_load %arg14[%swap3A_2011] {strides = array<i32>} : memref<16xf32, #tpu.memory_space<vmem>>, vector<16xf32>,
    tpu.vector_store %arg14[%swap3A_2011], %add3A_2010 {strides = array<i32>} : memref<16xf32, #tpu.memory_space<vmem>>, vector<16xf32>,
    %add3A_2013 = arith.constant 4 : i32
    %add3A_2014 = vector.broadcast %add3A_2013 : i32 to vector<16xi32>
    %add3A_2015 = arith.addi %iota3A_2000, %add3A_2014 : vector<16xi32>
    %and3A_2016 = arith.constant 15 : i32
    %and3A_2017 = vector.broadcast %and3A_2016 : i32 to vector<16xi32>
    %and3A_2018 = arith.andi %add3A_2015, %and3A_2017 : vector<16xi32>
    %gather3A_2019 = tpu.vector_load_idx %arg14[%and3A_2018] : memref<16xf32, #tpu.memory_space<vmem>>[vector<16xi32>], vector<16xf32>,
    %add3A_2020 = arith.addf %add3A_2010, %gather3A_2019 : vector<16xf32>
    %swap3A_2021 = arith.constant 0 : index
    %swap3A_2022 = tpu.vector_load %arg14[%swap3A_2021] {strides = array<i32>} : memref<16xf32, #tpu.memory_space<vmem>>, vector<16xf32>,
    tpu.vector_store %arg14[%swap3A_2021], %add3A_2020 {strides = array<i32>} : memref<16xf32, #tpu.memory_space<vmem>>, vector<16xf32>,
    %add3A_2023 = arith.constant 2 : i32
    %add3A_2024 = vector.broadcast %add3A_2023 : i32 to vector<16xi32>
    %add3A_2025 = arith.addi %iota3A_2000, %add3A_2024 : vector<16xi32>
    %and3A_2026 = arith.constant 15 : i32
    %and3A_2027 = vector.broadcast %and3A_2026 : i32 to vector<16xi32>
    %and3A_2028 = arith.andi %add3A_2025, %and3A_2027 : vector<16xi32>
    %gather3A_2029 = tpu.vector_load_idx %arg14[%and3A_2028] : memref<16xf32, #tpu.memory_space<vmem>>[vector<16xi32>], vector<16xf32>,
    %add3A_2030 = arith.addf %add3A_2020, %gather3A_2029 : vector<16xf32>
    %swap3A_2031 = arith.constant 0 : index
    %swap3A_2032 = tpu.vector_load %arg14[%swap3A_2031] {strides = array<i32>} : memref<16xf32, #tpu.memory_space<vmem>>, vector<16xf32>,
    tpu.vector_store %arg14[%swap3A_2031], %add3A_2030 {strides = array<i32>} : memref<16xf32, #tpu.memory_space<vmem>>, vector<16xf32>,
    %add3A_2033 = arith.constant 1 : i32
    %add3A_2034 = vector.broadcast %add3A_2033 : i32 to vector<16xi32>
    %add3A_2035 = arith.addi %iota3A_2000, %add3A_2034 : vector<16xi32>
    %and3A_2036 = arith.constant 15 : i32
    %and3A_2037 = vector.broadcast %and3A_2036 : i32 to vector<16xi32>
    %and3A_2038 = arith.andi %add3A_2035, %and3A_2037 : vector<16xi32>
    %gather3A_2039 = tpu.vector_load_idx %arg14[%and3A_2038] : memref<16xf32, #tpu.memory_space<vmem>>[vector<16xi32>], vector<16xf32>,
    %add3A_2040 = arith.addf %add3A_2030, %gather3A_2039 : vector<16xf32>
    %slice3A_2041 = vector.extract_strided_slice %add3A_2040 {offsets = [0], sizes = [1], strides = [1]} : vector<16xf32> to vector<1xf32>
    %squeeze3A_2042 = vector.extract %slice3A_2041[0] : f32 from vector<1xf32>
    %add3A_2043 = arith.addf %squeeze3A_2042, %squeeze3A_1998 : f32
    %mul3A_2044 = arith.mulf %add3A_2043, %add3A_2043 : f32
    %add3A_2045 = arith.addf %add3A_1946, %mul3A_2044 : f32
    %slice3A_2046 = vector.extract_strided_slice %get3A_35 {offsets = [13], sizes = [1], strides = [1]} : vector<16xf32> to vector<1xf32>
    %squeeze3A_2047 = vector.extract %slice3A_2046[0] : f32 from vector<1xf32>
    %add3A_2048 = arith.addf %scan3A_1995#1, %scan3A_1995#5 : vector<16xf32>
    %iota3A_2049 = tpu.iota {dimensions = array<i32: 0>} : vector<16xi32>
    %swap3A_2050 = arith.constant 0 : index
    %swap3A_2051 = tpu.vector_load %arg14[%swap3A_2050] {strides = array<i32>} : memref<16xf32, #tpu.memory_space<vmem>>, vector<16xf32>,
    tpu.vector_store %arg14[%swap3A_2050], %add3A_2048 {strides = array<i32>} : memref<16xf32, #tpu.memory_space<vmem>>, vector<16xf32>,
    %add3A_2052 = arith.constant 8 : i32
    %add3A_2053 = vector.broadcast %add3A_2052 : i32 to vector<16xi32>
    %add3A_2054 = arith.addi %iota3A_2049, %add3A_2053 : vector<16xi32>
    %and3A_2055 = arith.constant 15 : i32
    %and3A_2056 = vector.broadcast %and3A_2055 : i32 to vector<16xi32>
    %and3A_2057 = arith.andi %add3A_2054, %and3A_2056 : vector<16xi32>
    %gather3A_2058 = tpu.vector_load_idx %arg14[%and3A_2057] : memref<16xf32, #tpu.memory_space<vmem>>[vector<16xi32>], vector<16xf32>,
    %add3A_2059 = arith.addf %add3A_2048, %gather3A_2058 : vector<16xf32>
    %swap3A_2060 = arith.constant 0 : index
    %swap3A_2061 = tpu.vector_load %arg14[%swap3A_2060] {strides = array<i32>} : memref<16xf32, #tpu.memory_space<vmem>>, vector<16xf32>,
    tpu.vector_store %arg14[%swap3A_2060], %add3A_2059 {strides = array<i32>} : memref<16xf32, #tpu.memory_space<vmem>>, vector<16xf32>,
    %add3A_2062 = arith.constant 4 : i32
    %add3A_2063 = vector.broadcast %add3A_2062 : i32 to vector<16xi32>
    %add3A_2064 = arith.addi %iota3A_2049, %add3A_2063 : vector<16xi32>
    %and3A_2065 = arith.constant 15 : i32
    %and3A_2066 = vector.broadcast %and3A_2065 : i32 to vector<16xi32>
    %and3A_2067 = arith.andi %add3A_2064, %and3A_2066 : vector<16xi32>
    %gather3A_2068 = tpu.vector_load_idx %arg14[%and3A_2067] : memref<16xf32, #tpu.memory_space<vmem>>[vector<16xi32>], vector<16xf32>,
    %add3A_2069 = arith.addf %add3A_2059, %gather3A_2068 : vector<16xf32>
    %swap3A_2070 = arith.constant 0 : index
    %swap3A_2071 = tpu.vector_load %arg14[%swap3A_2070] {strides = array<i32>} : memref<16xf32, #tpu.memory_space<vmem>>, vector<16xf32>,
    tpu.vector_store %arg14[%swap3A_2070], %add3A_2069 {strides = array<i32>} : memref<16xf32, #tpu.memory_space<vmem>>, vector<16xf32>,
    %add3A_2072 = arith.constant 2 : i32
    %add3A_2073 = vector.broadcast %add3A_2072 : i32 to vector<16xi32>
    %add3A_2074 = arith.addi %iota3A_2049, %add3A_2073 : vector<16xi32>
    %and3A_2075 = arith.constant 15 : i32
    %and3A_2076 = vector.broadcast %and3A_2075 : i32 to vector<16xi32>
    %and3A_2077 = arith.andi %add3A_2074, %and3A_2076 : vector<16xi32>
    %gather3A_2078 = tpu.vector_load_idx %arg14[%and3A_2077] : memref<16xf32, #tpu.memory_space<vmem>>[vector<16xi32>], vector<16xf32>,
    %add3A_2079 = arith.addf %add3A_2069, %gather3A_2078 : vector<16xf32>
    %swap3A_2080 = arith.constant 0 : index
    %swap3A_2081 = tpu.vector_load %arg14[%swap3A_2080] {strides = array<i32>} : memref<16xf32, #tpu.memory_space<vmem>>, vector<16xf32>,
    tpu.vector_store %arg14[%swap3A_2080], %add3A_2079 {strides = array<i32>} : memref<16xf32, #tpu.memory_space<vmem>>, vector<16xf32>,
    %add3A_2082 = arith.constant 1 : i32
    %add3A_2083 = vector.broadcast %add3A_2082 : i32 to vector<16xi32>
    %add3A_2084 = arith.addi %iota3A_2049, %add3A_2083 : vector<16xi32>
    %and3A_2085 = arith.constant 15 : i32
    %and3A_2086 = vector.broadcast %and3A_2085 : i32 to vector<16xi32>
    %and3A_2087 = arith.andi %add3A_2084, %and3A_2086 : vector<16xi32>
    %gather3A_2088 = tpu.vector_load_idx %arg14[%and3A_2087] : memref<16xf32, #tpu.memory_space<vmem>>[vector<16xi32>], vector<16xf32>,
    %add3A_2089 = arith.addf %add3A_2079, %gather3A_2088 : vector<16xf32>
    %slice3A_2090 = vector.extract_strided_slice %add3A_2089 {offsets = [0], sizes = [1], strides = [1]} : vector<16xf32> to vector<1xf32>
    %squeeze3A_2091 = vector.extract %slice3A_2090[0] : f32 from vector<1xf32>
    %add3A_2092 = arith.addf %squeeze3A_2091, %squeeze3A_2047 : f32
    %mul3A_2093 = arith.mulf %add3A_2092, %add3A_2092 : f32
    %add3A_2094 = arith.addf %add3A_2045, %mul3A_2093 : f32
    %slice3A_2095 = vector.extract_strided_slice %get3A_35 {offsets = [14], sizes = [1], strides = [1]} : vector<16xf32> to vector<1xf32>
    %squeeze3A_2096 = vector.extract %slice3A_2095[0] : f32 from vector<1xf32>
    %add3A_2097 = arith.addf %scan3A_1995#2, %scan3A_1995#6 : vector<16xf32>
    %iota3A_2098 = tpu.iota {dimensions = array<i32: 0>} : vector<16xi32>
    %swap3A_2099 = arith.constant 0 : index
    %swap3A_2100 = tpu.vector_load %arg14[%swap3A_2099] {strides = array<i32>} : memref<16xf32, #tpu.memory_space<vmem>>, vector<16xf32>,
    tpu.vector_store %arg14[%swap3A_2099], %add3A_2097 {strides = array<i32>} : memref<16xf32, #tpu.memory_space<vmem>>, vector<16xf32>,
    %add3A_2101 = arith.constant 8 : i32
    %add3A_2102 = vector.broadcast %add3A_2101 : i32 to vector<16xi32>
    %add3A_2103 = arith.addi %iota3A_2098, %add3A_2102 : vector<16xi32>
    %and3A_2104 = arith.constant 15 : i32
    %and3A_2105 = vector.broadcast %and3A_2104 : i32 to vector<16xi32>
    %and3A_2106 = arith.andi %add3A_2103, %and3A_2105 : vector<16xi32>
    %gather3A_2107 = tpu.vector_load_idx %arg14[%and3A_2106] : memref<16xf32, #tpu.memory_space<vmem>>[vector<16xi32>], vector<16xf32>,
    %add3A_2108 = arith.addf %add3A_2097, %gather3A_2107 : vector<16xf32>
    %swap3A_2109 = arith.constant 0 : index
    %swap3A_2110 = tpu.vector_load %arg14[%swap3A_2109] {strides = array<i32>} : memref<16xf32, #tpu.memory_space<vmem>>, vector<16xf32>,
    tpu.vector_store %arg14[%swap3A_2109], %add3A_2108 {strides = array<i32>} : memref<16xf32, #tpu.memory_space<vmem>>, vector<16xf32>,
    %add3A_2111 = arith.constant 4 : i32
    %add3A_2112 = vector.broadcast %add3A_2111 : i32 to vector<16xi32>
    %add3A_2113 = arith.addi %iota3A_2098, %add3A_2112 : vector<16xi32>
    %and3A_2114 = arith.constant 15 : i32
    %and3A_2115 = vector.broadcast %and3A_2114 : i32 to vector<16xi32>
    %and3A_2116 = arith.andi %add3A_2113, %and3A_2115 : vector<16xi32>
    %gather3A_2117 = tpu.vector_load_idx %arg14[%and3A_2116] : memref<16xf32, #tpu.memory_space<vmem>>[vector<16xi32>], vector<16xf32>,
    %add3A_2118 = arith.addf %add3A_2108, %gather3A_2117 : vector<16xf32>
    %swap3A_2119 = arith.constant 0 : index
    %swap3A_2120 = tpu.vector_load %arg14[%swap3A_2119] {strides = array<i32>} : memref<16xf32, #tpu.memory_space<vmem>>, vector<16xf32>,
    tpu.vector_store %arg14[%swap3A_2119], %add3A_2118 {strides = array<i32>} : memref<16xf32, #tpu.memory_space<vmem>>, vector<16xf32>,
    %add3A_2121 = arith.constant 2 : i32
    %add3A_2122 = vector.broadcast %add3A_2121 : i32 to vector<16xi32>
    %add3A_2123 = arith.addi %iota3A_2098, %add3A_2122 : vector<16xi32>
    %and3A_2124 = arith.constant 15 : i32
    %and3A_2125 = vector.broadcast %and3A_2124 : i32 to vector<16xi32>
    %and3A_2126 = arith.andi %add3A_2123, %and3A_2125 : vector<16xi32>
    %gather3A_2127 = tpu.vector_load_idx %arg14[%and3A_2126] : memref<16xf32, #tpu.memory_space<vmem>>[vector<16xi32>], vector<16xf32>,
    %add3A_2128 = arith.addf %add3A_2118, %gather3A_2127 : vector<16xf32>
    %swap3A_2129 = arith.constant 0 : index
    %swap3A_2130 = tpu.vector_load %arg14[%swap3A_2129] {strides = array<i32>} : memref<16xf32, #tpu.memory_space<vmem>>, vector<16xf32>,
    tpu.vector_store %arg14[%swap3A_2129], %add3A_2128 {strides = array<i32>} : memref<16xf32, #tpu.memory_space<vmem>>, vector<16xf32>,
    %add3A_2131 = arith.constant 1 : i32
    %add3A_2132 = vector.broadcast %add3A_2131 : i32 to vector<16xi32>
    %add3A_2133 = arith.addi %iota3A_2098, %add3A_2132 : vector<16xi32>
    %and3A_2134 = arith.constant 15 : i32
    %and3A_2135 = vector.broadcast %and3A_2134 : i32 to vector<16xi32>
    %and3A_2136 = arith.andi %add3A_2133, %and3A_2135 : vector<16xi32>
    %gather3A_2137 = tpu.vector_load_idx %arg14[%and3A_2136] : memref<16xf32, #tpu.memory_space<vmem>>[vector<16xi32>], vector<16xf32>,
    %add3A_2138 = arith.addf %add3A_2128, %gather3A_2137 : vector<16xf32>
    %slice3A_2139 = vector.extract_strided_slice %add3A_2138 {offsets = [0], sizes = [1], strides = [1]} : vector<16xf32> to vector<1xf32>
    %squeeze3A_2140 = vector.extract %slice3A_2139[0] : f32 from vector<1xf32>
    %add3A_2141 = arith.addf %squeeze3A_2140, %squeeze3A_2096 : f32
    %mul3A_2142 = arith.mulf %add3A_2141, %add3A_2141 : f32
    %add3A_2143 = arith.addf %add3A_2094, %mul3A_2142 : f32
    %slice3A_2144 = vector.extract_strided_slice %get3A_35 {offsets = [15], sizes = [1], strides = [1]} : vector<16xf32> to vector<1xf32>
    %squeeze3A_2145 = vector.extract %slice3A_2144[0] : f32 from vector<1xf32>
    %add3A_2146 = arith.addf %scan3A_1995#3, %scan3A_1995#7 : vector<16xf32>
    %iota3A_2147 = tpu.iota {dimensions = array<i32: 0>} : vector<16xi32>
    %swap3A_2148 = arith.constant 0 : index
    %swap3A_2149 = tpu.vector_load %arg14[%swap3A_2148] {strides = array<i32>} : memref<16xf32, #tpu.memory_space<vmem>>, vector<16xf32>,
    tpu.vector_store %arg14[%swap3A_2148], %add3A_2146 {strides = array<i32>} : memref<16xf32, #tpu.memory_space<vmem>>, vector<16xf32>,
    %add3A_2150 = arith.constant 8 : i32
    %add3A_2151 = vector.broadcast %add3A_2150 : i32 to vector<16xi32>
    %add3A_2152 = arith.addi %iota3A_2147, %add3A_2151 : vector<16xi32>
    %and3A_2153 = arith.constant 15 : i32
    %and3A_2154 = vector.broadcast %and3A_2153 : i32 to vector<16xi32>
    %and3A_2155 = arith.andi %add3A_2152, %and3A_2154 : vector<16xi32>
    %gather3A_2156 = tpu.vector_load_idx %arg14[%and3A_2155] : memref<16xf32, #tpu.memory_space<vmem>>[vector<16xi32>], vector<16xf32>,
    %add3A_2157 = arith.addf %add3A_2146, %gather3A_2156 : vector<16xf32>
    %swap3A_2158 = arith.constant 0 : index
    %swap3A_2159 = tpu.vector_load %arg14[%swap3A_2158] {strides = array<i32>} : memref<16xf32, #tpu.memory_space<vmem>>, vector<16xf32>,
    tpu.vector_store %arg14[%swap3A_2158], %add3A_2157 {strides = array<i32>} : memref<16xf32, #tpu.memory_space<vmem>>, vector<16xf32>,
    %add3A_2160 = arith.constant 4 : i32
    %add3A_2161 = vector.broadcast %add3A_2160 : i32 to vector<16xi32>
    %add3A_2162 = arith.addi %iota3A_2147, %add3A_2161 : vector<16xi32>
    %and3A_2163 = arith.constant 15 : i32
    %and3A_2164 = vector.broadcast %and3A_2163 : i32 to vector<16xi32>
    %and3A_2165 = arith.andi %add3A_2162, %and3A_2164 : vector<16xi32>
    %gather3A_2166 = tpu.vector_load_idx %arg14[%and3A_2165] : memref<16xf32, #tpu.memory_space<vmem>>[vector<16xi32>], vector<16xf32>,
    %add3A_2167 = arith.addf %add3A_2157, %gather3A_2166 : vector<16xf32>
    %swap3A_2168 = arith.constant 0 : index
    %swap3A_2169 = tpu.vector_load %arg14[%swap3A_2168] {strides = array<i32>} : memref<16xf32, #tpu.memory_space<vmem>>, vector<16xf32>,
    tpu.vector_store %arg14[%swap3A_2168], %add3A_2167 {strides = array<i32>} : memref<16xf32, #tpu.memory_space<vmem>>, vector<16xf32>,
    %add3A_2170 = arith.constant 2 : i32
    %add3A_2171 = vector.broadcast %add3A_2170 : i32 to vector<16xi32>
    %add3A_2172 = arith.addi %iota3A_2147, %add3A_2171 : vector<16xi32>
    %and3A_2173 = arith.constant 15 : i32
    %and3A_2174 = vector.broadcast %and3A_2173 : i32 to vector<16xi32>
    %and3A_2175 = arith.andi %add3A_2172, %and3A_2174 : vector<16xi32>
    %gather3A_2176 = tpu.vector_load_idx %arg14[%and3A_2175] : memref<16xf32, #tpu.memory_space<vmem>>[vector<16xi32>], vector<16xf32>,
    %add3A_2177 = arith.addf %add3A_2167, %gather3A_2176 : vector<16xf32>
    %swap3A_2178 = arith.constant 0 : index
    %swap3A_2179 = tpu.vector_load %arg14[%swap3A_2178] {strides = array<i32>} : memref<16xf32, #tpu.memory_space<vmem>>, vector<16xf32>,
    tpu.vector_store %arg14[%swap3A_2178], %add3A_2177 {strides = array<i32>} : memref<16xf32, #tpu.memory_space<vmem>>, vector<16xf32>,
    %add3A_2180 = arith.constant 1 : i32
    %add3A_2181 = vector.broadcast %add3A_2180 : i32 to vector<16xi32>
    %add3A_2182 = arith.addi %iota3A_2147, %add3A_2181 : vector<16xi32>
    %and3A_2183 = arith.constant 15 : i32
    %and3A_2184 = vector.broadcast %and3A_2183 : i32 to vector<16xi32>
    %and3A_2185 = arith.andi %add3A_2182, %and3A_2184 : vector<16xi32>
    %gather3A_2186 = tpu.vector_load_idx %arg14[%and3A_2185] : memref<16xf32, #tpu.memory_space<vmem>>[vector<16xi32>], vector<16xf32>,
    %add3A_2187 = arith.addf %add3A_2177, %gather3A_2186 : vector<16xf32>
    %slice3A_2188 = vector.extract_strided_slice %add3A_2187 {offsets = [0], sizes = [1], strides = [1]} : vector<16xf32> to vector<1xf32>
    %squeeze3A_2189 = vector.extract %slice3A_2188[0] : f32 from vector<1xf32>
    %add3A_2190 = arith.addf %squeeze3A_2189, %squeeze3A_2145 : f32
    %mul3A_2191 = arith.mulf %add3A_2190, %add3A_2190 : f32
    %add3A_2192 = arith.addf %add3A_2143, %mul3A_2191 : f32
    %mul3A_2193 = arith.constant 6.250000e-02 : f32
    %mul3A_2194 = arith.mulf %add3A_2192, %mul3A_2193 : f32
    %broadcast_in_dim3A_2195 = vector.broadcast %mul3A_2194 : f32 to vector<16xf32>
    %swap3A_2196 = arith.constant 0 : index
    %swap3A_2197 = tpu.vector_load %arg13[%swap3A_2196] {strides = array<i32>} : memref<16xf32, #tpu.memory_space<vmem>>, vector<16xf32>,
    tpu.vector_store %arg13[%swap3A_2196], %broadcast_in_dim3A_2195 {strides = array<i32>} : memref<16xf32, #tpu.memory_space<vmem>>, vector<16xf32>,
    "tpu.region"() ({
      %run_scoped3A = tpu.sem_alloc : memref<!tpu.dma_semaphore, #tpu.memory_space<semaphore_mem>>
      %dma_start3A_2198 = arith.constant 0 : i32
      %dma_start3A_2199 = tpu.memref_slice %arg7[%add3A, %dma_start3A_2198] : memref<32x16xf32, #tpu.memory_space<hbm>> -> memref<1x16xf32, #tpu.memory_space<hbm>>
      %dma_start3A_2200 = tpu.memref_squeeze %dma_start3A_2199 : memref<1x16xf32, #tpu.memory_space<hbm>> -> memref<16xf32, #tpu.memory_space<hbm>>
      %dma_start3A_2201 = arith.constant 0 : i32
      %dma_start3A_2202 = tpu.memref_slice %arg7[%add3A, %dma_start3A_2201] : memref<32x16xf32, #tpu.memory_space<hbm>> -> memref<1x16xf32, #tpu.memory_space<hbm>>
      %dma_start3A_2203 = tpu.memref_squeeze %dma_start3A_2202 : memref<1x16xf32, #tpu.memory_space<hbm>> -> memref<16xf32, #tpu.memory_space<hbm>>
      tpu.enqueue_dma source(%arg13 : memref<16xf32, #tpu.memory_space<vmem>>) target(%dma_start3A_2203 : memref<16xf32, #tpu.memory_space<hbm>>) target_semaphore(%run_scoped3A : memref<!tpu.dma_semaphore, #tpu.memory_space<semaphore_mem>>)
      %dma_wait3A_2204 = arith.constant 0 : i32
      %dma_wait3A_2205 = tpu.memref_slice %arg7[%add3A, %dma_wait3A_2204] : memref<32x16xf32, #tpu.memory_space<hbm>> -> memref<1x16xf32, #tpu.memory_space<hbm>>
      %dma_wait3A_2206 = tpu.memref_squeeze %dma_wait3A_2205 : memref<1x16xf32, #tpu.memory_space<hbm>> -> memref<16xf32, #tpu.memory_space<hbm>>
      %dma_wait3A_2207 = arith.constant 0 : i32
      %dma_wait3A_2208 = tpu.memref_slice %arg7[%add3A, %dma_wait3A_2207] : memref<32x16xf32, #tpu.memory_space<hbm>> -> memref<1x16xf32, #tpu.memory_space<hbm>>
      %dma_wait3A_2209 = tpu.memref_squeeze %dma_wait3A_2208 : memref<1x16xf32, #tpu.memory_space<hbm>> -> memref<16xf32, #tpu.memory_space<hbm>>
      tpu.wait_dma2 semaphore(%run_scoped3A : memref<!tpu.dma_semaphore, #tpu.memory_space<semaphore_mem>>) src(%arg13 : memref<16xf32, #tpu.memory_space<vmem>>) dst(%dma_wait3A_2209 : memref<16xf32, #tpu.memory_space<hbm>>)
      tpu.yield
    }) : () -> ()
    return
  }
}

module attributes {stable_mosaic.version = 14 : i64} {
  func.func @_tc_kernel(%arg0: i32, %arg1: memref<4096x1xf32, #tpu.memory_space<vmem>>, %arg2: memref<4096x1xf32, #tpu.memory_space<vmem>>, %arg3: memref<256x4096xf32, #tpu.memory_space<vmem>>, %arg4: memref<256x4096xf32, #tpu.memory_space<vmem>>, %arg5: memref<4096x1xf32, #tpu.memory_space<vmem>>, %arg6: memref<1x2xf32, #tpu.memory_space<vmem>>, %arg7: memref<1x2xf32, #tpu.memory_space<smem>>) attributes {dimension_semantics = [#tpu.dimension_semantics<arbitrary>], iteration_bounds = array<i64: 12>, scalar_prefetch = 0 : i64, scratch_operands = 1 : i64, tpu.core_type = #tpu.core_type<tc>, window_params = [{pipeline_mode = #tpu.pipeline_mode<synchronous>, transform_indices = @transform_0, window_bounds = array<i64: 4096, 1>}, {pipeline_mode = #tpu.pipeline_mode<synchronous>, transform_indices = @transform_1, window_bounds = array<i64: 4096, 1>}, {transform_indices = @transform_2, window_bounds = array<i64: 256, 4096>}, {transform_indices = @transform_3, window_bounds = array<i64: 256, 4096>}, {pipeline_mode = #tpu.pipeline_mode<synchronous>, transform_indices = @transform_4, window_bounds = array<i64: 4096, 1>}, {pipeline_mode = #tpu.pipeline_mode<synchronous>, transform_indices = @transform_5, window_bounds = array<i64: 1, 2>}]} {
    %eq3A = arith.constant 0 : i32
    %eq3A_0 = arith.cmpi eq, %arg0, %eq3A : i32
    %convert_element_type3A = arith.extui %eq3A_0 : i1 to i32
    %cond3A = arith.constant 0 : i32
    %cond3A_1 = arith.cmpi ne, %convert_element_type3A, %cond3A : i32
    scf.if %cond3A_1 {
      %get3A_39 = arith.constant 0 : index
      %get3A_40 = arith.constant 0 : index
      %get3A_41 = vector.load %arg5[%get3A_39, %get3A_40] : memref<4096x1xf32, #tpu.memory_space<vmem>>, vector<4096x1xf32>
      %swap3A_42 = arith.constant 0.000000e+00 : f32
      %swap3A_43 = arith.constant 0 : index
      %swap3A_44 = arith.constant 0 : index
      %swap3A_45 = memref.load %arg7[%swap3A_43, %swap3A_44] : memref<1x2xf32, #tpu.memory_space<smem>>
      memref.store %swap3A_42, %arg7[%swap3A_43, %swap3A_44] : memref<1x2xf32, #tpu.memory_space<smem>>
      %mul3A_46 = arith.mulf %get3A_41, %get3A_41 : vector<4096x1xf32>
      %reduce_sum3A_47 = vector.shape_cast %mul3A_46 : vector<4096x1xf32> to vector<1x4096x1xf32>
      %reduce_sum3A_48 = arith.constant dense<0.000000e+00> : vector<1xf32>
      %reduce_sum3A_49 = vector.multi_reduction <add>, %reduce_sum3A_47, %reduce_sum3A_48 [1, 2] : vector<1x4096x1xf32> to vector<1xf32>
      %reduce_sum3A_50 = vector.shape_cast %reduce_sum3A_49 : vector<1xf32> to vector<1x1x1xf32>
      %reduce_sum3A_51 = vector.extract %reduce_sum3A_50[0, 0, 0] : f32 from vector<1x1x1xf32>
      %swap3A_52 = arith.constant 0 : index
      %swap3A_53 = arith.constant 1 : index
      %swap3A_54 = memref.load %arg7[%swap3A_52, %swap3A_53] : memref<1x2xf32, #tpu.memory_space<smem>>
      memref.store %reduce_sum3A_51, %arg7[%swap3A_52, %swap3A_53] : memref<1x2xf32, #tpu.memory_space<smem>>
    } else {
    }
    %add3A = arith.constant 4 : i32
    %add3A_2 = arith.addi %add3A, %arg0 : i32
    %mul3A = arith.constant 256 : i32
    %mul3A_3 = arith.muli %add3A_2, %mul3A : i32
    %get3A = arith.index_cast %mul3A_3 : i32 to index
    %get3A_4 = arith.constant 0 : index
    %get3A_5 = vector.load %arg5[%get3A, %get3A_4] : memref<4096x1xf32, #tpu.memory_space<vmem>>, vector<256x1xf32>
    %get3A_6 = arith.constant 0 : index
    %get3A_7 = arith.constant 0 : index
    %get3A_8 = vector.load %arg3[%get3A_6, %get3A_7] : memref<256x4096xf32, #tpu.memory_space<vmem>>, vector<256x4096xf32>
    %get3A_9 = arith.constant 0 : index
    %get3A_10 = arith.constant 0 : index
    %get3A_11 = vector.load %arg1[%get3A_9, %get3A_10] : memref<4096x1xf32, #tpu.memory_space<vmem>>, vector<4096x1xf32>
    %dot_general3A = arith.constant dense<0.000000e+00> : vector<256x1xf32>
    %dot_general3A_12 = tpu.matmul %get3A_8, %get3A_11, %dot_general3A {dimension_numbers = #tpu.dot_dimension_numbers<[1], [0], [0], [1], [0, 0, 1, 1], [], []>, transpose_lhs_hint = false} : vector<256x4096xf32>, vector<4096x1xf32>, vector<256x1xf32> -> vector<256x1xf32>
    %get3A_13 = arith.constant 0 : index
    %get3A_14 = arith.constant 0 : index
    %get3A_15 = vector.load %arg4[%get3A_13, %get3A_14] : memref<256x4096xf32, #tpu.memory_space<vmem>>, vector<256x4096xf32>
    %get3A_16 = arith.constant 0 : index
    %get3A_17 = arith.constant 0 : index
    %get3A_18 = vector.load %arg2[%get3A_16, %get3A_17] : memref<4096x1xf32, #tpu.memory_space<vmem>>, vector<4096x1xf32>
    %dot_general3A_19 = arith.constant dense<0.000000e+00> : vector<256x1xf32>
    %dot_general3A_20 = tpu.matmul %get3A_15, %get3A_18, %dot_general3A_19 {dimension_numbers = #tpu.dot_dimension_numbers<[1], [0], [0], [1], [0, 0, 1, 1], [], []>, transpose_lhs_hint = false} : vector<256x4096xf32>, vector<4096x1xf32>, vector<256x1xf32> -> vector<256x1xf32>
    %add3A_21 = arith.addf %dot_general3A_12, %dot_general3A_20 : vector<256x1xf32>
    %add3A_22 = arith.addf %add3A_21, %get3A_5 : vector<256x1xf32>
    %get3A_23 = arith.constant 0 : index
    %get3A_24 = arith.constant 0 : index
    %get3A_25 = memref.load %arg7[%get3A_23, %get3A_24] : memref<1x2xf32, #tpu.memory_space<smem>>
    %mul3A_26 = arith.mulf %add3A_22, %add3A_22 : vector<256x1xf32>
    %reduce_sum3A = vector.shape_cast %mul3A_26 : vector<256x1xf32> to vector<1x256x1xf32>
    %reduce_sum3A_27 = arith.constant dense<0.000000e+00> : vector<1xf32>
    %reduce_sum3A_28 = vector.multi_reduction <add>, %reduce_sum3A, %reduce_sum3A_27 [1, 2] : vector<1x256x1xf32> to vector<1xf32>
    %reduce_sum3A_29 = vector.shape_cast %reduce_sum3A_28 : vector<1xf32> to vector<1x1x1xf32>
    %reduce_sum3A_30 = vector.extract %reduce_sum3A_29[0, 0, 0] : f32 from vector<1x1x1xf32>
    %add3A_31 = arith.addf %get3A_25, %reduce_sum3A_30 : f32
    %swap3A = arith.constant 0 : index
    %swap3A_32 = arith.constant 0 : index
    %swap3A_33 = memref.load %arg7[%swap3A, %swap3A_32] : memref<1x2xf32, #tpu.memory_space<smem>>
    memref.store %add3A_31, %arg7[%swap3A, %swap3A_32] : memref<1x2xf32, #tpu.memory_space<smem>>
    %eq3A_34 = arith.constant 11 : i32
    %eq3A_35 = arith.cmpi eq, %arg0, %eq3A_34 : i32
    %convert_element_type3A_36 = arith.extui %eq3A_35 : i1 to i32
    %cond3A_37 = arith.constant 0 : i32
    %cond3A_38 = arith.cmpi ne, %convert_element_type3A_36, %cond3A_37 : i32
    scf.if %cond3A_38 {
      %get3A_39 = arith.constant 0 : index
      %get3A_40 = arith.constant 0 : index
      %get3A_41 = memref.load %arg7[%get3A_39, %get3A_40] : memref<1x2xf32, #tpu.memory_space<smem>>
      %broadcast_in_dim3A = vector.broadcast %get3A_41 : f32 to vector<1x1xf32>
      %get3A_42 = arith.constant 0 : index
      %get3A_43 = arith.constant 1 : index
      %get3A_44 = memref.load %arg7[%get3A_42, %get3A_43] : memref<1x2xf32, #tpu.memory_space<smem>>
      %broadcast_in_dim3A_45 = vector.broadcast %get3A_44 : f32 to vector<1x1xf32>
      %concatenate3A = tpu.concatenate %broadcast_in_dim3A, %broadcast_in_dim3A_45 in 1 : vector<1x1xf32>, vector<1x1xf32> -> vector<1x2xf32>
      %swap3A_46 = arith.constant 0 : index
      %swap3A_47 = arith.constant 0 : index
      %swap3A_48 = vector.load %arg6[%swap3A_46, %swap3A_47] : memref<1x2xf32, #tpu.memory_space<vmem>>, vector<1x2xf32>
      tpu.vector_store %arg6[%swap3A_46, %swap3A_47], %concatenate3A {strides = array<i32>} : memref<1x2xf32, #tpu.memory_space<vmem>>, vector<1x2xf32>,
    } else {
    }
    return
  }
  func.func @transform_0(%arg0: i32) -> (i32, i32) {
    %c0_i32 = arith.constant 0 : i32
    %c0_i32_0 = arith.constant 0 : i32
    %c0_i32_1 = arith.constant 0 : i32
    return %c0_i32, %c0_i32_0 : i32, i32
  }
  func.func @transform_1(%arg0: i32) -> (i32, i32) {
    %c0_i32 = arith.constant 0 : i32
    %c0_i32_0 = arith.constant 0 : i32
    %c0_i32_1 = arith.constant 0 : i32
    return %c0_i32, %c0_i32_0 : i32, i32
  }
  func.func @transform_2(%arg0: i32) -> (i32, i32) {
    %add3A = arith.constant 4 : i32
    %add3A_0 = arith.addi %add3A, %arg0 : i32
    %c0_i32 = arith.constant 0 : i32
    %c0_i32_1 = arith.constant 0 : i32
    return %add3A_0, %c0_i32 : i32, i32
  }
  func.func @transform_3(%arg0: i32) -> (i32, i32) {
    %add3A = arith.constant 4 : i32
    %add3A_0 = arith.addi %add3A, %arg0 : i32
    %c0_i32 = arith.constant 0 : i32
    %c0_i32_1 = arith.constant 0 : i32
    return %add3A_0, %c0_i32 : i32, i32
  }
  func.func @transform_4(%arg0: i32) -> (i32, i32) {
    %c0_i32 = arith.constant 0 : i32
    %c0_i32_0 = arith.constant 0 : i32
    %c0_i32_1 = arith.constant 0 : i32
    return %c0_i32, %c0_i32_0 : i32, i32
  }
  func.func @transform_5(%arg0: i32) -> (i32, i32) {
    %c0_i32 = arith.constant 0 : i32
    %c0_i32_0 = arith.constant 0 : i32
    %c0_i32_1 = arith.constant 0 : i32
    return %c0_i32, %c0_i32_0 : i32, i32
  }
}

</mosaic_0001>

<sc_bundles>
// kernel: kernel.4.cloned.1.call-start
scs
__scs_entry_jumppad:
0x0: {  	(pc) =	sbr.rel $0x88, $3  }
0x1: {  	(tag) =	ssettag $0x0;
	lr =	simm.s32 $0x1  }
0x2: {  	[smem:$0x3F9C] =	sst lr;
	_ =	strace $0xD0000000  }
0x3: {  	_ = 	snop  }
0x4: {  	_ = 	snop  }
0x5: {  	_ = 	snop  }
0x6: {  	_ = 	snop  }
0x7: {  	_ = 	snop  }
__scs_overlays_trampoline_lowered:
0x8: {  	[smem:$0x3FAB] =	sst s0  }
0x9: {  	[smem:$0x3FAC] =	sst s1  }
0xa: {  	[smem:$0x3FAD] =	sst s2  }
0xb: {  	[smem:$0x3FAE] =	sst s3  }
0xc: {  	[smem:$0x3FAF] =	sst s4  }
0xd: {  	[smem:$0x3FB0] =	sst s5  }
0xe: {  	[smem:$0x3FB1] =	sst s6  }
0xf: {  	[smem:$0x3FB2] =	sst s7  }
0x10: {  	[smem:$0x3FB3] =	sst s8  }
0x11: {  	[smem:$0x3FB4] =	sst s9;
	s0 =	simm.s32 @!p0 $0x0  }
0x12: {  	s1 =	sld [smem:$0x3F9A];
	s0 =	simm.s32 @p0 $0x1  }
0x13: {  	[smem:$0x3FB5] =	sst s0;
	s0 =	simm.s32 @!p1 $0x0  }
0x14: {  	s2 =	sld [smem:$0x3F99];
	s0 =	simm.s32 @p1 $0x1  }
0x15: {  	[smem:$0x3FB6] =	sst s0;
	s0 =	simm.s32 @!p2 $0x0  }
0x16: {  	s3 =	sld [smem:$0x3FDB];
	s0 =	simm.s32 @p2 $0x1  }
0x17: {  	s4 =	simm.s32 $0x1BF5;
	[smem:$0x3FB8] =	sst s0  }
0x18: {  	s0 =	sld [smem:$0x3F9B];
	_ =	swait.ge [sflag:s4], $0x0  }
0x19: {  	s7 =	sld [smem:$0x3F9C]  }
0x1a: {  	s8 =	sadd.s32 $0xFFFFE003, lr  }
0x1b: {  	s9 =	sadd.s32 $0xFFFFFEF7, lr;
	s5 =	simm.s32 $0xFFFFFFFF;
	p2 =	slt.u32 s8, $0xFFFFF086  }
0x1c: {  	p1 =	slt.u32 s9, $0xF7A;
	s5 =	simm.s32 @!p2 $0x0  }
0x1d: {  	s5 =	simm.s32 @p1 $0x1;
	p0 =	seq.s32 s7, s2  }
0x1e: {  	s7 =	smul.u32 @!p0 $0xF7A, s2;
	p2 =	seq.s32 @!p0 s5, $0x0  }
0x1f: {  	s9 =	smul.u32 $0xF7A, s1;
	s8 =	simm.s32 @!p0 $0x1BF5;
	p2 =	por !p2, p0  }
0x20: {  	[sflag:s8] =	ssyncset.s32 @!p0 $0xFFFFF086;
	s6 =	sadd.s32 @!p0 s3, s7;
	s7 =	simm.s32 @!p0 $0x108  }
0x21: {  	s3 =	sadd.s32 s3, s9;
	s6 =	sadd.s32 @!p0 $0x88, s6;
	s7 =	simm.s32 @p2 $0x1082  }
0x22: {  	[simem:s7], [sflag:s8] =	dma.local @!p0 [hbm:s6], $0xF7A  }
0x23: {  	s9 =	sor.u32 $0xD0000000, s2;
	s6 =	simm.s32 $0x108;
	_ =	swait.ge @!p0 [sflag:s8], $0x0  }
0x24: {  	s3 =	sadd.s32 $0x88, s3;
	s6 =	simm.s32 @!p1 $0x1082;
	[sflag:s4] =	ssyncset.s32 $0xFFFFF086  }
0x25: {  	[simem:s6], [sflag:s4] =	dma.local [hbm:s3], $0xF7A  }
0x26: {  	[smem:$0x3F9C] =	sst s1;
	(tag) =	ssettag s2;
	_ =	strace s9  }
0x27: {  	s1 =	sld [smem:$0x3FAC]  }
0x28: {  	s2 =	sld [smem:$0x3FAD]  }
0x29: {  	s4 =	sld [smem:$0x3FAF]  }
0x2a: {  	p0 =	seq.s32 s5, $0x0;
	s5 =	sld [smem:$0x3FB0]  }
0x2b: {  	s6 =	sld [smem:$0x3FB1]  }
0x2c: {  	s7 =	sld [smem:$0x3FB2]  }
0x2d: {  	s3 =	simm.s32 $0x108;
	s8 =	sld [smem:$0x3FB3]  }
0x2e: {  	s3 =	simm.s32 @!p0 $0x1082;
	s9 =	sld [smem:$0x3FB4]  }
0x2f: {  	lr =	sadd.s32 s0, s3;
	s0 =	sld [smem:$0x3FAB]  }
0x30: {  	s3 =	sld [smem:$0x3FAE]  }
0x31: {  	[smem:$0x3FB7] =	sst s10  }
0x32: {  	s10 =	sld [smem:$0x3FB5];
	_ =	sdelay $0x3  }
0x33: {  	p0 =	seq.s32 s10, $0x1;
	s10 =	sld [smem:$0x3FB7];
	_ =	sdelay $0x3  }
0x34: {  	[smem:$0x3FB7] =	sst s10  }
0x35: {  	s10 =	sld [smem:$0x3FB6];
	_ =	sdelay $0x3  }
0x36: {  	p1 =	seq.s32 s10, $0x1;
	s10 =	sld [smem:$0x3FB7];
	_ =	sdelay $0x3  }
0x37: {  	[smem:$0x3FB7] =	sst s10  }
0x38: {  	s10 =	sld [smem:$0x3FB8]  }
0x39: {  	_ = 	snop;
	(pc) =	sbr.ind lr, $3  }
0x3a: {  	_ = 	snop  }
0x3b: {  	_ = 	snop  }
0x3c: {  	p2 =	seq.s32 s10, $0x1;
	s10 =	sld [smem:$0x3FB7]  }
0x3d: {  	_ =	shalt  }
0x3e: {  	_ =	shalt  }
0x3f: {  	_ =	shalt  }
0x40: {  	_ =	shalt  }
0x41: {  	_ =	shalt  }
0x42: {  	_ =	shalt  }
0x43: {  	_ =	shalt  }
0x44: {  	_ =	shalt  }
0x45: {  	_ =	shalt  }
0x46: {  	_ =	shalt  }
0x47: {  	_ =	shalt  }
0x48: {  	_ =	shalt  }
0x49: {  	_ =	shalt  }
0x4a: {  	_ =	shalt  }
0x4b: {  	_ =	shalt  }
0x4c: {  	_ =	shalt  }
0x4d: {  	_ =	shalt  }
0x4e: {  	_ =	shalt  }
0x4f: {  	_ =	shalt  }
0x50: {  	_ =	shalt  }
0x51: {  	_ =	shalt  }
0x52: {  	_ =	shalt  }
0x53: {  	_ =	shalt  }
0x54: {  	_ =	shalt  }
0x55: {  	_ =	shalt  }
0x56: {  	_ =	shalt  }
0x57: {  	_ =	shalt  }
0x58: {  	_ =	shalt  }
0x59: {  	_ =	shalt  }
0x5a: {  	_ =	shalt  }
0x5b: {  	_ =	shalt  }
0x5c: {  	_ =	shalt  }
0x5d: {  	_ =	shalt  }
0x5e: {  	_ =	shalt  }
0x5f: {  	_ =	shalt  }
0x60: {  	_ =	shalt  }
0x61: {  	_ =	shalt  }
0x62: {  	_ =	shalt  }
0x63: {  	_ =	shalt  }
0x64: {  	_ =	shalt  }
0x65: {  	_ =	shalt  }
0x66: {  	_ =	shalt  }
0x67: {  	_ =	shalt  }
0x68: {  	_ =	shalt  }
0x69: {  	_ =	shalt  }
0x6a: {  	_ =	shalt  }
0x6b: {  	_ =	shalt  }
0x6c: {  	_ =	shalt  }
0x6d: {  	_ =	shalt  }
0x6e: {  	_ =	shalt  }
0x6f: {  	_ =	shalt  }
0x70: {  	_ =	shalt  }
0x71: {  	_ =	shalt  }
0x72: {  	_ =	shalt  }
0x73: {  	_ =	shalt  }
0x74: {  	_ =	shalt  }
0x75: {  	_ =	shalt  }
0x76: {  	_ =	shalt  }
0x77: {  	_ =	shalt  }
0x78: {  	_ =	shalt  }
0x79: {  	_ =	shalt  }
0x7a: {  	_ =	shalt  }
0x7b: {  	_ =	shalt  }
0x7c: {  	_ =	shalt  }
0x7d: {  	_ =	shalt  }
0x7e: {  	_ =	shalt  }
0x7f: {  	_ =	shalt  }
0x80: {  	_ =	shalt  }
0x81: {  	_ =	shalt  }
0x82: {  	_ =	shalt  }
0x83: {  	_ =	shalt  }
0x84: {  	_ =	shalt  }
0x85: {  	_ =	shalt  }
0x86: {  	_ =	shalt  }
0x87: {  	_ =	shalt  }
.Lfunc_end0:
.L_simem_size_0:
called_computation_lowered:
.L_overlay_start_0:
0x88: {  	s2 =	sld [smem:$0x3FD9]  }
0x89: {  	s3 =	sld [smem:$0x3FFE];
	_ =	sdelay $0x1  }
0x8a: {  	s1 =	srdreg.scid  }
0x8b: {  	s0 =	sand.u32 $0x1, s1  }
0x8c: {  	s17 =	sshll.u32 s0, $0xA;
	s2 =	sadd.s32 s3, s2  }
0x8d: {  	s2 =	sadd.s32 s2, s17  }
0x8e: {  	[smem:$0x3FC3] =	sst s2  }
0x8f: {  	_ = 	snop  }
0x90: {  	s2 =	sld [smem:$0x3FC9]  }
0x91: {  	s18 =	sld [smem:$0x3FC8]  }
0x92: {  	s4 =	sld [smem:$0x3FC7]  }
0x93: {  	s5 =	sld [smem:$0x3FC6]  }
0x94: {  	s6 =	sld [smem:$0x3FC5];
	(tm) =	ssettm $0x1  }
0x95: {  	s7 =	sld [smem:$0x3FFB];
	_ =	sdelay $0x3  }
0x96: {  	_ =	strace s7  }
0x97: {  	s7 =	sld [smem:$0x3FFC];
	_ =	sdelay $0x3  }
0x98: {  	_ =	strace s7  }
0x99: {  	s7 =	sld [smem:$0x3FFD];
	_ =	sdelay $0x3  }
0x9a: {  	_ =	strace s7  }
0x9b: {  	_ =	strace $0x8FFFFFFF  }
0x9c: {  	s19 =	sld [smem:$0x3FDB];
	_ =	sdelay $0x1  }
0x9d: {  	s8 =	simm.s32 $_scs_section_size  }
0x9e: {  	s9 =	simm.s32 $_size__tile_overlayer_lowered;
	s10 =	simm.s32 $_tile_overlayer_lowered  }
0x9f: {  	s22 =	simm.s32 $0x1BFF;
	s21 =	sshll.u32 s10, $0x1;
	s7 =	sadd.s32 s8, s19  }
0xa0: {  	s11 =	simm.s32 $0x0;
	s20 =	sshll.u32 s9, $0x1;
	s9 =	sadd.s32 s21, s7  }
0xa1: {  	[timem:s11], [sflag:s22] =	dma.local [hbm:s9], s20  }
0xa2: {  	_ =	swait.ge [sflag:s22], s20  }
0xa3: {  	s8 =	ssub.s32 $0x0, s20;
	[sflag:s22] =	ssyncset.done $0x0  }
0xa4: {  	[sflag:s22] =	ssyncadd.s32 s8;
	_ =	sdelay $0x1  }
0xa5: {  	s23 =	simm.s32 $0x1B8B  }
0xa6: {  	_ =	swait.ge [sflag:s23], $0x1  }
0xa7: {  	[sflag:s23] =	ssyncset.done $0x0  }
0xa8: {  	s25 =	simm.s32 $0x1B8E;
	s24 =	sld [smem:$0x3FFE];
	[sflag:s23] =	ssyncadd.s32 $0xFFFFFFFF  }
0xa9: {  	s26 =	simm.s32 $execute0_lowered;
	[smem:$0x3FD2] =	sst s25  }
0xaa: {  	s9 =	sshll.u32 s26, $0x1;
	_ =	strace $0x80000046;
	[dreg:$0x1] =	wrdreg $0xFFFFFFFF  }
0xab: {  	s28 =	simm.s32 $_size_execute0_lowered;
	s7 =	sadd.s32 s7, s9;
	[dreg:$0x0] =	wrdreg $0x0  }
0xac: {  	s9 =	sshll.u32 s28, $0x1;
	[dreg:$0x2] =	wrdreg s7  }
0xad: {  	[dreg:$0x3] =	wrdreg s9  }
0xae: {  	[dreg:$0x4] =	wrdreg $0xC0  }
0xaf: {  	_ =	task [dreg:s11], $0x5FFFF  }
0xb0: {  	[dreg:$0x1] =	wrdreg $0xFFFFFFFF  }
0xb1: {  	[dreg:$0x0] =	wrdreg $0x60  }
0xb2: {  	[dreg:$0x2] =	wrdreg s2  }
0xb3: {  	[dreg:$0x3] =	wrdreg s18  }
0xb4: {  	[dreg:$0x4] =	wrdreg s4  }
0xb5: {  	[dreg:$0x5] =	wrdreg s5  }
0xb6: {  	[dreg:$0x6] =	wrdreg s6  }
0xb7: {  	[dreg:$0x7] =	wrdreg s24  }
0xb8: {  	[dreg:$0x8] =	wrdreg $0x9  }
0xb9: {  	_ =	task.clear_ibuf [dreg:s11], $0x9FFFF;
	_ =	strace $0x90000046  }
0xba: {  	s29 =	simm.s32 $0x9;
	_ =	strace $0x80000048  }
0xbb: {  	_ =	swait.ge [sflag:s29], $0x1  }
0xbc: {  	[sflag:s29] =	ssyncadd.s32 $0xFFFFFFFF  }
0xbd: {  	_ =	strace $0x90000048  }
0xbe: {  	_ =	sfence  }
0xbf: {  	s30 =	sld [smem:$0x0];
	_ =	sdelay $0x2  }
0xc0: {  	s31 =	sshll.u32 s1, $0xD;
	s1 =	sshrl.u32 s1, $0x2  }
0xc1: {  	s3 =	sand.u32 $0x4000, s31;
	s1 =	sadd.s32 s1, s30  }
0xc2: {  	s0 =	sor.u32 s3, s0;
	s1 =	sshll.u32 s1, $0x11  }
0xc3: {  	s0 =	sor.u32 s1, s0  }
0xc4: {  	s0 =	sadd.s32 $0x8F2B, s0  }
0xc5: {  	[sflag:s0] =	ssyncadd.remote.s32 $0x1  }
0xc6: {  	_ =	sfence.sel $0xFFFF  }
0xc7: {  	[dreg:$0x0] =	wrdreg $0xFFFFFFFF;
	(pc) =	sbr.abs _section_cstart, $3  }
0xc8: {  	[dreg:$0x1] =	wrdreg $0xFFFFFFFF  }
0xc9: {  	_ =	task.clear_ibuf [dreg:s11], $0x2FFFF;
	_ =	strace $0x9FFFFFFF  }
0xca: {  	(tm) =	ssettm $0x7FFFFFFF  }
0xcb: {  	_ =	shalt  }
tec
execute0_lowered:
.L_overlay_start_1:
0x0: {  	(tag) =	ssettag $0x1  }
0x1: {  	s0 =	rddreg [dreg:$0x0]  }
0x2: {  	s1 =	rddreg [dreg:$0x1]  }
0x3: {  	s2 =	rddreg [dreg:$0x2];
	s3 =	srdreg.scid  }
0x4: {  	s4 =	stileid.u32;
	s5 =	rddreg [dreg:$0x5];
	s28 =	simm.s32 $0x400  }
0x5: {  	s29 =	simm.s32 $0x2080;
	s30 =	simm.s32 $0xA080;
	s31 =	simm.s32 $0x1  }
0x6: {  	s3 =	sand.u32 $0x1, s3;
	s6 =	sshll.u32 s4, $0x1;
	s4 =	simm.s32 $0x0  }
0x7: {  	s6 =	sor.u32 s3, s6;
	[smem:$0x7FF] =	sst s4;
	s3 =	ssub.s32 $0x2, s3  }
0x8: {  	s7 =	sshll.u32 s6, $0x4;
	_ =	strace $0x80000047;
	s13 =	sshrl.u32 s3, $0x1  }
0x9: {  	s14 =	sshll.u32 s6, $0x2;
	s6 =	sshll.u32 s6, $0xE;
	s5 =	sadd.s32 s7, s5  }
0xa: {  	s3 =	ssub.s32 s3, s13;
	s2 =	sadd.s32 s2, s14;
	s15 =	sadd.s32 s0, s6  }
0xb: {  	s16 =	sor.u32 $0x40, s6;
	s17 =	sadd.s32 s1, s6;
	[dreg:$0x7] =	wrdreg s2  }
0xc: {  	s19 =	sor.u32 $0x1000, s6;
	s21 =	sor.u32 $0x1040, s6;
	[dreg:$0x8] =	wrdreg s15  }
0xd: {  	s23 =	sor.u32 $0x2000, s6;
	[dreg:$0x9] =	wrdreg s17;
	s18 =	sadd.s32 s0, s16  }
0xe: {  	v0 =	vimm.s32 $0xFEDCBA98;
	s24 =	sor.u32 $0x2040, s6;
	s2 =	sadd.s32 s1, s16;
	[dreg:$0xa] =	wrdreg s18  }
0xf: {  	v1 =	vimm.s32 $0x76543210;
	v2 =	vimm.s32 $0x3210FEDC;
	s8 =	sor.u32 $0x3000, s6;
	s20 =	sadd.s32 s0, s19;
	[dreg:$0xb] =	wrdreg s2  }
0x10: {  	v3 =	vimm.s32 $0xBA987654;
	v4 =	vimm.s32 $0x10FEDCBA;
	s26 =	sor.u32 $0x3040, s6;
	s7 =	sadd.s32 s1, s19;
	[dreg:$0xc] =	wrdreg s20  }
0x11: {  	v5 =	vimm.s32 $0x98765432;
	v6 =	vimm.s32 $0xFEDCBA9;
	v7 =	vimm.s32 $0x87654321;
	s6 =	simm.s32 $0x5;
	s22 =	sadd.s32 s0, s21;
	[dreg:$0xd] =	wrdreg s7  }
0x12: {  	v0 =	vunpack.c.l.s4.s8 v0;
	v1 =	vunpack.c.l.s4.s8 v1;
	v2 =	vunpack.c.l.s4.s8 v2;
	s9 =	sadd.s32 s0, s23;
	s25 =	sadd.s32 s0, s24;
	[dreg:$0xe] =	wrdreg s22  }
0x13: {  	v3 =	vunpack.c.l.s4.s8 v3;
	v4 =	vunpack.c.l.s4.s8 v4;
	v5 =	vunpack.c.l.s4.s8 v5;
	s17 =	sadd.s32 s1, s24;
	s19 =	sadd.s32 s1, s8;
	[dreg:$0x10] =	wrdreg s9  }
0x14: {  	v6 =	vunpack.c.l.s4.s8 v6;
	v7 =	vunpack.c.l.s4.s8 v7;
	v0 =	vunpack.c.0.s8.s32 v0;
	s24 =	simm.s32 $0x4;
	s2 =	sadd.s32 s1, s21;
	[dreg:$0x12] =	wrdreg s25  }
0x15: {  	v2 =	vunpack.c.0.s8.s32 v2;
	v3 =	vunpack.c.0.s8.s32 v3;
	v4 =	vunpack.c.0.s8.s32 v4;
	s18 =	sadd.s32 s0, s8;
	s20 =	sadd.s32 s0, s26;
	s21 =	sadd.s32 s1, s26  }
0x16: {  	v5 =	vunpack.c.0.s8.s32 v5;
	v6 =	vunpack.c.0.s8.s32 v6;
	v7 =	vunpack.c.0.s8.s32 v7;
	s22 =	sadd.s32 $0x800, s5;
	s26 =	simm.s32 $0x200;
	s0 =	simm.s32 $0x3  }
0x17: {  	v1 =	vunpack.c.0.s8.s32 v1;
	v2 =	vcombine.low v3, v2;
	s25 =	simm.s32 $0x6;
	s5 =	simm.s32 $0x12100;
	s7 =	simm.s32 $0x7  }
0x18: {  	v3 =	vcombine.low v5, v4;
	v4 =	vcombine.low v7, v6;
	v0 =	vand.u32 $0xF, v0;
	s8 =	simm.s32 $0x8;
	s9 =	simm.s32 $0x0;
	[dreg:$0xf] =	wrdreg s2  }
0x19: {  	v0 =	vcombine.low v0, v1;
	s2 =	sadd.s32 s1, s23;
	s23 =	smax.u32 s3, $0x1;
	s1 =	simm.s32 $0x6080  }
0x1a: {  	s3 =	simm.s32 $0xE080;
	v1 =	vand.u32 $0xF, v2;
	v2 =	vand.u32 $0xF, v3;
	v3 =	vand.u32 $0xF, v4;
	[dreg:$0x11] =	wrdreg s2;
	s2 =	simm.s32 $0x2  }
.LBB2_1:
0x1b: {  	s10 =	rddreg [dreg:$0x3]  }
0x1c: {  	[tilespmem:s4], [sflag:$0x1] =	stream.linear.gather [hbm4b:s10+s4], $0x1000, $0x38;
	[tilespmem:$0x12180] =	vst v63  }
0x1d: {  	s14 =	rddreg [dreg:$0x4];
	s11 =	simm.s32 $0x1000  }
0x1e: {  	[tilespmem:s11], [sflag:$0x2] =	stream.linear.gather [hbm4b:s14+s4], $0x1000, $0x38;
	[tilespmem:$0x12180] =	vst v63  }
0x1f: {  	s15 =	rddreg [dreg:$0x7];
	s16 =	simm.s32 $0x2000  }
0x20: {  	[tilespmem:s16], [sflag:$0x3] =	stream.linear.gather [hbm4b:s15+s4], $0x20, $0x38;
	[tilespmem:$0x12180] =	vst v63  }
0x21: {  	s12 =	rddreg [dreg:$0x8]  }
0x22: {  	[tilespmem:s29], [sflag:$0x4] =	stream.strided.gather [hbm4b:s12+s26], $0x4000, s28, s26, $0x38;
	[tilespmem:$0x12180] =	vst v63  }
0x23: {  	s13 =	rddreg [dreg:$0x9]  }
0x24: {  	[tilespmem:s30], [sflag:$0x6] =	stream.strided.gather [hbm4b:s13+s26], $0x4000, s28, s26, $0x38;
	[tilespmem:$0x12180] =	vst v63  }
0x25: {  	_ =	swait.ge [sflag:s31], $0x1000  }
0x26: {  	[sflag:s31] =	ssyncset.done $0x0  }
0x27: {  	[sflag:s31] =	ssyncadd.s32 $0xFFFFF000  }
0x28: {  	_ =	swait.ge [sflag:s2], $0x1000  }
0x29: {  	[sflag:s2] =	ssyncset.done $0x0  }
0x2a: {  	[sflag:s2] =	ssyncadd.s32 $0xFFFFF000  }
0x2b: {  	_ =	swait.ge [sflag:s0], $0x20  }
0x2c: {  	[sflag:s0] =	ssyncset.done $0x0  }
0x2d: {  	[sflag:s0] =	ssyncadd.s32 $0xFFFFFFE0  }
0x2e: {  	s14 =	rddreg [dreg:$0xa];
	v5 =	vld [tilespmem:$0x2000]  }
0x2f: {  	v4 =	vld [tilespmem:$0x2010];
	[tilespmem:s1], [sflag:$0x5] =	stream.strided.gather [hbm4b:s14+s26], $0x4000, s28, s26, $0x38  }
0x30: {  	s15 =	rddreg [dreg:$0xb]  }
0x31: {  	[tilespmem:s3], [sflag:$0x7] =	stream.strided.gather [hbm4b:s15+s26], $0x4000, s28, s26, $0x38;
	[tilespmem:$0x12180] =	vst v63  }
0x32: {  	_ =	swait.ge [sflag:s24], $0x4000  }
0x33: {  	[sflag:s24] =	ssyncset.done $0x0  }
0x34: {  	[sflag:s24] =	ssyncadd.s32 $0xFFFFC000  }
0x35: {  	_ =	swait.ge [sflag:s25], $0x4000  }
0x36: {  	[sflag:s25] =	ssyncset.done $0x0  }
0x37: {  	s10 =	sand.u32 $0x60, s4;
	s16 =	simm.s32 $0x0;
	[sflag:s25] =	ssyncadd.s32 $0xFFFFC000  }
0x38: {  	s12 =	sor.u32 $0x10, s10;
	s13 =	sand.u32 $0xF80, s4;
	v10 =	vld [tilespmem:s16+$0x0]  }
0x39: {  	s13 =	sor.u32 s13, s12;
	v11 =	vld [tilespmem:s16+$0x1000]  }
0x3a: {  	s14 =	sand.u32 $0x3E00, s4;
	v9 =	vld [tilespmem:s13+$0x0]  }
0x3b: {  	s15 =	sor.u32 s14, s12;
	v7 =	vld [tilespmem:s13+$0x1000]  }
0x3c: {  	v22 =	vld [tilespmem:s15+$0x2080]  }
0x3d: {  	v24 =	vld [tilespmem:s15+$0xA080]  }
0x3e: {  	v20 =	vld [tilespmem:s15+$0x2100]  }
0x3f: {  	v21 =	vld [tilespmem:s15+$0xA100]  }
0x40: {  	v17 =	vld [tilespmem:s15+$0x2180]  }
0x41: {  	s13 =	sor.u32 s10, s14;
	v19 =	vld [tilespmem:s15+$0xA180]  }
0x42: {  	v26 =	vld [tilespmem:s13+$0x2080]  }
0x43: {  	v16 =	vimm.f32 $0.0e+00;
	v18 =	vimm.f32 $0.0e+00;
	v27 =	vld [tilespmem:s13+$0xA080]  }
0x44: {  	v15 =	vimm.f32 $0.0e+00;
	v6 =	vimm.f32 $0.0e+00;
	v8 =	vimm.f32 $0.0e+00;
	s11 =	simm.s32 $0x20;
	s16 =	sand.u32 $0x3, s4;
	v23 =	vld [tilespmem:s13+$0x2100]  }
0x45: {  	v14 =	vimm.f32 $0.0e+00;
	v12 =	vimm.f32 $0.0e+00;
	v13 =	vimm.f32 $0.0e+00;
	s12 =	simm.s32 $0x0;
	s10 =	simm.s32 $0x0;
	s14 =	sshll.u32 s16, $0x5;
	v25 =	vld [tilespmem:s13+$0xA100]  }
.LBB2_2:
0x46: {  	p0 =	sne.s32 s11, $0xFE0;
	s14 =	sadd.s32 s14, s10;
	v28 =	vld [tilespmem:s13+$0x2180];
	v22 =	vmul.f32 v22, v9;
	v24 =	vmul.f32 v24, v7  }
0x47: {  	v20 =	vmul.f32 v20, v9;
	v21 =	vmul.f32 v21, v7;
	v29 =	vld [tilespmem:s13+$0xA180];
	s13 =	sor.u32 $0x180, s14  }
0x48: {  	v17 =	vmul.f32 v17, v9;
	v19 =	vmul.f32 v19, v7;
	s14 =	sadd.s32 $0x10, s14;
	v30 =	vld [tilespmem:s13+$0x2080]  }
0x49: {  	v26 =	vmul.f32 v26, v10;
	v27 =	vmul.f32 v27, v11;
	v31 =	vld [tilespmem:s13+$0xA080];
	s13 =	sor.u32 $0x180, s14  }
0x4a: {  	s10 =	sadd.s32 $0x80, s10;
	v23 =	vmul.f32 v23, v10;
	v25 =	vmul.f32 v25, v11;
	v32 =	vld [tilespmem:s13+$0x2080]  }
0x4b: {  	s15 =	sshra.s32 s10, $0x2;
	s14 =	sand.u32 $0x60, s11;
	v16 =	vadd.f32 v26, v16;
	v18 =	vadd.f32 v27, v18;
	v26 =	vmul.f32 v28, v10;
	v27 =	vld [tilespmem:s13+$0xA080]  }
0x4c: {  	s16 =	sand.u32 $0xF80, s11;
	s13 =	sor.u32 $0x10, s14;
	v15 =	vadd.f32 v23, v15;
	v28 =	vld [tilespmem:s15+$0x0];
	v6 =	vadd.f32 v25, v6;
	v23 =	vmul.f32 v29, v11  }
0x4d: {  	v16 =	vadd.f32 v22, v16;
	v18 =	vadd.f32 v24, v18;
	v25 =	vld [tilespmem:s15+$0x1000];
	s15 =	sor.u32 s16, s13;
	v10 =	vmul.f32 v30, v10  }
0x4e: {  	s16 =	sand.u32 $0x3E00, s10;
	v15 =	vadd.f32 v20, v15;
	v29 =	vld [tilespmem:s15+$0x0];
	v11 =	vmul.f32 v31, v11;
	v6 =	vadd.f32 v21, v6  }
0x4f: {  	v8 =	vadd.f32 v26, v8;
	v14 =	vadd.f32 v23, v14;
	v30 =	vld [tilespmem:s15+$0x1000];
	s15 =	sor.u32 s16, s13;
	v9 =	vmul.f32 v32, v9  }
0x50: {  	v12 =	vadd.f32 v10, v12;
	v22 =	vld [tilespmem:s15+$0x2080];
	v21 =	vadd.f32 v11, v13;
	v7 =	vmul.f32 v27, v7  }
0x51: {  	v8 =	vadd.f32 v17, v8;
	v14 =	vadd.f32 v19, v14;
	v24 =	vld [tilespmem:s15+$0xA080];
	v10 =	vmov v28  }
0x52: {  	v12 =	vadd.f32 v9, v12;
	v20 =	vld [tilespmem:s15+$0x2100];
	v13 =	vadd.f32 v7, v21;
	v11 =	vmov v25  }
0x53: {  	v21 =	vld [tilespmem:s15+$0xA100];
	v9 =	vmov v29  }
0x54: {  	v17 =	vld [tilespmem:s15+$0x2180];
	v7 =	vmov v30  }
.Ltmp0:
0x55: {  	s13 =	sor.u32 s14, s16;
	v19 =	vld [tilespmem:s15+$0xA180];
	(pc) =	sbr.rel @p0 .LBB2_2-.Ltmp0, $4  }
0x56: {  	v26 =	vld [tilespmem:s13+$0x2080]  }
0x57: {  	s12 =	sadd.s32 $0x1, s12;
	v27 =	vld [tilespmem:s13+$0xA080]  }
0x58: {  	s14 =	sand.u32 $0x3, s12;
	v23 =	vld [tilespmem:s13+$0x2100]  }
0x59: {  	s11 =	sadd.s32 $0x20, s11;
	s14 =	sshll.u32 s14, $0x5;
	v25 =	vld [tilespmem:s13+$0xA100]  }
0x5a: {  	_ =	sdelay $0x1  }
0x5b: {  	v26 =	vmul.f32 v26, v10;
	v27 =	vmul.f32 v27, v11  }
0x5c: {  	v22 =	vmul.f32 v22, v9  }
0x5d: {  	v24 =	vmul.f32 v24, v7;
	v16 =	vadd.f32 v26, v16;
	v18 =	vadd.f32 v27, v18  }
0x5e: {  	s10 =	sadd.s32 s14, s10;
	v28 =	vld [tilespmem:s13+$0x2180]  }
0x5f: {  	s11 =	sor.u32 $0x180, s10;
	v26 =	vld [tilespmem:s13+$0xA180];
	v16 =	vadd.f32 v22, v16;
	v18 =	vadd.f32 v24, v18  }
0x60: {  	s10 =	sadd.s32 $0x10, s10;
	v27 =	vld [tilespmem:s11+$0x2080]  }
0x61: {  	s10 =	sor.u32 $0x180, s10;
	v22 =	vld [tilespmem:s11+$0xA080];
	v16 =	vadd.f32 v18, v16  }
0x62: {  	v24 =	vld [tilespmem:s10+$0x2080]  }
0x63: {  	v18 =	vld [tilespmem:s10+$0xA080];
	[tilespmem:$0x12100] =	vst v16  }
0x64: {  	v29 =	vld.idx.msk [tilespmem:v0+s5+$0x0], $0xffff;
	_ =	sdelay $0x4  }
0x65: {  	v16 =	vadd.f32 v29, v16;
	_ =	sdelay $0x1  }
0x66: {  	[tilespmem:$0x12100] =	vst v16  }
0x67: {  	v29 =	vld.idx.msk [tilespmem:v1+s5+$0x0], $0xffff;
	_ =	sdelay $0x4  }
0x68: {  	v16 =	vadd.f32 v29, v16;
	_ =	sdelay $0x1  }
0x69: {  	[tilespmem:$0x12100] =	vst v16  }
0x6a: {  	v29 =	vld.idx.msk [tilespmem:v2+s5+$0x0], $0xffff;
	_ =	sdelay $0x1  }
0x6b: {  	v23 =	vmul.f32 v23, v10;
	v25 =	vmul.f32 v25, v11  }
0x6c: {  	v20 =	vmul.f32 v20, v9  }
0x6d: {  	v21 =	vmul.f32 v21, v7;
	v15 =	vadd.f32 v23, v15;
	v6 =	vadd.f32 v25, v6  }
0x6e: {  	v16 =	vadd.f32 v29, v16  }
0x6f: {  	v15 =	vadd.f32 v20, v15;
	v6 =	vadd.f32 v21, v6  }
0x70: {  	[tilespmem:$0x12100] =	vst v16  }
0x71: {  	v6 =	vadd.f32 v6, v15;
	v15 =	vld.idx.msk [tilespmem:v3+s5+$0x0], $0xffff;
	_ =	sdelay $0x3  }
0x72: {  	[tilespmem:$0x12100] =	vst v6  }
0x73: {  	[tilespmem:$0x1FF90] =	vst v15;
	v15 =	vld.idx.msk [tilespmem:v0+s5+$0x0], $0xffff;
	_ =	sdelay $0x4  }
0x74: {  	v6 =	vadd.f32 v15, v6;
	_ =	sdelay $0x1  }
0x75: {  	[tilespmem:$0x12100] =	vst v6  }
0x76: {  	v15 =	vld.idx.msk [tilespmem:v1+s5+$0x0], $0xffff;
	_ =	sdelay $0x4  }
0x77: {  	v6 =	vadd.f32 v15, v6;
	_ =	sdelay $0x1  }
0x78: {  	[tilespmem:$0x12100] =	vst v6  }
0x79: {  	[tilespmem:$0x1FF80] =	vst v16;
	v16 =	vld.idx.msk [tilespmem:v2+s5+$0x0], $0xffff;
	_ =	sdelay $0x1  }
0x7a: {  	v20 =	vmul.f32 v26, v11;
	v15 =	vmul.f32 v28, v10  }
0x7b: {  	v17 =	vmul.f32 v17, v9  }
0x7c: {  	v14 =	vadd.f32 v20, v14;
	v8 =	vadd.f32 v15, v8;
	v15 =	vmul.f32 v19, v7  }
0x7d: {  	v6 =	vadd.f32 v16, v6  }
0x7e: {  	v8 =	vadd.f32 v17, v8;
	v14 =	vadd.f32 v15, v14  }
0x7f: {  	[tilespmem:$0x12100] =	vst v6  }
0x80: {  	[tilespmem:$0x1FFA0] =	vst v6;
	v6 =	vadd.f32 v14, v8;
	v8 =	vld.idx.msk [tilespmem:v3+s5+$0x0], $0xffff;
	_ =	sdelay $0x3  }
0x81: {  	[tilespmem:$0x12100] =	vst v6  }
0x82: {  	[tilespmem:$0x1FFB0] =	vst v8;
	v8 =	vld.idx.msk [tilespmem:v0+s5+$0x0], $0xffff;
	_ =	sdelay $0x4  }
0x83: {  	v6 =	vadd.f32 v8, v6;
	_ =	sdelay $0x1  }
0x84: {  	[tilespmem:$0x12100] =	vst v6  }
0x85: {  	v8 =	vld.idx.msk [tilespmem:v1+s5+$0x0], $0xffff;
	_ =	sdelay $0x4  }
0x86: {  	v6 =	vadd.f32 v8, v6;
	_ =	sdelay $0x1  }
0x87: {  	[tilespmem:$0x12100] =	vst v6  }
0x88: {  	v8 =	vmul.f32 v27, v10;
	v10 =	vld.idx.msk [tilespmem:v2+s5+$0x0], $0xffff;
	_ =	sdelay $0x1  }
0x89: {  	v11 =	vmul.f32 v22, v11  }
0x8a: {  	v9 =	vmul.f32 v24, v9  }
0x8b: {  	v11 =	vadd.f32 v11, v13;
	v7 =	vmul.f32 v18, v7;
	v8 =	vadd.f32 v8, v12  }
0x8c: {  	v6 =	vadd.f32 v10, v6  }
0x8d: {  	v7 =	vadd.f32 v7, v11;
	v8 =	vadd.f32 v9, v8  }
0x8e: {  	[tilespmem:$0x12100] =	vst v6  }
0x8f: {  	[tilespmem:$0x1FFC0] =	vst v6;
	v6 =	vadd.f32 v7, v8;
	v7 =	vld.idx.msk [tilespmem:v3+s5+$0x0], $0xffff;
	_ =	sdelay $0x3  }
0x90: {  	[tilespmem:$0x12100] =	vst v6  }
0x91: {  	[tilespmem:$0x1FFD0] =	vst v7;
	v7 =	vld.idx.msk [tilespmem:v0+s5+$0x0], $0xffff;
	_ =	sdelay $0x4  }
0x92: {  	v6 =	vadd.f32 v7, v6;
	_ =	sdelay $0x1  }
0x93: {  	[tilespmem:$0x12100] =	vst v6  }
0x94: {  	v7 =	vld.idx.msk [tilespmem:v1+s5+$0x0], $0xffff;
	_ =	sdelay $0x4  }
0x95: {  	v6 =	vadd.f32 v7, v6;
	_ =	sdelay $0x1  }
0x96: {  	[tilespmem:$0x12100] =	vst v6  }
0x97: {  	v7 =	vld.idx.msk [tilespmem:v2+s5+$0x0], $0xffff;
	_ =	sdelay $0x4  }
0x98: {  	v6 =	vadd.f32 v7, v6;
	_ =	sdelay $0x1  }
0x99: {  	[tilespmem:$0x12100] =	vst v6  }
0x9a: {  	[tilespmem:$0x1FFE0] =	vst v6;
	v6 =	vld.idx.msk [tilespmem:v3+s5+$0x0], $0xffff  }
0x9b: {  	s14 =	rddreg [dreg:$0xc]  }
0x9c: {  	[tilespmem:s29], [sflag:$0x4] =	stream.strided.gather [hbm4b:s14+s26], $0x4000, s28, s26, $0x38;
	[tilespmem:$0x12180] =	vst v63  }
0x9d: {  	s15 =	rddreg [dreg:$0xd]  }
0x9e: {  	[tilespmem:s30], [sflag:$0x6] =	stream.strided.gather [hbm4b:s15+s26], $0x4000, s28, s26, $0x38;
	[tilespmem:$0x12180] =	vst v63  }
0x9f: {  	[tilespmem:$0x1FFF0] =	vst v6  }
0xa0: {  	_ =	swait.ge [sflag:s6], $0x4000  }
0xa1: {  	[sflag:s6] =	ssyncset.done $0x0  }
0xa2: {  	[sflag:s6] =	ssyncadd.s32 $0xFFFFC000  }
0xa3: {  	_ =	swait.ge [sflag:s7], $0x4000  }
0xa4: {  	s10 =	simm.s32 $0x0;
	[sflag:s7] =	ssyncset.done $0x0  }
0xa5: {  	s12 =	simm.s32 $0x0;
	s11 =	sand.u32 $0x60, s10;
	[sflag:s7] =	ssyncadd.s32 $0xFFFFC000  }
0xa6: {  	s16 =	sand.u32 $0xF80, s10;
	s13 =	sor.u32 $0x10, s11;
	v11 =	vld [tilespmem:s12+$0x0]  }
0xa7: {  	s15 =	sor.u32 s16, s13;
	v13 =	vld [tilespmem:s12+$0x1000]  }
0xa8: {  	s16 =	sand.u32 $0x3E00, s10;
	v9 =	vld [tilespmem:s15+$0x0]  }
0xa9: {  	v7 =	vld [tilespmem:s15+$0x1000];
	s15 =	sor.u32 s16, s13  }
0xaa: {  	v22 =	vld [tilespmem:s15+$0x6080]  }
0xab: {  	v24 =	vld [tilespmem:s15+$0xE080]  }
0xac: {  	v10 =	vld [tilespmem:s15+$0x6100]  }
0xad: {  	v12 =	vld [tilespmem:s15+$0xE100]  }
0xae: {  	v20 =	vld [tilespmem:s15+$0x6180]  }
0xaf: {  	s13 =	sor.u32 s11, s16;
	v21 =	vld [tilespmem:s15+$0xE180]  }
0xb0: {  	v26 =	vld [tilespmem:s13+$0x6080]  }
0xb1: {  	v19 =	vimm.f32 $0.0e+00;
	v18 =	vimm.f32 $0.0e+00;
	v27 =	vld [tilespmem:s13+$0xE080]  }
0xb2: {  	v15 =	vimm.f32 $0.0e+00;
	v17 =	vimm.f32 $0.0e+00;
	v16 =	vimm.f32 $0.0e+00;
	s16 =	sand.u32 $0x3, s10;
	v23 =	vld [tilespmem:s13+$0x6100]  }
0xb3: {  	v14 =	vimm.f32 $0.0e+00;
	v8 =	vimm.f32 $0.0e+00;
	v6 =	vimm.f32 $0.0e+00;
	s11 =	simm.s32 $0x20;
	s12 =	simm.s32 $0x0;
	s14 =	sshll.u32 s16, $0x5;
	v25 =	vld [tilespmem:s13+$0xE100]  }
.LBB2_4:
0xb4: {  	p0 =	sne.s32 s11, $0xFE0;
	s14 =	sadd.s32 s14, s10;
	v28 =	vld [tilespmem:s13+$0x6180];
	v22 =	vmul.f32 v22, v9;
	v24 =	vmul.f32 v24, v7  }
0xb5: {  	v10 =	vmul.f32 v10, v9;
	v12 =	vmul.f32 v12, v7;
	v29 =	vld [tilespmem:s13+$0xE180];
	s13 =	sor.u32 $0x180, s14  }
0xb6: {  	v20 =	vmul.f32 v20, v9;
	v21 =	vmul.f32 v21, v7;
	s14 =	sadd.s32 $0x10, s14;
	v30 =	vld [tilespmem:s13+$0x6080]  }
0xb7: {  	v26 =	vmul.f32 v26, v11;
	v27 =	vmul.f32 v27, v13;
	v31 =	vld [tilespmem:s13+$0xE080];
	s13 =	sor.u32 $0x180, s14  }
0xb8: {  	s10 =	sadd.s32 $0x80, s10;
	v23 =	vmul.f32 v23, v11;
	v25 =	vmul.f32 v25, v13;
	v32 =	vld [tilespmem:s13+$0x6080]  }
0xb9: {  	s15 =	sshra.s32 s10, $0x2;
	s14 =	sand.u32 $0x60, s11;
	v6 =	vadd.f32 v26, v6;
	v8 =	vadd.f32 v27, v8;
	v26 =	vmul.f32 v28, v11;
	v27 =	vld [tilespmem:s13+$0xE080]  }
0xba: {  	s16 =	sand.u32 $0xF80, s11;
	s13 =	sor.u32 $0x10, s14;
	v19 =	vadd.f32 v23, v19;
	v28 =	vld [tilespmem:s15+$0x0];
	v14 =	vadd.f32 v25, v14;
	v23 =	vmul.f32 v29, v13  }
0xbb: {  	v6 =	vadd.f32 v22, v6;
	v8 =	vadd.f32 v24, v8;
	v25 =	vld [tilespmem:s15+$0x1000];
	s15 =	sor.u32 s16, s13;
	v11 =	vmul.f32 v30, v11  }
0xbc: {  	s16 =	sand.u32 $0x3E00, s10;
	v19 =	vadd.f32 v10, v19;
	v29 =	vld [tilespmem:s15+$0x0];
	v13 =	vmul.f32 v31, v13;
	v14 =	vadd.f32 v12, v14  }
0xbd: {  	v10 =	vadd.f32 v26, v16;
	v12 =	vadd.f32 v23, v18;
	v30 =	vld [tilespmem:s15+$0x1000];
	s15 =	sor.u32 s16, s13;
	v9 =	vmul.f32 v32, v9  }
0xbe: {  	v15 =	vadd.f32 v11, v15;
	v22 =	vld [tilespmem:s15+$0x6080];
	v23 =	vadd.f32 v13, v17;
	v7 =	vmul.f32 v27, v7  }
0xbf: {  	v16 =	vadd.f32 v20, v10;
	v18 =	vadd.f32 v21, v12;
	v24 =	vld [tilespmem:s15+$0xE080];
	v11 =	vmov v28  }
0xc0: {  	v15 =	vadd.f32 v9, v15;
	v10 =	vld [tilespmem:s15+$0x6100];
	v17 =	vadd.f32 v7, v23;
	v13 =	vmov v25  }
0xc1: {  	v12 =	vld [tilespmem:s15+$0xE100];
	v9 =	vmov v29  }
0xc2: {  	v20 =	vld [tilespmem:s15+$0x6180];
	v7 =	vmov v30  }
.Ltmp1:
0xc3: {  	s13 =	sor.u32 s14, s16;
	v21 =	vld [tilespmem:s15+$0xE180];
	(pc) =	sbr.rel @p0 .LBB2_4-.Ltmp1, $4  }
0xc4: {  	v26 =	vld [tilespmem:s13+$0x6080]  }
0xc5: {  	s12 =	sadd.s32 $0x1, s12;
	v27 =	vld [tilespmem:s13+$0xE080]  }
0xc6: {  	s14 =	sand.u32 $0x3, s12;
	v23 =	vld [tilespmem:s13+$0x6100]  }
0xc7: {  	s11 =	sadd.s32 $0x20, s11;
	s14 =	sshll.u32 s14, $0x5;
	v25 =	vld [tilespmem:s13+$0xE100]  }
0xc8: {  	_ =	sdelay $0x1  }
0xc9: {  	v26 =	vmul.f32 v26, v11;
	v27 =	vmul.f32 v27, v13  }
0xca: {  	v22 =	vmul.f32 v22, v9  }
0xcb: {  	v24 =	vmul.f32 v24, v7;
	v6 =	vadd.f32 v26, v6;
	v8 =	vadd.f32 v27, v8  }
0xcc: {  	s10 =	sadd.s32 s14, s10;
	v28 =	vld [tilespmem:s13+$0x6180]  }
0xcd: {  	s11 =	sor.u32 $0x180, s10;
	v26 =	vld [tilespmem:s13+$0xE180];
	v6 =	vadd.f32 v22, v6;
	v8 =	vadd.f32 v24, v8  }
0xce: {  	s10 =	sadd.s32 $0x10, s10;
	v27 =	vld [tilespmem:s11+$0x6080]  }
0xcf: {  	s10 =	sor.u32 $0x180, s10;
	v22 =	vld [tilespmem:s11+$0xE080];
	v6 =	vadd.f32 v8, v6  }
0xd0: {  	v24 =	vld [tilespmem:s10+$0x6080]  }
0xd1: {  	v8 =	vld [tilespmem:s10+$0xE080];
	[tilespmem:$0x12100] =	vst v6  }
0xd2: {  	v29 =	vld.idx.msk [tilespmem:v0+s5+$0x0], $0xffff;
	_ =	sdelay $0x4  }
0xd3: {  	v6 =	vadd.f32 v29, v6;
	_ =	sdelay $0x1  }
0xd4: {  	[tilespmem:$0x12100] =	vst v6  }
0xd5: {  	v29 =	vld.idx.msk [tilespmem:v1+s5+$0x0], $0xffff;
	_ =	sdelay $0x4  }
0xd6: {  	v6 =	vadd.f32 v29, v6;
	_ =	sdelay $0x1  }
0xd7: {  	[tilespmem:$0x12100] =	vst v6  }
0xd8: {  	v29 =	vld.idx.msk [tilespmem:v2+s5+$0x0], $0xffff;
	_ =	sdelay $0x1  }
0xd9: {  	v23 =	vmul.f32 v23, v11;
	v25 =	vmul.f32 v25, v13  }
0xda: {  	v10 =	vmul.f32 v10, v9  }
0xdb: {  	v12 =	vmul.f32 v12, v7;
	v19 =	vadd.f32 v23, v19;
	v14 =	vadd.f32 v25, v14  }
0xdc: {  	v6 =	vadd.f32 v29, v6  }
0xdd: {  	v10 =	vadd.f32 v10, v19;
	v12 =	vadd.f32 v12, v14  }
0xde: {  	[tilespmem:$0x12100] =	vst v6  }
0xdf: {  	[tilespmem:$0x1FF00] =	vst v6;
	v6 =	vadd.f32 v12, v10;
	v10 =	vld.idx.msk [tilespmem:v3+s5+$0x0], $0xffff;
	_ =	sdelay $0x3  }
0xe0: {  	[tilespmem:$0x12100] =	vst v6  }
0xe1: {  	[tilespmem:$0x1FF10] =	vst v10;
	v10 =	vld.idx.msk [tilespmem:v0+s5+$0x0], $0xffff;
	_ =	sdelay $0x4  }
0xe2: {  	v6 =	vadd.f32 v10, v6;
	_ =	sdelay $0x1  }
0xe3: {  	[tilespmem:$0x12100] =	vst v6  }
0xe4: {  	v10 =	vld.idx.msk [tilespmem:v1+s5+$0x0], $0xffff;
	_ =	sdelay $0x4  }
0xe5: {  	v6 =	vadd.f32 v10, v6;
	_ =	sdelay $0x1  }
0xe6: {  	[tilespmem:$0x12100] =	vst v6  }
0xe7: {  	v12 =	vld.idx.msk [tilespmem:v2+s5+$0x0], $0xffff;
	_ =	sdelay $0x1  }
0xe8: {  	v19 =	vmul.f32 v26, v13;
	v10 =	vmul.f32 v28, v11  }
0xe9: {  	v20 =	vmul.f32 v20, v9  }
0xea: {  	v18 =	vadd.f32 v19, v18;
	v10 =	vadd.f32 v10, v16;
	v16 =	vmul.f32 v21, v7  }
0xeb: {  	v6 =	vadd.f32 v12, v6  }
0xec: {  	v10 =	vadd.f32 v20, v10;
	v18 =	vadd.f32 v16, v18  }
0xed: {  	[tilespmem:$0x12100] =	vst v6  }
0xee: {  	[tilespmem:$0x1FF20] =	vst v6;
	v6 =	vadd.f32 v18, v10;
	v10 =	vld.idx.msk [tilespmem:v3+s5+$0x0], $0xffff;
	_ =	sdelay $0x3  }
0xef: {  	[tilespmem:$0x12100] =	vst v6  }
0xf0: {  	[tilespmem:$0x1FF30] =	vst v10;
	v10 =	vld.idx.msk [tilespmem:v0+s5+$0x0], $0xffff;
	_ =	sdelay $0x4  }
0xf1: {  	v6 =	vadd.f32 v10, v6;
	_ =	sdelay $0x1  }
0xf2: {  	[tilespmem:$0x12100] =	vst v6  }
0xf3: {  	v10 =	vld.idx.msk [tilespmem:v1+s5+$0x0], $0xffff;
	_ =	sdelay $0x4  }
0xf4: {  	v6 =	vadd.f32 v10, v6;
	_ =	sdelay $0x1  }
0xf5: {  	[tilespmem:$0x12100] =	vst v6  }
0xf6: {  	v10 =	vmul.f32 v27, v11;
	v11 =	vld.idx.msk [tilespmem:v2+s5+$0x0], $0xffff;
	_ =	sdelay $0x1  }
0xf7: {  	v12 =	vmul.f32 v22, v13  }
0xf8: {  	v9 =	vmul.f32 v24, v9  }
0xf9: {  	v7 =	vmul.f32 v8, v7;
	v12 =	vadd.f32 v12, v17;
	v10 =	vadd.f32 v10, v15  }
0xfa: {  	v6 =	vadd.f32 v11, v6  }
0xfb: {  	v7 =	vadd.f32 v7, v12;
	v8 =	vadd.f32 v9, v10  }
0xfc: {  	[tilespmem:$0x12100] =	vst v6  }
0xfd: {  	[tilespmem:$0x1FF40] =	vst v6;
	v6 =	vadd.f32 v7, v8;
	v7 =	vld.idx.msk [tilespmem:v3+s5+$0x0], $0xffff;
	_ =	sdelay $0x3  }
0xfe: {  	[tilespmem:$0x12100] =	vst v6  }
0xff: {  	[tilespmem:$0x1FF50] =	vst v7;
	v7 =	vld.idx.msk [tilespmem:v0+s5+$0x0], $0xffff;
	_ =	sdelay $0x4  }
0x100: {  	v6 =	vadd.f32 v7, v6;
	_ =	sdelay $0x1  }
0x101: {  	[tilespmem:$0x12100] =	vst v6  }
0x102: {  	v7 =	vld.idx.msk [tilespmem:v1+s5+$0x0], $0xffff;
	_ =	sdelay $0x4  }
0x103: {  	v6 =	vadd.f32 v7, v6;
	_ =	sdelay $0x1  }
0x104: {  	[tilespmem:$0x12100] =	vst v6  }
0x105: {  	v7 =	vld.idx.msk [tilespmem:v2+s5+$0x0], $0xffff;
	_ =	sdelay $0x4  }
0x106: {  	v6 =	vadd.f32 v7, v6;
	_ =	sdelay $0x1  }
0x107: {  	[tilespmem:$0x12100] =	vst v6  }
0x108: {  	[tilespmem:$0x1FF60] =	vst v6;
	v6 =	vld.idx.msk [tilespmem:v3+s5+$0x0], $0xffff  }
0x109: {  	s14 =	rddreg [dreg:$0xe]  }
0x10a: {  	[tilespmem:s1], [sflag:$0x5] =	stream.strided.gather [hbm4b:s14+s26], $0x4000, s28, s26, $0x38;
	[tilespmem:$0x12180] =	vst v63  }
0x10b: {  	s15 =	rddreg [dreg:$0xf]  }
0x10c: {  	[tilespmem:s3], [sflag:$0x7] =	stream.strided.gather [hbm4b:s15+s26], $0x4000, s28, s26, $0x38;
	[tilespmem:$0x12180] =	vst v63  }
0x10d: {  	[tilespmem:$0x1FF70] =	vst v6  }
0x10e: {  	_ =	swait.ge [sflag:s24], $0x4000  }
0x10f: {  	[sflag:s24] =	ssyncset.done $0x0  }
0x110: {  	[sflag:s24] =	ssyncadd.s32 $0xFFFFC000  }
0x111: {  	_ =	swait.ge [sflag:s25], $0x4000  }
0x112: {  	s10 =	simm.s32 $0x0;
	[sflag:s25] =	ssyncset.done $0x0  }
0x113: {  	s12 =	simm.s32 $0x0;
	s11 =	sand.u32 $0x60, s10;
	[sflag:s25] =	ssyncadd.s32 $0xFFFFC000  }
0x114: {  	s16 =	sand.u32 $0xF80, s10;
	s13 =	sor.u32 $0x10, s11;
	v11 =	vld [tilespmem:s12+$0x0]  }
0x115: {  	s15 =	sor.u32 s16, s13;
	v13 =	vld [tilespmem:s12+$0x1000]  }
0x116: {  	s16 =	sand.u32 $0x3E00, s10;
	v9 =	vld [tilespmem:s15+$0x0]  }
0x117: {  	v7 =	vld [tilespmem:s15+$0x1000];
	s15 =	sor.u32 s16, s13  }
0x118: {  	v26 =	vld [tilespmem:s15+$0x2080]  }
0x119: {  	v28 =	vld [tilespmem:s15+$0xA080]  }
0x11a: {  	v10 =	vld [tilespmem:s15+$0x2100]  }
0x11b: {  	v12 =	vld [tilespmem:s15+$0xA100]  }
0x11c: {  	v24 =	vld [tilespmem:s15+$0x2180]  }
0x11d: {  	s13 =	sor.u32 s11, s16;
	v25 =	vld [tilespmem:s15+$0xA180]  }
0x11e: {  	v30 =	vld [tilespmem:s13+$0x2080]  }
0x11f: {  	v23 =	vimm.f32 $0.0e+00;
	v19 =	vimm.f32 $0.0e+00;
	v31 =	vld [tilespmem:s13+$0xA080]  }
0x120: {  	v21 =	vimm.f32 $0.0e+00;
	v22 =	vimm.f32 $0.0e+00;
	v17 =	vimm.f32 $0.0e+00;
	s16 =	sand.u32 $0x3, s10;
	v27 =	vld [tilespmem:s13+$0x2100]  }
0x121: {  	v15 =	vimm.f32 $0.0e+00;
	v8 =	vimm.f32 $0.0e+00;
	v6 =	vimm.f32 $0.0e+00;
	s11 =	simm.s32 $0x20;
	s12 =	simm.s32 $0x0;
	s14 =	sshll.u32 s16, $0x5;
	v29 =	vld [tilespmem:s13+$0xA100]  }
.LBB2_6:
0x122: {  	p0 =	sne.s32 s11, $0xFE0;
	s14 =	sadd.s32 s14, s10;
	v32 =	vld [tilespmem:s13+$0x2180];
	v26 =	vmul.f32 v26, v9;
	v28 =	vmul.f32 v28, v7  }
0x123: {  	v10 =	vmul.f32 v10, v9;
	v12 =	vmul.f32 v12, v7;
	v33 =	vld [tilespmem:s13+$0xA180];
	s13 =	sor.u32 $0x180, s14  }
0x124: {  	v24 =	vmul.f32 v24, v9;
	v25 =	vmul.f32 v25, v7;
	s14 =	sadd.s32 $0x10, s14;
	v34 =	vld [tilespmem:s13+$0x2080]  }
0x125: {  	v30 =	vmul.f32 v30, v11;
	v31 =	vmul.f32 v31, v13;
	v35 =	vld [tilespmem:s13+$0xA080];
	s13 =	sor.u32 $0x180, s14  }
0x126: {  	s10 =	sadd.s32 $0x80, s10;
	v27 =	vmul.f32 v27, v11;
	v29 =	vmul.f32 v29, v13;
	v36 =	vld [tilespmem:s13+$0x2080]  }
0x127: {  	s15 =	sshra.s32 s10, $0x2;
	s14 =	sand.u32 $0x60, s11;
	v6 =	vadd.f32 v30, v6;
	v8 =	vadd.f32 v31, v8;
	v30 =	vmul.f32 v32, v11;
	v31 =	vld [tilespmem:s13+$0xA080]  }
0x128: {  	s16 =	sand.u32 $0xF80, s11;
	s13 =	sor.u32 $0x10, s14;
	v23 =	vadd.f32 v27, v23;
	v32 =	vld [tilespmem:s15+$0x0];
	v22 =	vadd.f32 v29, v22;
	v27 =	vmul.f32 v33, v13  }
0x129: {  	v6 =	vadd.f32 v26, v6;
	v8 =	vadd.f32 v28, v8;
	v29 =	vld [tilespmem:s15+$0x1000];
	s15 =	sor.u32 s16, s13;
	v11 =	vmul.f32 v34, v11  }
0x12a: {  	s16 =	sand.u32 $0x3E00, s10;
	v23 =	vadd.f32 v10, v23;
	v33 =	vld [tilespmem:s15+$0x0];
	v13 =	vmul.f32 v35, v13;
	v22 =	vadd.f32 v12, v22  }
0x12b: {  	v10 =	vadd.f32 v30, v19;
	v12 =	vadd.f32 v27, v21;
	v34 =	vld [tilespmem:s15+$0x1000];
	s15 =	sor.u32 s16, s13;
	v9 =	vmul.f32 v36, v9  }
0x12c: {  	v15 =	vadd.f32 v11, v15;
	v26 =	vld [tilespmem:s15+$0x2080];
	v14 =	vadd.f32 v13, v17;
	v7 =	vmul.f32 v31, v7  }
0x12d: {  	v19 =	vadd.f32 v24, v10;
	v21 =	vadd.f32 v25, v12;
	v28 =	vld [tilespmem:s15+$0xA080];
	v11 =	vmov v32  }
0x12e: {  	v15 =	vadd.f32 v9, v15;
	v10 =	vld [tilespmem:s15+$0x2100];
	v17 =	vadd.f32 v7, v14;
	v13 =	vmov v29  }
0x12f: {  	v12 =	vld [tilespmem:s15+$0xA100];
	v9 =	vmov v33  }
0x130: {  	v24 =	vld [tilespmem:s15+$0x2180];
	v7 =	vmov v34  }
.Ltmp2:
0x131: {  	s13 =	sor.u32 s14, s16;
	v25 =	vld [tilespmem:s15+$0xA180];
	(pc) =	sbr.rel @p0 .LBB2_6-.Ltmp2, $4  }
0x132: {  	v30 =	vld [tilespmem:s13+$0x2080]  }
0x133: {  	s12 =	sadd.s32 $0x1, s12;
	v31 =	vld [tilespmem:s13+$0xA080]  }
0x134: {  	s14 =	sand.u32 $0x3, s12;
	v27 =	vld [tilespmem:s13+$0x2100]  }
0x135: {  	s11 =	sadd.s32 $0x20, s11;
	s14 =	sshll.u32 s14, $0x5;
	v29 =	vld [tilespmem:s13+$0xA100]  }
0x136: {  	_ =	sdelay $0x1  }
0x137: {  	v30 =	vmul.f32 v30, v11;
	v31 =	vmul.f32 v31, v13  }
0x138: {  	v26 =	vmul.f32 v26, v9  }
0x139: {  	v28 =	vmul.f32 v28, v7;
	v6 =	vadd.f32 v30, v6;
	v8 =	vadd.f32 v31, v8  }
0x13a: {  	s10 =	sadd.s32 s14, s10;
	v32 =	vld [tilespmem:s13+$0x2180]  }
0x13b: {  	s11 =	sor.u32 $0x180, s10;
	v30 =	vld [tilespmem:s13+$0xA180];
	v6 =	vadd.f32 v26, v6;
	v8 =	vadd.f32 v28, v8  }
0x13c: {  	s10 =	sadd.s32 $0x10, s10;
	v31 =	vld [tilespmem:s11+$0x2080]  }
0x13d: {  	s10 =	sor.u32 $0x180, s10;
	v26 =	vld [tilespmem:s11+$0xA080];
	v6 =	vadd.f32 v8, v6  }
0x13e: {  	v28 =	vld [tilespmem:s10+$0x2080]  }
0x13f: {  	v8 =	vld [tilespmem:s10+$0xA080];
	[tilespmem:$0x12100] =	vst v6  }
0x140: {  	v33 =	vld.idx.msk [tilespmem:v0+s5+$0x0], $0xffff;
	_ =	sdelay $0x4  }
0x141: {  	v6 =	vadd.f32 v33, v6;
	_ =	sdelay $0x1  }
0x142: {  	[tilespmem:$0x12100] =	vst v6  }
0x143: {  	v62 =	vld.idx.msk [tilespmem:v1+s5+$0x0], $0xffff;
	_ =	sdelay $0x4  }
0x144: {  	v6 =	vadd.f32 v62, v6;
	_ =	sdelay $0x1  }
0x145: {  	[tilespmem:$0x12100] =	vst v6  }
0x146: {  	v63 =	vld.idx.msk [tilespmem:v2+s5+$0x0], $0xffff  }
0x147: {  	v29 =	vmul.f32 v29, v13  }
0x148: {  	v27 =	vmul.f32 v27, v11  }
0x149: {  	v12 =	vmul.f32 v12, v7;
	v22 =	vadd.f32 v29, v22  }
0x14a: {  	v10 =	vmul.f32 v10, v9;
	v23 =	vadd.f32 v27, v23  }
0x14b: {  	v12 =	vadd.f32 v12, v22;
	v22 =	vadd.f32 v63, v6  }
0x14c: {  	v10 =	vadd.f32 v10, v23  }
0x14d: {  	[tilespmem:$0x12100] =	vst v22  }
0x14e: {  	v6 =	vadd.f32 v12, v10;
	v10 =	vld.idx.msk [tilespmem:v3+s5+$0x0], $0xffff;
	_ =	sdelay $0x3  }
0x14f: {  	[tilespmem:$0x12100] =	vst v6  }
0x150: {  	[tilespmem:$0x1FEC0] =	vst v10;
	v10 =	vld.idx.msk [tilespmem:v0+s5+$0x0], $0xffff;
	_ =	sdelay $0x4  }
0x151: {  	v6 =	vadd.f32 v10, v6;
	_ =	sdelay $0x1  }
0x152: {  	[tilespmem:$0x12100] =	vst v6  }
0x153: {  	v10 =	vld.idx.msk [tilespmem:v1+s5+$0x0], $0xffff;
	_ =	sdelay $0x4  }
0x154: {  	v6 =	vadd.f32 v10, v6;
	_ =	sdelay $0x1  }
0x155: {  	[tilespmem:$0x12100] =	vst v6  }
0x156: {  	v12 =	vld.idx.msk [tilespmem:v2+s5+$0x0], $0xffff  }
0x157: {  	v10 =	vmul.f32 v32, v11  }
0x158: {  	v23 =	vmul.f32 v30, v13  }
0x159: {  	v24 =	vmul.f32 v24, v9;
	v10 =	vadd.f32 v10, v19  }
0x15a: {  	v21 =	vadd.f32 v23, v21;
	v19 =	vmul.f32 v25, v7  }
0x15b: {  	v10 =	vadd.f32 v24, v10;
	v24 =	vadd.f32 v12, v6  }
0x15c: {  	v19 =	vadd.f32 v19, v21  }
0x15d: {  	[tilespmem:$0x12100] =	vst v24  }
0x15e: {  	v6 =	vadd.f32 v19, v10;
	v10 =	vld.idx.msk [tilespmem:v3+s5+$0x0], $0xffff;
	_ =	sdelay $0x3  }
0x15f: {  	[tilespmem:$0x12100] =	vst v6  }
0x160: {  	[tilespmem:$0x1FED0] =	vst v10;
	v10 =	vld.idx.msk [tilespmem:v0+s5+$0x0], $0xffff;
	_ =	sdelay $0x4  }
0x161: {  	v6 =	vadd.f32 v10, v6;
	_ =	sdelay $0x1  }
0x162: {  	[tilespmem:$0x12100] =	vst v6  }
0x163: {  	v10 =	vld.idx.msk [tilespmem:v1+s5+$0x0], $0xffff;
	_ =	sdelay $0x4  }
0x164: {  	v6 =	vadd.f32 v10, v6;
	_ =	sdelay $0x1  }
0x165: {  	[tilespmem:$0x12100] =	vst v6  }
0x166: {  	v10 =	vmul.f32 v31, v11;
	v11 =	vld.idx.msk [tilespmem:v2+s5+$0x0], $0xffff;
	_ =	sdelay $0x1  }
0x167: {  	v12 =	vmul.f32 v26, v13  }
0x168: {  	v9 =	vmul.f32 v28, v9  }
0x169: {  	v7 =	vmul.f32 v8, v7;
	v12 =	vadd.f32 v12, v17;
	v10 =	vadd.f32 v10, v15  }
0x16a: {  	v26 =	vadd.f32 v11, v6  }
0x16b: {  	v7 =	vadd.f32 v7, v12;
	v8 =	vadd.f32 v9, v10  }
0x16c: {  	[tilespmem:$0x12100] =	vst v26  }
0x16d: {  	v6 =	vadd.f32 v7, v8;
	v7 =	vld.idx.msk [tilespmem:v3+s5+$0x0], $0xffff;
	_ =	sdelay $0x3  }
0x16e: {  	[tilespmem:$0x12100] =	vst v6  }
0x16f: {  	[tilespmem:$0x1FEE0] =	vst v7;
	v7 =	vld.idx.msk [tilespmem:v0+s5+$0x0], $0xffff;
	_ =	sdelay $0x4  }
0x170: {  	v6 =	vadd.f32 v7, v6;
	_ =	sdelay $0x1  }
0x171: {  	[tilespmem:$0x12100] =	vst v6  }
0x172: {  	v7 =	vld.idx.msk [tilespmem:v1+s5+$0x0], $0xffff;
	_ =	sdelay $0x4  }
0x173: {  	v6 =	vadd.f32 v7, v6;
	_ =	sdelay $0x1  }
0x174: {  	[tilespmem:$0x12100] =	vst v6  }
0x175: {  	v7 =	vld.idx.msk [tilespmem:v2+s5+$0x0], $0xffff;
	_ =	sdelay $0x4  }
0x176: {  	v27 =	vadd.f32 v7, v6;
	_ =	sdelay $0x1  }
0x177: {  	[tilespmem:$0x12100] =	vst v27  }
0x178: {  	v6 =	vld.idx.msk [tilespmem:v3+s5+$0x0], $0xffff  }
0x179: {  	s14 =	rddreg [dreg:$0x10]  }
0x17a: {  	[tilespmem:s29], [sflag:$0x4] =	stream.strided.gather [hbm4b:s14+s26], $0x4000, s28, s26, $0x38;
	[tilespmem:$0x12180] =	vst v63  }
0x17b: {  	s15 =	rddreg [dreg:$0x11]  }
0x17c: {  	[tilespmem:s30], [sflag:$0x6] =	stream.strided.gather [hbm4b:s15+s26], $0x4000, s28, s26, $0x38;
	[tilespmem:$0x12180] =	vst v63  }
0x17d: {  	[tilespmem:$0x1FEF0] =	vst v6  }
0x17e: {  	_ =	swait.ge [sflag:s6], $0x4000  }
0x17f: {  	[sflag:s6] =	ssyncset.done $0x0  }
0x180: {  	[sflag:s6] =	ssyncadd.s32 $0xFFFFC000  }
0x181: {  	_ =	swait.ge [sflag:s7], $0x4000  }
0x182: {  	s10 =	simm.s32 $0x0;
	[sflag:s7] =	ssyncset.done $0x0  }
0x183: {  	s12 =	simm.s32 $0x0;
	s11 =	sand.u32 $0x60, s10;
	[sflag:s7] =	ssyncadd.s32 $0xFFFFC000  }
0x184: {  	s16 =	sand.u32 $0xF80, s10;
	s13 =	sor.u32 $0x10, s11;
	v11 =	vld [tilespmem:s12+$0x0]  }
0x185: {  	s15 =	sor.u32 s16, s13;
	v13 =	vld [tilespmem:s12+$0x1000]  }
0x186: {  	s16 =	sand.u32 $0x3E00, s10;
	v9 =	vld [tilespmem:s15+$0x0]  }
0x187: {  	v7 =	vld [tilespmem:s15+$0x1000];
	s15 =	sor.u32 s16, s13  }
0x188: {  	v30 =	vld [tilespmem:s15+$0x6080]  }
0x189: {  	v32 =	vld [tilespmem:s15+$0xE080]  }
0x18a: {  	v10 =	vld [tilespmem:s15+$0x6100]  }
0x18b: {  	v12 =	vld [tilespmem:s15+$0xE100]  }
0x18c: {  	v28 =	vld [tilespmem:s15+$0x6180]  }
0x18d: {  	s13 =	sor.u32 s11, s16;
	v29 =	vld [tilespmem:s15+$0xE180]  }
0x18e: {  	v34 =	vld [tilespmem:s13+$0x6080]  }
0x18f: {  	v23 =	vimm.f32 $0.0e+00;
	v25 =	vimm.f32 $0.0e+00;
	v35 =	vld [tilespmem:s13+$0xE080]  }
0x190: {  	v21 =	vimm.f32 $0.0e+00;
	v19 =	vimm.f32 $0.0e+00;
	v17 =	vimm.f32 $0.0e+00;
	s16 =	sand.u32 $0x3, s10;
	v31 =	vld [tilespmem:s13+$0x6100]  }
0x191: {  	v15 =	vimm.f32 $0.0e+00;
	v8 =	vimm.f32 $0.0e+00;
	v6 =	vimm.f32 $0.0e+00;
	s11 =	simm.s32 $0x20;
	s12 =	simm.s32 $0x0;
	s14 =	sshll.u32 s16, $0x5;
	v33 =	vld [tilespmem:s13+$0xE100]  }
.LBB2_8:
0x192: {  	p0 =	sne.s32 s11, $0xFE0;
	s14 =	sadd.s32 s14, s10;
	v36 =	vld [tilespmem:s13+$0x6180];
	v30 =	vmul.f32 v30, v9;
	v32 =	vmul.f32 v32, v7  }
0x193: {  	v10 =	vmul.f32 v10, v9;
	v12 =	vmul.f32 v12, v7;
	v37 =	vld [tilespmem:s13+$0xE180];
	s13 =	sor.u32 $0x180, s14  }
0x194: {  	v28 =	vmul.f32 v28, v9;
	v29 =	vmul.f32 v29, v7;
	s14 =	sadd.s32 $0x10, s14;
	v38 =	vld [tilespmem:s13+$0x6080]  }
0x195: {  	v34 =	vmul.f32 v34, v11;
	v35 =	vmul.f32 v35, v13;
	v39 =	vld [tilespmem:s13+$0xE080];
	s13 =	sor.u32 $0x180, s14  }
0x196: {  	s10 =	sadd.s32 $0x80, s10;
	v31 =	vmul.f32 v31, v11;
	v33 =	vmul.f32 v33, v13;
	v40 =	vld [tilespmem:s13+$0x6080]  }
0x197: {  	s15 =	sshra.s32 s10, $0x2;
	s14 =	sand.u32 $0x60, s11;
	v6 =	vadd.f32 v34, v6;
	v8 =	vadd.f32 v35, v8;
	v34 =	vmul.f32 v36, v11;
	v35 =	vld [tilespmem:s13+$0xE080]  }
0x198: {  	s16 =	sand.u32 $0xF80, s11;
	s13 =	sor.u32 $0x10, s14;
	v25 =	vadd.f32 v31, v25;
	v36 =	vld [tilespmem:s15+$0x0];
	v23 =	vadd.f32 v33, v23;
	v31 =	vmul.f32 v37, v13  }
0x199: {  	v6 =	vadd.f32 v30, v6;
	v8 =	vadd.f32 v32, v8;
	v33 =	vld [tilespmem:s15+$0x1000];
	s15 =	sor.u32 s16, s13;
	v11 =	vmul.f32 v38, v11  }
0x19a: {  	s16 =	sand.u32 $0x3E00, s10;
	v25 =	vadd.f32 v10, v25;
	v37 =	vld [tilespmem:s15+$0x0];
	v13 =	vmul.f32 v39, v13;
	v23 =	vadd.f32 v12, v23  }
0x19b: {  	v10 =	vadd.f32 v34, v19;
	v12 =	vadd.f32 v31, v21;
	v38 =	vld [tilespmem:s15+$0x1000];
	s15 =	sor.u32 s16, s13;
	v9 =	vmul.f32 v40, v9  }
0x19c: {  	v15 =	vadd.f32 v11, v15;
	v30 =	vld [tilespmem:s15+$0x6080];
	v14 =	vadd.f32 v13, v17;
	v7 =	vmul.f32 v35, v7  }
0x19d: {  	v19 =	vadd.f32 v28, v10;
	v21 =	vadd.f32 v29, v12;
	v32 =	vld [tilespmem:s15+$0xE080];
	v11 =	vmov v36  }
0x19e: {  	v15 =	vadd.f32 v9, v15;
	v10 =	vld [tilespmem:s15+$0x6100];
	v17 =	vadd.f32 v7, v14;
	v13 =	vmov v33  }
0x19f: {  	v12 =	vld [tilespmem:s15+$0xE100];
	v9 =	vmov v37  }
0x1a0: {  	v28 =	vld [tilespmem:s15+$0x6180];
	v7 =	vmov v38  }
.Ltmp3:
0x1a1: {  	s13 =	sor.u32 s14, s16;
	v29 =	vld [tilespmem:s15+$0xE180];
	(pc) =	sbr.rel @p0 .LBB2_8-.Ltmp3, $4  }
0x1a2: {  	v34 =	vld [tilespmem:s13+$0x6080]  }
0x1a3: {  	s12 =	sadd.s32 $0x1, s12;
	v35 =	vld [tilespmem:s13+$0xE080]  }
0x1a4: {  	s14 =	sand.u32 $0x3, s12;
	v31 =	vld [tilespmem:s13+$0x6100]  }
0x1a5: {  	s11 =	sadd.s32 $0x20, s11;
	s14 =	sshll.u32 s14, $0x5;
	v33 =	vld [tilespmem:s13+$0xE100]  }
0x1a6: {  	_ =	sdelay $0x1  }
0x1a7: {  	v34 =	vmul.f32 v34, v11;
	v35 =	vmul.f32 v35, v13  }
0x1a8: {  	v30 =	vmul.f32 v30, v9  }
0x1a9: {  	v32 =	vmul.f32 v32, v7;
	v6 =	vadd.f32 v34, v6;
	v8 =	vadd.f32 v35, v8  }
0x1aa: {  	s10 =	sadd.s32 s14, s10;
	v36 =	vld [tilespmem:s13+$0x6180]  }
0x1ab: {  	v61 =	vld [tilespmem:s13+$0xE180];
	s11 =	sor.u32 $0x180, s10;
	v6 =	vadd.f32 v30, v6;
	v8 =	vadd.f32 v32, v8  }
0x1ac: {  	s10 =	sadd.s32 $0x10, s10;
	v62 =	vld [tilespmem:s11+$0x6080]  }
0x1ad: {  	v37 =	vld [tilespmem:s11+$0xE080];
	s10 =	sor.u32 $0x180, s10;
	v6 =	vadd.f32 v8, v6  }
0x1ae: {  	v38 =	vld [tilespmem:s10+$0x6080]  }
0x1af: {  	v8 =	vld [tilespmem:s10+$0xE080];
	[tilespmem:$0x12100] =	vst v6  }
0x1b0: {  	v30 =	vld.idx.msk [tilespmem:v0+s5+$0x0], $0xffff;
	_ =	sdelay $0x4  }
0x1b1: {  	v6 =	vadd.f32 v30, v6;
	_ =	sdelay $0x1  }
0x1b2: {  	[tilespmem:$0x12100] =	vst v6  }
0x1b3: {  	v30 =	vld.idx.msk [tilespmem:v1+s5+$0x0], $0xffff;
	_ =	sdelay $0x4  }
0x1b4: {  	v6 =	vadd.f32 v30, v6;
	_ =	sdelay $0x1  }
0x1b5: {  	[tilespmem:$0x12100] =	vst v6  }
0x1b6: {  	v30 =	vmul.f32 v31, v11;
	v31 =	vld.idx.msk [tilespmem:v2+s5+$0x0], $0xffff;
	_ =	sdelay $0x1  }
0x1b7: {  	v63 =	vmul.f32 v33, v13  }
0x1b8: {  	v10 =	vmul.f32 v10, v9  }
0x1b9: {  	v12 =	vmul.f32 v12, v7;
	v23 =	vadd.f32 v63, v23;
	v25 =	vadd.f32 v30, v25  }
0x1ba: {  	v30 =	vadd.f32 v31, v6  }
0x1bb: {  	v12 =	vadd.f32 v12, v23;
	v10 =	vadd.f32 v10, v25  }
0x1bc: {  	[tilespmem:$0x12100] =	vst v30  }
0x1bd: {  	v6 =	vadd.f32 v12, v10;
	v10 =	vld.idx.msk [tilespmem:v3+s5+$0x0], $0xffff;
	_ =	sdelay $0x3  }
0x1be: {  	[tilespmem:$0x12100] =	vst v6  }
0x1bf: {  	[tilespmem:$0x1FE80] =	vst v10;
	v10 =	vld.idx.msk [tilespmem:v0+s5+$0x0], $0xffff;
	_ =	sdelay $0x4  }
0x1c0: {  	v6 =	vadd.f32 v10, v6;
	_ =	sdelay $0x1  }
0x1c1: {  	[tilespmem:$0x12100] =	vst v6  }
0x1c2: {  	v10 =	vld.idx.msk [tilespmem:v1+s5+$0x0], $0xffff;
	_ =	sdelay $0x4  }
0x1c3: {  	v6 =	vadd.f32 v10, v6;
	_ =	sdelay $0x1  }
0x1c4: {  	[tilespmem:$0x12100] =	vst v6  }
0x1c5: {  	v12 =	vld.idx.msk [tilespmem:v2+s5+$0x0], $0xffff  }
0x1c6: {  	v23 =	vmul.f32 v61, v13  }
0x1c7: {  	v10 =	vmul.f32 v36, v11  }
0x1c8: {  	v21 =	vadd.f32 v23, v21  }
0x1c9: {  	v25 =	vmul.f32 v28, v9;
	v10 =	vadd.f32 v10, v19;
	v19 =	vmul.f32 v29, v7  }
0x1ca: {  	v32 =	vadd.f32 v12, v6  }
0x1cb: {  	v10 =	vadd.f32 v25, v10;
	v19 =	vadd.f32 v19, v21  }
0x1cc: {  	[tilespmem:$0x12100] =	vst v32  }
0x1cd: {  	v6 =	vadd.f32 v19, v10;
	v10 =	vld.idx.msk [tilespmem:v3+s5+$0x0], $0xffff;
	_ =	sdelay $0x3  }
0x1ce: {  	[tilespmem:$0x12100] =	vst v6  }
0x1cf: {  	[tilespmem:$0x1FE90] =	vst v10;
	v10 =	vld.idx.msk [tilespmem:v0+s5+$0x0], $0xffff;
	_ =	sdelay $0x4  }
0x1d0: {  	v6 =	vadd.f32 v10, v6;
	_ =	sdelay $0x1  }
0x1d1: {  	[tilespmem:$0x12100] =	vst v6  }
0x1d2: {  	v10 =	vld.idx.msk [tilespmem:v1+s5+$0x0], $0xffff;
	_ =	sdelay $0x4  }
0x1d3: {  	v6 =	vadd.f32 v10, v6;
	_ =	sdelay $0x1  }
0x1d4: {  	[tilespmem:$0x12100] =	vst v6  }
0x1d5: {  	v10 =	vmul.f32 v62, v11;
	v11 =	vld.idx.msk [tilespmem:v2+s5+$0x0], $0xffff;
	_ =	sdelay $0x1  }
0x1d6: {  	v12 =	vmul.f32 v37, v13  }
0x1d7: {  	v9 =	vmul.f32 v38, v9  }
0x1d8: {  	v7 =	vmul.f32 v8, v7;
	v12 =	vadd.f32 v12, v17;
	v10 =	vadd.f32 v10, v15  }
0x1d9: {  	v34 =	vadd.f32 v11, v6  }
0x1da: {  	v7 =	vadd.f32 v7, v12;
	v8 =	vadd.f32 v9, v10  }
0x1db: {  	[tilespmem:$0x12100] =	vst v34  }
0x1dc: {  	v6 =	vadd.f32 v7, v8;
	v7 =	vld.idx.msk [tilespmem:v3+s5+$0x0], $0xffff;
	_ =	sdelay $0x3  }
0x1dd: {  	[tilespmem:$0x12100] =	vst v6  }
0x1de: {  	[tilespmem:$0x1FEA0] =	vst v7;
	v7 =	vld.idx.msk [tilespmem:v0+s5+$0x0], $0xffff;
	_ =	sdelay $0x4  }
0x1df: {  	v6 =	vadd.f32 v7, v6;
	_ =	sdelay $0x1  }
0x1e0: {  	[tilespmem:$0x12100] =	vst v6  }
0x1e1: {  	v7 =	vld.idx.msk [tilespmem:v1+s5+$0x0], $0xffff;
	_ =	sdelay $0x4  }
0x1e2: {  	v6 =	vadd.f32 v7, v6;
	_ =	sdelay $0x1  }
0x1e3: {  	[tilespmem:$0x12100] =	vst v6  }
0x1e4: {  	v7 =	vld.idx.msk [tilespmem:v2+s5+$0x0], $0xffff;
	_ =	sdelay $0x4  }
0x1e5: {  	v35 =	vadd.f32 v7, v6;
	_ =	sdelay $0x1  }
0x1e6: {  	[tilespmem:$0x12100] =	vst v35  }
0x1e7: {  	v6 =	vld.idx.msk [tilespmem:v3+s5+$0x0], $0xffff  }
0x1e8: {  	s15 =	rddreg [dreg:$0x12]  }
0x1e9: {  	[tilespmem:s1], [sflag:$0x5] =	stream.strided.gather [hbm4b:s15+s26], $0x4000, s28, s26, $0x38;
	[tilespmem:$0x12180] =	vst v63  }
0x1ea: {  	_ = 	snop  }
0x1eb: {  	[tilespmem:s3], [sflag:$0x7] =	stream.strided.gather [hbm4b:s17+s26], $0x4000, s28, s26, $0x38;
	[tilespmem:$0x12180] =	vst v63  }
0x1ec: {  	[tilespmem:$0x1FEB0] =	vst v6  }
0x1ed: {  	_ =	swait.ge [sflag:s24], $0x4000  }
0x1ee: {  	[sflag:s24] =	ssyncset.done $0x0  }
0x1ef: {  	[sflag:s24] =	ssyncadd.s32 $0xFFFFC000  }
0x1f0: {  	_ =	swait.ge [sflag:s25], $0x4000  }
0x1f1: {  	s10 =	simm.s32 $0x0;
	[sflag:s25] =	ssyncset.done $0x0  }
0x1f2: {  	s12 =	simm.s32 $0x0;
	s11 =	sand.u32 $0x60, s10;
	[sflag:s25] =	ssyncadd.s32 $0xFFFFC000  }
0x1f3: {  	s16 =	sand.u32 $0xF80, s10;
	s13 =	sor.u32 $0x10, s11;
	v11 =	vld [tilespmem:s12+$0x0]  }
0x1f4: {  	s15 =	sor.u32 s16, s13;
	v13 =	vld [tilespmem:s12+$0x1000]  }
0x1f5: {  	s16 =	sand.u32 $0x3E00, s10;
	v9 =	vld [tilespmem:s15+$0x0]  }
0x1f6: {  	v7 =	vld [tilespmem:s15+$0x1000];
	s15 =	sor.u32 s16, s13  }
0x1f7: {  	v38 =	vld [tilespmem:s15+$0x2080]  }
0x1f8: {  	v31 =	vld [tilespmem:s15+$0xA080]  }
0x1f9: {  	v10 =	vld [tilespmem:s15+$0x2100]  }
0x1fa: {  	v12 =	vld [tilespmem:s15+$0xA100]  }
0x1fb: {  	v28 =	vld [tilespmem:s15+$0x2180]  }
0x1fc: {  	s13 =	sor.u32 s11, s16;
	v29 =	vld [tilespmem:s15+$0xA180]  }
0x1fd: {  	v33 =	vld [tilespmem:s13+$0x2080]  }
0x1fe: {  	v23 =	vimm.f32 $0.0e+00;
	v25 =	vimm.f32 $0.0e+00;
	v36 =	vld [tilespmem:s13+$0xA080]  }
0x1ff: {  	v21 =	vimm.f32 $0.0e+00;
	v19 =	vimm.f32 $0.0e+00;
	v17 =	vimm.f32 $0.0e+00;
	s16 =	sand.u32 $0x3, s10;
	v39 =	vld [tilespmem:s13+$0x2100]  }
0x200: {  	v15 =	vimm.f32 $0.0e+00;
	v8 =	vimm.f32 $0.0e+00;
	v6 =	vimm.f32 $0.0e+00;
	s11 =	simm.s32 $0x20;
	s12 =	simm.s32 $0x0;
	s14 =	sshll.u32 s16, $0x5;
	v40 =	vld [tilespmem:s13+$0xA100]  }
.LBB2_10:
0x201: {  	p0 =	sne.s32 s11, $0xFE0;
	s14 =	sadd.s32 s14, s10;
	v37 =	vld [tilespmem:s13+$0x2180];
	v38 =	vmul.f32 v38, v9;
	v31 =	vmul.f32 v31, v7  }
0x202: {  	v10 =	vmul.f32 v10, v9;
	v12 =	vmul.f32 v12, v7;
	v41 =	vld [tilespmem:s13+$0xA180];
	s13 =	sor.u32 $0x180, s14  }
0x203: {  	v28 =	vmul.f32 v28, v9;
	v29 =	vmul.f32 v29, v7;
	s14 =	sadd.s32 $0x10, s14;
	v42 =	vld [tilespmem:s13+$0x2080]  }
0x204: {  	v33 =	vmul.f32 v33, v11;
	v36 =	vmul.f32 v36, v13;
	v43 =	vld [tilespmem:s13+$0xA080];
	s13 =	sor.u32 $0x180, s14  }
0x205: {  	s10 =	sadd.s32 $0x80, s10;
	v39 =	vmul.f32 v39, v11;
	v40 =	vmul.f32 v40, v13;
	v44 =	vld [tilespmem:s13+$0x2080]  }
0x206: {  	s15 =	sshra.s32 s10, $0x2;
	s14 =	sand.u32 $0x60, s11;
	v6 =	vadd.f32 v33, v6;
	v8 =	vadd.f32 v36, v8;
	v33 =	vmul.f32 v37, v11;
	v36 =	vld [tilespmem:s13+$0xA080]  }
0x207: {  	s16 =	sand.u32 $0xF80, s11;
	s13 =	sor.u32 $0x10, s14;
	v25 =	vadd.f32 v39, v25;
	v37 =	vld [tilespmem:s15+$0x0];
	v23 =	vadd.f32 v40, v23;
	v39 =	vmul.f32 v41, v13  }
0x208: {  	v6 =	vadd.f32 v38, v6;
	v8 =	vadd.f32 v31, v8;
	v40 =	vld [tilespmem:s15+$0x1000];
	s15 =	sor.u32 s16, s13;
	v11 =	vmul.f32 v42, v11  }
0x209: {  	s16 =	sand.u32 $0x3E00, s10;
	v25 =	vadd.f32 v10, v25;
	v41 =	vld [tilespmem:s15+$0x0];
	v13 =	vmul.f32 v43, v13;
	v23 =	vadd.f32 v12, v23  }
0x20a: {  	v10 =	vadd.f32 v33, v19;
	v12 =	vadd.f32 v39, v21;
	v42 =	vld [tilespmem:s15+$0x1000];
	s15 =	sor.u32 s16, s13;
	v9 =	vmul.f32 v44, v9  }
0x20b: {  	v15 =	vadd.f32 v11, v15;
	v38 =	vld [tilespmem:s15+$0x2080];
	v14 =	vadd.f32 v13, v17;
	v7 =	vmul.f32 v36, v7  }
0x20c: {  	v19 =	vadd.f32 v28, v10;
	v21 =	vadd.f32 v29, v12;
	v31 =	vld [tilespmem:s15+$0xA080];
	v11 =	vmov v37  }
0x20d: {  	v15 =	vadd.f32 v9, v15;
	v10 =	vld [tilespmem:s15+$0x2100];
	v17 =	vadd.f32 v7, v14;
	v13 =	vmov v40  }
0x20e: {  	v12 =	vld [tilespmem:s15+$0xA100];
	v9 =	vmov v41  }
0x20f: {  	v28 =	vld [tilespmem:s15+$0x2180];
	v7 =	vmov v42  }
.Ltmp4:
0x210: {  	s13 =	sor.u32 s14, s16;
	v29 =	vld [tilespmem:s15+$0xA180];
	(pc) =	sbr.rel @p0 .LBB2_10-.Ltmp4, $4  }
0x211: {  	v33 =	vld [tilespmem:s13+$0x2080]  }
0x212: {  	s12 =	sadd.s32 $0x1, s12;
	v36 =	vld [tilespmem:s13+$0xA080]  }
0x213: {  	s14 =	sand.u32 $0x3, s12;
	v39 =	vld [tilespmem:s13+$0x2100]  }
0x214: {  	s11 =	sadd.s32 $0x20, s11;
	s14 =	sshll.u32 s14, $0x5;
	v40 =	vld [tilespmem:s13+$0xA100]  }
0x215: {  	_ =	sdelay $0x1  }
0x216: {  	v33 =	vmul.f32 v33, v11;
	v36 =	vmul.f32 v36, v13  }
0x217: {  	v37 =	vmul.f32 v38, v9  }
0x218: {  	v31 =	vmul.f32 v31, v7;
	v6 =	vadd.f32 v33, v6;
	v8 =	vadd.f32 v36, v8  }
0x219: {  	s10 =	sadd.s32 s14, s10;
	v41 =	vld [tilespmem:s13+$0x2180]  }
0x21a: {  	v57 =	vld [tilespmem:s13+$0xA180];
	s11 =	sor.u32 $0x180, s10;
	s10 =	sadd.s32 $0x10, s10;
	v6 =	vadd.f32 v37, v6;
	v8 =	vadd.f32 v31, v8  }
0x21b: {  	v58 =	vld [tilespmem:s11+$0x2080];
	s10 =	sor.u32 $0x180, s10  }
0x21c: {  	v59 =	vld [tilespmem:s10+$0x2080];
	v6 =	vadd.f32 v8, v6  }
0x21d: {  	v31 =	vld [tilespmem:s11+$0xA080]  }
0x21e: {  	v8 =	vld [tilespmem:s10+$0xA080];
	[tilespmem:$0x12100] =	vst v6  }
0x21f: {  	v60 =	vld.idx.msk [tilespmem:v0+s5+$0x0], $0xffff;
	_ =	sdelay $0x4  }
0x220: {  	v6 =	vadd.f32 v60, v6;
	_ =	sdelay $0x1  }
0x221: {  	[tilespmem:$0x12100] =	vst v6  }
0x222: {  	v61 =	vld.idx.msk [tilespmem:v1+s5+$0x0], $0xffff;
	_ =	sdelay $0x4  }
0x223: {  	v6 =	vadd.f32 v61, v6;
	_ =	sdelay $0x1  }
0x224: {  	[tilespmem:$0x12100] =	vst v6  }
0x225: {  	v63 =	vld.idx.msk [tilespmem:v2+s5+$0x0], $0xffff;
	_ =	sdelay $0x1  }
0x226: {  	v62 =	vmul.f32 v39, v11;
	v40 =	vmul.f32 v40, v13  }
0x227: {  	v10 =	vmul.f32 v10, v9  }
0x228: {  	v12 =	vmul.f32 v12, v7;
	v25 =	vadd.f32 v62, v25;
	v23 =	vadd.f32 v40, v23  }
0x229: {  	v38 =	vadd.f32 v63, v6  }
0x22a: {  	v10 =	vadd.f32 v10, v25;
	v12 =	vadd.f32 v12, v23  }
0x22b: {  	[tilespmem:$0x12100] =	vst v38  }
0x22c: {  	v6 =	vadd.f32 v12, v10;
	v10 =	vld.idx.msk [tilespmem:v3+s5+$0x0], $0xffff;
	_ =	sdelay $0x3  }
0x22d: {  	[tilespmem:$0x12100] =	vst v6  }
0x22e: {  	[tilespmem:$0x1FE70] =	vst v10;
	v10 =	vld.idx.msk [tilespmem:v0+s5+$0x0], $0xffff;
	_ =	sdelay $0x4  }
0x22f: {  	v6 =	vadd.f32 v10, v6;
	_ =	sdelay $0x1  }
0x230: {  	[tilespmem:$0x12100] =	vst v6  }
0x231: {  	v10 =	vld.idx.msk [tilespmem:v1+s5+$0x0], $0xffff;
	_ =	sdelay $0x4  }
0x232: {  	v6 =	vadd.f32 v10, v6;
	_ =	sdelay $0x1  }
0x233: {  	[tilespmem:$0x12100] =	vst v6  }
0x234: {  	v23 =	vmul.f32 v57, v13;
	v10 =	vmul.f32 v41, v11;
	v12 =	vld.idx.msk [tilespmem:v2+s5+$0x0], $0xffff  }
0x235: {  	v25 =	vmul.f32 v28, v9  }
0x236: {  	v21 =	vadd.f32 v23, v21;
	v10 =	vadd.f32 v10, v19;
	v19 =	vmul.f32 v29, v7;
	_ =	sdelay $0x1  }
0x237: {  	v10 =	vadd.f32 v25, v10;
	v19 =	vadd.f32 v19, v21  }
0x238: {  	v40 =	vadd.f32 v12, v6  }
0x239: {  	v6 =	vadd.f32 v19, v10  }
0x23a: {  	[tilespmem:$0x12100] =	vst v40  }
0x23b: {  	v41 =	vld.idx.msk [tilespmem:v3+s5+$0x0], $0xffff;
	[tilespmem:$0x12100] =	vst v6  }
0x23c: {  	v10 =	vld.idx.msk [tilespmem:v0+s5+$0x0], $0xffff;
	_ =	sdelay $0x4  }
0x23d: {  	v6 =	vadd.f32 v10, v6;
	_ =	sdelay $0x1  }
0x23e: {  	[tilespmem:$0x12100] =	vst v6  }
0x23f: {  	v10 =	vld.idx.msk [tilespmem:v1+s5+$0x0], $0xffff;
	_ =	sdelay $0x4  }
0x240: {  	v6 =	vadd.f32 v10, v6;
	_ =	sdelay $0x1  }
0x241: {  	[tilespmem:$0x12100] =	vst v6  }
0x242: {  	v12 =	vmul.f32 v31, v13;
	v10 =	vmul.f32 v58, v11;
	v11 =	vld.idx.msk [tilespmem:v2+s5+$0x0], $0xffff  }
0x243: {  	v9 =	vmul.f32 v59, v9  }
0x244: {  	v7 =	vmul.f32 v8, v7;
	v12 =	vadd.f32 v12, v17;
	v10 =	vadd.f32 v10, v15;
	_ =	sdelay $0x1  }
0x245: {  	v7 =	vadd.f32 v7, v12;
	v8 =	vadd.f32 v9, v10  }
0x246: {  	v42 =	vadd.f32 v11, v6  }
0x247: {  	v6 =	vadd.f32 v7, v8  }
0x248: {  	[tilespmem:$0x12100] =	vst v42  }
0x249: {  	v45 =	vld.idx.msk [tilespmem:v3+s5+$0x0], $0xffff;
	[tilespmem:$0x12100] =	vst v6  }
0x24a: {  	v7 =	vld.idx.msk [tilespmem:v0+s5+$0x0], $0xffff;
	_ =	sdelay $0x4  }
0x24b: {  	v6 =	vadd.f32 v7, v6;
	_ =	sdelay $0x1  }
0x24c: {  	[tilespmem:$0x12100] =	vst v6  }
0x24d: {  	v7 =	vld.idx.msk [tilespmem:v1+s5+$0x0], $0xffff;
	_ =	sdelay $0x4  }
0x24e: {  	v6 =	vadd.f32 v7, v6;
	_ =	sdelay $0x1  }
0x24f: {  	[tilespmem:$0x12100] =	vst v6  }
0x250: {  	v7 =	vld.idx.msk [tilespmem:v2+s5+$0x0], $0xffff;
	_ =	sdelay $0x4  }
0x251: {  	v43 =	vadd.f32 v7, v6;
	_ =	sdelay $0x1  }
0x252: {  	[tilespmem:$0x12100] =	vst v43  }
0x253: {  	v44 =	vld.idx.msk [tilespmem:v3+s5+$0x0], $0xffff;
	[tilespmem:s29], [sflag:$0x4] =	stream.strided.gather [hbm4b:s18+s26], $0x4000, s28, s26, $0x38  }
0x254: {  	_ = 	snop  }
0x255: {  	[tilespmem:s30], [sflag:$0x6] =	stream.strided.gather [hbm4b:s19+s26], $0x4000, s28, s26, $0x38;
	[tilespmem:$0x12180] =	vst v63  }
0x256: {  	_ =	swait.ge [sflag:s6], $0x4000  }
0x257: {  	[sflag:s6] =	ssyncset.done $0x0  }
0x258: {  	[sflag:s6] =	ssyncadd.s32 $0xFFFFC000  }
0x259: {  	_ =	swait.ge [sflag:s7], $0x4000  }
0x25a: {  	s10 =	simm.s32 $0x0;
	[sflag:s7] =	ssyncset.done $0x0  }
0x25b: {  	s12 =	simm.s32 $0x0;
	s11 =	sand.u32 $0x60, s10;
	[sflag:s7] =	ssyncadd.s32 $0xFFFFC000  }
0x25c: {  	s16 =	sand.u32 $0xF80, s10;
	s13 =	sor.u32 $0x10, s11;
	v11 =	vld [tilespmem:s12+$0x0]  }
0x25d: {  	s15 =	sor.u32 s16, s13;
	v13 =	vld [tilespmem:s12+$0x1000]  }
0x25e: {  	s16 =	sand.u32 $0x3E00, s10;
	v9 =	vld [tilespmem:s15+$0x0]  }
0x25f: {  	v7 =	vld [tilespmem:s15+$0x1000];
	s15 =	sor.u32 s16, s13  }
0x260: {  	v46 =	vld [tilespmem:s15+$0x6080]  }
0x261: {  	v31 =	vld [tilespmem:s15+$0xE080]  }
0x262: {  	v10 =	vld [tilespmem:s15+$0x6100]  }
0x263: {  	v12 =	vld [tilespmem:s15+$0xE100]  }
0x264: {  	v28 =	vld [tilespmem:s15+$0x6180]  }
0x265: {  	s13 =	sor.u32 s11, s16;
	v29 =	vld [tilespmem:s15+$0xE180]  }
0x266: {  	v33 =	vld [tilespmem:s13+$0x6080]  }
0x267: {  	v23 =	vimm.f32 $0.0e+00;
	v25 =	vimm.f32 $0.0e+00;
	v36 =	vld [tilespmem:s13+$0xE080]  }
0x268: {  	v21 =	vimm.f32 $0.0e+00;
	v19 =	vimm.f32 $0.0e+00;
	v17 =	vimm.f32 $0.0e+00;
	s16 =	sand.u32 $0x3, s10;
	v47 =	vld [tilespmem:s13+$0x6100]  }
0x269: {  	v15 =	vimm.f32 $0.0e+00;
	v8 =	vimm.f32 $0.0e+00;
	v6 =	vimm.f32 $0.0e+00;
	s11 =	simm.s32 $0x20;
	s12 =	simm.s32 $0x0;
	s14 =	sshll.u32 s16, $0x5;
	v48 =	vld [tilespmem:s13+$0xE100]  }
.LBB2_12:
0x26a: {  	p0 =	sne.s32 s11, $0xFE0;
	s14 =	sadd.s32 s14, s10;
	v37 =	vld [tilespmem:s13+$0x6180];
	v46 =	vmul.f32 v46, v9;
	v31 =	vmul.f32 v31, v7  }
0x26b: {  	v10 =	vmul.f32 v10, v9;
	v12 =	vmul.f32 v12, v7;
	v49 =	vld [tilespmem:s13+$0xE180];
	s13 =	sor.u32 $0x180, s14  }
0x26c: {  	v28 =	vmul.f32 v28, v9;
	v29 =	vmul.f32 v29, v7;
	s14 =	sadd.s32 $0x10, s14;
	v50 =	vld [tilespmem:s13+$0x6080]  }
0x26d: {  	v33 =	vmul.f32 v33, v11;
	v36 =	vmul.f32 v36, v13;
	v51 =	vld [tilespmem:s13+$0xE080];
	s13 =	sor.u32 $0x180, s14  }
0x26e: {  	s10 =	sadd.s32 $0x80, s10;
	v47 =	vmul.f32 v47, v11;
	v48 =	vmul.f32 v48, v13;
	v52 =	vld [tilespmem:s13+$0x6080]  }
0x26f: {  	s15 =	sshra.s32 s10, $0x2;
	s14 =	sand.u32 $0x60, s11;
	v6 =	vadd.f32 v33, v6;
	v8 =	vadd.f32 v36, v8;
	v33 =	vmul.f32 v37, v11;
	v36 =	vld [tilespmem:s13+$0xE080]  }
0x270: {  	s16 =	sand.u32 $0xF80, s11;
	s13 =	sor.u32 $0x10, s14;
	v25 =	vadd.f32 v47, v25;
	v37 =	vld [tilespmem:s15+$0x0];
	v23 =	vadd.f32 v48, v23;
	v47 =	vmul.f32 v49, v13  }
0x271: {  	v6 =	vadd.f32 v46, v6;
	v8 =	vadd.f32 v31, v8;
	v48 =	vld [tilespmem:s15+$0x1000];
	s15 =	sor.u32 s16, s13;
	v11 =	vmul.f32 v50, v11  }
0x272: {  	s16 =	sand.u32 $0x3E00, s10;
	v25 =	vadd.f32 v10, v25;
	v49 =	vld [tilespmem:s15+$0x0];
	v13 =	vmul.f32 v51, v13;
	v23 =	vadd.f32 v12, v23  }
0x273: {  	v10 =	vadd.f32 v33, v19;
	v12 =	vadd.f32 v47, v21;
	v50 =	vld [tilespmem:s15+$0x1000];
	s15 =	sor.u32 s16, s13;
	v9 =	vmul.f32 v52, v9  }
0x274: {  	v15 =	vadd.f32 v11, v15;
	v46 =	vld [tilespmem:s15+$0x6080];
	v14 =	vadd.f32 v13, v17;
	v7 =	vmul.f32 v36, v7  }
0x275: {  	v19 =	vadd.f32 v28, v10;
	v21 =	vadd.f32 v29, v12;
	v31 =	vld [tilespmem:s15+$0xE080];
	v11 =	vmov v37  }
0x276: {  	v15 =	vadd.f32 v9, v15;
	v10 =	vld [tilespmem:s15+$0x6100];
	v17 =	vadd.f32 v7, v14;
	v13 =	vmov v48  }
0x277: {  	v12 =	vld [tilespmem:s15+$0xE100];
	v9 =	vmov v49  }
0x278: {  	v28 =	vld [tilespmem:s15+$0x6180];
	v7 =	vmov v50  }
.Ltmp5:
0x279: {  	s13 =	sor.u32 s14, s16;
	v29 =	vld [tilespmem:s15+$0xE180];
	(pc) =	sbr.rel @p0 .LBB2_12-.Ltmp5, $4  }
0x27a: {  	v33 =	vld [tilespmem:s13+$0x6080]  }
0x27b: {  	s12 =	sadd.s32 $0x1, s12;
	v36 =	vld [tilespmem:s13+$0xE080]  }
0x27c: {  	s14 =	sand.u32 $0x3, s12;
	v47 =	vld [tilespmem:s13+$0x6100]  }
0x27d: {  	s11 =	sadd.s32 $0x20, s11;
	s14 =	sshll.u32 s14, $0x5;
	v48 =	vld [tilespmem:s13+$0xE100]  }
0x27e: {  	_ =	sdelay $0x1  }
0x27f: {  	v33 =	vmul.f32 v33, v11;
	v36 =	vmul.f32 v36, v13  }
0x280: {  	v37 =	vmul.f32 v46, v9  }
0x281: {  	v31 =	vmul.f32 v31, v7;
	v6 =	vadd.f32 v33, v6;
	v8 =	vadd.f32 v36, v8  }
0x282: {  	s10 =	sadd.s32 s14, s10;
	v49 =	vld [tilespmem:s13+$0x6180]  }
0x283: {  	v57 =	vld [tilespmem:s13+$0xE180];
	s11 =	sor.u32 $0x180, s10;
	s10 =	sadd.s32 $0x10, s10;
	v6 =	vadd.f32 v37, v6;
	v8 =	vadd.f32 v31, v8  }
0x284: {  	v58 =	vld [tilespmem:s11+$0x6080];
	s10 =	sor.u32 $0x180, s10  }
0x285: {  	v59 =	vld [tilespmem:s10+$0x6080];
	v6 =	vadd.f32 v8, v6  }
0x286: {  	v31 =	vld [tilespmem:s11+$0xE080]  }
0x287: {  	v8 =	vld [tilespmem:s10+$0xE080];
	[tilespmem:$0x12100] =	vst v6  }
0x288: {  	v60 =	vld.idx.msk [tilespmem:v0+s5+$0x0], $0xffff;
	_ =	sdelay $0x4  }
0x289: {  	v6 =	vadd.f32 v60, v6;
	_ =	sdelay $0x1  }
0x28a: {  	[tilespmem:$0x12100] =	vst v6  }
0x28b: {  	v61 =	vld.idx.msk [tilespmem:v1+s5+$0x0], $0xffff;
	_ =	sdelay $0x4  }
0x28c: {  	v6 =	vadd.f32 v61, v6;
	_ =	sdelay $0x1  }
0x28d: {  	[tilespmem:$0x12100] =	vst v6  }
0x28e: {  	v62 =	vmul.f32 v47, v11;
	v48 =	vmul.f32 v48, v13;
	v63 =	vld.idx.msk [tilespmem:v2+s5+$0x0], $0xffff  }
0x28f: {  	v10 =	vmul.f32 v10, v9  }
0x290: {  	v12 =	vmul.f32 v12, v7;
	v25 =	vadd.f32 v62, v25;
	v23 =	vadd.f32 v48, v23;
	_ =	sdelay $0x1  }
0x291: {  	v10 =	vadd.f32 v10, v25;
	v12 =	vadd.f32 v12, v23  }
0x292: {  	v46 =	vadd.f32 v63, v6  }
0x293: {  	v6 =	vadd.f32 v12, v10  }
0x294: {  	[tilespmem:$0x12100] =	vst v46  }
0x295: {  	v47 =	vld.idx.msk [tilespmem:v3+s5+$0x0], $0xffff;
	[tilespmem:$0x12100] =	vst v6  }
0x296: {  	v10 =	vld.idx.msk [tilespmem:v0+s5+$0x0], $0xffff;
	_ =	sdelay $0x4  }
0x297: {  	v6 =	vadd.f32 v10, v6;
	_ =	sdelay $0x1  }
0x298: {  	[tilespmem:$0x12100] =	vst v6  }
0x299: {  	v10 =	vld.idx.msk [tilespmem:v1+s5+$0x0], $0xffff;
	_ =	sdelay $0x4  }
0x29a: {  	v6 =	vadd.f32 v10, v6;
	_ =	sdelay $0x1  }
0x29b: {  	[tilespmem:$0x12100] =	vst v6  }
0x29c: {  	v23 =	vmul.f32 v57, v13;
	v10 =	vmul.f32 v49, v11;
	v12 =	vld.idx.msk [tilespmem:v2+s5+$0x0], $0xffff  }
0x29d: {  	v25 =	vmul.f32 v28, v9  }
0x29e: {  	v21 =	vadd.f32 v23, v21;
	v10 =	vadd.f32 v10, v19;
	v19 =	vmul.f32 v29, v7;
	_ =	sdelay $0x1  }
0x29f: {  	v10 =	vadd.f32 v25, v10;
	v19 =	vadd.f32 v19, v21  }
0x2a0: {  	v48 =	vadd.f32 v12, v6  }
0x2a1: {  	v6 =	vadd.f32 v19, v10  }
0x2a2: {  	[tilespmem:$0x12100] =	vst v48  }
0x2a3: {  	v49 =	vld.idx.msk [tilespmem:v3+s5+$0x0], $0xffff;
	[tilespmem:$0x12100] =	vst v6  }
0x2a4: {  	v10 =	vld.idx.msk [tilespmem:v0+s5+$0x0], $0xffff;
	_ =	sdelay $0x4  }
0x2a5: {  	v6 =	vadd.f32 v10, v6;
	_ =	sdelay $0x1  }
0x2a6: {  	[tilespmem:$0x12100] =	vst v6  }
0x2a7: {  	v10 =	vld.idx.msk [tilespmem:v1+s5+$0x0], $0xffff;
	_ =	sdelay $0x4  }
0x2a8: {  	v6 =	vadd.f32 v10, v6;
	_ =	sdelay $0x1  }
0x2a9: {  	[tilespmem:$0x12100] =	vst v6  }
0x2aa: {  	v12 =	vmul.f32 v31, v13;
	v10 =	vmul.f32 v58, v11;
	v11 =	vld.idx.msk [tilespmem:v2+s5+$0x0], $0xffff  }
0x2ab: {  	v9 =	vmul.f32 v59, v9  }
0x2ac: {  	v7 =	vmul.f32 v8, v7;
	v12 =	vadd.f32 v12, v17;
	v10 =	vadd.f32 v10, v15;
	_ =	sdelay $0x1  }
0x2ad: {  	v7 =	vadd.f32 v7, v12;
	v8 =	vadd.f32 v9, v10  }
0x2ae: {  	v50 =	vadd.f32 v11, v6  }
0x2af: {  	v6 =	vadd.f32 v7, v8  }
0x2b0: {  	[tilespmem:$0x12100] =	vst v50  }
0x2b1: {  	v51 =	vld.idx.msk [tilespmem:v3+s5+$0x0], $0xffff;
	[tilespmem:$0x12100] =	vst v6  }
0x2b2: {  	v7 =	vld.idx.msk [tilespmem:v0+s5+$0x0], $0xffff;
	_ =	sdelay $0x4  }
0x2b3: {  	v6 =	vadd.f32 v7, v6;
	_ =	sdelay $0x1  }
0x2b4: {  	[tilespmem:$0x12100] =	vst v6  }
0x2b5: {  	v7 =	vld.idx.msk [tilespmem:v1+s5+$0x0], $0xffff;
	_ =	sdelay $0x4  }
0x2b6: {  	v6 =	vadd.f32 v7, v6;
	_ =	sdelay $0x1  }
0x2b7: {  	[tilespmem:$0x12100] =	vst v6  }
0x2b8: {  	v7 =	vld.idx.msk [tilespmem:v2+s5+$0x0], $0xffff;
	_ =	sdelay $0x4  }
0x2b9: {  	v52 =	vadd.f32 v7, v6;
	_ =	sdelay $0x1  }
0x2ba: {  	[tilespmem:$0x12100] =	vst v52  }
0x2bb: {  	v53 =	vld.idx.msk [tilespmem:v3+s5+$0x0], $0xffff;
	[tilespmem:s1], [sflag:$0x5] =	stream.strided.gather [hbm4b:s20+s26], $0x4000, s28, s26, $0x38  }
0x2bc: {  	_ = 	snop  }
0x2bd: {  	[tilespmem:s3], [sflag:$0x7] =	stream.strided.gather [hbm4b:s21+s26], $0x4000, s28, s26, $0x38;
	[tilespmem:$0x12180] =	vst v63  }
0x2be: {  	_ =	swait.ge [sflag:s24], $0x4000  }
0x2bf: {  	[sflag:s24] =	ssyncset.done $0x0  }
0x2c0: {  	[sflag:s24] =	ssyncadd.s32 $0xFFFFC000  }
0x2c1: {  	_ =	swait.ge [sflag:s25], $0x4000  }
0x2c2: {  	s10 =	simm.s32 $0x0;
	[sflag:s25] =	ssyncset.done $0x0  }
0x2c3: {  	s12 =	simm.s32 $0x0;
	s11 =	sand.u32 $0x60, s10;
	[sflag:s25] =	ssyncadd.s32 $0xFFFFC000  }
0x2c4: {  	s16 =	sand.u32 $0xF80, s10;
	s13 =	sor.u32 $0x10, s11;
	v11 =	vld [tilespmem:s12+$0x0]  }
0x2c5: {  	s15 =	sor.u32 s16, s13;
	v13 =	vld [tilespmem:s12+$0x1000]  }
0x2c6: {  	s16 =	sand.u32 $0x3E00, s10;
	v9 =	vld [tilespmem:s15+$0x0]  }
0x2c7: {  	v7 =	vld [tilespmem:s15+$0x1000];
	s15 =	sor.u32 s16, s13  }
0x2c8: {  	v54 =	vld [tilespmem:s15+$0x2080]  }
0x2c9: {  	v31 =	vld [tilespmem:s15+$0xA080]  }
0x2ca: {  	v10 =	vld [tilespmem:s15+$0x2100]  }
0x2cb: {  	v12 =	vld [tilespmem:s15+$0xA100]  }
0x2cc: {  	v28 =	vld [tilespmem:s15+$0x2180]  }
0x2cd: {  	s13 =	sor.u32 s11, s16;
	v29 =	vld [tilespmem:s15+$0xA180]  }
0x2ce: {  	v33 =	vld [tilespmem:s13+$0x2080]  }
0x2cf: {  	v23 =	vimm.f32 $0.0e+00;
	v25 =	vimm.f32 $0.0e+00;
	v36 =	vld [tilespmem:s13+$0xA080]  }
0x2d0: {  	v21 =	vimm.f32 $0.0e+00;
	v19 =	vimm.f32 $0.0e+00;
	v17 =	vimm.f32 $0.0e+00;
	s16 =	sand.u32 $0x3, s10;
	v55 =	vld [tilespmem:s13+$0x2100]  }
0x2d1: {  	v15 =	vimm.f32 $0.0e+00;
	v8 =	vimm.f32 $0.0e+00;
	v6 =	vimm.f32 $0.0e+00;
	s11 =	simm.s32 $0x20;
	s12 =	simm.s32 $0x0;
	s14 =	sshll.u32 s16, $0x5;
	v56 =	vld [tilespmem:s13+$0xA100]  }
.LBB2_14:
0x2d2: {  	p0 =	sne.s32 s11, $0xFE0;
	s14 =	sadd.s32 s14, s10;
	v37 =	vld [tilespmem:s13+$0x2180];
	v54 =	vmul.f32 v54, v9;
	v31 =	vmul.f32 v31, v7  }
0x2d3: {  	v10 =	vmul.f32 v10, v9;
	v12 =	vmul.f32 v12, v7;
	v57 =	vld [tilespmem:s13+$0xA180];
	s13 =	sor.u32 $0x180, s14  }
0x2d4: {  	v28 =	vmul.f32 v28, v9;
	v29 =	vmul.f32 v29, v7;
	s14 =	sadd.s32 $0x10, s14;
	v58 =	vld [tilespmem:s13+$0x2080]  }
0x2d5: {  	v33 =	vmul.f32 v33, v11;
	v36 =	vmul.f32 v36, v13;
	v59 =	vld [tilespmem:s13+$0xA080];
	s13 =	sor.u32 $0x180, s14  }
0x2d6: {  	s10 =	sadd.s32 $0x80, s10;
	v55 =	vmul.f32 v55, v11;
	v56 =	vmul.f32 v56, v13;
	v60 =	vld [tilespmem:s13+$0x2080]  }
0x2d7: {  	s15 =	sshra.s32 s10, $0x2;
	s14 =	sand.u32 $0x60, s11;
	v6 =	vadd.f32 v33, v6;
	v8 =	vadd.f32 v36, v8;
	v33 =	vmul.f32 v37, v11;
	v36 =	vld [tilespmem:s13+$0xA080]  }
0x2d8: {  	s16 =	sand.u32 $0xF80, s11;
	s13 =	sor.u32 $0x10, s14;
	v25 =	vadd.f32 v55, v25;
	v37 =	vld [tilespmem:s15+$0x0];
	v23 =	vadd.f32 v56, v23;
	v55 =	vmul.f32 v57, v13  }
0x2d9: {  	v6 =	vadd.f32 v54, v6;
	v8 =	vadd.f32 v31, v8;
	v56 =	vld [tilespmem:s15+$0x1000];
	s15 =	sor.u32 s16, s13;
	v11 =	vmul.f32 v58, v11  }
0x2da: {  	s16 =	sand.u32 $0x3E00, s10;
	v25 =	vadd.f32 v10, v25;
	v57 =	vld [tilespmem:s15+$0x0];
	v13 =	vmul.f32 v59, v13;
	v23 =	vadd.f32 v12, v23  }
0x2db: {  	v10 =	vadd.f32 v33, v19;
	v12 =	vadd.f32 v55, v21;
	v58 =	vld [tilespmem:s15+$0x1000];
	s15 =	sor.u32 s16, s13;
	v9 =	vmul.f32 v60, v9  }
0x2dc: {  	v15 =	vadd.f32 v11, v15;
	v54 =	vld [tilespmem:s15+$0x2080];
	v14 =	vadd.f32 v13, v17;
	v7 =	vmul.f32 v36, v7  }
0x2dd: {  	v19 =	vadd.f32 v28, v10;
	v21 =	vadd.f32 v29, v12;
	v31 =	vld [tilespmem:s15+$0xA080];
	v11 =	vmov v37  }
0x2de: {  	v15 =	vadd.f32 v9, v15;
	v10 =	vld [tilespmem:s15+$0x2100];
	v17 =	vadd.f32 v7, v14;
	v13 =	vmov v56  }
0x2df: {  	v12 =	vld [tilespmem:s15+$0xA100];
	v9 =	vmov v57  }
0x2e0: {  	v28 =	vld [tilespmem:s15+$0x2180];
	v7 =	vmov v58  }
.Ltmp6:
0x2e1: {  	s13 =	sor.u32 s14, s16;
	v29 =	vld [tilespmem:s15+$0xA180];
	(pc) =	sbr.rel @p0 .LBB2_14-.Ltmp6, $4  }
0x2e2: {  	v33 =	vld [tilespmem:s13+$0x2080]  }
0x2e3: {  	s12 =	sadd.s32 $0x1, s12;
	v36 =	vld [tilespmem:s13+$0xA080]  }
0x2e4: {  	s14 =	sand.u32 $0x3, s12;
	v55 =	vld [tilespmem:s13+$0x2100]  }
0x2e5: {  	s11 =	sadd.s32 $0x20, s11;
	s14 =	sshll.u32 s14, $0x5;
	v56 =	vld [tilespmem:s13+$0xA100]  }
0x2e6: {  	_ =	sdelay $0x1  }
0x2e7: {  	v33 =	vmul.f32 v33, v11;
	v36 =	vmul.f32 v36, v13  }
0x2e8: {  	v37 =	vmul.f32 v54, v9  }
0x2e9: {  	v31 =	vmul.f32 v31, v7;
	v6 =	vadd.f32 v33, v6;
	v8 =	vadd.f32 v36, v8  }
0x2ea: {  	s10 =	sadd.s32 s14, s10;
	v57 =	vld [tilespmem:s13+$0x2180]  }
0x2eb: {  	s11 =	sor.u32 $0x180, s10;
	s10 =	sadd.s32 $0x10, s10;
	v33 =	vld [tilespmem:s13+$0xA180];
	v6 =	vadd.f32 v37, v6;
	v8 =	vadd.f32 v31, v8  }
0x2ec: {  	s10 =	sor.u32 $0x180, s10;
	v36 =	vld [tilespmem:s11+$0x2080]  }
0x2ed: {  	v37 =	vld [tilespmem:s10+$0x2080];
	v6 =	vadd.f32 v8, v6  }
0x2ee: {  	v31 =	vld [tilespmem:s11+$0xA080]  }
0x2ef: {  	v8 =	vld [tilespmem:s10+$0xA080];
	[tilespmem:$0x12100] =	vst v6  }
0x2f0: {  	v60 =	vld.idx.msk [tilespmem:v0+s5+$0x0], $0xffff;
	_ =	sdelay $0x4  }
0x2f1: {  	v6 =	vadd.f32 v60, v6;
	_ =	sdelay $0x1  }
0x2f2: {  	[tilespmem:$0x12100] =	vst v6  }
0x2f3: {  	v61 =	vld.idx.msk [tilespmem:v1+s5+$0x0], $0xffff;
	_ =	sdelay $0x4  }
0x2f4: {  	v6 =	vadd.f32 v61, v6;
	_ =	sdelay $0x1  }
0x2f5: {  	[tilespmem:$0x12100] =	vst v6  }
0x2f6: {  	v62 =	vmul.f32 v55, v11;
	v56 =	vmul.f32 v56, v13;
	v63 =	vld.idx.msk [tilespmem:v2+s5+$0x0], $0xffff  }
0x2f7: {  	v10 =	vmul.f32 v10, v9  }
0x2f8: {  	v12 =	vmul.f32 v12, v7;
	v25 =	vadd.f32 v62, v25;
	v23 =	vadd.f32 v56, v23;
	_ =	sdelay $0x1  }
0x2f9: {  	v10 =	vadd.f32 v10, v25;
	v12 =	vadd.f32 v12, v23  }
0x2fa: {  	v54 =	vadd.f32 v63, v6  }
0x2fb: {  	v6 =	vadd.f32 v12, v10  }
0x2fc: {  	[tilespmem:$0x12100] =	vst v54  }
0x2fd: {  	v55 =	vld.idx.msk [tilespmem:v3+s5+$0x0], $0xffff;
	[tilespmem:$0x12100] =	vst v6  }
0x2fe: {  	v10 =	vld.idx.msk [tilespmem:v0+s5+$0x0], $0xffff;
	_ =	sdelay $0x4  }
0x2ff: {  	v6 =	vadd.f32 v10, v6;
	_ =	sdelay $0x1  }
0x300: {  	[tilespmem:$0x12100] =	vst v6  }
0x301: {  	v10 =	vld.idx.msk [tilespmem:v1+s5+$0x0], $0xffff;
	_ =	sdelay $0x4  }
0x302: {  	v6 =	vadd.f32 v10, v6;
	_ =	sdelay $0x1  }
0x303: {  	[tilespmem:$0x12100] =	vst v6  }
0x304: {  	v23 =	vmul.f32 v33, v13;
	v10 =	vmul.f32 v57, v11;
	v12 =	vld.idx.msk [tilespmem:v2+s5+$0x0], $0xffff  }
0x305: {  	v25 =	vmul.f32 v28, v9  }
0x306: {  	v21 =	vadd.f32 v23, v21;
	v10 =	vadd.f32 v10, v19;
	v19 =	vmul.f32 v29, v7;
	_ =	sdelay $0x1  }
0x307: {  	v10 =	vadd.f32 v25, v10;
	v19 =	vadd.f32 v19, v21  }
0x308: {  	v56 =	vadd.f32 v12, v6  }
0x309: {  	v6 =	vadd.f32 v19, v10  }
0x30a: {  	[tilespmem:$0x12100] =	vst v56  }
0x30b: {  	v57 =	vld.idx.msk [tilespmem:v3+s5+$0x0], $0xffff;
	[tilespmem:$0x12100] =	vst v6  }
0x30c: {  	v10 =	vld.idx.msk [tilespmem:v0+s5+$0x0], $0xffff;
	_ =	sdelay $0x4  }
0x30d: {  	v6 =	vadd.f32 v10, v6;
	_ =	sdelay $0x1  }
0x30e: {  	[tilespmem:$0x12100] =	vst v6  }
0x30f: {  	v10 =	vld.idx.msk [tilespmem:v1+s5+$0x0], $0xffff;
	_ =	sdelay $0x4  }
0x310: {  	v6 =	vadd.f32 v10, v6;
	_ =	sdelay $0x1  }
0x311: {  	[tilespmem:$0x12100] =	vst v6  }
0x312: {  	v12 =	vmul.f32 v31, v13;
	v10 =	vmul.f32 v36, v11;
	v11 =	vld.idx.msk [tilespmem:v2+s5+$0x0], $0xffff  }
0x313: {  	v9 =	vmul.f32 v37, v9  }
0x314: {  	v7 =	vmul.f32 v8, v7;
	v12 =	vadd.f32 v12, v17;
	v10 =	vadd.f32 v10, v15;
	_ =	sdelay $0x1  }
0x315: {  	v7 =	vadd.f32 v7, v12;
	v8 =	vadd.f32 v9, v10  }
0x316: {  	v58 =	vadd.f32 v11, v6  }
0x317: {  	v6 =	vadd.f32 v7, v8  }
0x318: {  	[tilespmem:$0x12100] =	vst v58  }
0x319: {  	v59 =	vld.idx.msk [tilespmem:v3+s5+$0x0], $0xffff;
	[tilespmem:$0x12100] =	vst v6  }
0x31a: {  	v7 =	vld.idx.msk [tilespmem:v0+s5+$0x0], $0xffff;
	_ =	sdelay $0x4  }
0x31b: {  	v6 =	vadd.f32 v7, v6;
	_ =	sdelay $0x1  }
0x31c: {  	[tilespmem:$0x12100] =	vst v6  }
0x31d: {  	v7 =	vld.idx.msk [tilespmem:v1+s5+$0x0], $0xffff;
	_ =	sdelay $0x4  }
0x31e: {  	v6 =	vadd.f32 v7, v6;
	_ =	sdelay $0x1  }
0x31f: {  	[tilespmem:$0x12100] =	vst v6  }
0x320: {  	v7 =	vld.idx.msk [tilespmem:v2+s5+$0x0], $0xffff;
	_ =	sdelay $0x4  }
0x321: {  	v60 =	vadd.f32 v7, v6;
	_ =	sdelay $0x1  }
0x322: {  	[tilespmem:$0x12100] =	vst v60  }
0x323: {  	v61 =	vld.idx.msk [tilespmem:v3+s5+$0x0], $0xffff;
	_ =	swait.ge [sflag:s6], $0x4000  }
0x324: {  	[sflag:s6] =	ssyncset.done $0x0  }
0x325: {  	[sflag:s6] =	ssyncadd.s32 $0xFFFFC000  }
0x326: {  	_ =	swait.ge [sflag:s7], $0x4000  }
0x327: {  	s10 =	simm.s32 $0x0;
	[sflag:s7] =	ssyncset.done $0x0  }
0x328: {  	s12 =	simm.s32 $0x0;
	s11 =	sand.u32 $0x60, s10;
	[sflag:s7] =	ssyncadd.s32 $0xFFFFC000  }
0x329: {  	s16 =	sand.u32 $0xF80, s10;
	s13 =	sor.u32 $0x10, s11;
	v9 =	vld [tilespmem:s12+$0x0]  }
0x32a: {  	s15 =	sor.u32 s16, s13;
	v7 =	vld [tilespmem:s12+$0x1000]  }
0x32b: {  	s16 =	sand.u32 $0x3E00, s10;
	v63 =	vld [tilespmem:s15+$0x0]  }
0x32c: {  	v62 =	vld [tilespmem:s15+$0x1000];
	s15 =	sor.u32 s16, s13  }
0x32d: {  	v23 =	vld [tilespmem:s15+$0x6080]  }
0x32e: {  	v25 =	vld [tilespmem:s15+$0xE080]  }
0x32f: {  	v10 =	vld [tilespmem:s15+$0x6100]  }
0x330: {  	v12 =	vld [tilespmem:s15+$0xE100]  }
0x331: {  	v29 =	vld [tilespmem:s15+$0x6180]  }
0x332: {  	s13 =	sor.u32 s11, s16;
	v28 =	vld [tilespmem:s15+$0xE180]  }
0x333: {  	v36 =	vld [tilespmem:s13+$0x6080]  }
0x334: {  	v21 =	vimm.f32 $0.0e+00;
	v19 =	vimm.f32 $0.0e+00;
	v37 =	vld [tilespmem:s13+$0xE080]  }
0x335: {  	v13 =	vimm.f32 $0.0e+00;
	v17 =	vimm.f32 $0.0e+00;
	v15 =	vimm.f32 $0.0e+00;
	s16 =	sand.u32 $0x3, s10;
	v31 =	vld [tilespmem:s13+$0x6100]  }
0x336: {  	v8 =	vimm.f32 $0.0e+00;
	v11 =	vimm.f32 $0.0e+00;
	v6 =	vimm.f32 $0.0e+00;
	s11 =	simm.s32 $0x20;
	s12 =	simm.s32 $0x0;
	s14 =	sshll.u32 s16, $0x5;
	v33 =	vld [tilespmem:s13+$0xE100]  }
.LBB2_16:
0x337: {  	p0 =	sne.s32 s11, $0xFE0;
	s14 =	sadd.s32 s14, s10;
	v14 =	vld [tilespmem:s13+$0x6180];
	v23 =	vmul.f32 v23, v63;
	v25 =	vmul.f32 v25, v62  }
0x338: {  	v10 =	vmul.f32 v10, v63;
	v12 =	vmul.f32 v12, v62;
	v16 =	vld [tilespmem:s13+$0xE180];
	s13 =	sor.u32 $0x180, s14  }
0x339: {  	v29 =	vmul.f32 v29, v63;
	v28 =	vmul.f32 v28, v62;
	s14 =	sadd.s32 $0x10, s14;
	v18 =	vld [tilespmem:s13+$0x6080]  }
0x33a: {  	v36 =	vmul.f32 v36, v9;
	v37 =	vmul.f32 v37, v7;
	v20 =	vld [tilespmem:s13+$0xE080];
	s13 =	sor.u32 $0x180, s14  }
0x33b: {  	s10 =	sadd.s32 $0x80, s10;
	v31 =	vmul.f32 v31, v9;
	v33 =	vmul.f32 v33, v7;
	v39 =	vld [tilespmem:s13+$0x6080]  }
0x33c: {  	s15 =	sshra.s32 s10, $0x2;
	s14 =	sand.u32 $0x60, s11;
	v19 =	vadd.f32 v36, v19;
	v21 =	vadd.f32 v37, v21;
	v14 =	vmul.f32 v14, v9;
	v36 =	vld [tilespmem:s13+$0xE080]  }
0x33d: {  	s16 =	sand.u32 $0xF80, s11;
	s13 =	sor.u32 $0x10, s14;
	v8 =	vadd.f32 v31, v8;
	v37 =	vld [tilespmem:s15+$0x0];
	v6 =	vadd.f32 v33, v6;
	v16 =	vmul.f32 v16, v7  }
0x33e: {  	v19 =	vadd.f32 v23, v19;
	v21 =	vadd.f32 v25, v21;
	v31 =	vld [tilespmem:s15+$0x1000];
	s15 =	sor.u32 s16, s13;
	v9 =	vmul.f32 v18, v9  }
0x33f: {  	s16 =	sand.u32 $0x3E00, s10;
	v8 =	vadd.f32 v10, v8;
	v18 =	vld [tilespmem:s15+$0x0];
	v7 =	vmul.f32 v20, v7;
	v6 =	vadd.f32 v12, v6  }
0x340: {  	v10 =	vadd.f32 v14, v17;
	v12 =	vadd.f32 v16, v15;
	v20 =	vld [tilespmem:s15+$0x1000];
	s15 =	sor.u32 s16, s13;
	v14 =	vmul.f32 v39, v63  }
0x341: {  	v13 =	vadd.f32 v9, v13;
	v23 =	vld [tilespmem:s15+$0x6080];
	v16 =	vadd.f32 v7, v11;
	v11 =	vmul.f32 v36, v62  }
0x342: {  	v17 =	vadd.f32 v29, v10;
	v15 =	vadd.f32 v28, v12;
	v25 =	vld [tilespmem:s15+$0xE080];
	v9 =	vmov v37  }
0x343: {  	v13 =	vadd.f32 v14, v13;
	v10 =	vld [tilespmem:s15+$0x6100];
	v11 =	vadd.f32 v11, v16;
	v7 =	vmov v31  }
0x344: {  	v12 =	vld [tilespmem:s15+$0xE100];
	v63 =	vmov v18  }
0x345: {  	v29 =	vld [tilespmem:s15+$0x6180];
	v62 =	vmov v20  }
.Ltmp7:
0x346: {  	s13 =	sor.u32 s14, s16;
	v28 =	vld [tilespmem:s15+$0xE180];
	(pc) =	sbr.rel @p0 .LBB2_16-.Ltmp7, $4  }
0x347: {  	v36 =	vld [tilespmem:s13+$0x6080]  }
0x348: {  	s12 =	sadd.s32 $0x1, s12;
	v37 =	vld [tilespmem:s13+$0xE080]  }
0x349: {  	s14 =	sand.u32 $0x3, s12;
	v31 =	vld [tilespmem:s13+$0x6100]  }
0x34a: {  	s11 =	sadd.s32 $0x20, s11;
	s14 =	sshll.u32 s14, $0x5;
	v33 =	vld [tilespmem:s13+$0xE100]  }
0x34b: {  	_ =	sdelay $0x1  }
0x34c: {  	v14 =	vmul.f32 v36, v9;
	v16 =	vmul.f32 v37, v7  }
0x34d: {  	v18 =	vmul.f32 v23, v63  }
0x34e: {  	v25 =	vmul.f32 v25, v62;
	v14 =	vadd.f32 v14, v19;
	v16 =	vadd.f32 v16, v21  }
0x34f: {  	s10 =	sadd.s32 s14, s10;
	v20 =	vld [tilespmem:s13+$0x6180]  }
0x350: {  	s11 =	sor.u32 $0x180, s10;
	v36 =	vld [tilespmem:s13+$0xE180];
	s10 =	sadd.s32 $0x10, s10;
	v14 =	vadd.f32 v18, v14;
	v16 =	vadd.f32 v25, v16  }
0x351: {  	s10 =	sor.u32 $0x180, s10;
	v23 =	vld [tilespmem:s11+$0xE080]  }
0x352: {  	v19 =	vld [tilespmem:s10+$0xE080];
	v14 =	vadd.f32 v16, v14  }
0x353: {  	v21 =	vld [tilespmem:s10+$0x6080]  }
0x354: {  	v25 =	vld [tilespmem:s11+$0x6080];
	[tilespmem:$0x12100] =	vst v14  }
0x355: {  	v37 =	vld.idx.msk [tilespmem:v0+s5+$0x0], $0xffff;
	_ =	sdelay $0x4  }
0x356: {  	v14 =	vadd.f32 v37, v14;
	_ =	sdelay $0x1  }
0x357: {  	[tilespmem:$0x12100] =	vst v14  }
0x358: {  	v39 =	vld.idx.msk [tilespmem:v1+s5+$0x0], $0xffff;
	_ =	sdelay $0x3  }
0x359: {  	v37 =	vmul.f32 v33, v7;
	v33 =	vld [tilespmem:$0x1FF90]  }
0x35a: {  	v14 =	vadd.f32 v39, v14;
	v39 =	vld [tilespmem:$0x1FF80];
	_ =	sdelay $0x3  }
0x35b: {  	v6 =	vadd.f32 v37, v6;
	v37 =	vld [tilespmem:$0x1FFA0]  }
0x35c: {  	v31 =	vmul.f32 v31, v9;
	v16 =	vadd.f32 v33, v39;
	v39 =	vld [tilespmem:$0x1FFB0];
	_ =	sdelay $0x1  }
0x35d: {  	v10 =	vmul.f32 v10, v63;
	v12 =	vmul.f32 v12, v62;
	v8 =	vadd.f32 v31, v8  }
0x35e: {  	(v2sf) =	vpush v5, $0x0;
	v18 =	vld [tilespmem:$0x1FFF0];
	[tilespmem:$0x12100] =	vst v14  }
0x35f: {  	v8 =	vadd.f32 v10, v8;
	v31 =	vld.idx.msk [tilespmem:v2+s5+$0x0], $0xffff;
	v33 =	vadd.f32 v12, v6  }
0x360: {  	(v2sf) =	vpush v16, $0x0;
	v16 =	vadd.f32 v39, v37;
	v37 =	vld [tilespmem:$0x1FFC0]  }
0x361: {  	v39 =	vld [tilespmem:$0x1FFD0]  }
0x362: {  	v10 =	vadd.f32 v33, v8;
	v33 =	vld [tilespmem:$0x1FF10];
	(v2sf) =	vpush v5, $0x1  }
0x363: {  	(v2sf) =	vpush v16, $0x0;
	v16 =	vld [tilespmem:$0x1FFE0]  }
0x364: {  	v6 =	vadd.f32 v31, v14;
	v31 =	vld [tilespmem:$0x1FF00];
	_ =	sdelay $0x1  }
0x365: {  	v12 =	vadd.f32 v39, v37;
	v37 =	vld [tilespmem:$0x1FF20]  }
0x366: {  	[tilespmem:$0x12100] =	vst v6;
	(v2sf) =	vpush v5, $0x2;
	v39 =	vld [tilespmem:$0x1FF30]  }
0x367: {  	v8 =	vld.idx.msk [tilespmem:v3+s5+$0x0], $0xffff;
	(v2sf) =	vpush v12, $0x0;
	v12 =	vadd.f32 v18, v16  }
0x368: {  	v14 =	vadd.f32 v33, v31;
	v31 =	vld [tilespmem:$0x1FF50];
	(v2sf) =	vpush v5, $0x3  }
0x369: {  	[tilespmem:$0x12100] =	vst v10;
	v18 =	vld [tilespmem:$0x1FF40];
	(v2sf) =	vpush v12, $0x0  }
0x36a: {  	v12 =	vld.idx.msk [tilespmem:v0+s5+$0x0], $0xffff;
	(v2sf) =	vpush v5, $0x4  }
0x36b: {  	(v2sf) =	vpush v14, $0x0;
	v14 =	vadd.f32 v39, v37;
	v37 =	vld [tilespmem:$0x1FF60]  }
0x36c: {  	v39 =	vld [tilespmem:$0x1FF70]  }
0x36d: {  	(v2sf) =	vpush v5, $0x5  }
0x36e: {  	(v2sf) =	vpush v14, $0x0  }
0x36f: {  	v10 =	vadd.f32 v12, v10;
	v12 =	vadd.f32 v31, v18  }
0x370: {  	s14 =	spop (v2sf);
	(v2sf) =	vpush v5, $0x6  }
0x371: {  	s15 =	spop (v2sf);
	(v2sf) =	vpush v12, $0x0;
	v12 =	vadd.f32 v39, v37;
	v37 =	vld [tilespmem:$0x1FED0]  }
0x372: {  	s12 =	spop (v2sf);
	v31 =	vld [tilespmem:$0x1FEC0]  }
0x373: {  	s10 =	sadd.f32 s15, s14;
	[tilespmem:$0x12100] =	vst v10;
	s16 =	spop (v2sf)  }
0x374: {  	v33 =	vld.idx.msk [tilespmem:v1+s5+$0x0], $0xffff;
	s11 =	sadd.f32 s16, s12  }
0x375: {  	s10 =	smul.f32 s10, s10;
	(v2sf) =	vpush v5, $0x7;
	s13 =	spop (v2sf)  }
0x376: {  	(v2sf) =	vpush v12, $0x0;
	s11 =	smul.f32 s11, s11;
	v16 =	vadd.f32 v37, v24;
	v24 =	vld [tilespmem:$0x1FEE0];
	s14 =	spop (v2sf)  }
0x377: {  	v12 =	vadd.f32 v31, v22;
	s12 =	sadd.f32 s14, s13  }
0x378: {  	(v2sf) =	vpush v5, $0x8;
	s10 =	sadd.f32 s11, s10;
	s15 =	spop (v2sf)  }
0x379: {  	v10 =	vadd.f32 v33, v10;
	(v2sf) =	vpush v12, $0x0;
	s16 =	spop (v2sf);
	s12 =	smul.f32 s12, s12  }
0x37a: {  	(v2sf) =	vpush v5, $0x9;
	s11 =	sadd.f32 s16, s15;
	s13 =	spop (v2sf)  }
0x37b: {  	v36 =	vmul.f32 v36, v7;
	[tilespmem:$0x12100] =	vst v10;
	(v2sf) =	vpush v16, $0x0;
	s14 =	spop (v2sf);
	v16 =	vadd.f32 v24, v26;
	v26 =	vld [tilespmem:$0x1FEF0]  }
0x37c: {  	v33 =	vmul.f32 v20, v9;
	v39 =	vld.idx.msk [tilespmem:v2+s5+$0x0], $0xffff;
	s10 =	sadd.f32 s12, s10;
	s11 =	smul.f32 s11, s11  }
0x37d: {  	v14 =	vadd.f32 v36, v15;
	v22 =	vmul.f32 v28, v62;
	s12 =	sadd.f32 s14, s13;
	s15 =	spop (v2sf)  }
0x37e: {  	v20 =	vmul.f32 v29, v63;
	v29 =	vld [tilespmem:$0x1FE80];
	v12 =	vadd.f32 v33, v17;
	(v2sf) =	vpush v5, $0xA;
	s16 =	spop (v2sf)  }
0x37f: {  	v14 =	vadd.f32 v22, v14;
	(v2sf) =	vpush v16, $0x0;
	s10 =	sadd.f32 s11, s10;
	s12 =	smul.f32 s12, s12  }
0x380: {  	v31 =	vld [tilespmem:$0x1FE90];
	v12 =	vadd.f32 v20, v12;
	s11 =	sadd.f32 s16, s15;
	v15 =	vadd.f32 v26, v27  }
0x381: {  	s13 =	spop (v2sf);
	(v2sf) =	vpush v5, $0xB;
	v10 =	vadd.f32 v39, v10;
	s10 =	sadd.f32 s12, s10  }
0x382: {  	v33 =	vld [tilespmem:$0x1FEA0];
	v14 =	vadd.f32 v14, v12;
	s11 =	smul.f32 s11, s11;
	s14 =	spop (v2sf);
	(v2sf) =	vpush v15, $0x0  }
0x383: {  	[tilespmem:$0x12100] =	vst v10;
	s12 =	sadd.f32 s14, s13;
	v15 =	vadd.f32 v29, v30  }
0x384: {  	s15 =	spop (v2sf);
	v28 =	vld.idx.msk [tilespmem:v3+s5+$0x0], $0xffff;
	[tilespmem:$0x12100] =	vst v14;
	s10 =	sadd.f32 s11, s10;
	(v2sf) =	vpush v5, $0xC  }
0x385: {  	s16 =	spop (v2sf);
	v30 =	vld.idx.msk [tilespmem:v0+s5+$0x0], $0xffff;
	s12 =	smul.f32 s12, s12;
	(v2sf) =	vpush v15, $0x0;
	v15 =	vadd.f32 v31, v32  }
0x386: {  	s11 =	sadd.f32 s16, s15;
	(v2sf) =	vpush v5, $0xD  }
0x387: {  	s13 =	spop (v2sf);
	s10 =	sadd.f32 s12, s10;
	(v2sf) =	vpush v15, $0x0;
	v15 =	vadd.f32 v33, v34;
	v34 =	vld [tilespmem:$0x1FEB0]  }
0x388: {  	s11 =	smul.f32 s11, s11;
	s14 =	spop (v2sf);
	(v2sf) =	vpush v5, $0xE  }
0x389: {  	s12 =	sadd.f32 s14, s13;
	s15 =	spop (v2sf);
	(v2sf) =	vpush v15, $0x0  }
0x38a: {  	v14 =	vadd.f32 v30, v14;
	s16 =	spop (v2sf);
	(v2sf) =	vpush v5, $0xF;
	v5 =	vld [tilespmem:$0x1FE70]  }
0x38b: {  	s10 =	sadd.f32 s11, s10;
	s12 =	smul.f32 s12, s12  }
0x38c: {  	s11 =	sadd.f32 s16, s15;
	[tilespmem:$0x12100] =	vst v14;
	v15 =	vadd.f32 v34, v35  }
0x38d: {  	s13 =	spop (v2sf);
	v35 =	vld.idx.msk [tilespmem:v1+s5+$0x0], $0xffff;
	s10 =	sadd.f32 s12, s10  }
0x38e: {  	s11 =	smul.f32 s11, s11;
	s14 =	spop (v2sf);
	(v2sf) =	vpush v15, $0x0  }
0x38f: {  	s12 =	sadd.f32 s14, s13;
	v5 =	vadd.f32 v5, v38  }
0x390: {  	s10 =	sadd.f32 s11, s10;
	s15 =	spop (v2sf);
	(v2sf) =	vpush v4, $0x0  }
0x391: {  	s12 =	smul.f32 s12, s12;
	(v2sf) =	vpush v5, $0x0;
	s16 =	spop (v2sf)  }
0x392: {  	v36 =	vadd.f32 v41, v40;
	v5 =	vadd.f32 v35, v14;
	s11 =	sadd.f32 s16, s15  }
0x393: {  	s10 =	sadd.f32 s12, s10;
	(v2sf) =	vpush v4, $0x1;
	s13 =	spop (v2sf)  }
0x394: {  	v37 =	vmul.f32 v25, v9;
	[tilespmem:$0x12100] =	vst v5;
	(v2sf) =	vpush v36, $0x0;
	s14 =	spop (v2sf);
	s11 =	smul.f32 s11, s11  }
0x395: {  	v46 =	vadd.f32 v47, v46;
	v41 =	vadd.f32 v45, v42;
	v38 =	vmul.f32 v23, v7;
	v39 =	vld.idx.msk [tilespmem:v2+s5+$0x0], $0xffff;
	s12 =	sadd.f32 s14, s13;
	s15 =	spop (v2sf)  }
0x396: {  	v40 =	vmul.f32 v21, v63;
	v9 =	vadd.f32 v37, v13;
	(v2sf) =	vpush v4, $0x2;
	s16 =	spop (v2sf)  }
0x397: {  	v42 =	vmul.f32 v19, v62;
	v7 =	vadd.f32 v38, v11;
	(v2sf) =	vpush v41, $0x0;
	s10 =	sadd.f32 s11, s10;
	s12 =	smul.f32 s12, s12  }
0x398: {  	v45 =	vadd.f32 v44, v43;
	v9 =	vadd.f32 v40, v9;
	s11 =	sadd.f32 s16, s15;
	s13 =	spop (v2sf)  }
0x399: {  	v7 =	vadd.f32 v42, v7;
	(v2sf) =	vpush v4, $0x3;
	s14 =	spop (v2sf)  }
0x39a: {  	(v2sf) =	vpush v45, $0x0;
	v5 =	vadd.f32 v39, v5;
	s10 =	sadd.f32 s12, s10;
	s11 =	smul.f32 s11, s11  }
0x39b: {  	v7 =	vadd.f32 v7, v9;
	s12 =	sadd.f32 s14, s13;
	(v2sf) =	vpush v4, $0x4  }
0x39c: {  	s15 =	spop (v2sf);
	(v2sf) =	vpush v46, $0x0;
	[tilespmem:$0x12100] =	vst v5;
	s10 =	sadd.f32 s11, s10  }
0x39d: {  	s12 =	smul.f32 s12, s12;
	v47 =	vld.idx.msk [tilespmem:v3+s5+$0x0], $0xffff;
	[tilespmem:$0x12100] =	vst v7;
	s16 =	spop (v2sf)  }
0x39e: {  	v48 =	vadd.f32 v49, v48;
	v49 =	vld.idx.msk [tilespmem:v0+s5+$0x0], $0xffff;
	s11 =	sadd.f32 s16, s15  }
0x39f: {  	s10 =	sadd.f32 s12, s10;
	s13 =	spop (v2sf);
	(v2sf) =	vpush v4, $0x5  }
0x3a0: {  	(v2sf) =	vpush v48, $0x0;
	s11 =	smul.f32 s11, s11;
	s14 =	spop (v2sf)  }
0x3a1: {  	v51 =	vadd.f32 v51, v50;
	s12 =	sadd.f32 s14, s13  }
0x3a2: {  	s15 =	spop (v2sf);
	(v2sf) =	vpush v4, $0x6;
	s10 =	sadd.f32 s11, s10  }
0x3a3: {  	(v2sf) =	vpush v51, $0x0;
	v7 =	vadd.f32 v49, v7;
	s16 =	spop (v2sf);
	s12 =	smul.f32 s12, s12  }
0x3a4: {  	v52 =	vadd.f32 v53, v52;
	s11 =	sadd.f32 s16, s15  }
0x3a5: {  	(v2sf) =	vpush v4, $0x7;
	s13 =	spop (v2sf);
	[tilespmem:$0x12100] =	vst v7;
	s10 =	sadd.f32 s12, s10  }
0x3a6: {  	(v2sf) =	vpush v52, $0x0;
	s11 =	smul.f32 s11, s11;
	s14 =	spop (v2sf);
	v53 =	vld.idx.msk [tilespmem:v1+s5+$0x0], $0xffff  }
0x3a7: {  	v55 =	vadd.f32 v55, v54;
	s12 =	sadd.f32 s14, s13  }
0x3a8: {  	s15 =	spop (v2sf);
	(v2sf) =	vpush v4, $0x8;
	s10 =	sadd.f32 s11, s10  }
0x3a9: {  	(v2sf) =	vpush v55, $0x0;
	s16 =	spop (v2sf);
	s12 =	smul.f32 s12, s12  }
0x3aa: {  	v57 =	vadd.f32 v57, v56;
	s11 =	sadd.f32 s16, s15;
	s13 =	spop (v2sf)  }
0x3ab: {  	(v2sf) =	vpush v4, $0x9;
	s14 =	spop (v2sf);
	v7 =	vadd.f32 v53, v7  }
0x3ac: {  	(v2sf) =	vpush v57, $0x0;
	s10 =	sadd.f32 s12, s10;
	s11 =	smul.f32 s11, s11  }
0x3ad: {  	v58 =	vadd.f32 v59, v58;
	s12 =	sadd.f32 s14, s13;
	[tilespmem:$0x12100] =	vst v7  }
0x3ae: {  	s10 =	sadd.f32 s11, s10;
	s15 =	spop (v2sf);
	(v2sf) =	vpush v4, $0xA;
	v59 =	vld.idx.msk [tilespmem:v2+s5+$0x0], $0xffff  }
0x3af: {  	s12 =	smul.f32 s12, s12;
	(v2sf) =	vpush v58, $0x0;
	s16 =	spop (v2sf)  }
0x3b0: {  	v61 =	vadd.f32 v61, v60;
	s11 =	sadd.f32 s16, s15  }
0x3b1: {  	s10 =	sadd.f32 s12, s10;
	s13 =	spop (v2sf);
	(v2sf) =	vpush v4, $0xB  }
0x3b2: {  	(v2sf) =	vpush v61, $0x0;
	s11 =	smul.f32 s11, s11;
	s14 =	spop (v2sf)  }
0x3b3: {  	v6 =	vadd.f32 v8, v6;
	v7 =	vadd.f32 v59, v7;
	s12 =	sadd.f32 s14, s13  }
0x3b4: {  	s15 =	spop (v2sf);
	(v2sf) =	vpush v4, $0xC;
	s10 =	sadd.f32 s11, s10  }
0x3b5: {  	v62 =	vadd.f32 v28, v10;
	(v2sf) =	vpush v6, $0x0;
	s16 =	spop (v2sf);
	s12 =	smul.f32 s12, s12;
	[tilespmem:$0x12100] =	vst v7  }
0x3b6: {  	s11 =	sadd.f32 s16, s15;
	(v2sf) =	vpush v4, $0xD;
	v63 =	vld.idx.msk [tilespmem:v3+s5+$0x0], $0xffff  }
0x3b7: {  	s13 =	spop (v2sf);
	(v2sf) =	vpush v62, $0x0;
	s10 =	sadd.f32 s12, s10  }
0x3b8: {  	s11 =	smul.f32 s11, s11;
	s14 =	spop (v2sf)  }
0x3b9: {  	v5 =	vadd.f32 v47, v5;
	s12 =	sadd.f32 s14, s13  }
0x3ba: {  	s15 =	spop (v2sf);
	(v2sf) =	vpush v4, $0xE;
	s10 =	sadd.f32 s11, s10  }
0x3bb: {  	(v2sf) =	vpush v5, $0x0;
	s16 =	spop (v2sf);
	s12 =	smul.f32 s12, s12;
	v5 =	vadd.f32 v63, v7  }
0x3bc: {  	(v2sf) =	vpush v4, $0xF;
	s11 =	sadd.f32 s16, s15  }
0x3bd: {  	s10 =	sadd.f32 s12, s10;
	s13 =	spop (v2sf);
	(v2sf) =	vpush v5, $0x0  }
0x3be: {  	s11 =	smul.f32 s11, s11;
	s14 =	spop (v2sf)  }
0x3bf: {  	s12 =	sadd.f32 s14, s13  }
0x3c0: {  	s10 =	sadd.f32 s11, s10;
	s15 =	spop (v2sf)  }
0x3c1: {  	s16 =	spop (v2sf);
	s12 =	smul.f32 s12, s12  }
0x3c2: {  	s11 =	sadd.f32 s16, s15  }
0x3c3: {  	s14 =	spop (v2sf);
	s10 =	sadd.f32 s12, s10  }
0x3c4: {  	s15 =	spop (v2sf);
	s11 =	smul.f32 s11, s11  }
0x3c5: {  	s12 =	sadd.f32 s15, s14;
	s16 =	spop (v2sf)  }
0x3c6: {  	s14 =	spop (v2sf)  }
0x3c7: {  	s10 =	sadd.f32 s11, s10;
	s12 =	smul.f32 s12, s12  }
0x3c8: {  	s11 =	sadd.f32 s14, s16  }
0x3c9: {  	s15 =	spop (v2sf);
	s10 =	sadd.f32 s12, s10  }
0x3ca: {  	s16 =	spop (v2sf);
	s11 =	smul.f32 s11, s11  }
0x3cb: {  	s12 =	sadd.f32 s16, s15;
	s14 =	spop (v2sf)  }
0x3cc: {  	s10 =	sadd.f32 s11, s10;
	s15 =	spop (v2sf)  }
0x3cd: {  	s12 =	smul.f32 s12, s12;
	s11 =	sadd.f32 s15, s14  }
0x3ce: {  	_ = 	snop  }
0x3cf: {  	s10 =	sadd.f32 s12, s10;
	s11 =	smul.f32 s11, s11  }
0x3d0: {  	_ = 	snop  }
0x3d1: {  	s10 =	sadd.f32 s11, s10;
	_ =	sdelay $0x1  }
0x3d2: {  	s10 =	smul.f32 $6.250000000e-02, s10  }
0x3d3: {  	s9 =	sadd.s32 $0x1, s9  }
0x3d4: {  	p0 =	sne.s32 s9, s23;
	v4 =	vmov s10  }
.Ltmp8:
0x3d5: {  	s16 =	simm.s32 $0x12080;
	[tilespmem:$0x12080] =	vst v4;
	(pc) =	sbr.rel @p0 .LBB2_1-.Ltmp8, $4  }
0x3d6: {  	[hbm4b:s22+s4] =	stream.linear.scatter [tilespmem:s16], [sflag:$0x8], $0x80, $0x38;
	[tilespmem:$0x12180] =	vst v63  }
0x3d7: {  	_ =	swait.ge [sflag:s8], $0x80  }
0x3d8: {  	[sflag:s8] =	ssyncset.done $0x0  }
0x3d9: {  	[sflag:s8] =	ssyncadd.s32 $0xFFFFFF80  }
0x3da: {  	_ =	sfence.sel $0x180000  }
0x3db: {  	[bflag:$0x0] =	sbarrier.arrive $0xFFFF  }
0x3dc: {  	_ =	strace $0x90000047  }
0x3dd: {  	s0 =	stileid.u32;
	[bflag:$0x2] =	sbarrier.arrive $0xFFFF  }
0x3de: {  	p0 =	sne.s32 s0, $0x0;
	s0 =	rddreg [dreg:$0x6]  }
0x3df: {  	s0 =	sadd.s32 @!p0 $0x100000, s0  }
0x3e0: {  	[sflag:s0] =	ssyncadd.tile.s32 @!p0 $0x1;
	_ =	shalt  }
.Lfunc_end2:
_tile_overlayer_lowered:
.L_overlay_start_2:
0x3e1: {  	(tag) =	ssettag $0x2  }
0x3e2: {  	s0 =	rddreg [dreg:$0x0];
	s2 =	stileid.u32  }
0x3e3: {  	s1 =	rddreg [dreg:$0x1];
	p0 =	sne.s32 s2, $0x0  }
0x3e4: {  	s3 =	rddreg [dreg:$0x2];
	[bflag:$0x3] =	sbarrier.arrive $0xFFFF;
	s2 =	simm.s32 @!p0 $0x1C08  }
0x3e5: {  	[timem:s3], [sflag:s2] =	dma.local @!p0 [hbm:s0], s1  }
0x3e6: {  	s0 =	simm.s32 @!p0 $0x8  }
0x3e7: {  	_ =	swait.ge @!p0 [sflag:s0], s1  }
0x3e8: {  	s1 =	ssub.s32 @!p0 $0x0, s1;
	[sflag:s0] =	ssyncset.done @!p0 $0x0  }
0x3e9: {  	[sflag:s0] =	ssyncadd.s32 @!p0 s1  }
0x3ea: {  	[bflag:$0x3] =	sbarrier.arrive $0xFFFF  }
0x3eb: {  	_ =	shalt  }

</sc_bundles>
